<compile_context>
chip_gen: v7x
topology: tpu7x:2x2x1
jax: 0.10.2.dev20260603
libtpu: 0.0.44.dev20260713+nightly
codegen_flags: <defaults>
</compile_context>

<pallas_src>
import functools

import jax
import jax.numpy as jnp
from jax import lax
from jax.experimental import pallas as pl
from jax.experimental.pallas import tpu as pltpu
from jax.experimental.pallas import tpu_sc as plsc

N = 10000
F_IN = 128
HID = 256
NC = 2
NS = 16
NW = NC * NS
CK = 128
GP = 8
N_PAD = 10112
ROWS_T = N_PAD // NS

_mesh = functools.partial(
    plsc.VectorSubcoreMesh,
    core_axis_name="c", subcore_axis_name="s", num_cores=NC, num_subcores=NS,
)


def _wid():
    return lax.axis_index("c") * NS + lax.axis_index("s")


def _make_sc_deg(groups):
    @functools.partial(
        pl.kernel,
        out_type=jax.ShapeDtypeStruct((NC, N_PAD, F_IN), jnp.float32),
        mesh=_mesh(),
        scratch_types=[
            pltpu.VMEM((groups, GP, CK), jnp.int32),
            pltpu.VMEM((CK, F_IN), jnp.float32),
            pltpu.VMEM_SHARED((N_PAD, F_IN), jnp.float32),
        ],
    )
    def sc_deg(dst_hbm, ones_hbm, zeros_hbm, out_hbm, dst_v, ones_v, acc):
        c = lax.axis_index("c")
        s = lax.axis_index("s")
        w = _wid()
        pltpu.sync_copy(zeros_hbm.at[pl.ds(s * ROWS_T, ROWS_T)],
                        acc.at[pl.ds(s * ROWS_T, ROWS_T)])
        pltpu.sync_copy(dst_hbm.at[w], dst_v)
        pltpu.sync_copy(ones_hbm, ones_v)
        plsc.subcore_barrier()

        def body(g, carry):
            for j in range(GP):
                pltpu.sync_copy(ones_v, acc.at[dst_v.at[g, j]], add=True)
            return carry

        lax.fori_loop(0, groups, body, 0)
        plsc.subcore_barrier()
        pltpu.sync_copy(acc.at[pl.ds(s * ROWS_T, ROWS_T)],
                        out_hbm.at[c, pl.ds(s * ROWS_T, ROWS_T)])

    return sc_deg


def _make_sc_agg(groups, ntab):
    @functools.partial(
        pl.kernel,
        out_type=jax.ShapeDtypeStruct((ntab, NC, N_PAD, F_IN), jnp.float32),
        mesh=_mesh(),
        scratch_types=[
            pltpu.VMEM((2, GP, CK), jnp.int32),
            pltpu.VMEM((2, GP, CK), jnp.int32),
            pltpu.VMEM((2, CK, F_IN), jnp.float32),
            pltpu.VMEM_SHARED((N_PAD, F_IN), jnp.float32),
            pltpu.SemaphoreType.DMA,
            pltpu.SemaphoreType.DMA,
            pltpu.SemaphoreType.DMA,
            pltpu.SemaphoreType.DMA,
        ],
    )
    def sc_agg(*refs):
        tables = refs[:ntab]
        src_hbm, dst_hbm, zeros_hbm, out_hbm = refs[ntab:ntab + 4]
        (src_v, dst_v, rows, acc, sem0, sem1, semis, semid) = refs[ntab + 4:]
        c = lax.axis_index("c")
        s = lax.axis_index("s")
        w = _wid()
        gsems = (sem0, sem1)

        for t in range(ntab):
            table_hbm = tables[t]
            pltpu.sync_copy(zeros_hbm.at[pl.ds(s * ROWS_T, ROWS_T)],
                            acc.at[pl.ds(s * ROWS_T, ROWS_T)])
            pltpu.sync_copy(src_hbm.at[w, 0], src_v.at[0])
            pltpu.sync_copy(dst_hbm.at[w, 0], dst_v.at[0])
            plsc.subcore_barrier()

            def gather(buf, idx, sem):
                return pltpu.async_copy(table_hbm.at[idx], rows.at[buf], sem)

            def gwait(buf, idx, sem):
                pltpu.make_async_copy(table_hbm.at[idx], rows.at[buf],
                                      sem).wait()

            gather(0, src_v.at[0, 0], sem0)

            def body(g, carry):
                cur = g % 2
                nxt = (g + 1) % 2

                @pl.when(g < groups - 1)
                def _prefetch():
                    pltpu.async_copy(src_hbm.at[w, g + 1], src_v.at[nxt],
                                     semis)
                    pltpu.async_copy(dst_hbm.at[w, g + 1], dst_v.at[nxt],
                                     semid)

                for j in range(GP):
                    p = j % 2
                    if j < GP - 1:
                        gather(1 - p, src_v.at[cur, j + 1], gsems[1 - p])
                    else:
                        @pl.when(g < groups - 1)
                        def _next_group():
                            pltpu.make_async_copy(src_hbm.at[w, g + 1],
                                                  src_v.at[nxt], semis).wait()
                            pltpu.make_async_copy(dst_hbm.at[w, g + 1],
                                                  dst_v.at[nxt], semid).wait()
                            gather(0, src_v.at[nxt, 0], gsems[0])
                    gwait(p, src_v.at[cur, j], gsems[p])
                    pltpu.sync_copy(rows.at[p], acc.at[dst_v.at[cur, j]],
                                    add=True)
                return carry

            lax.fori_loop(0, groups, body, 0)
            plsc.subcore_barrier()
            pltpu.sync_copy(acc.at[pl.ds(s * ROWS_T, ROWS_T)],
                            out_hbm.at[t, c, pl.ds(s * ROWS_T, ROWS_T)])

    return sc_agg


_BLK = 1264
_GRID = N_PAD // _BLK


def _row_spec(w):
    return pl.BlockSpec((_BLK, w), lambda i: (i, 0))


def _part_spec(w):
    return pl.BlockSpec((NC, _BLK, w), lambda i: (0, i, 0))


def _part1_spec(w):
    return pl.BlockSpec((1, NC, _BLK, w), lambda i: (0, 0, i, 0))


def _full_spec(h, w):
    return pl.BlockSpec((h, w), lambda i: (0, 0))


def _tc_prep_body(x_ref, degp_ref, dinv_ref, xs_ref):
    deg = 1.0 + degp_ref[0, :, 0:1] + degp_ref[1, :, 0:1]
    dinv = lax.rsqrt(deg)
    dinv_ref[...] = dinv
    xs_ref[...] = x_ref[...] * dinv


def _tc_prep(x, degp):
    return pl.pallas_call(
        _tc_prep_body,
        grid=(_GRID,),
        in_specs=[_row_spec(F_IN), _part_spec(F_IN)],
        out_specs=[_row_spec(1), _row_spec(F_IN)],
        out_shape=[
            jax.ShapeDtypeStruct((N_PAD, 1), jnp.float32),
            jax.ShapeDtypeStruct((N_PAD, F_IN), jnp.float32),
        ],
    )(x, degp)


def _tc_l1_body(y1_ref, xs1_ref, dinv_ref, w1_ref, b1_ref, w2_ref,
                a_ref, b_ref):
    dinv = dinv_ref[...]
    z1 = dinv * (y1_ref[0, 0] + y1_ref[0, 1] + xs1_ref[...])
    h1 = jnp.maximum(
        jnp.dot(z1, w1_ref[...], preferred_element_type=jnp.float32)
        + b1_ref[...], 0.0)
    g2 = jnp.dot(h1, w2_ref[...], preferred_element_type=jnp.float32)
    xs2 = dinv * g2
    a_ref[...] = xs2[:, :F_IN]
    b_ref[...] = xs2[:, F_IN:]


def _tc_l1(y1, xs1, dinv, W1, b1, W2):
    return pl.pallas_call(
        _tc_l1_body,
        grid=(_GRID,),
        in_specs=[_part1_spec(F_IN), _row_spec(F_IN), _row_spec(1),
                  _full_spec(F_IN, HID), _full_spec(1, HID),
                  _full_spec(HID, HID)],
        out_specs=[_row_spec(F_IN), _row_spec(F_IN)],
        out_shape=[
            jax.ShapeDtypeStruct((N_PAD, F_IN), jnp.float32),
            jax.ShapeDtypeStruct((N_PAD, F_IN), jnp.float32),
        ],
    )(y1, xs1, dinv, W1, b1, W2)


def _tc_l2_body(y2_ref, xs2a_ref, xs2b_ref, dinv_ref, b2_ref,
                w3_ref, xs3_ref):
    dinv = dinv_ref[...]
    z2a = (dinv * (y2_ref[0, 0] + y2_ref[0, 1] + xs2a_ref[...])
           + b2_ref[:, :F_IN])
    z2b = (dinv * (y2_ref[1, 0] + y2_ref[1, 1] + xs2b_ref[...])
           + b2_ref[:, F_IN:])
    h2 = jnp.maximum(jnp.concatenate([z2a, z2b], axis=1), 0.0)
    g3 = jnp.dot(h2, w3_ref[...], preferred_element_type=jnp.float32)
    xs3_ref[...] = dinv * g3


def _tc_l2(y2, xs2a, xs2b, dinv, b2, W3):
    return pl.pallas_call(
        _tc_l2_body,
        grid=(_GRID,),
        in_specs=[pl.BlockSpec((2, NC, _BLK, F_IN), lambda i: (0, 0, i, 0)),
                  _row_spec(F_IN), _row_spec(F_IN), _row_spec(1),
                  _full_spec(1, HID), _full_spec(HID, F_IN)],
        out_specs=[_row_spec(F_IN)],
        out_shape=[jax.ShapeDtypeStruct((N_PAD, F_IN), jnp.float32)],
    )(y2, xs2a, xs2b, dinv, b2, W3)[0]


def _tc_fin_body(y3_ref, xs3_ref, dinv_ref, b3_ref, out_ref):
    dinv = dinv_ref[...]
    out_ref[...] = (dinv * (y3_ref[0, 0] + y3_ref[0, 1] + xs3_ref[...])
                    + b3_ref[...])


def _tc_fin(y3, xs3, dinv, b3):
    return pl.pallas_call(
        _tc_fin_body,
        grid=(_GRID,),
        in_specs=[_part1_spec(F_IN), _row_spec(F_IN), _row_spec(1),
                  _full_spec(1, F_IN)],
        out_specs=[_row_spec(F_IN)],
        out_shape=[jax.ShapeDtypeStruct((N_PAD, F_IN), jnp.float32)],
    )(y3, xs3, dinv, b3)[0]


def kernel(x, edge_index, W1, b1, W2, b2, W3, b3):
    E = edge_index.shape[1]
    per_w = CK * NW
    groups = -(-E // (per_w * GP))
    ep = groups * GP * per_w

    src = edge_index[0]
    dst = edge_index[1]
    pad = ep - E
    dummy_s = jnp.arange(pad, dtype=jnp.int32) % N
    dummy_d = N + (jnp.arange(pad, dtype=jnp.int32) % (N_PAD - N))
    src_slab = jnp.concatenate(
        [src, dummy_s]).reshape(NW, groups, GP, CK)
    dst_slab = jnp.concatenate(
        [dst, dummy_d]).reshape(NW, groups, GP, CK)

    zeros128 = jnp.zeros((N_PAD, F_IN), jnp.float32)
    ones128 = jnp.ones((CK, F_IN), jnp.float32)
    xp = jnp.concatenate([x, jnp.zeros((N_PAD - N, F_IN), jnp.float32)])

    sc_deg = _make_sc_deg(groups)
    sc_agg1 = _make_sc_agg(groups, 1)
    sc_agg2 = _make_sc_agg(groups, 2)

    degp = sc_deg(dst_slab, ones128, zeros128)
    dinv, xs1 = _tc_prep(xp, degp)

    y1 = sc_agg1(xs1, src_slab, dst_slab, zeros128)
    xs2a, xs2b = _tc_l1(y1, xs1, dinv, W1, b1.reshape(1, HID), W2)

    y2 = sc_agg2(xs2a, xs2b, src_slab, dst_slab, zeros128)
    xs3 = _tc_l2(y2, xs2a, xs2b, dinv, b2.reshape(1, HID), W3)

    y3 = sc_agg1(xs3, src_slab, dst_slab, zeros128)
    return _tc_fin(y3, xs3, dinv, b3.reshape(1, F_IN))[:N]

# --- scband reference (transcript-rebuilt; emitter-appended) ---
"""Pipeline reference for scband-universe-gnn-30588757082989 (READ-ONLY COPY).

The authoritative reference and input builder live on the scoring server;
editing this copy changes nothing except your own understanding.
"""

import jax, jax.numpy as jnp
import numpy as np

N = 10000
E = 320000
F_IN = 128
HID = 256

def setup_inputs(seed: int = 0) -> dict:
    key = jax.random.key(seed)
    ks = jax.random.split(key, 9)
    x = jax.random.normal(ks[0], (N, F_IN), dtype=jnp.float32)
    edge_index = jax.random.randint(ks[1], (2, E), 0, N, dtype=jnp.int32)
    W1 = jax.random.normal(ks[2], (F_IN, HID), dtype=jnp.float32) * (1.0 / np.sqrt(F_IN))
    b1 = jnp.zeros((HID,), dtype=jnp.float32)
    W2 = jax.random.normal(ks[3], (HID, HID), dtype=jnp.float32) * (1.0 / np.sqrt(HID))
    b2 = jnp.zeros((HID,), dtype=jnp.float32)
    W3 = jax.random.normal(ks[4], (HID, F_IN), dtype=jnp.float32) * (1.0 / np.sqrt(HID))
    b3 = jnp.zeros((F_IN,), dtype=jnp.float32)
    return {"x": x, "edge_index": edge_index, "W1": W1, "b1": b1, "W2": W2, "b2": b2, "W3": W3, "b3": b3}


def _gcn_conv(x, src, dst, norm, W, b, num_nodes):
    # PyG GCNConv: linear transform, then symmetric-normalized aggregation, then bias
    h = x @ W
    msg = h[src] * norm[:, None]
    out = jnp.zeros((num_nodes, W.shape[1]), dtype=h.dtype).at[dst].add(msg)
    return out + b


def reference(x, edge_index, W1, b1, W2, b2, W3, b3):
    num_nodes = x.shape[0]
    loop = jnp.arange(num_nodes, dtype=edge_index.dtype)
    src = jnp.concatenate([edge_index[0], loop])
    dst = jnp.concatenate([edge_index[1], loop])
    # symmetric normalization with self-loops: D^{-1/2} (A+I) D^{-1/2}
    deg = jnp.zeros((num_nodes,), dtype=jnp.float32).at[dst].add(1.0)
    dinv = jax.lax.rsqrt(jnp.maximum(deg, 1e-12))
    norm = dinv[src] * dinv[dst]
    h = _gcn_conv(x, src, dst, norm, W1, b1, num_nodes)
    h = jax.nn.relu(h)
    h = _gcn_conv(h, src, dst, norm, W2, b2, num_nodes)
    h = jax.nn.relu(h)
    h = _gcn_conv(h, src, dst, norm, W3, b3, num_nodes)
    return h

if __name__ == "__main__":
    import jax
    _d = setup_inputs()
    print(jax.jit(kernel)(*tuple(_d.values())))

</pallas_src>

<mosaic_0001>
#map = affine_map<(d0, d1) -> (0, 0)>
#map1 = affine_map<(d0, d1) -> (0, 0, 0, 0)>
module attributes {stable_mosaic.version = 14 : i64} {
  func.func @sc_agg(%arg0: i32, %arg1: i32, %arg2: memref<10112x128xf32, #tpu.memory_space<hbm>>, %arg3: memref<10112x128xf32, #tpu.memory_space<hbm>>, %arg4: memref<32x10x8x128xi32, #tpu.memory_space<hbm>>, %arg5: memref<32x10x8x128xi32, #tpu.memory_space<hbm>>, %arg6: memref<10112x128xf32, #tpu.memory_space<hbm>>, %arg7: memref<2x2x10112x128xf32, #tpu.memory_space<hbm>>, %arg8: memref<2x8x128xi32, #tpu.memory_space<vmem>>, %arg9: memref<2x8x128xi32, #tpu.memory_space<vmem>>, %arg10: memref<2x128x128xf32, #tpu.memory_space<vmem>>, %arg11: memref<10112x128xf32, #tpu.memory_space<vmem_shared>>, %arg12: memref<!tpu.dma_semaphore, #tpu.memory_space<semaphore_mem>>, %arg13: memref<!tpu.dma_semaphore, #tpu.memory_space<semaphore_mem>>, %arg14: memref<!tpu.dma_semaphore, #tpu.memory_space<semaphore_mem>>, %arg15: memref<!tpu.dma_semaphore, #tpu.memory_space<semaphore_mem>>) attributes {dimension_semantics = [#tpu.dimension_semantics<core_parallel>, #tpu.dimension_semantics<subcore_parallel>], iteration_bounds = array<i64: 2, 16>, scalar_prefetch = 0 : i64, scratch_operands = 8 : i64, tpu.core_type = #tpu.core_type<sc_vector_subcore>, window_params = [{transform_indices = #map}, {transform_indices = #map}, {transform_indices = #map1}, {transform_indices = #map1}, {transform_indices = #map}, {transform_indices = #map1}]} {
    %mul3A = arith.constant 16 : i32
    %mul3A_0 = arith.muli %arg0, %mul3A : i32
    %add3A = arith.addi %mul3A_0, %arg1 : i32
    %mul3A_1 = arith.constant 632 : i32
    %mul3A_2 = arith.muli %arg1, %mul3A_1 : i32
    %mul3A_3 = arith.constant 632 : i32
    %mul3A_4 = arith.muli %arg1, %mul3A_3 : i32
    "tpu.region"() ({
      %run_scoped3A_65 = tpu.sem_alloc : memref<!tpu.dma_semaphore, #tpu.memory_space<semaphore_mem>>
      %dma_start3A_66 = arith.constant 0 : i32
      %dma_start3A_67 = tpu.memref_slice %arg11[%mul3A_4, %dma_start3A_66] : memref<10112x128xf32, #tpu.memory_space<vmem_shared>> -> memref<632x128xf32, #tpu.memory_space<vmem_shared>>
      %dma_start3A_68 = arith.constant 0 : i32
      %dma_start3A_69 = tpu.memref_slice %arg6[%mul3A_2, %dma_start3A_68] : memref<10112x128xf32, #tpu.memory_space<hbm>> -> memref<632x128xf32, #tpu.memory_space<hbm>>
      tpu.enqueue_dma source(%dma_start3A_69 : memref<632x128xf32, #tpu.memory_space<hbm>>) target(%dma_start3A_67 : memref<632x128xf32, #tpu.memory_space<vmem_shared>>) target_semaphore(%run_scoped3A_65 : memref<!tpu.dma_semaphore, #tpu.memory_space<semaphore_mem>>)
      %dma_wait3A = arith.constant 0 : i32
      %dma_wait3A_70 = tpu.memref_slice %arg11[%mul3A_4, %dma_wait3A] : memref<10112x128xf32, #tpu.memory_space<vmem_shared>> -> memref<632x128xf32, #tpu.memory_space<vmem_shared>>
      %dma_wait3A_71 = arith.constant 0 : i32
      %dma_wait3A_72 = tpu.memref_slice %arg6[%mul3A_2, %dma_wait3A_71] : memref<10112x128xf32, #tpu.memory_space<hbm>> -> memref<632x128xf32, #tpu.memory_space<hbm>>
      tpu.wait_dma2 semaphore(%run_scoped3A_65 : memref<!tpu.dma_semaphore, #tpu.memory_space<semaphore_mem>>) src(%dma_wait3A_72 : memref<632x128xf32, #tpu.memory_space<hbm>>) dst(%dma_wait3A_70 : memref<632x128xf32, #tpu.memory_space<vmem_shared>>)
      tpu.yield
    }) : () -> ()
    %run_scoped3A = arith.constant 0 : i32
    %run_scoped3A_5 = arith.constant 0 : i32
    "tpu.region"() ({
      %run_scoped3A_65 = tpu.sem_alloc : memref<!tpu.dma_semaphore, #tpu.memory_space<semaphore_mem>>
      %dma_start3A_66 = arith.constant 0 : i32
      %dma_start3A_67 = arith.constant 0 : i32
      %dma_start3A_68 = tpu.memref_slice %arg8[%run_scoped3A_5, %dma_start3A_66, %dma_start3A_67] : memref<2x8x128xi32, #tpu.memory_space<vmem>> -> memref<1x8x128xi32, #tpu.memory_space<vmem>>
      %dma_start3A_69 = tpu.memref_squeeze %dma_start3A_68 : memref<1x8x128xi32, #tpu.memory_space<vmem>> -> memref<8x128xi32, #tpu.memory_space<vmem>>
      %dma_start3A_70 = arith.constant 0 : i32
      %dma_start3A_71 = arith.constant 0 : i32
      %dma_start3A_72 = tpu.memref_slice %arg4[%add3A, %run_scoped3A, %dma_start3A_70, %dma_start3A_71] : memref<32x10x8x128xi32, #tpu.memory_space<hbm>> -> memref<1x1x8x128xi32, #tpu.memory_space<hbm>>
      %dma_start3A_73 = tpu.memref_squeeze %dma_start3A_72 : memref<1x1x8x128xi32, #tpu.memory_space<hbm>> -> memref<8x128xi32, #tpu.memory_space<hbm>>
      %dma_start3A_74 = arith.constant 0 : i32
      %dma_start3A_75 = arith.constant 0 : i32
      %dma_start3A_76 = tpu.memref_slice %arg8[%run_scoped3A_5, %dma_start3A_74, %dma_start3A_75] : memref<2x8x128xi32, #tpu.memory_space<vmem>> -> memref<1x8x128xi32, #tpu.memory_space<vmem>>
      %dma_start3A_77 = tpu.memref_squeeze %dma_start3A_76 : memref<1x8x128xi32, #tpu.memory_space<vmem>> -> memref<8x128xi32, #tpu.memory_space<vmem>>
      %dma_start3A_78 = arith.constant 0 : i32
      %dma_start3A_79 = arith.constant 0 : i32
      %dma_start3A_80 = tpu.memref_slice %arg4[%add3A, %run_scoped3A, %dma_start3A_78, %dma_start3A_79] : memref<32x10x8x128xi32, #tpu.memory_space<hbm>> -> memref<1x1x8x128xi32, #tpu.memory_space<hbm>>
      %dma_start3A_81 = tpu.memref_squeeze %dma_start3A_80 : memref<1x1x8x128xi32, #tpu.memory_space<hbm>> -> memref<8x128xi32, #tpu.memory_space<hbm>>
      tpu.enqueue_dma source(%dma_start3A_81 : memref<8x128xi32, #tpu.memory_space<hbm>>) target(%dma_start3A_77 : memref<8x128xi32, #tpu.memory_space<vmem>>) target_semaphore(%run_scoped3A_65 : memref<!tpu.dma_semaphore, #tpu.memory_space<semaphore_mem>>)
      %dma_wait3A = arith.constant 0 : i32
      %dma_wait3A_82 = arith.constant 0 : i32
      %dma_wait3A_83 = tpu.memref_slice %arg8[%run_scoped3A_5, %dma_wait3A, %dma_wait3A_82] : memref<2x8x128xi32, #tpu.memory_space<vmem>> -> memref<1x8x128xi32, #tpu.memory_space<vmem>>
      %dma_wait3A_84 = tpu.memref_squeeze %dma_wait3A_83 : memref<1x8x128xi32, #tpu.memory_space<vmem>> -> memref<8x128xi32, #tpu.memory_space<vmem>>
      %dma_wait3A_85 = arith.constant 0 : i32
      %dma_wait3A_86 = arith.constant 0 : i32
      %dma_wait3A_87 = tpu.memref_slice %arg4[%add3A, %run_scoped3A, %dma_wait3A_85, %dma_wait3A_86] : memref<32x10x8x128xi32, #tpu.memory_space<hbm>> -> memref<1x1x8x128xi32, #tpu.memory_space<hbm>>
      %dma_wait3A_88 = tpu.memref_squeeze %dma_wait3A_87 : memref<1x1x8x128xi32, #tpu.memory_space<hbm>> -> memref<8x128xi32, #tpu.memory_space<hbm>>
      %dma_wait3A_89 = arith.constant 0 : i32
      %dma_wait3A_90 = arith.constant 0 : i32
      %dma_wait3A_91 = tpu.memref_slice %arg8[%run_scoped3A_5, %dma_wait3A_89, %dma_wait3A_90] : memref<2x8x128xi32, #tpu.memory_space<vmem>> -> memref<1x8x128xi32, #tpu.memory_space<vmem>>
      %dma_wait3A_92 = tpu.memref_squeeze %dma_wait3A_91 : memref<1x8x128xi32, #tpu.memory_space<vmem>> -> memref<8x128xi32, #tpu.memory_space<vmem>>
      %dma_wait3A_93 = arith.constant 0 : i32
      %dma_wait3A_94 = arith.constant 0 : i32
      %dma_wait3A_95 = tpu.memref_slice %arg4[%add3A, %run_scoped3A, %dma_wait3A_93, %dma_wait3A_94] : memref<32x10x8x128xi32, #tpu.memory_space<hbm>> -> memref<1x1x8x128xi32, #tpu.memory_space<hbm>>
      %dma_wait3A_96 = tpu.memref_squeeze %dma_wait3A_95 : memref<1x1x8x128xi32, #tpu.memory_space<hbm>> -> memref<8x128xi32, #tpu.memory_space<hbm>>
      tpu.wait_dma2 semaphore(%run_scoped3A_65 : memref<!tpu.dma_semaphore, #tpu.memory_space<semaphore_mem>>) src(%dma_wait3A_96 : memref<8x128xi32, #tpu.memory_space<hbm>>) dst(%dma_wait3A_92 : memref<8x128xi32, #tpu.memory_space<vmem>>)
      tpu.yield
    }) : () -> ()
    %run_scoped3A_6 = arith.constant 0 : i32
    %run_scoped3A_7 = arith.constant 0 : i32
    "tpu.region"() ({
      %run_scoped3A_65 = tpu.sem_alloc : memref<!tpu.dma_semaphore, #tpu.memory_space<semaphore_mem>>
      %dma_start3A_66 = arith.constant 0 : i32
      %dma_start3A_67 = arith.constant 0 : i32
      %dma_start3A_68 = tpu.memref_slice %arg9[%run_scoped3A_7, %dma_start3A_66, %dma_start3A_67] : memref<2x8x128xi32, #tpu.memory_space<vmem>> -> memref<1x8x128xi32, #tpu.memory_space<vmem>>
      %dma_start3A_69 = tpu.memref_squeeze %dma_start3A_68 : memref<1x8x128xi32, #tpu.memory_space<vmem>> -> memref<8x128xi32, #tpu.memory_space<vmem>>
      %dma_start3A_70 = arith.constant 0 : i32
      %dma_start3A_71 = arith.constant 0 : i32
      %dma_start3A_72 = tpu.memref_slice %arg5[%add3A, %run_scoped3A_6, %dma_start3A_70, %dma_start3A_71] : memref<32x10x8x128xi32, #tpu.memory_space<hbm>> -> memref<1x1x8x128xi32, #tpu.memory_space<hbm>>
      %dma_start3A_73 = tpu.memref_squeeze %dma_start3A_72 : memref<1x1x8x128xi32, #tpu.memory_space<hbm>> -> memref<8x128xi32, #tpu.memory_space<hbm>>
      %dma_start3A_74 = arith.constant 0 : i32
      %dma_start3A_75 = arith.constant 0 : i32
      %dma_start3A_76 = tpu.memref_slice %arg9[%run_scoped3A_7, %dma_start3A_74, %dma_start3A_75] : memref<2x8x128xi32, #tpu.memory_space<vmem>> -> memref<1x8x128xi32, #tpu.memory_space<vmem>>
      %dma_start3A_77 = tpu.memref_squeeze %dma_start3A_76 : memref<1x8x128xi32, #tpu.memory_space<vmem>> -> memref<8x128xi32, #tpu.memory_space<vmem>>
      %dma_start3A_78 = arith.constant 0 : i32
      %dma_start3A_79 = arith.constant 0 : i32
      %dma_start3A_80 = tpu.memref_slice %arg5[%add3A, %run_scoped3A_6, %dma_start3A_78, %dma_start3A_79] : memref<32x10x8x128xi32, #tpu.memory_space<hbm>> -> memref<1x1x8x128xi32, #tpu.memory_space<hbm>>
      %dma_start3A_81 = tpu.memref_squeeze %dma_start3A_80 : memref<1x1x8x128xi32, #tpu.memory_space<hbm>> -> memref<8x128xi32, #tpu.memory_space<hbm>>
      tpu.enqueue_dma source(%dma_start3A_81 : memref<8x128xi32, #tpu.memory_space<hbm>>) target(%dma_start3A_77 : memref<8x128xi32, #tpu.memory_space<vmem>>) target_semaphore(%run_scoped3A_65 : memref<!tpu.dma_semaphore, #tpu.memory_space<semaphore_mem>>)
      %dma_wait3A = arith.constant 0 : i32
      %dma_wait3A_82 = arith.constant 0 : i32
      %dma_wait3A_83 = tpu.memref_slice %arg9[%run_scoped3A_7, %dma_wait3A, %dma_wait3A_82] : memref<2x8x128xi32, #tpu.memory_space<vmem>> -> memref<1x8x128xi32, #tpu.memory_space<vmem>>
      %dma_wait3A_84 = tpu.memref_squeeze %dma_wait3A_83 : memref<1x8x128xi32, #tpu.memory_space<vmem>> -> memref<8x128xi32, #tpu.memory_space<vmem>>
      %dma_wait3A_85 = arith.constant 0 : i32
      %dma_wait3A_86 = arith.constant 0 : i32
      %dma_wait3A_87 = tpu.memref_slice %arg5[%add3A, %run_scoped3A_6, %dma_wait3A_85, %dma_wait3A_86] : memref<32x10x8x128xi32, #tpu.memory_space<hbm>> -> memref<1x1x8x128xi32, #tpu.memory_space<hbm>>
      %dma_wait3A_88 = tpu.memref_squeeze %dma_wait3A_87 : memref<1x1x8x128xi32, #tpu.memory_space<hbm>> -> memref<8x128xi32, #tpu.memory_space<hbm>>
      %dma_wait3A_89 = arith.constant 0 : i32
      %dma_wait3A_90 = arith.constant 0 : i32
      %dma_wait3A_91 = tpu.memref_slice %arg9[%run_scoped3A_7, %dma_wait3A_89, %dma_wait3A_90] : memref<2x8x128xi32, #tpu.memory_space<vmem>> -> memref<1x8x128xi32, #tpu.memory_space<vmem>>
      %dma_wait3A_92 = tpu.memref_squeeze %dma_wait3A_91 : memref<1x8x128xi32, #tpu.memory_space<vmem>> -> memref<8x128xi32, #tpu.memory_space<vmem>>
      %dma_wait3A_93 = arith.constant 0 : i32
      %dma_wait3A_94 = arith.constant 0 : i32
      %dma_wait3A_95 = tpu.memref_slice %arg5[%add3A, %run_scoped3A_6, %dma_wait3A_93, %dma_wait3A_94] : memref<32x10x8x128xi32, #tpu.memory_space<hbm>> -> memref<1x1x8x128xi32, #tpu.memory_space<hbm>>
      %dma_wait3A_96 = tpu.memref_squeeze %dma_wait3A_95 : memref<1x1x8x128xi32, #tpu.memory_space<hbm>> -> memref<8x128xi32, #tpu.memory_space<hbm>>
      tpu.wait_dma2 semaphore(%run_scoped3A_65 : memref<!tpu.dma_semaphore, #tpu.memory_space<semaphore_mem>>) src(%dma_wait3A_96 : memref<8x128xi32, #tpu.memory_space<hbm>>) dst(%dma_wait3A_92 : memref<8x128xi32, #tpu.memory_space<vmem>>)
      tpu.yield
    }) : () -> ()
    %barrier3A = arith.constant 0 : index
    tpu.barrier barrier_id(%barrier3A)
    %dma_start3A = arith.constant 0 : i32
    %dma_start3A_8 = arith.constant 0 : i32
    %dma_start3A_9 = arith.constant 0 : i32
    %dma_start3A_10 = arith.constant 0 : i32
    %dma_start3A_11 = arith.constant 0 : i32
    %dma_start3A_12 = tpu.memref_slice %arg10[%dma_start3A_9, %dma_start3A_10, %dma_start3A_11] : memref<2x128x128xf32, #tpu.memory_space<vmem>> -> memref<1x128x128xf32, #tpu.memory_space<vmem>>
    %dma_start3A_13 = tpu.memref_squeeze %dma_start3A_12 : memref<1x128x128xf32, #tpu.memory_space<vmem>> -> memref<128x128xf32, #tpu.memory_space<vmem>>
    %dma_start3A_14 = arith.constant 0 : i32
    %dma_start3A_15 = tpu.memref_slice %arg8[%dma_start3A, %dma_start3A_8, %dma_start3A_14] : memref<2x8x128xi32, #tpu.memory_space<vmem>> -> memref<1x1x128xi32, #tpu.memory_space<vmem>>
    %dma_start3A_16 = tpu.memref_squeeze %dma_start3A_15 : memref<1x1x128xi32, #tpu.memory_space<vmem>> -> memref<128xi32, #tpu.memory_space<vmem>>
    %dma_start3A_17 = arith.constant 0 : i32
    %dma_start3A_18 = arith.constant 0 : i32
    %dma_start3A_19 = tpu.memref_slice %arg2[%dma_start3A_17, %dma_start3A_18] : memref<10112x128xf32, #tpu.memory_space<hbm>> -> memref<10112x128xf32, #tpu.memory_space<hbm>>
    tpu.enqueue_indirect_dma source(%dma_start3A_19 : memref<10112x128xf32, #tpu.memory_space<hbm>>) target(%dma_start3A_13 : memref<128x128xf32, #tpu.memory_space<vmem>>) offsets(%dma_start3A_16 : memref<128xi32, #tpu.memory_space<vmem>>) semaphore(%arg12 : memref<!tpu.dma_semaphore, #tpu.memory_space<semaphore_mem>>)
    %scan3A = arith.constant 0 : i32
    %scan3A_20 = arith.constant 0 : i32
    %scan3A_21 = arith.constant 10 : i32
    %scan3A_22 = arith.addi %scan3A_20, %scan3A_21 : i32
    %scan3A_23 = arith.constant 1 : i32
    scf.for %scan3A_65 = %scan3A_20 to %scan3A_22 step %scan3A_23  : i32 {
      %jit3A = arith.constant 2 : i32
      %eq3A = arith.constant 0 : i32
      %eq3A_66 = arith.cmpi eq, %jit3A, %eq3A : i32
      %jit3A_67 = arith.constant 1 : i32
      %select_n3A = arith.select %eq3A_66, %jit3A_67, %jit3A : i32
      %rem3A = arith.remsi %scan3A_65, %select_n3A : i32
      %ne3A = arith.constant 0 : i32
      %ne3A_68 = arith.cmpi ne, %rem3A, %ne3A : i32
      %lt3A = arith.constant 0 : i32
      %lt3A_69 = arith.cmpi slt, %rem3A, %lt3A : i32
      %lt3A_70 = arith.constant 0 : i32
      %lt3A_71 = arith.cmpi slt, %select_n3A, %lt3A_70 : i32
      %ne3A_72 = arith.xori %lt3A_69, %lt3A_71 : i1
      %and3A = arith.andi %ne3A_72, %ne3A_68 : i1
      %add3A_73 = arith.addi %rem3A, %select_n3A : i32
      %select_n3A_74 = arith.select %and3A, %add3A_73, %rem3A : i32
      %add3A_75 = arith.constant 1 : i32
      %add3A_76 = arith.addi %scan3A_65, %add3A_75 : i32
      %jit3A_77 = arith.constant 2 : i32
      %eq3A_78 = arith.constant 0 : i32
      %eq3A_79 = arith.cmpi eq, %jit3A_77, %eq3A_78 : i32
      %jit3A_80 = arith.constant 1 : i32
      %select_n3A_81 = arith.select %eq3A_79, %jit3A_80, %jit3A_77 : i32
      %rem3A_82 = arith.remsi %add3A_76, %select_n3A_81 : i32
      %ne3A_83 = arith.constant 0 : i32
      %ne3A_84 = arith.cmpi ne, %rem3A_82, %ne3A_83 : i32
      %lt3A_85 = arith.constant 0 : i32
      %lt3A_86 = arith.cmpi slt, %rem3A_82, %lt3A_85 : i32
      %lt3A_87 = arith.constant 0 : i32
      %lt3A_88 = arith.cmpi slt, %select_n3A_81, %lt3A_87 : i32
      %ne3A_89 = arith.xori %lt3A_86, %lt3A_88 : i1
      %and3A_90 = arith.andi %ne3A_89, %ne3A_84 : i1
      %add3A_91 = arith.addi %rem3A_82, %select_n3A_81 : i32
      %select_n3A_92 = arith.select %and3A_90, %add3A_91, %rem3A_82 : i32
      %lt3A_93 = arith.constant 9 : i32
      %lt3A_94 = arith.cmpi slt, %scan3A_65, %lt3A_93 : i32
      %convert_element_type3A = arith.extui %lt3A_94 : i1 to i32
      %cond3A = arith.constant 0 : i32
      %cond3A_95 = arith.cmpi ne, %convert_element_type3A, %cond3A : i32
      scf.if %cond3A_95 {
        %add3A_296 = arith.constant 1 : i32
        %add3A_297 = arith.addi %scan3A_65, %add3A_296 : i32
        %dma_start3A_298 = arith.constant 0 : i32
        %dma_start3A_299 = arith.constant 0 : i32
        %dma_start3A_300 = tpu.memref_slice %arg8[%select_n3A_92, %dma_start3A_298, %dma_start3A_299] : memref<2x8x128xi32, #tpu.memory_space<vmem>> -> memref<1x8x128xi32, #tpu.memory_space<vmem>>
        %dma_start3A_301 = tpu.memref_squeeze %dma_start3A_300 : memref<1x8x128xi32, #tpu.memory_space<vmem>> -> memref<8x128xi32, #tpu.memory_space<vmem>>
        %dma_start3A_302 = arith.constant 0 : i32
        %dma_start3A_303 = arith.constant 0 : i32
        %dma_start3A_304 = tpu.memref_slice %arg4[%add3A, %add3A_297, %dma_start3A_302, %dma_start3A_303] : memref<32x10x8x128xi32, #tpu.memory_space<hbm>> -> memref<1x1x8x128xi32, #tpu.memory_space<hbm>>
        %dma_start3A_305 = tpu.memref_squeeze %dma_start3A_304 : memref<1x1x8x128xi32, #tpu.memory_space<hbm>> -> memref<8x128xi32, #tpu.memory_space<hbm>>
        %dma_start3A_306 = arith.constant 0 : i32
        %dma_start3A_307 = arith.constant 0 : i32
        %dma_start3A_308 = tpu.memref_slice %arg8[%select_n3A_92, %dma_start3A_306, %dma_start3A_307] : memref<2x8x128xi32, #tpu.memory_space<vmem>> -> memref<1x8x128xi32, #tpu.memory_space<vmem>>
        %dma_start3A_309 = tpu.memref_squeeze %dma_start3A_308 : memref<1x8x128xi32, #tpu.memory_space<vmem>> -> memref<8x128xi32, #tpu.memory_space<vmem>>
        %dma_start3A_310 = arith.constant 0 : i32
        %dma_start3A_311 = arith.constant 0 : i32
        %dma_start3A_312 = tpu.memref_slice %arg4[%add3A, %add3A_297, %dma_start3A_310, %dma_start3A_311] : memref<32x10x8x128xi32, #tpu.memory_space<hbm>> -> memref<1x1x8x128xi32, #tpu.memory_space<hbm>>
        %dma_start3A_313 = tpu.memref_squeeze %dma_start3A_312 : memref<1x1x8x128xi32, #tpu.memory_space<hbm>> -> memref<8x128xi32, #tpu.memory_space<hbm>>
        tpu.enqueue_dma source(%dma_start3A_313 : memref<8x128xi32, #tpu.memory_space<hbm>>) target(%dma_start3A_309 : memref<8x128xi32, #tpu.memory_space<vmem>>) target_semaphore(%arg14 : memref<!tpu.dma_semaphore, #tpu.memory_space<semaphore_mem>>)
        %add3A_314 = arith.constant 1 : i32
        %add3A_315 = arith.addi %scan3A_65, %add3A_314 : i32
        %dma_start3A_316 = arith.constant 0 : i32
        %dma_start3A_317 = arith.constant 0 : i32
        %dma_start3A_318 = tpu.memref_slice %arg9[%select_n3A_92, %dma_start3A_316, %dma_start3A_317] : memref<2x8x128xi32, #tpu.memory_space<vmem>> -> memref<1x8x128xi32, #tpu.memory_space<vmem>>
        %dma_start3A_319 = tpu.memref_squeeze %dma_start3A_318 : memref<1x8x128xi32, #tpu.memory_space<vmem>> -> memref<8x128xi32, #tpu.memory_space<vmem>>
        %dma_start3A_320 = arith.constant 0 : i32
        %dma_start3A_321 = arith.constant 0 : i32
        %dma_start3A_322 = tpu.memref_slice %arg5[%add3A, %add3A_315, %dma_start3A_320, %dma_start3A_321] : memref<32x10x8x128xi32, #tpu.memory_space<hbm>> -> memref<1x1x8x128xi32, #tpu.memory_space<hbm>>
        %dma_start3A_323 = tpu.memref_squeeze %dma_start3A_322 : memref<1x1x8x128xi32, #tpu.memory_space<hbm>> -> memref<8x128xi32, #tpu.memory_space<hbm>>
        %dma_start3A_324 = arith.constant 0 : i32
        %dma_start3A_325 = arith.constant 0 : i32
        %dma_start3A_326 = tpu.memref_slice %arg9[%select_n3A_92, %dma_start3A_324, %dma_start3A_325] : memref<2x8x128xi32, #tpu.memory_space<vmem>> -> memref<1x8x128xi32, #tpu.memory_space<vmem>>
        %dma_start3A_327 = tpu.memref_squeeze %dma_start3A_326 : memref<1x8x128xi32, #tpu.memory_space<vmem>> -> memref<8x128xi32, #tpu.memory_space<vmem>>
        %dma_start3A_328 = arith.constant 0 : i32
        %dma_start3A_329 = arith.constant 0 : i32
        %dma_start3A_330 = tpu.memref_slice %arg5[%add3A, %add3A_315, %dma_start3A_328, %dma_start3A_329] : memref<32x10x8x128xi32, #tpu.memory_space<hbm>> -> memref<1x1x8x128xi32, #tpu.memory_space<hbm>>
        %dma_start3A_331 = tpu.memref_squeeze %dma_start3A_330 : memref<1x1x8x128xi32, #tpu.memory_space<hbm>> -> memref<8x128xi32, #tpu.memory_space<hbm>>
        tpu.enqueue_dma source(%dma_start3A_331 : memref<8x128xi32, #tpu.memory_space<hbm>>) target(%dma_start3A_327 : memref<8x128xi32, #tpu.memory_space<vmem>>) target_semaphore(%arg15 : memref<!tpu.dma_semaphore, #tpu.memory_space<semaphore_mem>>)
      } else {
      }
      %dma_start3A_96 = arith.constant 1 : i32
      %dma_start3A_97 = arith.constant 1 : i32
      %dma_start3A_98 = arith.constant 0 : i32
      %dma_start3A_99 = arith.constant 0 : i32
      %dma_start3A_100 = tpu.memref_slice %arg10[%dma_start3A_97, %dma_start3A_98, %dma_start3A_99] : memref<2x128x128xf32, #tpu.memory_space<vmem>> -> memref<1x128x128xf32, #tpu.memory_space<vmem>>
      %dma_start3A_101 = tpu.memref_squeeze %dma_start3A_100 : memref<1x128x128xf32, #tpu.memory_space<vmem>> -> memref<128x128xf32, #tpu.memory_space<vmem>>
      %dma_start3A_102 = arith.constant 0 : i32
      %dma_start3A_103 = tpu.memref_slice %arg8[%select_n3A_74, %dma_start3A_96, %dma_start3A_102] : memref<2x8x128xi32, #tpu.memory_space<vmem>> -> memref<1x1x128xi32, #tpu.memory_space<vmem>>
      %dma_start3A_104 = tpu.memref_squeeze %dma_start3A_103 : memref<1x1x128xi32, #tpu.memory_space<vmem>> -> memref<128xi32, #tpu.memory_space<vmem>>
      %dma_start3A_105 = arith.constant 0 : i32
      %dma_start3A_106 = arith.constant 0 : i32
      %dma_start3A_107 = tpu.memref_slice %arg2[%dma_start3A_105, %dma_start3A_106] : memref<10112x128xf32, #tpu.memory_space<hbm>> -> memref<10112x128xf32, #tpu.memory_space<hbm>>
      tpu.enqueue_indirect_dma source(%dma_start3A_107 : memref<10112x128xf32, #tpu.memory_space<hbm>>) target(%dma_start3A_101 : memref<128x128xf32, #tpu.memory_space<vmem>>) offsets(%dma_start3A_104 : memref<128xi32, #tpu.memory_space<vmem>>) semaphore(%arg13 : memref<!tpu.dma_semaphore, #tpu.memory_space<semaphore_mem>>)
      %dma_wait3A = arith.constant 0 : i32
      %dma_wait3A_108 = arith.constant 0 : i32
      %dma_wait3A_109 = arith.constant 0 : i32
      %dma_wait3A_110 = arith.constant 0 : i32
      %dma_wait3A_111 = tpu.memref_slice %arg10[%dma_wait3A_108, %dma_wait3A_109, %dma_wait3A_110] : memref<2x128x128xf32, #tpu.memory_space<vmem>> -> memref<1x128x128xf32, #tpu.memory_space<vmem>>
      %dma_wait3A_112 = tpu.memref_squeeze %dma_wait3A_111 : memref<1x128x128xf32, #tpu.memory_space<vmem>> -> memref<128x128xf32, #tpu.memory_space<vmem>>
      %dma_wait3A_113 = arith.constant 0 : i32
      %dma_wait3A_114 = tpu.memref_slice %arg8[%select_n3A_74, %dma_wait3A, %dma_wait3A_113] : memref<2x8x128xi32, #tpu.memory_space<vmem>> -> memref<1x1x128xi32, #tpu.memory_space<vmem>>
      %dma_wait3A_115 = tpu.memref_squeeze %dma_wait3A_114 : memref<1x1x128xi32, #tpu.memory_space<vmem>> -> memref<128xi32, #tpu.memory_space<vmem>>
      %dma_wait3A_116 = arith.constant 0 : i32
      %dma_wait3A_117 = arith.constant 0 : i32
      %dma_wait3A_118 = tpu.memref_slice %arg2[%dma_wait3A_116, %dma_wait3A_117] : memref<10112x128xf32, #tpu.memory_space<hbm>> -> memref<10112x128xf32, #tpu.memory_space<hbm>>
      tpu.wait_indirect_dma semaphore(%arg12 : memref<!tpu.dma_semaphore, #tpu.memory_space<semaphore_mem>>) src(%dma_wait3A_118 : memref<10112x128xf32, #tpu.memory_space<hbm>>) dst(%dma_wait3A_112 : memref<128x128xf32, #tpu.memory_space<vmem>>)
      %run_scoped3A_119 = arith.constant 0 : i32
      %run_scoped3A_120 = arith.constant 0 : i32
      "tpu.region"() ({
        %run_scoped3A_296 = tpu.sem_alloc : memref<!tpu.dma_semaphore, #tpu.memory_space<semaphore_mem>>
        %dma_start3A_297 = arith.constant 0 : i32
        %dma_start3A_298 = arith.constant 0 : i32
        %dma_start3A_299 = tpu.memref_slice %arg10[%run_scoped3A_119, %dma_start3A_297, %dma_start3A_298] : memref<2x128x128xf32, #tpu.memory_space<vmem>> -> memref<1x128x128xf32, #tpu.memory_space<vmem>>
        %dma_start3A_300 = tpu.memref_squeeze %dma_start3A_299 : memref<1x128x128xf32, #tpu.memory_space<vmem>> -> memref<128x128xf32, #tpu.memory_space<vmem>>
        %dma_start3A_301 = arith.constant 0 : i32
        %dma_start3A_302 = tpu.memref_slice %arg9[%select_n3A_74, %run_scoped3A_120, %dma_start3A_301] : memref<2x8x128xi32, #tpu.memory_space<vmem>> -> memref<1x1x128xi32, #tpu.memory_space<vmem>>
        %dma_start3A_303 = tpu.memref_squeeze %dma_start3A_302 : memref<1x1x128xi32, #tpu.memory_space<vmem>> -> memref<128xi32, #tpu.memory_space<vmem>>
        %dma_start3A_304 = arith.constant 0 : i32
        %dma_start3A_305 = arith.constant 0 : i32
        %dma_start3A_306 = tpu.memref_slice %arg11[%dma_start3A_304, %dma_start3A_305] : memref<10112x128xf32, #tpu.memory_space<vmem_shared>> -> memref<10112x128xf32, #tpu.memory_space<vmem_shared>>
        tpu.enqueue_indirect_dma source(%dma_start3A_300 : memref<128x128xf32, #tpu.memory_space<vmem>>) target(%dma_start3A_306 : memref<10112x128xf32, #tpu.memory_space<vmem_shared>>) offsets(%dma_start3A_303 : memref<128xi32, #tpu.memory_space<vmem>>) semaphore(%run_scoped3A_296 : memref<!tpu.dma_semaphore, #tpu.memory_space<semaphore_mem>>) {add = true}
        %dma_wait3A_307 = arith.constant 0 : i32
        %dma_wait3A_308 = arith.constant 0 : i32
        %dma_wait3A_309 = tpu.memref_slice %arg10[%run_scoped3A_119, %dma_wait3A_307, %dma_wait3A_308] : memref<2x128x128xf32, #tpu.memory_space<vmem>> -> memref<1x128x128xf32, #tpu.memory_space<vmem>>
        %dma_wait3A_310 = tpu.memref_squeeze %dma_wait3A_309 : memref<1x128x128xf32, #tpu.memory_space<vmem>> -> memref<128x128xf32, #tpu.memory_space<vmem>>
        %dma_wait3A_311 = arith.constant 0 : i32
        %dma_wait3A_312 = tpu.memref_slice %arg9[%select_n3A_74, %run_scoped3A_120, %dma_wait3A_311] : memref<2x8x128xi32, #tpu.memory_space<vmem>> -> memref<1x1x128xi32, #tpu.memory_space<vmem>>
        %dma_wait3A_313 = tpu.memref_squeeze %dma_wait3A_312 : memref<1x1x128xi32, #tpu.memory_space<vmem>> -> memref<128xi32, #tpu.memory_space<vmem>>
        %dma_wait3A_314 = arith.constant 0 : i32
        %dma_wait3A_315 = arith.constant 0 : i32
        %dma_wait3A_316 = tpu.memref_slice %arg11[%dma_wait3A_314, %dma_wait3A_315] : memref<10112x128xf32, #tpu.memory_space<vmem_shared>> -> memref<10112x128xf32, #tpu.memory_space<vmem_shared>>
        tpu.wait_indirect_dma semaphore(%run_scoped3A_296 : memref<!tpu.dma_semaphore, #tpu.memory_space<semaphore_mem>>) src(%dma_wait3A_310 : memref<128x128xf32, #tpu.memory_space<vmem>>) dst(%dma_wait3A_316 : memref<10112x128xf32, #tpu.memory_space<vmem_shared>>)
        tpu.yield
      }) : () -> ()
      %dma_start3A_121 = arith.constant 2 : i32
      %dma_start3A_122 = arith.constant 0 : i32
      %dma_start3A_123 = arith.constant 0 : i32
      %dma_start3A_124 = arith.constant 0 : i32
      %dma_start3A_125 = tpu.memref_slice %arg10[%dma_start3A_122, %dma_start3A_123, %dma_start3A_124] : memref<2x128x128xf32, #tpu.memory_space<vmem>> -> memref<1x128x128xf32, #tpu.memory_space<vmem>>
      %dma_start3A_126 = tpu.memref_squeeze %dma_start3A_125 : memref<1x128x128xf32, #tpu.memory_space<vmem>> -> memref<128x128xf32, #tpu.memory_space<vmem>>
      %dma_start3A_127 = arith.constant 0 : i32
      %dma_start3A_128 = tpu.memref_slice %arg8[%select_n3A_74, %dma_start3A_121, %dma_start3A_127] : memref<2x8x128xi32, #tpu.memory_space<vmem>> -> memref<1x1x128xi32, #tpu.memory_space<vmem>>
      %dma_start3A_129 = tpu.memref_squeeze %dma_start3A_128 : memref<1x1x128xi32, #tpu.memory_space<vmem>> -> memref<128xi32, #tpu.memory_space<vmem>>
      %dma_start3A_130 = arith.constant 0 : i32
      %dma_start3A_131 = arith.constant 0 : i32
      %dma_start3A_132 = tpu.memref_slice %arg2[%dma_start3A_130, %dma_start3A_131] : memref<10112x128xf32, #tpu.memory_space<hbm>> -> memref<10112x128xf32, #tpu.memory_space<hbm>>
      tpu.enqueue_indirect_dma source(%dma_start3A_132 : memref<10112x128xf32, #tpu.memory_space<hbm>>) target(%dma_start3A_126 : memref<128x128xf32, #tpu.memory_space<vmem>>) offsets(%dma_start3A_129 : memref<128xi32, #tpu.memory_space<vmem>>) semaphore(%arg12 : memref<!tpu.dma_semaphore, #tpu.memory_space<semaphore_mem>>)
      %dma_wait3A_133 = arith.constant 1 : i32
      %dma_wait3A_134 = arith.constant 1 : i32
      %dma_wait3A_135 = arith.constant 0 : i32
      %dma_wait3A_136 = arith.constant 0 : i32
      %dma_wait3A_137 = tpu.memref_slice %arg10[%dma_wait3A_134, %dma_wait3A_135, %dma_wait3A_136] : memref<2x128x128xf32, #tpu.memory_space<vmem>> -> memref<1x128x128xf32, #tpu.memory_space<vmem>>
      %dma_wait3A_138 = tpu.memref_squeeze %dma_wait3A_137 : memref<1x128x128xf32, #tpu.memory_space<vmem>> -> memref<128x128xf32, #tpu.memory_space<vmem>>
      %dma_wait3A_139 = arith.constant 0 : i32
      %dma_wait3A_140 = tpu.memref_slice %arg8[%select_n3A_74, %dma_wait3A_133, %dma_wait3A_139] : memref<2x8x128xi32, #tpu.memory_space<vmem>> -> memref<1x1x128xi32, #tpu.memory_space<vmem>>
      %dma_wait3A_141 = tpu.memref_squeeze %dma_wait3A_140 : memref<1x1x128xi32, #tpu.memory_space<vmem>> -> memref<128xi32, #tpu.memory_space<vmem>>
      %dma_wait3A_142 = arith.constant 0 : i32
      %dma_wait3A_143 = arith.constant 0 : i32
      %dma_wait3A_144 = tpu.memref_slice %arg2[%dma_wait3A_142, %dma_wait3A_143] : memref<10112x128xf32, #tpu.memory_space<hbm>> -> memref<10112x128xf32, #tpu.memory_space<hbm>>
      tpu.wait_indirect_dma semaphore(%arg13 : memref<!tpu.dma_semaphore, #tpu.memory_space<semaphore_mem>>) src(%dma_wait3A_144 : memref<10112x128xf32, #tpu.memory_space<hbm>>) dst(%dma_wait3A_138 : memref<128x128xf32, #tpu.memory_space<vmem>>)
      %run_scoped3A_145 = arith.constant 1 : i32
      %run_scoped3A_146 = arith.constant 1 : i32
      "tpu.region"() ({
        %run_scoped3A_296 = tpu.sem_alloc : memref<!tpu.dma_semaphore, #tpu.memory_space<semaphore_mem>>
        %dma_start3A_297 = arith.constant 0 : i32
        %dma_start3A_298 = arith.constant 0 : i32
        %dma_start3A_299 = tpu.memref_slice %arg10[%run_scoped3A_145, %dma_start3A_297, %dma_start3A_298] : memref<2x128x128xf32, #tpu.memory_space<vmem>> -> memref<1x128x128xf32, #tpu.memory_space<vmem>>
        %dma_start3A_300 = tpu.memref_squeeze %dma_start3A_299 : memref<1x128x128xf32, #tpu.memory_space<vmem>> -> memref<128x128xf32, #tpu.memory_space<vmem>>
        %dma_start3A_301 = arith.constant 0 : i32
        %dma_start3A_302 = tpu.memref_slice %arg9[%select_n3A_74, %run_scoped3A_146, %dma_start3A_301] : memref<2x8x128xi32, #tpu.memory_space<vmem>> -> memref<1x1x128xi32, #tpu.memory_space<vmem>>
        %dma_start3A_303 = tpu.memref_squeeze %dma_start3A_302 : memref<1x1x128xi32, #tpu.memory_space<vmem>> -> memref<128xi32, #tpu.memory_space<vmem>>
        %dma_start3A_304 = arith.constant 0 : i32
        %dma_start3A_305 = arith.constant 0 : i32
        %dma_start3A_306 = tpu.memref_slice %arg11[%dma_start3A_304, %dma_start3A_305] : memref<10112x128xf32, #tpu.memory_space<vmem_shared>> -> memref<10112x128xf32, #tpu.memory_space<vmem_shared>>
        tpu.enqueue_indirect_dma source(%dma_start3A_300 : memref<128x128xf32, #tpu.memory_space<vmem>>) target(%dma_start3A_306 : memref<10112x128xf32, #tpu.memory_space<vmem_shared>>) offsets(%dma_start3A_303 : memref<128xi32, #tpu.memory_space<vmem>>) semaphore(%run_scoped3A_296 : memref<!tpu.dma_semaphore, #tpu.memory_space<semaphore_mem>>) {add = true}
        %dma_wait3A_307 = arith.constant 0 : i32
        %dma_wait3A_308 = arith.constant 0 : i32
        %dma_wait3A_309 = tpu.memref_slice %arg10[%run_scoped3A_145, %dma_wait3A_307, %dma_wait3A_308] : memref<2x128x128xf32, #tpu.memory_space<vmem>> -> memref<1x128x128xf32, #tpu.memory_space<vmem>>
        %dma_wait3A_310 = tpu.memref_squeeze %dma_wait3A_309 : memref<1x128x128xf32, #tpu.memory_space<vmem>> -> memref<128x128xf32, #tpu.memory_space<vmem>>
        %dma_wait3A_311 = arith.constant 0 : i32
        %dma_wait3A_312 = tpu.memref_slice %arg9[%select_n3A_74, %run_scoped3A_146, %dma_wait3A_311] : memref<2x8x128xi32, #tpu.memory_space<vmem>> -> memref<1x1x128xi32, #tpu.memory_space<vmem>>
        %dma_wait3A_313 = tpu.memref_squeeze %dma_wait3A_312 : memref<1x1x128xi32, #tpu.memory_space<vmem>> -> memref<128xi32, #tpu.memory_space<vmem>>
        %dma_wait3A_314 = arith.constant 0 : i32
        %dma_wait3A_315 = arith.constant 0 : i32
        %dma_wait3A_316 = tpu.memref_slice %arg11[%dma_wait3A_314, %dma_wait3A_315] : memref<10112x128xf32, #tpu.memory_space<vmem_shared>> -> memref<10112x128xf32, #tpu.memory_space<vmem_shared>>
        tpu.wait_indirect_dma semaphore(%run_scoped3A_296 : memref<!tpu.dma_semaphore, #tpu.memory_space<semaphore_mem>>) src(%dma_wait3A_310 : memref<128x128xf32, #tpu.memory_space<vmem>>) dst(%dma_wait3A_316 : memref<10112x128xf32, #tpu.memory_space<vmem_shared>>)
        tpu.yield
      }) : () -> ()
      %dma_start3A_147 = arith.constant 3 : i32
      %dma_start3A_148 = arith.constant 1 : i32
      %dma_start3A_149 = arith.constant 0 : i32
      %dma_start3A_150 = arith.constant 0 : i32
      %dma_start3A_151 = tpu.memref_slice %arg10[%dma_start3A_148, %dma_start3A_149, %dma_start3A_150] : memref<2x128x128xf32, #tpu.memory_space<vmem>> -> memref<1x128x128xf32, #tpu.memory_space<vmem>>
      %dma_start3A_152 = tpu.memref_squeeze %dma_start3A_151 : memref<1x128x128xf32, #tpu.memory_space<vmem>> -> memref<128x128xf32, #tpu.memory_space<vmem>>
      %dma_start3A_153 = arith.constant 0 : i32
      %dma_start3A_154 = tpu.memref_slice %arg8[%select_n3A_74, %dma_start3A_147, %dma_start3A_153] : memref<2x8x128xi32, #tpu.memory_space<vmem>> -> memref<1x1x128xi32, #tpu.memory_space<vmem>>
      %dma_start3A_155 = tpu.memref_squeeze %dma_start3A_154 : memref<1x1x128xi32, #tpu.memory_space<vmem>> -> memref<128xi32, #tpu.memory_space<vmem>>
      %dma_start3A_156 = arith.constant 0 : i32
      %dma_start3A_157 = arith.constant 0 : i32
      %dma_start3A_158 = tpu.memref_slice %arg2[%dma_start3A_156, %dma_start3A_157] : memref<10112x128xf32, #tpu.memory_space<hbm>> -> memref<10112x128xf32, #tpu.memory_space<hbm>>
      tpu.enqueue_indirect_dma source(%dma_start3A_158 : memref<10112x128xf32, #tpu.memory_space<hbm>>) target(%dma_start3A_152 : memref<128x128xf32, #tpu.memory_space<vmem>>) offsets(%dma_start3A_155 : memref<128xi32, #tpu.memory_space<vmem>>) semaphore(%arg13 : memref<!tpu.dma_semaphore, #tpu.memory_space<semaphore_mem>>)
      %dma_wait3A_159 = arith.constant 2 : i32
      %dma_wait3A_160 = arith.constant 0 : i32
      %dma_wait3A_161 = arith.constant 0 : i32
      %dma_wait3A_162 = arith.constant 0 : i32
      %dma_wait3A_163 = tpu.memref_slice %arg10[%dma_wait3A_160, %dma_wait3A_161, %dma_wait3A_162] : memref<2x128x128xf32, #tpu.memory_space<vmem>> -> memref<1x128x128xf32, #tpu.memory_space<vmem>>
      %dma_wait3A_164 = tpu.memref_squeeze %dma_wait3A_163 : memref<1x128x128xf32, #tpu.memory_space<vmem>> -> memref<128x128xf32, #tpu.memory_space<vmem>>
      %dma_wait3A_165 = arith.constant 0 : i32
      %dma_wait3A_166 = tpu.memref_slice %arg8[%select_n3A_74, %dma_wait3A_159, %dma_wait3A_165] : memref<2x8x128xi32, #tpu.memory_space<vmem>> -> memref<1x1x128xi32, #tpu.memory_space<vmem>>
      %dma_wait3A_167 = tpu.memref_squeeze %dma_wait3A_166 : memref<1x1x128xi32, #tpu.memory_space<vmem>> -> memref<128xi32, #tpu.memory_space<vmem>>
      %dma_wait3A_168 = arith.constant 0 : i32
      %dma_wait3A_169 = arith.constant 0 : i32
      %dma_wait3A_170 = tpu.memref_slice %arg2[%dma_wait3A_168, %dma_wait3A_169] : memref<10112x128xf32, #tpu.memory_space<hbm>> -> memref<10112x128xf32, #tpu.memory_space<hbm>>
      tpu.wait_indirect_dma semaphore(%arg12 : memref<!tpu.dma_semaphore, #tpu.memory_space<semaphore_mem>>) src(%dma_wait3A_170 : memref<10112x128xf32, #tpu.memory_space<hbm>>) dst(%dma_wait3A_164 : memref<128x128xf32, #tpu.memory_space<vmem>>)
      %run_scoped3A_171 = arith.constant 0 : i32
      %run_scoped3A_172 = arith.constant 2 : i32
      "tpu.region"() ({
        %run_scoped3A_296 = tpu.sem_alloc : memref<!tpu.dma_semaphore, #tpu.memory_space<semaphore_mem>>
        %dma_start3A_297 = arith.constant 0 : i32
        %dma_start3A_298 = arith.constant 0 : i32
        %dma_start3A_299 = tpu.memref_slice %arg10[%run_scoped3A_171, %dma_start3A_297, %dma_start3A_298] : memref<2x128x128xf32, #tpu.memory_space<vmem>> -> memref<1x128x128xf32, #tpu.memory_space<vmem>>
        %dma_start3A_300 = tpu.memref_squeeze %dma_start3A_299 : memref<1x128x128xf32, #tpu.memory_space<vmem>> -> memref<128x128xf32, #tpu.memory_space<vmem>>
        %dma_start3A_301 = arith.constant 0 : i32
        %dma_start3A_302 = tpu.memref_slice %arg9[%select_n3A_74, %run_scoped3A_172, %dma_start3A_301] : memref<2x8x128xi32, #tpu.memory_space<vmem>> -> memref<1x1x128xi32, #tpu.memory_space<vmem>>
        %dma_start3A_303 = tpu.memref_squeeze %dma_start3A_302 : memref<1x1x128xi32, #tpu.memory_space<vmem>> -> memref<128xi32, #tpu.memory_space<vmem>>
        %dma_start3A_304 = arith.constant 0 : i32
        %dma_start3A_305 = arith.constant 0 : i32
        %dma_start3A_306 = tpu.memref_slice %arg11[%dma_start3A_304, %dma_start3A_305] : memref<10112x128xf32, #tpu.memory_space<vmem_shared>> -> memref<10112x128xf32, #tpu.memory_space<vmem_shared>>
        tpu.enqueue_indirect_dma source(%dma_start3A_300 : memref<128x128xf32, #tpu.memory_space<vmem>>) target(%dma_start3A_306 : memref<10112x128xf32, #tpu.memory_space<vmem_shared>>) offsets(%dma_start3A_303 : memref<128xi32, #tpu.memory_space<vmem>>) semaphore(%run_scoped3A_296 : memref<!tpu.dma_semaphore, #tpu.memory_space<semaphore_mem>>) {add = true}
        %dma_wait3A_307 = arith.constant 0 : i32
        %dma_wait3A_308 = arith.constant 0 : i32
        %dma_wait3A_309 = tpu.memref_slice %arg10[%run_scoped3A_171, %dma_wait3A_307, %dma_wait3A_308] : memref<2x128x128xf32, #tpu.memory_space<vmem>> -> memref<1x128x128xf32, #tpu.memory_space<vmem>>
        %dma_wait3A_310 = tpu.memref_squeeze %dma_wait3A_309 : memref<1x128x128xf32, #tpu.memory_space<vmem>> -> memref<128x128xf32, #tpu.memory_space<vmem>>
        %dma_wait3A_311 = arith.constant 0 : i32
        %dma_wait3A_312 = tpu.memref_slice %arg9[%select_n3A_74, %run_scoped3A_172, %dma_wait3A_311] : memref<2x8x128xi32, #tpu.memory_space<vmem>> -> memref<1x1x128xi32, #tpu.memory_space<vmem>>
        %dma_wait3A_313 = tpu.memref_squeeze %dma_wait3A_312 : memref<1x1x128xi32, #tpu.memory_space<vmem>> -> memref<128xi32, #tpu.memory_space<vmem>>
        %dma_wait3A_314 = arith.constant 0 : i32
        %dma_wait3A_315 = arith.constant 0 : i32
        %dma_wait3A_316 = tpu.memref_slice %arg11[%dma_wait3A_314, %dma_wait3A_315] : memref<10112x128xf32, #tpu.memory_space<vmem_shared>> -> memref<10112x128xf32, #tpu.memory_space<vmem_shared>>
        tpu.wait_indirect_dma semaphore(%run_scoped3A_296 : memref<!tpu.dma_semaphore, #tpu.memory_space<semaphore_mem>>) src(%dma_wait3A_310 : memref<128x128xf32, #tpu.memory_space<vmem>>) dst(%dma_wait3A_316 : memref<10112x128xf32, #tpu.memory_space<vmem_shared>>)
        tpu.yield
      }) : () -> ()
      %dma_start3A_173 = arith.constant 4 : i32
      %dma_start3A_174 = arith.constant 0 : i32
      %dma_start3A_175 = arith.constant 0 : i32
      %dma_start3A_176 = arith.constant 0 : i32
      %dma_start3A_177 = tpu.memref_slice %arg10[%dma_start3A_174, %dma_start3A_175, %dma_start3A_176] : memref<2x128x128xf32, #tpu.memory_space<vmem>> -> memref<1x128x128xf32, #tpu.memory_space<vmem>>
      %dma_start3A_178 = tpu.memref_squeeze %dma_start3A_177 : memref<1x128x128xf32, #tpu.memory_space<vmem>> -> memref<128x128xf32, #tpu.memory_space<vmem>>
      %dma_start3A_179 = arith.constant 0 : i32
      %dma_start3A_180 = tpu.memref_slice %arg8[%select_n3A_74, %dma_start3A_173, %dma_start3A_179] : memref<2x8x128xi32, #tpu.memory_space<vmem>> -> memref<1x1x128xi32, #tpu.memory_space<vmem>>
      %dma_start3A_181 = tpu.memref_squeeze %dma_start3A_180 : memref<1x1x128xi32, #tpu.memory_space<vmem>> -> memref<128xi32, #tpu.memory_space<vmem>>
      %dma_start3A_182 = arith.constant 0 : i32
      %dma_start3A_183 = arith.constant 0 : i32
      %dma_start3A_184 = tpu.memref_slice %arg2[%dma_start3A_182, %dma_start3A_183] : memref<10112x128xf32, #tpu.memory_space<hbm>> -> memref<10112x128xf32, #tpu.memory_space<hbm>>
      tpu.enqueue_indirect_dma source(%dma_start3A_184 : memref<10112x128xf32, #tpu.memory_space<hbm>>) target(%dma_start3A_178 : memref<128x128xf32, #tpu.memory_space<vmem>>) offsets(%dma_start3A_181 : memref<128xi32, #tpu.memory_space<vmem>>) semaphore(%arg12 : memref<!tpu.dma_semaphore, #tpu.memory_space<semaphore_mem>>)
      %dma_wait3A_185 = arith.constant 3 : i32
      %dma_wait3A_186 = arith.constant 1 : i32
      %dma_wait3A_187 = arith.constant 0 : i32
      %dma_wait3A_188 = arith.constant 0 : i32
      %dma_wait3A_189 = tpu.memref_slice %arg10[%dma_wait3A_186, %dma_wait3A_187, %dma_wait3A_188] : memref<2x128x128xf32, #tpu.memory_space<vmem>> -> memref<1x128x128xf32, #tpu.memory_space<vmem>>
      %dma_wait3A_190 = tpu.memref_squeeze %dma_wait3A_189 : memref<1x128x128xf32, #tpu.memory_space<vmem>> -> memref<128x128xf32, #tpu.memory_space<vmem>>
      %dma_wait3A_191 = arith.constant 0 : i32
      %dma_wait3A_192 = tpu.memref_slice %arg8[%select_n3A_74, %dma_wait3A_185, %dma_wait3A_191] : memref<2x8x128xi32, #tpu.memory_space<vmem>> -> memref<1x1x128xi32, #tpu.memory_space<vmem>>
      %dma_wait3A_193 = tpu.memref_squeeze %dma_wait3A_192 : memref<1x1x128xi32, #tpu.memory_space<vmem>> -> memref<128xi32, #tpu.memory_space<vmem>>
      %dma_wait3A_194 = arith.constant 0 : i32
      %dma_wait3A_195 = arith.constant 0 : i32
      %dma_wait3A_196 = tpu.memref_slice %arg2[%dma_wait3A_194, %dma_wait3A_195] : memref<10112x128xf32, #tpu.memory_space<hbm>> -> memref<10112x128xf32, #tpu.memory_space<hbm>>
      tpu.wait_indirect_dma semaphore(%arg13 : memref<!tpu.dma_semaphore, #tpu.memory_space<semaphore_mem>>) src(%dma_wait3A_196 : memref<10112x128xf32, #tpu.memory_space<hbm>>) dst(%dma_wait3A_190 : memref<128x128xf32, #tpu.memory_space<vmem>>)
      %run_scoped3A_197 = arith.constant 1 : i32
      %run_scoped3A_198 = arith.constant 3 : i32
      "tpu.region"() ({
        %run_scoped3A_296 = tpu.sem_alloc : memref<!tpu.dma_semaphore, #tpu.memory_space<semaphore_mem>>
        %dma_start3A_297 = arith.constant 0 : i32
        %dma_start3A_298 = arith.constant 0 : i32
        %dma_start3A_299 = tpu.memref_slice %arg10[%run_scoped3A_197, %dma_start3A_297, %dma_start3A_298] : memref<2x128x128xf32, #tpu.memory_space<vmem>> -> memref<1x128x128xf32, #tpu.memory_space<vmem>>
        %dma_start3A_300 = tpu.memref_squeeze %dma_start3A_299 : memref<1x128x128xf32, #tpu.memory_space<vmem>> -> memref<128x128xf32, #tpu.memory_space<vmem>>
        %dma_start3A_301 = arith.constant 0 : i32
        %dma_start3A_302 = tpu.memref_slice %arg9[%select_n3A_74, %run_scoped3A_198, %dma_start3A_301] : memref<2x8x128xi32, #tpu.memory_space<vmem>> -> memref<1x1x128xi32, #tpu.memory_space<vmem>>
        %dma_start3A_303 = tpu.memref_squeeze %dma_start3A_302 : memref<1x1x128xi32, #tpu.memory_space<vmem>> -> memref<128xi32, #tpu.memory_space<vmem>>
        %dma_start3A_304 = arith.constant 0 : i32
        %dma_start3A_305 = arith.constant 0 : i32
        %dma_start3A_306 = tpu.memref_slice %arg11[%dma_start3A_304, %dma_start3A_305] : memref<10112x128xf32, #tpu.memory_space<vmem_shared>> -> memref<10112x128xf32, #tpu.memory_space<vmem_shared>>
        tpu.enqueue_indirect_dma source(%dma_start3A_300 : memref<128x128xf32, #tpu.memory_space<vmem>>) target(%dma_start3A_306 : memref<10112x128xf32, #tpu.memory_space<vmem_shared>>) offsets(%dma_start3A_303 : memref<128xi32, #tpu.memory_space<vmem>>) semaphore(%run_scoped3A_296 : memref<!tpu.dma_semaphore, #tpu.memory_space<semaphore_mem>>) {add = true}
        %dma_wait3A_307 = arith.constant 0 : i32
        %dma_wait3A_308 = arith.constant 0 : i32
        %dma_wait3A_309 = tpu.memref_slice %arg10[%run_scoped3A_197, %dma_wait3A_307, %dma_wait3A_308] : memref<2x128x128xf32, #tpu.memory_space<vmem>> -> memref<1x128x128xf32, #tpu.memory_space<vmem>>
        %dma_wait3A_310 = tpu.memref_squeeze %dma_wait3A_309 : memref<1x128x128xf32, #tpu.memory_space<vmem>> -> memref<128x128xf32, #tpu.memory_space<vmem>>
        %dma_wait3A_311 = arith.constant 0 : i32
        %dma_wait3A_312 = tpu.memref_slice %arg9[%select_n3A_74, %run_scoped3A_198, %dma_wait3A_311] : memref<2x8x128xi32, #tpu.memory_space<vmem>> -> memref<1x1x128xi32, #tpu.memory_space<vmem>>
        %dma_wait3A_313 = tpu.memref_squeeze %dma_wait3A_312 : memref<1x1x128xi32, #tpu.memory_space<vmem>> -> memref<128xi32, #tpu.memory_space<vmem>>
        %dma_wait3A_314 = arith.constant 0 : i32
        %dma_wait3A_315 = arith.constant 0 : i32
        %dma_wait3A_316 = tpu.memref_slice %arg11[%dma_wait3A_314, %dma_wait3A_315] : memref<10112x128xf32, #tpu.memory_space<vmem_shared>> -> memref<10112x128xf32, #tpu.memory_space<vmem_shared>>
        tpu.wait_indirect_dma semaphore(%run_scoped3A_296 : memref<!tpu.dma_semaphore, #tpu.memory_space<semaphore_mem>>) src(%dma_wait3A_310 : memref<128x128xf32, #tpu.memory_space<vmem>>) dst(%dma_wait3A_316 : memref<10112x128xf32, #tpu.memory_space<vmem_shared>>)
        tpu.yield
      }) : () -> ()
      %dma_start3A_199 = arith.constant 5 : i32
      %dma_start3A_200 = arith.constant 1 : i32
      %dma_start3A_201 = arith.constant 0 : i32
      %dma_start3A_202 = arith.constant 0 : i32
      %dma_start3A_203 = tpu.memref_slice %arg10[%dma_start3A_200, %dma_start3A_201, %dma_start3A_202] : memref<2x128x128xf32, #tpu.memory_space<vmem>> -> memref<1x128x128xf32, #tpu.memory_space<vmem>>
      %dma_start3A_204 = tpu.memref_squeeze %dma_start3A_203 : memref<1x128x128xf32, #tpu.memory_space<vmem>> -> memref<128x128xf32, #tpu.memory_space<vmem>>
      %dma_start3A_205 = arith.constant 0 : i32
      %dma_start3A_206 = tpu.memref_slice %arg8[%select_n3A_74, %dma_start3A_199, %dma_start3A_205] : memref<2x8x128xi32, #tpu.memory_space<vmem>> -> memref<1x1x128xi32, #tpu.memory_space<vmem>>
      %dma_start3A_207 = tpu.memref_squeeze %dma_start3A_206 : memref<1x1x128xi32, #tpu.memory_space<vmem>> -> memref<128xi32, #tpu.memory_space<vmem>>
      %dma_start3A_208 = arith.constant 0 : i32
      %dma_start3A_209 = arith.constant 0 : i32
      %dma_start3A_210 = tpu.memref_slice %arg2[%dma_start3A_208, %dma_start3A_209] : memref<10112x128xf32, #tpu.memory_space<hbm>> -> memref<10112x128xf32, #tpu.memory_space<hbm>>
      tpu.enqueue_indirect_dma source(%dma_start3A_210 : memref<10112x128xf32, #tpu.memory_space<hbm>>) target(%dma_start3A_204 : memref<128x128xf32, #tpu.memory_space<vmem>>) offsets(%dma_start3A_207 : memref<128xi32, #tpu.memory_space<vmem>>) semaphore(%arg13 : memref<!tpu.dma_semaphore, #tpu.memory_space<semaphore_mem>>)
      %dma_wait3A_211 = arith.constant 4 : i32
      %dma_wait3A_212 = arith.constant 0 : i32
      %dma_wait3A_213 = arith.constant 0 : i32
      %dma_wait3A_214 = arith.constant 0 : i32
      %dma_wait3A_215 = tpu.memref_slice %arg10[%dma_wait3A_212, %dma_wait3A_213, %dma_wait3A_214] : memref<2x128x128xf32, #tpu.memory_space<vmem>> -> memref<1x128x128xf32, #tpu.memory_space<vmem>>
      %dma_wait3A_216 = tpu.memref_squeeze %dma_wait3A_215 : memref<1x128x128xf32, #tpu.memory_space<vmem>> -> memref<128x128xf32, #tpu.memory_space<vmem>>
      %dma_wait3A_217 = arith.constant 0 : i32
      %dma_wait3A_218 = tpu.memref_slice %arg8[%select_n3A_74, %dma_wait3A_211, %dma_wait3A_217] : memref<2x8x128xi32, #tpu.memory_space<vmem>> -> memref<1x1x128xi32, #tpu.memory_space<vmem>>
      %dma_wait3A_219 = tpu.memref_squeeze %dma_wait3A_218 : memref<1x1x128xi32, #tpu.memory_space<vmem>> -> memref<128xi32, #tpu.memory_space<vmem>>
      %dma_wait3A_220 = arith.constant 0 : i32
      %dma_wait3A_221 = arith.constant 0 : i32
      %dma_wait3A_222 = tpu.memref_slice %arg2[%dma_wait3A_220, %dma_wait3A_221] : memref<10112x128xf32, #tpu.memory_space<hbm>> -> memref<10112x128xf32, #tpu.memory_space<hbm>>
      tpu.wait_indirect_dma semaphore(%arg12 : memref<!tpu.dma_semaphore, #tpu.memory_space<semaphore_mem>>) src(%dma_wait3A_222 : memref<10112x128xf32, #tpu.memory_space<hbm>>) dst(%dma_wait3A_216 : memref<128x128xf32, #tpu.memory_space<vmem>>)
      %run_scoped3A_223 = arith.constant 0 : i32
      %run_scoped3A_224 = arith.constant 4 : i32
      "tpu.region"() ({
        %run_scoped3A_296 = tpu.sem_alloc : memref<!tpu.dma_semaphore, #tpu.memory_space<semaphore_mem>>
        %dma_start3A_297 = arith.constant 0 : i32
        %dma_start3A_298 = arith.constant 0 : i32
        %dma_start3A_299 = tpu.memref_slice %arg10[%run_scoped3A_223, %dma_start3A_297, %dma_start3A_298] : memref<2x128x128xf32, #tpu.memory_space<vmem>> -> memref<1x128x128xf32, #tpu.memory_space<vmem>>
        %dma_start3A_300 = tpu.memref_squeeze %dma_start3A_299 : memref<1x128x128xf32, #tpu.memory_space<vmem>> -> memref<128x128xf32, #tpu.memory_space<vmem>>
        %dma_start3A_301 = arith.constant 0 : i32
        %dma_start3A_302 = tpu.memref_slice %arg9[%select_n3A_74, %run_scoped3A_224, %dma_start3A_301] : memref<2x8x128xi32, #tpu.memory_space<vmem>> -> memref<1x1x128xi32, #tpu.memory_space<vmem>>
        %dma_start3A_303 = tpu.memref_squeeze %dma_start3A_302 : memref<1x1x128xi32, #tpu.memory_space<vmem>> -> memref<128xi32, #tpu.memory_space<vmem>>
        %dma_start3A_304 = arith.constant 0 : i32
        %dma_start3A_305 = arith.constant 0 : i32
        %dma_start3A_306 = tpu.memref_slice %arg11[%dma_start3A_304, %dma_start3A_305] : memref<10112x128xf32, #tpu.memory_space<vmem_shared>> -> memref<10112x128xf32, #tpu.memory_space<vmem_shared>>
        tpu.enqueue_indirect_dma source(%dma_start3A_300 : memref<128x128xf32, #tpu.memory_space<vmem>>) target(%dma_start3A_306 : memref<10112x128xf32, #tpu.memory_space<vmem_shared>>) offsets(%dma_start3A_303 : memref<128xi32, #tpu.memory_space<vmem>>) semaphore(%run_scoped3A_296 : memref<!tpu.dma_semaphore, #tpu.memory_space<semaphore_mem>>) {add = true}
        %dma_wait3A_307 = arith.constant 0 : i32
        %dma_wait3A_308 = arith.constant 0 : i32
        %dma_wait3A_309 = tpu.memref_slice %arg10[%run_scoped3A_223, %dma_wait3A_307, %dma_wait3A_308] : memref<2x128x128xf32, #tpu.memory_space<vmem>> -> memref<1x128x128xf32, #tpu.memory_space<vmem>>
        %dma_wait3A_310 = tpu.memref_squeeze %dma_wait3A_309 : memref<1x128x128xf32, #tpu.memory_space<vmem>> -> memref<128x128xf32, #tpu.memory_space<vmem>>
        %dma_wait3A_311 = arith.constant 0 : i32
        %dma_wait3A_312 = tpu.memref_slice %arg9[%select_n3A_74, %run_scoped3A_224, %dma_wait3A_311] : memref<2x8x128xi32, #tpu.memory_space<vmem>> -> memref<1x1x128xi32, #tpu.memory_space<vmem>>
        %dma_wait3A_313 = tpu.memref_squeeze %dma_wait3A_312 : memref<1x1x128xi32, #tpu.memory_space<vmem>> -> memref<128xi32, #tpu.memory_space<vmem>>
        %dma_wait3A_314 = arith.constant 0 : i32
        %dma_wait3A_315 = arith.constant 0 : i32
        %dma_wait3A_316 = tpu.memref_slice %arg11[%dma_wait3A_314, %dma_wait3A_315] : memref<10112x128xf32, #tpu.memory_space<vmem_shared>> -> memref<10112x128xf32, #tpu.memory_space<vmem_shared>>
        tpu.wait_indirect_dma semaphore(%run_scoped3A_296 : memref<!tpu.dma_semaphore, #tpu.memory_space<semaphore_mem>>) src(%dma_wait3A_310 : memref<128x128xf32, #tpu.memory_space<vmem>>) dst(%dma_wait3A_316 : memref<10112x128xf32, #tpu.memory_space<vmem_shared>>)
        tpu.yield
      }) : () -> ()
      %dma_start3A_225 = arith.constant 6 : i32
      %dma_start3A_226 = arith.constant 0 : i32
      %dma_start3A_227 = arith.constant 0 : i32
      %dma_start3A_228 = arith.constant 0 : i32
      %dma_start3A_229 = tpu.memref_slice %arg10[%dma_start3A_226, %dma_start3A_227, %dma_start3A_228] : memref<2x128x128xf32, #tpu.memory_space<vmem>> -> memref<1x128x128xf32, #tpu.memory_space<vmem>>
      %dma_start3A_230 = tpu.memref_squeeze %dma_start3A_229 : memref<1x128x128xf32, #tpu.memory_space<vmem>> -> memref<128x128xf32, #tpu.memory_space<vmem>>
      %dma_start3A_231 = arith.constant 0 : i32
      %dma_start3A_232 = tpu.memref_slice %arg8[%select_n3A_74, %dma_start3A_225, %dma_start3A_231] : memref<2x8x128xi32, #tpu.memory_space<vmem>> -> memref<1x1x128xi32, #tpu.memory_space<vmem>>
      %dma_start3A_233 = tpu.memref_squeeze %dma_start3A_232 : memref<1x1x128xi32, #tpu.memory_space<vmem>> -> memref<128xi32, #tpu.memory_space<vmem>>
      %dma_start3A_234 = arith.constant 0 : i32
      %dma_start3A_235 = arith.constant 0 : i32
      %dma_start3A_236 = tpu.memref_slice %arg2[%dma_start3A_234, %dma_start3A_235] : memref<10112x128xf32, #tpu.memory_space<hbm>> -> memref<10112x128xf32, #tpu.memory_space<hbm>>
      tpu.enqueue_indirect_dma source(%dma_start3A_236 : memref<10112x128xf32, #tpu.memory_space<hbm>>) target(%dma_start3A_230 : memref<128x128xf32, #tpu.memory_space<vmem>>) offsets(%dma_start3A_233 : memref<128xi32, #tpu.memory_space<vmem>>) semaphore(%arg12 : memref<!tpu.dma_semaphore, #tpu.memory_space<semaphore_mem>>)
      %dma_wait3A_237 = arith.constant 5 : i32
      %dma_wait3A_238 = arith.constant 1 : i32
      %dma_wait3A_239 = arith.constant 0 : i32
      %dma_wait3A_240 = arith.constant 0 : i32
      %dma_wait3A_241 = tpu.memref_slice %arg10[%dma_wait3A_238, %dma_wait3A_239, %dma_wait3A_240] : memref<2x128x128xf32, #tpu.memory_space<vmem>> -> memref<1x128x128xf32, #tpu.memory_space<vmem>>
      %dma_wait3A_242 = tpu.memref_squeeze %dma_wait3A_241 : memref<1x128x128xf32, #tpu.memory_space<vmem>> -> memref<128x128xf32, #tpu.memory_space<vmem>>
      %dma_wait3A_243 = arith.constant 0 : i32
      %dma_wait3A_244 = tpu.memref_slice %arg8[%select_n3A_74, %dma_wait3A_237, %dma_wait3A_243] : memref<2x8x128xi32, #tpu.memory_space<vmem>> -> memref<1x1x128xi32, #tpu.memory_space<vmem>>
      %dma_wait3A_245 = tpu.memref_squeeze %dma_wait3A_244 : memref<1x1x128xi32, #tpu.memory_space<vmem>> -> memref<128xi32, #tpu.memory_space<vmem>>
      %dma_wait3A_246 = arith.constant 0 : i32
      %dma_wait3A_247 = arith.constant 0 : i32
      %dma_wait3A_248 = tpu.memref_slice %arg2[%dma_wait3A_246, %dma_wait3A_247] : memref<10112x128xf32, #tpu.memory_space<hbm>> -> memref<10112x128xf32, #tpu.memory_space<hbm>>
      tpu.wait_indirect_dma semaphore(%arg13 : memref<!tpu.dma_semaphore, #tpu.memory_space<semaphore_mem>>) src(%dma_wait3A_248 : memref<10112x128xf32, #tpu.memory_space<hbm>>) dst(%dma_wait3A_242 : memref<128x128xf32, #tpu.memory_space<vmem>>)
      %run_scoped3A_249 = arith.constant 1 : i32
      %run_scoped3A_250 = arith.constant 5 : i32
      "tpu.region"() ({
        %run_scoped3A_296 = tpu.sem_alloc : memref<!tpu.dma_semaphore, #tpu.memory_space<semaphore_mem>>
        %dma_start3A_297 = arith.constant 0 : i32
        %dma_start3A_298 = arith.constant 0 : i32
        %dma_start3A_299 = tpu.memref_slice %arg10[%run_scoped3A_249, %dma_start3A_297, %dma_start3A_298] : memref<2x128x128xf32, #tpu.memory_space<vmem>> -> memref<1x128x128xf32, #tpu.memory_space<vmem>>
        %dma_start3A_300 = tpu.memref_squeeze %dma_start3A_299 : memref<1x128x128xf32, #tpu.memory_space<vmem>> -> memref<128x128xf32, #tpu.memory_space<vmem>>
        %dma_start3A_301 = arith.constant 0 : i32
        %dma_start3A_302 = tpu.memref_slice %arg9[%select_n3A_74, %run_scoped3A_250, %dma_start3A_301] : memref<2x8x128xi32, #tpu.memory_space<vmem>> -> memref<1x1x128xi32, #tpu.memory_space<vmem>>
        %dma_start3A_303 = tpu.memref_squeeze %dma_start3A_302 : memref<1x1x128xi32, #tpu.memory_space<vmem>> -> memref<128xi32, #tpu.memory_space<vmem>>
        %dma_start3A_304 = arith.constant 0 : i32
        %dma_start3A_305 = arith.constant 0 : i32
        %dma_start3A_306 = tpu.memref_slice %arg11[%dma_start3A_304, %dma_start3A_305] : memref<10112x128xf32, #tpu.memory_space<vmem_shared>> -> memref<10112x128xf32, #tpu.memory_space<vmem_shared>>
        tpu.enqueue_indirect_dma source(%dma_start3A_300 : memref<128x128xf32, #tpu.memory_space<vmem>>) target(%dma_start3A_306 : memref<10112x128xf32, #tpu.memory_space<vmem_shared>>) offsets(%dma_start3A_303 : memref<128xi32, #tpu.memory_space<vmem>>) semaphore(%run_scoped3A_296 : memref<!tpu.dma_semaphore, #tpu.memory_space<semaphore_mem>>) {add = true}
        %dma_wait3A_307 = arith.constant 0 : i32
        %dma_wait3A_308 = arith.constant 0 : i32
        %dma_wait3A_309 = tpu.memref_slice %arg10[%run_scoped3A_249, %dma_wait3A_307, %dma_wait3A_308] : memref<2x128x128xf32, #tpu.memory_space<vmem>> -> memref<1x128x128xf32, #tpu.memory_space<vmem>>
        %dma_wait3A_310 = tpu.memref_squeeze %dma_wait3A_309 : memref<1x128x128xf32, #tpu.memory_space<vmem>> -> memref<128x128xf32, #tpu.memory_space<vmem>>
        %dma_wait3A_311 = arith.constant 0 : i32
        %dma_wait3A_312 = tpu.memref_slice %arg9[%select_n3A_74, %run_scoped3A_250, %dma_wait3A_311] : memref<2x8x128xi32, #tpu.memory_space<vmem>> -> memref<1x1x128xi32, #tpu.memory_space<vmem>>
        %dma_wait3A_313 = tpu.memref_squeeze %dma_wait3A_312 : memref<1x1x128xi32, #tpu.memory_space<vmem>> -> memref<128xi32, #tpu.memory_space<vmem>>
        %dma_wait3A_314 = arith.constant 0 : i32
        %dma_wait3A_315 = arith.constant 0 : i32
        %dma_wait3A_316 = tpu.memref_slice %arg11[%dma_wait3A_314, %dma_wait3A_315] : memref<10112x128xf32, #tpu.memory_space<vmem_shared>> -> memref<10112x128xf32, #tpu.memory_space<vmem_shared>>
        tpu.wait_indirect_dma semaphore(%run_scoped3A_296 : memref<!tpu.dma_semaphore, #tpu.memory_space<semaphore_mem>>) src(%dma_wait3A_310 : memref<128x128xf32, #tpu.memory_space<vmem>>) dst(%dma_wait3A_316 : memref<10112x128xf32, #tpu.memory_space<vmem_shared>>)
        tpu.yield
      }) : () -> ()
      %dma_start3A_251 = arith.constant 7 : i32
      %dma_start3A_252 = arith.constant 1 : i32
      %dma_start3A_253 = arith.constant 0 : i32
      %dma_start3A_254 = arith.constant 0 : i32
      %dma_start3A_255 = tpu.memref_slice %arg10[%dma_start3A_252, %dma_start3A_253, %dma_start3A_254] : memref<2x128x128xf32, #tpu.memory_space<vmem>> -> memref<1x128x128xf32, #tpu.memory_space<vmem>>
      %dma_start3A_256 = tpu.memref_squeeze %dma_start3A_255 : memref<1x128x128xf32, #tpu.memory_space<vmem>> -> memref<128x128xf32, #tpu.memory_space<vmem>>
      %dma_start3A_257 = arith.constant 0 : i32
      %dma_start3A_258 = tpu.memref_slice %arg8[%select_n3A_74, %dma_start3A_251, %dma_start3A_257] : memref<2x8x128xi32, #tpu.memory_space<vmem>> -> memref<1x1x128xi32, #tpu.memory_space<vmem>>
      %dma_start3A_259 = tpu.memref_squeeze %dma_start3A_258 : memref<1x1x128xi32, #tpu.memory_space<vmem>> -> memref<128xi32, #tpu.memory_space<vmem>>
      %dma_start3A_260 = arith.constant 0 : i32
      %dma_start3A_261 = arith.constant 0 : i32
      %dma_start3A_262 = tpu.memref_slice %arg2[%dma_start3A_260, %dma_start3A_261] : memref<10112x128xf32, #tpu.memory_space<hbm>> -> memref<10112x128xf32, #tpu.memory_space<hbm>>
      tpu.enqueue_indirect_dma source(%dma_start3A_262 : memref<10112x128xf32, #tpu.memory_space<hbm>>) target(%dma_start3A_256 : memref<128x128xf32, #tpu.memory_space<vmem>>) offsets(%dma_start3A_259 : memref<128xi32, #tpu.memory_space<vmem>>) semaphore(%arg13 : memref<!tpu.dma_semaphore, #tpu.memory_space<semaphore_mem>>)
      %dma_wait3A_263 = arith.constant 6 : i32
      %dma_wait3A_264 = arith.constant 0 : i32
      %dma_wait3A_265 = arith.constant 0 : i32
      %dma_wait3A_266 = arith.constant 0 : i32
      %dma_wait3A_267 = tpu.memref_slice %arg10[%dma_wait3A_264, %dma_wait3A_265, %dma_wait3A_266] : memref<2x128x128xf32, #tpu.memory_space<vmem>> -> memref<1x128x128xf32, #tpu.memory_space<vmem>>
      %dma_wait3A_268 = tpu.memref_squeeze %dma_wait3A_267 : memref<1x128x128xf32, #tpu.memory_space<vmem>> -> memref<128x128xf32, #tpu.memory_space<vmem>>
      %dma_wait3A_269 = arith.constant 0 : i32
      %dma_wait3A_270 = tpu.memref_slice %arg8[%select_n3A_74, %dma_wait3A_263, %dma_wait3A_269] : memref<2x8x128xi32, #tpu.memory_space<vmem>> -> memref<1x1x128xi32, #tpu.memory_space<vmem>>
      %dma_wait3A_271 = tpu.memref_squeeze %dma_wait3A_270 : memref<1x1x128xi32, #tpu.memory_space<vmem>> -> memref<128xi32, #tpu.memory_space<vmem>>
      %dma_wait3A_272 = arith.constant 0 : i32
      %dma_wait3A_273 = arith.constant 0 : i32
      %dma_wait3A_274 = tpu.memref_slice %arg2[%dma_wait3A_272, %dma_wait3A_273] : memref<10112x128xf32, #tpu.memory_space<hbm>> -> memref<10112x128xf32, #tpu.memory_space<hbm>>
      tpu.wait_indirect_dma semaphore(%arg12 : memref<!tpu.dma_semaphore, #tpu.memory_space<semaphore_mem>>) src(%dma_wait3A_274 : memref<10112x128xf32, #tpu.memory_space<hbm>>) dst(%dma_wait3A_268 : memref<128x128xf32, #tpu.memory_space<vmem>>)
      %run_scoped3A_275 = arith.constant 0 : i32
      %run_scoped3A_276 = arith.constant 6 : i32
      "tpu.region"() ({
        %run_scoped3A_296 = tpu.sem_alloc : memref<!tpu.dma_semaphore, #tpu.memory_space<semaphore_mem>>
        %dma_start3A_297 = arith.constant 0 : i32
        %dma_start3A_298 = arith.constant 0 : i32
        %dma_start3A_299 = tpu.memref_slice %arg10[%run_scoped3A_275, %dma_start3A_297, %dma_start3A_298] : memref<2x128x128xf32, #tpu.memory_space<vmem>> -> memref<1x128x128xf32, #tpu.memory_space<vmem>>
        %dma_start3A_300 = tpu.memref_squeeze %dma_start3A_299 : memref<1x128x128xf32, #tpu.memory_space<vmem>> -> memref<128x128xf32, #tpu.memory_space<vmem>>
        %dma_start3A_301 = arith.constant 0 : i32
        %dma_start3A_302 = tpu.memref_slice %arg9[%select_n3A_74, %run_scoped3A_276, %dma_start3A_301] : memref<2x8x128xi32, #tpu.memory_space<vmem>> -> memref<1x1x128xi32, #tpu.memory_space<vmem>>
        %dma_start3A_303 = tpu.memref_squeeze %dma_start3A_302 : memref<1x1x128xi32, #tpu.memory_space<vmem>> -> memref<128xi32, #tpu.memory_space<vmem>>
        %dma_start3A_304 = arith.constant 0 : i32
        %dma_start3A_305 = arith.constant 0 : i32
        %dma_start3A_306 = tpu.memref_slice %arg11[%dma_start3A_304, %dma_start3A_305] : memref<10112x128xf32, #tpu.memory_space<vmem_shared>> -> memref<10112x128xf32, #tpu.memory_space<vmem_shared>>
        tpu.enqueue_indirect_dma source(%dma_start3A_300 : memref<128x128xf32, #tpu.memory_space<vmem>>) target(%dma_start3A_306 : memref<10112x128xf32, #tpu.memory_space<vmem_shared>>) offsets(%dma_start3A_303 : memref<128xi32, #tpu.memory_space<vmem>>) semaphore(%run_scoped3A_296 : memref<!tpu.dma_semaphore, #tpu.memory_space<semaphore_mem>>) {add = true}
        %dma_wait3A_307 = arith.constant 0 : i32
        %dma_wait3A_308 = arith.constant 0 : i32
        %dma_wait3A_309 = tpu.memref_slice %arg10[%run_scoped3A_275, %dma_wait3A_307, %dma_wait3A_308] : memref<2x128x128xf32, #tpu.memory_space<vmem>> -> memref<1x128x128xf32, #tpu.memory_space<vmem>>
        %dma_wait3A_310 = tpu.memref_squeeze %dma_wait3A_309 : memref<1x128x128xf32, #tpu.memory_space<vmem>> -> memref<128x128xf32, #tpu.memory_space<vmem>>
        %dma_wait3A_311 = arith.constant 0 : i32
        %dma_wait3A_312 = tpu.memref_slice %arg9[%select_n3A_74, %run_scoped3A_276, %dma_wait3A_311] : memref<2x8x128xi32, #tpu.memory_space<vmem>> -> memref<1x1x128xi32, #tpu.memory_space<vmem>>
        %dma_wait3A_313 = tpu.memref_squeeze %dma_wait3A_312 : memref<1x1x128xi32, #tpu.memory_space<vmem>> -> memref<128xi32, #tpu.memory_space<vmem>>
        %dma_wait3A_314 = arith.constant 0 : i32
        %dma_wait3A_315 = arith.constant 0 : i32
        %dma_wait3A_316 = tpu.memref_slice %arg11[%dma_wait3A_314, %dma_wait3A_315] : memref<10112x128xf32, #tpu.memory_space<vmem_shared>> -> memref<10112x128xf32, #tpu.memory_space<vmem_shared>>
        tpu.wait_indirect_dma semaphore(%run_scoped3A_296 : memref<!tpu.dma_semaphore, #tpu.memory_space<semaphore_mem>>) src(%dma_wait3A_310 : memref<128x128xf32, #tpu.memory_space<vmem>>) dst(%dma_wait3A_316 : memref<10112x128xf32, #tpu.memory_space<vmem_shared>>)
        tpu.yield
      }) : () -> ()
      %lt3A_277 = arith.constant 9 : i32
      %lt3A_278 = arith.cmpi slt, %scan3A_65, %lt3A_277 : i32
      %convert_element_type3A_279 = arith.extui %lt3A_278 : i1 to i32
      %cond3A_280 = arith.constant 0 : i32
      %cond3A_281 = arith.cmpi ne, %convert_element_type3A_279, %cond3A_280 : i32
      scf.if %cond3A_281 {
        %add3A_296 = arith.constant 1 : i32
        %add3A_297 = arith.addi %scan3A_65, %add3A_296 : i32
        %dma_wait3A_298 = arith.constant 0 : i32
        %dma_wait3A_299 = arith.constant 0 : i32
        %dma_wait3A_300 = tpu.memref_slice %arg8[%select_n3A_92, %dma_wait3A_298, %dma_wait3A_299] : memref<2x8x128xi32, #tpu.memory_space<vmem>> -> memref<1x8x128xi32, #tpu.memory_space<vmem>>
        %dma_wait3A_301 = tpu.memref_squeeze %dma_wait3A_300 : memref<1x8x128xi32, #tpu.memory_space<vmem>> -> memref<8x128xi32, #tpu.memory_space<vmem>>
        %dma_wait3A_302 = arith.constant 0 : i32
        %dma_wait3A_303 = arith.constant 0 : i32
        %dma_wait3A_304 = tpu.memref_slice %arg4[%add3A, %add3A_297, %dma_wait3A_302, %dma_wait3A_303] : memref<32x10x8x128xi32, #tpu.memory_space<hbm>> -> memref<1x1x8x128xi32, #tpu.memory_space<hbm>>
        %dma_wait3A_305 = tpu.memref_squeeze %dma_wait3A_304 : memref<1x1x8x128xi32, #tpu.memory_space<hbm>> -> memref<8x128xi32, #tpu.memory_space<hbm>>
        %dma_wait3A_306 = arith.constant 0 : i32
        %dma_wait3A_307 = arith.constant 0 : i32
        %dma_wait3A_308 = tpu.memref_slice %arg8[%select_n3A_92, %dma_wait3A_306, %dma_wait3A_307] : memref<2x8x128xi32, #tpu.memory_space<vmem>> -> memref<1x8x128xi32, #tpu.memory_space<vmem>>
        %dma_wait3A_309 = tpu.memref_squeeze %dma_wait3A_308 : memref<1x8x128xi32, #tpu.memory_space<vmem>> -> memref<8x128xi32, #tpu.memory_space<vmem>>
        %dma_wait3A_310 = arith.constant 0 : i32
        %dma_wait3A_311 = arith.constant 0 : i32
        %dma_wait3A_312 = tpu.memref_slice %arg4[%add3A, %add3A_297, %dma_wait3A_310, %dma_wait3A_311] : memref<32x10x8x128xi32, #tpu.memory_space<hbm>> -> memref<1x1x8x128xi32, #tpu.memory_space<hbm>>
        %dma_wait3A_313 = tpu.memref_squeeze %dma_wait3A_312 : memref<1x1x8x128xi32, #tpu.memory_space<hbm>> -> memref<8x128xi32, #tpu.memory_space<hbm>>
        tpu.wait_dma2 semaphore(%arg14 : memref<!tpu.dma_semaphore, #tpu.memory_space<semaphore_mem>>) src(%dma_wait3A_313 : memref<8x128xi32, #tpu.memory_space<hbm>>) dst(%dma_wait3A_309 : memref<8x128xi32, #tpu.memory_space<vmem>>)
        %add3A_314 = arith.constant 1 : i32
        %add3A_315 = arith.addi %scan3A_65, %add3A_314 : i32
        %dma_wait3A_316 = arith.constant 0 : i32
        %dma_wait3A_317 = arith.constant 0 : i32
        %dma_wait3A_318 = tpu.memref_slice %arg9[%select_n3A_92, %dma_wait3A_316, %dma_wait3A_317] : memref<2x8x128xi32, #tpu.memory_space<vmem>> -> memref<1x8x128xi32, #tpu.memory_space<vmem>>
        %dma_wait3A_319 = tpu.memref_squeeze %dma_wait3A_318 : memref<1x8x128xi32, #tpu.memory_space<vmem>> -> memref<8x128xi32, #tpu.memory_space<vmem>>
        %dma_wait3A_320 = arith.constant 0 : i32
        %dma_wait3A_321 = arith.constant 0 : i32
        %dma_wait3A_322 = tpu.memref_slice %arg5[%add3A, %add3A_315, %dma_wait3A_320, %dma_wait3A_321] : memref<32x10x8x128xi32, #tpu.memory_space<hbm>> -> memref<1x1x8x128xi32, #tpu.memory_space<hbm>>
        %dma_wait3A_323 = tpu.memref_squeeze %dma_wait3A_322 : memref<1x1x8x128xi32, #tpu.memory_space<hbm>> -> memref<8x128xi32, #tpu.memory_space<hbm>>
        %dma_wait3A_324 = arith.constant 0 : i32
        %dma_wait3A_325 = arith.constant 0 : i32
        %dma_wait3A_326 = tpu.memref_slice %arg9[%select_n3A_92, %dma_wait3A_324, %dma_wait3A_325] : memref<2x8x128xi32, #tpu.memory_space<vmem>> -> memref<1x8x128xi32, #tpu.memory_space<vmem>>
        %dma_wait3A_327 = tpu.memref_squeeze %dma_wait3A_326 : memref<1x8x128xi32, #tpu.memory_space<vmem>> -> memref<8x128xi32, #tpu.memory_space<vmem>>
        %dma_wait3A_328 = arith.constant 0 : i32
        %dma_wait3A_329 = arith.constant 0 : i32
        %dma_wait3A_330 = tpu.memref_slice %arg5[%add3A, %add3A_315, %dma_wait3A_328, %dma_wait3A_329] : memref<32x10x8x128xi32, #tpu.memory_space<hbm>> -> memref<1x1x8x128xi32, #tpu.memory_space<hbm>>
        %dma_wait3A_331 = tpu.memref_squeeze %dma_wait3A_330 : memref<1x1x8x128xi32, #tpu.memory_space<hbm>> -> memref<8x128xi32, #tpu.memory_space<hbm>>
        tpu.wait_dma2 semaphore(%arg15 : memref<!tpu.dma_semaphore, #tpu.memory_space<semaphore_mem>>) src(%dma_wait3A_331 : memref<8x128xi32, #tpu.memory_space<hbm>>) dst(%dma_wait3A_327 : memref<8x128xi32, #tpu.memory_space<vmem>>)
        %dma_start3A_332 = arith.constant 0 : i32
        %dma_start3A_333 = arith.constant 0 : i32
        %dma_start3A_334 = arith.constant 0 : i32
        %dma_start3A_335 = arith.constant 0 : i32
        %dma_start3A_336 = tpu.memref_slice %arg10[%dma_start3A_333, %dma_start3A_334, %dma_start3A_335] : memref<2x128x128xf32, #tpu.memory_space<vmem>> -> memref<1x128x128xf32, #tpu.memory_space<vmem>>
        %dma_start3A_337 = tpu.memref_squeeze %dma_start3A_336 : memref<1x128x128xf32, #tpu.memory_space<vmem>> -> memref<128x128xf32, #tpu.memory_space<vmem>>
        %dma_start3A_338 = arith.constant 0 : i32
        %dma_start3A_339 = tpu.memref_slice %arg8[%select_n3A_92, %dma_start3A_332, %dma_start3A_338] : memref<2x8x128xi32, #tpu.memory_space<vmem>> -> memref<1x1x128xi32, #tpu.memory_space<vmem>>
        %dma_start3A_340 = tpu.memref_squeeze %dma_start3A_339 : memref<1x1x128xi32, #tpu.memory_space<vmem>> -> memref<128xi32, #tpu.memory_space<vmem>>
        %dma_start3A_341 = arith.constant 0 : i32
        %dma_start3A_342 = arith.constant 0 : i32
        %dma_start3A_343 = tpu.memref_slice %arg2[%dma_start3A_341, %dma_start3A_342] : memref<10112x128xf32, #tpu.memory_space<hbm>> -> memref<10112x128xf32, #tpu.memory_space<hbm>>
        tpu.enqueue_indirect_dma source(%dma_start3A_343 : memref<10112x128xf32, #tpu.memory_space<hbm>>) target(%dma_start3A_337 : memref<128x128xf32, #tpu.memory_space<vmem>>) offsets(%dma_start3A_340 : memref<128xi32, #tpu.memory_space<vmem>>) semaphore(%arg12 : memref<!tpu.dma_semaphore, #tpu.memory_space<semaphore_mem>>)
      } else {
      }
      %dma_wait3A_282 = arith.constant 7 : i32
      %dma_wait3A_283 = arith.constant 1 : i32
      %dma_wait3A_284 = arith.constant 0 : i32
      %dma_wait3A_285 = arith.constant 0 : i32
      %dma_wait3A_286 = tpu.memref_slice %arg10[%dma_wait3A_283, %dma_wait3A_284, %dma_wait3A_285] : memref<2x128x128xf32, #tpu.memory_space<vmem>> -> memref<1x128x128xf32, #tpu.memory_space<vmem>>
      %dma_wait3A_287 = tpu.memref_squeeze %dma_wait3A_286 : memref<1x128x128xf32, #tpu.memory_space<vmem>> -> memref<128x128xf32, #tpu.memory_space<vmem>>
      %dma_wait3A_288 = arith.constant 0 : i32
      %dma_wait3A_289 = tpu.memref_slice %arg8[%select_n3A_74, %dma_wait3A_282, %dma_wait3A_288] : memref<2x8x128xi32, #tpu.memory_space<vmem>> -> memref<1x1x128xi32, #tpu.memory_space<vmem>>
      %dma_wait3A_290 = tpu.memref_squeeze %dma_wait3A_289 : memref<1x1x128xi32, #tpu.memory_space<vmem>> -> memref<128xi32, #tpu.memory_space<vmem>>
      %dma_wait3A_291 = arith.constant 0 : i32
      %dma_wait3A_292 = arith.constant 0 : i32
      %dma_wait3A_293 = tpu.memref_slice %arg2[%dma_wait3A_291, %dma_wait3A_292] : memref<10112x128xf32, #tpu.memory_space<hbm>> -> memref<10112x128xf32, #tpu.memory_space<hbm>>
      tpu.wait_indirect_dma semaphore(%arg13 : memref<!tpu.dma_semaphore, #tpu.memory_space<semaphore_mem>>) src(%dma_wait3A_293 : memref<10112x128xf32, #tpu.memory_space<hbm>>) dst(%dma_wait3A_287 : memref<128x128xf32, #tpu.memory_space<vmem>>)
      %run_scoped3A_294 = arith.constant 1 : i32
      %run_scoped3A_295 = arith.constant 7 : i32
      "tpu.region"() ({
        %run_scoped3A_296 = tpu.sem_alloc : memref<!tpu.dma_semaphore, #tpu.memory_space<semaphore_mem>>
        %dma_start3A_297 = arith.constant 0 : i32
        %dma_start3A_298 = arith.constant 0 : i32
        %dma_start3A_299 = tpu.memref_slice %arg10[%run_scoped3A_294, %dma_start3A_297, %dma_start3A_298] : memref<2x128x128xf32, #tpu.memory_space<vmem>> -> memref<1x128x128xf32, #tpu.memory_space<vmem>>
        %dma_start3A_300 = tpu.memref_squeeze %dma_start3A_299 : memref<1x128x128xf32, #tpu.memory_space<vmem>> -> memref<128x128xf32, #tpu.memory_space<vmem>>
        %dma_start3A_301 = arith.constant 0 : i32
        %dma_start3A_302 = tpu.memref_slice %arg9[%select_n3A_74, %run_scoped3A_295, %dma_start3A_301] : memref<2x8x128xi32, #tpu.memory_space<vmem>> -> memref<1x1x128xi32, #tpu.memory_space<vmem>>
        %dma_start3A_303 = tpu.memref_squeeze %dma_start3A_302 : memref<1x1x128xi32, #tpu.memory_space<vmem>> -> memref<128xi32, #tpu.memory_space<vmem>>
        %dma_start3A_304 = arith.constant 0 : i32
        %dma_start3A_305 = arith.constant 0 : i32
        %dma_start3A_306 = tpu.memref_slice %arg11[%dma_start3A_304, %dma_start3A_305] : memref<10112x128xf32, #tpu.memory_space<vmem_shared>> -> memref<10112x128xf32, #tpu.memory_space<vmem_shared>>
        tpu.enqueue_indirect_dma source(%dma_start3A_300 : memref<128x128xf32, #tpu.memory_space<vmem>>) target(%dma_start3A_306 : memref<10112x128xf32, #tpu.memory_space<vmem_shared>>) offsets(%dma_start3A_303 : memref<128xi32, #tpu.memory_space<vmem>>) semaphore(%run_scoped3A_296 : memref<!tpu.dma_semaphore, #tpu.memory_space<semaphore_mem>>) {add = true}
        %dma_wait3A_307 = arith.constant 0 : i32
        %dma_wait3A_308 = arith.constant 0 : i32
        %dma_wait3A_309 = tpu.memref_slice %arg10[%run_scoped3A_294, %dma_wait3A_307, %dma_wait3A_308] : memref<2x128x128xf32, #tpu.memory_space<vmem>> -> memref<1x128x128xf32, #tpu.memory_space<vmem>>
        %dma_wait3A_310 = tpu.memref_squeeze %dma_wait3A_309 : memref<1x128x128xf32, #tpu.memory_space<vmem>> -> memref<128x128xf32, #tpu.memory_space<vmem>>
        %dma_wait3A_311 = arith.constant 0 : i32
        %dma_wait3A_312 = tpu.memref_slice %arg9[%select_n3A_74, %run_scoped3A_295, %dma_wait3A_311] : memref<2x8x128xi32, #tpu.memory_space<vmem>> -> memref<1x1x128xi32, #tpu.memory_space<vmem>>
        %dma_wait3A_313 = tpu.memref_squeeze %dma_wait3A_312 : memref<1x1x128xi32, #tpu.memory_space<vmem>> -> memref<128xi32, #tpu.memory_space<vmem>>
        %dma_wait3A_314 = arith.constant 0 : i32
        %dma_wait3A_315 = arith.constant 0 : i32
        %dma_wait3A_316 = tpu.memref_slice %arg11[%dma_wait3A_314, %dma_wait3A_315] : memref<10112x128xf32, #tpu.memory_space<vmem_shared>> -> memref<10112x128xf32, #tpu.memory_space<vmem_shared>>
        tpu.wait_indirect_dma semaphore(%run_scoped3A_296 : memref<!tpu.dma_semaphore, #tpu.memory_space<semaphore_mem>>) src(%dma_wait3A_310 : memref<128x128xf32, #tpu.memory_space<vmem>>) dst(%dma_wait3A_316 : memref<10112x128xf32, #tpu.memory_space<vmem_shared>>)
        tpu.yield
      }) : () -> ()
    }
    %scan3A_24 = arith.constant 10 : i32
    %barrier3A_25 = arith.constant 0 : index
    tpu.barrier barrier_id(%barrier3A_25)
    %mul3A_26 = arith.constant 632 : i32
    %mul3A_27 = arith.muli %arg1, %mul3A_26 : i32
    %mul3A_28 = arith.constant 632 : i32
    %mul3A_29 = arith.muli %arg1, %mul3A_28 : i32
    %run_scoped3A_30 = arith.constant 0 : i32
    "tpu.region"() ({
      %run_scoped3A_65 = tpu.sem_alloc : memref<!tpu.dma_semaphore, #tpu.memory_space<semaphore_mem>>
      %dma_start3A_66 = arith.constant 0 : i32
      %dma_start3A_67 = tpu.memref_slice %arg7[%run_scoped3A_30, %arg0, %mul3A_29, %dma_start3A_66] : memref<2x2x10112x128xf32, #tpu.memory_space<hbm>> -> memref<1x1x632x128xf32, #tpu.memory_space<hbm>>
      %dma_start3A_68 = tpu.memref_squeeze %dma_start3A_67 : memref<1x1x632x128xf32, #tpu.memory_space<hbm>> -> memref<632x128xf32, #tpu.memory_space<hbm>>
      %dma_start3A_69 = arith.constant 0 : i32
      %dma_start3A_70 = tpu.memref_slice %arg11[%mul3A_27, %dma_start3A_69] : memref<10112x128xf32, #tpu.memory_space<vmem_shared>> -> memref<632x128xf32, #tpu.memory_space<vmem_shared>>
      tpu.enqueue_dma source(%dma_start3A_70 : memref<632x128xf32, #tpu.memory_space<vmem_shared>>) target(%dma_start3A_68 : memref<632x128xf32, #tpu.memory_space<hbm>>) target_semaphore(%run_scoped3A_65 : memref<!tpu.dma_semaphore, #tpu.memory_space<semaphore_mem>>)
      %dma_wait3A = arith.constant 0 : i32
      %dma_wait3A_71 = tpu.memref_slice %arg7[%run_scoped3A_30, %arg0, %mul3A_29, %dma_wait3A] : memref<2x2x10112x128xf32, #tpu.memory_space<hbm>> -> memref<1x1x632x128xf32, #tpu.memory_space<hbm>>
      %dma_wait3A_72 = tpu.memref_squeeze %dma_wait3A_71 : memref<1x1x632x128xf32, #tpu.memory_space<hbm>> -> memref<632x128xf32, #tpu.memory_space<hbm>>
      %dma_wait3A_73 = arith.constant 0 : i32
      %dma_wait3A_74 = tpu.memref_slice %arg11[%mul3A_27, %dma_wait3A_73] : memref<10112x128xf32, #tpu.memory_space<vmem_shared>> -> memref<632x128xf32, #tpu.memory_space<vmem_shared>>
      tpu.wait_dma2 semaphore(%run_scoped3A_65 : memref<!tpu.dma_semaphore, #tpu.memory_space<semaphore_mem>>) src(%dma_wait3A_74 : memref<632x128xf32, #tpu.memory_space<vmem_shared>>) dst(%dma_wait3A_72 : memref<632x128xf32, #tpu.memory_space<hbm>>)
      tpu.yield
    }) : () -> ()
    %mul3A_31 = arith.constant 632 : i32
    %mul3A_32 = arith.muli %arg1, %mul3A_31 : i32
    %mul3A_33 = arith.constant 632 : i32
    %mul3A_34 = arith.muli %arg1, %mul3A_33 : i32
    "tpu.region"() ({
      %run_scoped3A_65 = tpu.sem_alloc : memref<!tpu.dma_semaphore, #tpu.memory_space<semaphore_mem>>
      %dma_start3A_66 = arith.constant 0 : i32
      %dma_start3A_67 = tpu.memref_slice %arg11[%mul3A_34, %dma_start3A_66] : memref<10112x128xf32, #tpu.memory_space<vmem_shared>> -> memref<632x128xf32, #tpu.memory_space<vmem_shared>>
      %dma_start3A_68 = arith.constant 0 : i32
      %dma_start3A_69 = tpu.memref_slice %arg6[%mul3A_32, %dma_start3A_68] : memref<10112x128xf32, #tpu.memory_space<hbm>> -> memref<632x128xf32, #tpu.memory_space<hbm>>
      tpu.enqueue_dma source(%dma_start3A_69 : memref<632x128xf32, #tpu.memory_space<hbm>>) target(%dma_start3A_67 : memref<632x128xf32, #tpu.memory_space<vmem_shared>>) target_semaphore(%run_scoped3A_65 : memref<!tpu.dma_semaphore, #tpu.memory_space<semaphore_mem>>)
      %dma_wait3A = arith.constant 0 : i32
      %dma_wait3A_70 = tpu.memref_slice %arg11[%mul3A_34, %dma_wait3A] : memref<10112x128xf32, #tpu.memory_space<vmem_shared>> -> memref<632x128xf32, #tpu.memory_space<vmem_shared>>
      %dma_wait3A_71 = arith.constant 0 : i32
      %dma_wait3A_72 = tpu.memref_slice %arg6[%mul3A_32, %dma_wait3A_71] : memref<10112x128xf32, #tpu.memory_space<hbm>> -> memref<632x128xf32, #tpu.memory_space<hbm>>
      tpu.wait_dma2 semaphore(%run_scoped3A_65 : memref<!tpu.dma_semaphore, #tpu.memory_space<semaphore_mem>>) src(%dma_wait3A_72 : memref<632x128xf32, #tpu.memory_space<hbm>>) dst(%dma_wait3A_70 : memref<632x128xf32, #tpu.memory_space<vmem_shared>>)
      tpu.yield
    }) : () -> ()
    %run_scoped3A_35 = arith.constant 0 : i32
    %run_scoped3A_36 = arith.constant 0 : i32
    "tpu.region"() ({
      %run_scoped3A_65 = tpu.sem_alloc : memref<!tpu.dma_semaphore, #tpu.memory_space<semaphore_mem>>
      %dma_start3A_66 = arith.constant 0 : i32
      %dma_start3A_67 = arith.constant 0 : i32
      %dma_start3A_68 = tpu.memref_slice %arg8[%run_scoped3A_36, %dma_start3A_66, %dma_start3A_67] : memref<2x8x128xi32, #tpu.memory_space<vmem>> -> memref<1x8x128xi32, #tpu.memory_space<vmem>>
      %dma_start3A_69 = tpu.memref_squeeze %dma_start3A_68 : memref<1x8x128xi32, #tpu.memory_space<vmem>> -> memref<8x128xi32, #tpu.memory_space<vmem>>
      %dma_start3A_70 = arith.constant 0 : i32
      %dma_start3A_71 = arith.constant 0 : i32
      %dma_start3A_72 = tpu.memref_slice %arg4[%add3A, %run_scoped3A_35, %dma_start3A_70, %dma_start3A_71] : memref<32x10x8x128xi32, #tpu.memory_space<hbm>> -> memref<1x1x8x128xi32, #tpu.memory_space<hbm>>
      %dma_start3A_73 = tpu.memref_squeeze %dma_start3A_72 : memref<1x1x8x128xi32, #tpu.memory_space<hbm>> -> memref<8x128xi32, #tpu.memory_space<hbm>>
      %dma_start3A_74 = arith.constant 0 : i32
      %dma_start3A_75 = arith.constant 0 : i32
      %dma_start3A_76 = tpu.memref_slice %arg8[%run_scoped3A_36, %dma_start3A_74, %dma_start3A_75] : memref<2x8x128xi32, #tpu.memory_space<vmem>> -> memref<1x8x128xi32, #tpu.memory_space<vmem>>
      %dma_start3A_77 = tpu.memref_squeeze %dma_start3A_76 : memref<1x8x128xi32, #tpu.memory_space<vmem>> -> memref<8x128xi32, #tpu.memory_space<vmem>>
      %dma_start3A_78 = arith.constant 0 : i32
      %dma_start3A_79 = arith.constant 0 : i32
      %dma_start3A_80 = tpu.memref_slice %arg4[%add3A, %run_scoped3A_35, %dma_start3A_78, %dma_start3A_79] : memref<32x10x8x128xi32, #tpu.memory_space<hbm>> -> memref<1x1x8x128xi32, #tpu.memory_space<hbm>>
      %dma_start3A_81 = tpu.memref_squeeze %dma_start3A_80 : memref<1x1x8x128xi32, #tpu.memory_space<hbm>> -> memref<8x128xi32, #tpu.memory_space<hbm>>
      tpu.enqueue_dma source(%dma_start3A_81 : memref<8x128xi32, #tpu.memory_space<hbm>>) target(%dma_start3A_77 : memref<8x128xi32, #tpu.memory_space<vmem>>) target_semaphore(%run_scoped3A_65 : memref<!tpu.dma_semaphore, #tpu.memory_space<semaphore_mem>>)
      %dma_wait3A = arith.constant 0 : i32
      %dma_wait3A_82 = arith.constant 0 : i32
      %dma_wait3A_83 = tpu.memref_slice %arg8[%run_scoped3A_36, %dma_wait3A, %dma_wait3A_82] : memref<2x8x128xi32, #tpu.memory_space<vmem>> -> memref<1x8x128xi32, #tpu.memory_space<vmem>>
      %dma_wait3A_84 = tpu.memref_squeeze %dma_wait3A_83 : memref<1x8x128xi32, #tpu.memory_space<vmem>> -> memref<8x128xi32, #tpu.memory_space<vmem>>
      %dma_wait3A_85 = arith.constant 0 : i32
      %dma_wait3A_86 = arith.constant 0 : i32
      %dma_wait3A_87 = tpu.memref_slice %arg4[%add3A, %run_scoped3A_35, %dma_wait3A_85, %dma_wait3A_86] : memref<32x10x8x128xi32, #tpu.memory_space<hbm>> -> memref<1x1x8x128xi32, #tpu.memory_space<hbm>>
      %dma_wait3A_88 = tpu.memref_squeeze %dma_wait3A_87 : memref<1x1x8x128xi32, #tpu.memory_space<hbm>> -> memref<8x128xi32, #tpu.memory_space<hbm>>
      %dma_wait3A_89 = arith.constant 0 : i32
      %dma_wait3A_90 = arith.constant 0 : i32
      %dma_wait3A_91 = tpu.memref_slice %arg8[%run_scoped3A_36, %dma_wait3A_89, %dma_wait3A_90] : memref<2x8x128xi32, #tpu.memory_space<vmem>> -> memref<1x8x128xi32, #tpu.memory_space<vmem>>
      %dma_wait3A_92 = tpu.memref_squeeze %dma_wait3A_91 : memref<1x8x128xi32, #tpu.memory_space<vmem>> -> memref<8x128xi32, #tpu.memory_space<vmem>>
      %dma_wait3A_93 = arith.constant 0 : i32
      %dma_wait3A_94 = arith.constant 0 : i32
      %dma_wait3A_95 = tpu.memref_slice %arg4[%add3A, %run_scoped3A_35, %dma_wait3A_93, %dma_wait3A_94] : memref<32x10x8x128xi32, #tpu.memory_space<hbm>> -> memref<1x1x8x128xi32, #tpu.memory_space<hbm>>
      %dma_wait3A_96 = tpu.memref_squeeze %dma_wait3A_95 : memref<1x1x8x128xi32, #tpu.memory_space<hbm>> -> memref<8x128xi32, #tpu.memory_space<hbm>>
      tpu.wait_dma2 semaphore(%run_scoped3A_65 : memref<!tpu.dma_semaphore, #tpu.memory_space<semaphore_mem>>) src(%dma_wait3A_96 : memref<8x128xi32, #tpu.memory_space<hbm>>) dst(%dma_wait3A_92 : memref<8x128xi32, #tpu.memory_space<vmem>>)
      tpu.yield
    }) : () -> ()
    %run_scoped3A_37 = arith.constant 0 : i32
    %run_scoped3A_38 = arith.constant 0 : i32
    "tpu.region"() ({
      %run_scoped3A_65 = tpu.sem_alloc : memref<!tpu.dma_semaphore, #tpu.memory_space<semaphore_mem>>
      %dma_start3A_66 = arith.constant 0 : i32
      %dma_start3A_67 = arith.constant 0 : i32
      %dma_start3A_68 = tpu.memref_slice %arg9[%run_scoped3A_38, %dma_start3A_66, %dma_start3A_67] : memref<2x8x128xi32, #tpu.memory_space<vmem>> -> memref<1x8x128xi32, #tpu.memory_space<vmem>>
      %dma_start3A_69 = tpu.memref_squeeze %dma_start3A_68 : memref<1x8x128xi32, #tpu.memory_space<vmem>> -> memref<8x128xi32, #tpu.memory_space<vmem>>
      %dma_start3A_70 = arith.constant 0 : i32
      %dma_start3A_71 = arith.constant 0 : i32
      %dma_start3A_72 = tpu.memref_slice %arg5[%add3A, %run_scoped3A_37, %dma_start3A_70, %dma_start3A_71] : memref<32x10x8x128xi32, #tpu.memory_space<hbm>> -> memref<1x1x8x128xi32, #tpu.memory_space<hbm>>
      %dma_start3A_73 = tpu.memref_squeeze %dma_start3A_72 : memref<1x1x8x128xi32, #tpu.memory_space<hbm>> -> memref<8x128xi32, #tpu.memory_space<hbm>>
      %dma_start3A_74 = arith.constant 0 : i32
      %dma_start3A_75 = arith.constant 0 : i32
      %dma_start3A_76 = tpu.memref_slice %arg9[%run_scoped3A_38, %dma_start3A_74, %dma_start3A_75] : memref<2x8x128xi32, #tpu.memory_space<vmem>> -> memref<1x8x128xi32, #tpu.memory_space<vmem>>
      %dma_start3A_77 = tpu.memref_squeeze %dma_start3A_76 : memref<1x8x128xi32, #tpu.memory_space<vmem>> -> memref<8x128xi32, #tpu.memory_space<vmem>>
      %dma_start3A_78 = arith.constant 0 : i32
      %dma_start3A_79 = arith.constant 0 : i32
      %dma_start3A_80 = tpu.memref_slice %arg5[%add3A, %run_scoped3A_37, %dma_start3A_78, %dma_start3A_79] : memref<32x10x8x128xi32, #tpu.memory_space<hbm>> -> memref<1x1x8x128xi32, #tpu.memory_space<hbm>>
      %dma_start3A_81 = tpu.memref_squeeze %dma_start3A_80 : memref<1x1x8x128xi32, #tpu.memory_space<hbm>> -> memref<8x128xi32, #tpu.memory_space<hbm>>
      tpu.enqueue_dma source(%dma_start3A_81 : memref<8x128xi32, #tpu.memory_space<hbm>>) target(%dma_start3A_77 : memref<8x128xi32, #tpu.memory_space<vmem>>) target_semaphore(%run_scoped3A_65 : memref<!tpu.dma_semaphore, #tpu.memory_space<semaphore_mem>>)
      %dma_wait3A = arith.constant 0 : i32
      %dma_wait3A_82 = arith.constant 0 : i32
      %dma_wait3A_83 = tpu.memref_slice %arg9[%run_scoped3A_38, %dma_wait3A, %dma_wait3A_82] : memref<2x8x128xi32, #tpu.memory_space<vmem>> -> memref<1x8x128xi32, #tpu.memory_space<vmem>>
      %dma_wait3A_84 = tpu.memref_squeeze %dma_wait3A_83 : memref<1x8x128xi32, #tpu.memory_space<vmem>> -> memref<8x128xi32, #tpu.memory_space<vmem>>
      %dma_wait3A_85 = arith.constant 0 : i32
      %dma_wait3A_86 = arith.constant 0 : i32
      %dma_wait3A_87 = tpu.memref_slice %arg5[%add3A, %run_scoped3A_37, %dma_wait3A_85, %dma_wait3A_86] : memref<32x10x8x128xi32, #tpu.memory_space<hbm>> -> memref<1x1x8x128xi32, #tpu.memory_space<hbm>>
      %dma_wait3A_88 = tpu.memref_squeeze %dma_wait3A_87 : memref<1x1x8x128xi32, #tpu.memory_space<hbm>> -> memref<8x128xi32, #tpu.memory_space<hbm>>
      %dma_wait3A_89 = arith.constant 0 : i32
      %dma_wait3A_90 = arith.constant 0 : i32
      %dma_wait3A_91 = tpu.memref_slice %arg9[%run_scoped3A_38, %dma_wait3A_89, %dma_wait3A_90] : memref<2x8x128xi32, #tpu.memory_space<vmem>> -> memref<1x8x128xi32, #tpu.memory_space<vmem>>
      %dma_wait3A_92 = tpu.memref_squeeze %dma_wait3A_91 : memref<1x8x128xi32, #tpu.memory_space<vmem>> -> memref<8x128xi32, #tpu.memory_space<vmem>>
      %dma_wait3A_93 = arith.constant 0 : i32
      %dma_wait3A_94 = arith.constant 0 : i32
      %dma_wait3A_95 = tpu.memref_slice %arg5[%add3A, %run_scoped3A_37, %dma_wait3A_93, %dma_wait3A_94] : memref<32x10x8x128xi32, #tpu.memory_space<hbm>> -> memref<1x1x8x128xi32, #tpu.memory_space<hbm>>
      %dma_wait3A_96 = tpu.memref_squeeze %dma_wait3A_95 : memref<1x1x8x128xi32, #tpu.memory_space<hbm>> -> memref<8x128xi32, #tpu.memory_space<hbm>>
      tpu.wait_dma2 semaphore(%run_scoped3A_65 : memref<!tpu.dma_semaphore, #tpu.memory_space<semaphore_mem>>) src(%dma_wait3A_96 : memref<8x128xi32, #tpu.memory_space<hbm>>) dst(%dma_wait3A_92 : memref<8x128xi32, #tpu.memory_space<vmem>>)
      tpu.yield
    }) : () -> ()
    %barrier3A_39 = arith.constant 0 : index
    tpu.barrier barrier_id(%barrier3A_39)
    %dma_start3A_40 = arith.constant 0 : i32
    %dma_start3A_41 = arith.constant 0 : i32
    %dma_start3A_42 = arith.constant 0 : i32
    %dma_start3A_43 = arith.constant 0 : i32
    %dma_start3A_44 = arith.constant 0 : i32
    %dma_start3A_45 = tpu.memref_slice %arg10[%dma_start3A_42, %dma_start3A_43, %dma_start3A_44] : memref<2x128x128xf32, #tpu.memory_space<vmem>> -> memref<1x128x128xf32, #tpu.memory_space<vmem>>
    %dma_start3A_46 = tpu.memref_squeeze %dma_start3A_45 : memref<1x128x128xf32, #tpu.memory_space<vmem>> -> memref<128x128xf32, #tpu.memory_space<vmem>>
    %dma_start3A_47 = arith.constant 0 : i32
    %dma_start3A_48 = tpu.memref_slice %arg8[%dma_start3A_40, %dma_start3A_41, %dma_start3A_47] : memref<2x8x128xi32, #tpu.memory_space<vmem>> -> memref<1x1x128xi32, #tpu.memory_space<vmem>>
    %dma_start3A_49 = tpu.memref_squeeze %dma_start3A_48 : memref<1x1x128xi32, #tpu.memory_space<vmem>> -> memref<128xi32, #tpu.memory_space<vmem>>
    %dma_start3A_50 = arith.constant 0 : i32
    %dma_start3A_51 = arith.constant 0 : i32
    %dma_start3A_52 = tpu.memref_slice %arg3[%dma_start3A_50, %dma_start3A_51] : memref<10112x128xf32, #tpu.memory_space<hbm>> -> memref<10112x128xf32, #tpu.memory_space<hbm>>
    tpu.enqueue_indirect_dma source(%dma_start3A_52 : memref<10112x128xf32, #tpu.memory_space<hbm>>) target(%dma_start3A_46 : memref<128x128xf32, #tpu.memory_space<vmem>>) offsets(%dma_start3A_49 : memref<128xi32, #tpu.memory_space<vmem>>) semaphore(%arg12 : memref<!tpu.dma_semaphore, #tpu.memory_space<semaphore_mem>>)
    %scan3A_53 = arith.constant 0 : i32
    %scan3A_54 = arith.constant 0 : i32
    %scan3A_55 = arith.constant 10 : i32
    %scan3A_56 = arith.addi %scan3A_54, %scan3A_55 : i32
    %scan3A_57 = arith.constant 1 : i32
    scf.for %scan3A_65 = %scan3A_54 to %scan3A_56 step %scan3A_57  : i32 {
      %jit3A = arith.constant 2 : i32
      %eq3A = arith.constant 0 : i32
      %eq3A_66 = arith.cmpi eq, %jit3A, %eq3A : i32
      %jit3A_67 = arith.constant 1 : i32
      %select_n3A = arith.select %eq3A_66, %jit3A_67, %jit3A : i32
      %rem3A = arith.remsi %scan3A_65, %select_n3A : i32
      %ne3A = arith.constant 0 : i32
      %ne3A_68 = arith.cmpi ne, %rem3A, %ne3A : i32
      %lt3A = arith.constant 0 : i32
      %lt3A_69 = arith.cmpi slt, %rem3A, %lt3A : i32
      %lt3A_70 = arith.constant 0 : i32
      %lt3A_71 = arith.cmpi slt, %select_n3A, %lt3A_70 : i32
      %ne3A_72 = arith.xori %lt3A_69, %lt3A_71 : i1
      %and3A = arith.andi %ne3A_72, %ne3A_68 : i1
      %add3A_73 = arith.addi %rem3A, %select_n3A : i32
      %select_n3A_74 = arith.select %and3A, %add3A_73, %rem3A : i32
      %add3A_75 = arith.constant 1 : i32
      %add3A_76 = arith.addi %scan3A_65, %add3A_75 : i32
      %jit3A_77 = arith.constant 2 : i32
      %eq3A_78 = arith.constant 0 : i32
      %eq3A_79 = arith.cmpi eq, %jit3A_77, %eq3A_78 : i32
      %jit3A_80 = arith.constant 1 : i32
      %select_n3A_81 = arith.select %eq3A_79, %jit3A_80, %jit3A_77 : i32
      %rem3A_82 = arith.remsi %add3A_76, %select_n3A_81 : i32
      %ne3A_83 = arith.constant 0 : i32
      %ne3A_84 = arith.cmpi ne, %rem3A_82, %ne3A_83 : i32
      %lt3A_85 = arith.constant 0 : i32
      %lt3A_86 = arith.cmpi slt, %rem3A_82, %lt3A_85 : i32
      %lt3A_87 = arith.constant 0 : i32
      %lt3A_88 = arith.cmpi slt, %select_n3A_81, %lt3A_87 : i32
      %ne3A_89 = arith.xori %lt3A_86, %lt3A_88 : i1
      %and3A_90 = arith.andi %ne3A_89, %ne3A_84 : i1
      %add3A_91 = arith.addi %rem3A_82, %select_n3A_81 : i32
      %select_n3A_92 = arith.select %and3A_90, %add3A_91, %rem3A_82 : i32
      %lt3A_93 = arith.constant 9 : i32
      %lt3A_94 = arith.cmpi slt, %scan3A_65, %lt3A_93 : i32
      %convert_element_type3A = arith.extui %lt3A_94 : i1 to i32
      %cond3A = arith.constant 0 : i32
      %cond3A_95 = arith.cmpi ne, %convert_element_type3A, %cond3A : i32
      scf.if %cond3A_95 {
        %add3A_296 = arith.constant 1 : i32
        %add3A_297 = arith.addi %scan3A_65, %add3A_296 : i32
        %dma_start3A_298 = arith.constant 0 : i32
        %dma_start3A_299 = arith.constant 0 : i32
        %dma_start3A_300 = tpu.memref_slice %arg8[%select_n3A_92, %dma_start3A_298, %dma_start3A_299] : memref<2x8x128xi32, #tpu.memory_space<vmem>> -> memref<1x8x128xi32, #tpu.memory_space<vmem>>
        %dma_start3A_301 = tpu.memref_squeeze %dma_start3A_300 : memref<1x8x128xi32, #tpu.memory_space<vmem>> -> memref<8x128xi32, #tpu.memory_space<vmem>>
        %dma_start3A_302 = arith.constant 0 : i32
        %dma_start3A_303 = arith.constant 0 : i32
        %dma_start3A_304 = tpu.memref_slice %arg4[%add3A, %add3A_297, %dma_start3A_302, %dma_start3A_303] : memref<32x10x8x128xi32, #tpu.memory_space<hbm>> -> memref<1x1x8x128xi32, #tpu.memory_space<hbm>>
        %dma_start3A_305 = tpu.memref_squeeze %dma_start3A_304 : memref<1x1x8x128xi32, #tpu.memory_space<hbm>> -> memref<8x128xi32, #tpu.memory_space<hbm>>
        %dma_start3A_306 = arith.constant 0 : i32
        %dma_start3A_307 = arith.constant 0 : i32
        %dma_start3A_308 = tpu.memref_slice %arg8[%select_n3A_92, %dma_start3A_306, %dma_start3A_307] : memref<2x8x128xi32, #tpu.memory_space<vmem>> -> memref<1x8x128xi32, #tpu.memory_space<vmem>>
        %dma_start3A_309 = tpu.memref_squeeze %dma_start3A_308 : memref<1x8x128xi32, #tpu.memory_space<vmem>> -> memref<8x128xi32, #tpu.memory_space<vmem>>
        %dma_start3A_310 = arith.constant 0 : i32
        %dma_start3A_311 = arith.constant 0 : i32
        %dma_start3A_312 = tpu.memref_slice %arg4[%add3A, %add3A_297, %dma_start3A_310, %dma_start3A_311] : memref<32x10x8x128xi32, #tpu.memory_space<hbm>> -> memref<1x1x8x128xi32, #tpu.memory_space<hbm>>
        %dma_start3A_313 = tpu.memref_squeeze %dma_start3A_312 : memref<1x1x8x128xi32, #tpu.memory_space<hbm>> -> memref<8x128xi32, #tpu.memory_space<hbm>>
        tpu.enqueue_dma source(%dma_start3A_313 : memref<8x128xi32, #tpu.memory_space<hbm>>) target(%dma_start3A_309 : memref<8x128xi32, #tpu.memory_space<vmem>>) target_semaphore(%arg14 : memref<!tpu.dma_semaphore, #tpu.memory_space<semaphore_mem>>)
        %add3A_314 = arith.constant 1 : i32
        %add3A_315 = arith.addi %scan3A_65, %add3A_314 : i32
        %dma_start3A_316 = arith.constant 0 : i32
        %dma_start3A_317 = arith.constant 0 : i32
        %dma_start3A_318 = tpu.memref_slice %arg9[%select_n3A_92, %dma_start3A_316, %dma_start3A_317] : memref<2x8x128xi32, #tpu.memory_space<vmem>> -> memref<1x8x128xi32, #tpu.memory_space<vmem>>
        %dma_start3A_319 = tpu.memref_squeeze %dma_start3A_318 : memref<1x8x128xi32, #tpu.memory_space<vmem>> -> memref<8x128xi32, #tpu.memory_space<vmem>>
        %dma_start3A_320 = arith.constant 0 : i32
        %dma_start3A_321 = arith.constant 0 : i32
        %dma_start3A_322 = tpu.memref_slice %arg5[%add3A, %add3A_315, %dma_start3A_320, %dma_start3A_321] : memref<32x10x8x128xi32, #tpu.memory_space<hbm>> -> memref<1x1x8x128xi32, #tpu.memory_space<hbm>>
        %dma_start3A_323 = tpu.memref_squeeze %dma_start3A_322 : memref<1x1x8x128xi32, #tpu.memory_space<hbm>> -> memref<8x128xi32, #tpu.memory_space<hbm>>
        %dma_start3A_324 = arith.constant 0 : i32
        %dma_start3A_325 = arith.constant 0 : i32
        %dma_start3A_326 = tpu.memref_slice %arg9[%select_n3A_92, %dma_start3A_324, %dma_start3A_325] : memref<2x8x128xi32, #tpu.memory_space<vmem>> -> memref<1x8x128xi32, #tpu.memory_space<vmem>>
        %dma_start3A_327 = tpu.memref_squeeze %dma_start3A_326 : memref<1x8x128xi32, #tpu.memory_space<vmem>> -> memref<8x128xi32, #tpu.memory_space<vmem>>
        %dma_start3A_328 = arith.constant 0 : i32
        %dma_start3A_329 = arith.constant 0 : i32
        %dma_start3A_330 = tpu.memref_slice %arg5[%add3A, %add3A_315, %dma_start3A_328, %dma_start3A_329] : memref<32x10x8x128xi32, #tpu.memory_space<hbm>> -> memref<1x1x8x128xi32, #tpu.memory_space<hbm>>
        %dma_start3A_331 = tpu.memref_squeeze %dma_start3A_330 : memref<1x1x8x128xi32, #tpu.memory_space<hbm>> -> memref<8x128xi32, #tpu.memory_space<hbm>>
        tpu.enqueue_dma source(%dma_start3A_331 : memref<8x128xi32, #tpu.memory_space<hbm>>) target(%dma_start3A_327 : memref<8x128xi32, #tpu.memory_space<vmem>>) target_semaphore(%arg15 : memref<!tpu.dma_semaphore, #tpu.memory_space<semaphore_mem>>)
      } else {
      }
      %dma_start3A_96 = arith.constant 1 : i32
      %dma_start3A_97 = arith.constant 1 : i32
      %dma_start3A_98 = arith.constant 0 : i32
      %dma_start3A_99 = arith.constant 0 : i32
      %dma_start3A_100 = tpu.memref_slice %arg10[%dma_start3A_97, %dma_start3A_98, %dma_start3A_99] : memref<2x128x128xf32, #tpu.memory_space<vmem>> -> memref<1x128x128xf32, #tpu.memory_space<vmem>>
      %dma_start3A_101 = tpu.memref_squeeze %dma_start3A_100 : memref<1x128x128xf32, #tpu.memory_space<vmem>> -> memref<128x128xf32, #tpu.memory_space<vmem>>
      %dma_start3A_102 = arith.constant 0 : i32
      %dma_start3A_103 = tpu.memref_slice %arg8[%select_n3A_74, %dma_start3A_96, %dma_start3A_102] : memref<2x8x128xi32, #tpu.memory_space<vmem>> -> memref<1x1x128xi32, #tpu.memory_space<vmem>>
      %dma_start3A_104 = tpu.memref_squeeze %dma_start3A_103 : memref<1x1x128xi32, #tpu.memory_space<vmem>> -> memref<128xi32, #tpu.memory_space<vmem>>
      %dma_start3A_105 = arith.constant 0 : i32
      %dma_start3A_106 = arith.constant 0 : i32
      %dma_start3A_107 = tpu.memref_slice %arg3[%dma_start3A_105, %dma_start3A_106] : memref<10112x128xf32, #tpu.memory_space<hbm>> -> memref<10112x128xf32, #tpu.memory_space<hbm>>
      tpu.enqueue_indirect_dma source(%dma_start3A_107 : memref<10112x128xf32, #tpu.memory_space<hbm>>) target(%dma_start3A_101 : memref<128x128xf32, #tpu.memory_space<vmem>>) offsets(%dma_start3A_104 : memref<128xi32, #tpu.memory_space<vmem>>) semaphore(%arg13 : memref<!tpu.dma_semaphore, #tpu.memory_space<semaphore_mem>>)
      %dma_wait3A = arith.constant 0 : i32
      %dma_wait3A_108 = arith.constant 0 : i32
      %dma_wait3A_109 = arith.constant 0 : i32
      %dma_wait3A_110 = arith.constant 0 : i32
      %dma_wait3A_111 = tpu.memref_slice %arg10[%dma_wait3A_108, %dma_wait3A_109, %dma_wait3A_110] : memref<2x128x128xf32, #tpu.memory_space<vmem>> -> memref<1x128x128xf32, #tpu.memory_space<vmem>>
      %dma_wait3A_112 = tpu.memref_squeeze %dma_wait3A_111 : memref<1x128x128xf32, #tpu.memory_space<vmem>> -> memref<128x128xf32, #tpu.memory_space<vmem>>
      %dma_wait3A_113 = arith.constant 0 : i32
      %dma_wait3A_114 = tpu.memref_slice %arg8[%select_n3A_74, %dma_wait3A, %dma_wait3A_113] : memref<2x8x128xi32, #tpu.memory_space<vmem>> -> memref<1x1x128xi32, #tpu.memory_space<vmem>>
      %dma_wait3A_115 = tpu.memref_squeeze %dma_wait3A_114 : memref<1x1x128xi32, #tpu.memory_space<vmem>> -> memref<128xi32, #tpu.memory_space<vmem>>
      %dma_wait3A_116 = arith.constant 0 : i32
      %dma_wait3A_117 = arith.constant 0 : i32
      %dma_wait3A_118 = tpu.memref_slice %arg3[%dma_wait3A_116, %dma_wait3A_117] : memref<10112x128xf32, #tpu.memory_space<hbm>> -> memref<10112x128xf32, #tpu.memory_space<hbm>>
      tpu.wait_indirect_dma semaphore(%arg12 : memref<!tpu.dma_semaphore, #tpu.memory_space<semaphore_mem>>) src(%dma_wait3A_118 : memref<10112x128xf32, #tpu.memory_space<hbm>>) dst(%dma_wait3A_112 : memref<128x128xf32, #tpu.memory_space<vmem>>)
      %run_scoped3A_119 = arith.constant 0 : i32
      %run_scoped3A_120 = arith.constant 0 : i32
      "tpu.region"() ({
        %run_scoped3A_296 = tpu.sem_alloc : memref<!tpu.dma_semaphore, #tpu.memory_space<semaphore_mem>>
        %dma_start3A_297 = arith.constant 0 : i32
        %dma_start3A_298 = arith.constant 0 : i32
        %dma_start3A_299 = tpu.memref_slice %arg10[%run_scoped3A_119, %dma_start3A_297, %dma_start3A_298] : memref<2x128x128xf32, #tpu.memory_space<vmem>> -> memref<1x128x128xf32, #tpu.memory_space<vmem>>
        %dma_start3A_300 = tpu.memref_squeeze %dma_start3A_299 : memref<1x128x128xf32, #tpu.memory_space<vmem>> -> memref<128x128xf32, #tpu.memory_space<vmem>>
        %dma_start3A_301 = arith.constant 0 : i32
        %dma_start3A_302 = tpu.memref_slice %arg9[%select_n3A_74, %run_scoped3A_120, %dma_start3A_301] : memref<2x8x128xi32, #tpu.memory_space<vmem>> -> memref<1x1x128xi32, #tpu.memory_space<vmem>>
        %dma_start3A_303 = tpu.memref_squeeze %dma_start3A_302 : memref<1x1x128xi32, #tpu.memory_space<vmem>> -> memref<128xi32, #tpu.memory_space<vmem>>
        %dma_start3A_304 = arith.constant 0 : i32
        %dma_start3A_305 = arith.constant 0 : i32
        %dma_start3A_306 = tpu.memref_slice %arg11[%dma_start3A_304, %dma_start3A_305] : memref<10112x128xf32, #tpu.memory_space<vmem_shared>> -> memref<10112x128xf32, #tpu.memory_space<vmem_shared>>
        tpu.enqueue_indirect_dma source(%dma_start3A_300 : memref<128x128xf32, #tpu.memory_space<vmem>>) target(%dma_start3A_306 : memref<10112x128xf32, #tpu.memory_space<vmem_shared>>) offsets(%dma_start3A_303 : memref<128xi32, #tpu.memory_space<vmem>>) semaphore(%run_scoped3A_296 : memref<!tpu.dma_semaphore, #tpu.memory_space<semaphore_mem>>) {add = true}
        %dma_wait3A_307 = arith.constant 0 : i32
        %dma_wait3A_308 = arith.constant 0 : i32
        %dma_wait3A_309 = tpu.memref_slice %arg10[%run_scoped3A_119, %dma_wait3A_307, %dma_wait3A_308] : memref<2x128x128xf32, #tpu.memory_space<vmem>> -> memref<1x128x128xf32, #tpu.memory_space<vmem>>
        %dma_wait3A_310 = tpu.memref_squeeze %dma_wait3A_309 : memref<1x128x128xf32, #tpu.memory_space<vmem>> -> memref<128x128xf32, #tpu.memory_space<vmem>>
        %dma_wait3A_311 = arith.constant 0 : i32
        %dma_wait3A_312 = tpu.memref_slice %arg9[%select_n3A_74, %run_scoped3A_120, %dma_wait3A_311] : memref<2x8x128xi32, #tpu.memory_space<vmem>> -> memref<1x1x128xi32, #tpu.memory_space<vmem>>
        %dma_wait3A_313 = tpu.memref_squeeze %dma_wait3A_312 : memref<1x1x128xi32, #tpu.memory_space<vmem>> -> memref<128xi32, #tpu.memory_space<vmem>>
        %dma_wait3A_314 = arith.constant 0 : i32
        %dma_wait3A_315 = arith.constant 0 : i32
        %dma_wait3A_316 = tpu.memref_slice %arg11[%dma_wait3A_314, %dma_wait3A_315] : memref<10112x128xf32, #tpu.memory_space<vmem_shared>> -> memref<10112x128xf32, #tpu.memory_space<vmem_shared>>
        tpu.wait_indirect_dma semaphore(%run_scoped3A_296 : memref<!tpu.dma_semaphore, #tpu.memory_space<semaphore_mem>>) src(%dma_wait3A_310 : memref<128x128xf32, #tpu.memory_space<vmem>>) dst(%dma_wait3A_316 : memref<10112x128xf32, #tpu.memory_space<vmem_shared>>)
        tpu.yield
      }) : () -> ()
      %dma_start3A_121 = arith.constant 2 : i32
      %dma_start3A_122 = arith.constant 0 : i32
      %dma_start3A_123 = arith.constant 0 : i32
      %dma_start3A_124 = arith.constant 0 : i32
      %dma_start3A_125 = tpu.memref_slice %arg10[%dma_start3A_122, %dma_start3A_123, %dma_start3A_124] : memref<2x128x128xf32, #tpu.memory_space<vmem>> -> memref<1x128x128xf32, #tpu.memory_space<vmem>>
      %dma_start3A_126 = tpu.memref_squeeze %dma_start3A_125 : memref<1x128x128xf32, #tpu.memory_space<vmem>> -> memref<128x128xf32, #tpu.memory_space<vmem>>
      %dma_start3A_127 = arith.constant 0 : i32
      %dma_start3A_128 = tpu.memref_slice %arg8[%select_n3A_74, %dma_start3A_121, %dma_start3A_127] : memref<2x8x128xi32, #tpu.memory_space<vmem>> -> memref<1x1x128xi32, #tpu.memory_space<vmem>>
      %dma_start3A_129 = tpu.memref_squeeze %dma_start3A_128 : memref<1x1x128xi32, #tpu.memory_space<vmem>> -> memref<128xi32, #tpu.memory_space<vmem>>
      %dma_start3A_130 = arith.constant 0 : i32
      %dma_start3A_131 = arith.constant 0 : i32
      %dma_start3A_132 = tpu.memref_slice %arg3[%dma_start3A_130, %dma_start3A_131] : memref<10112x128xf32, #tpu.memory_space<hbm>> -> memref<10112x128xf32, #tpu.memory_space<hbm>>
      tpu.enqueue_indirect_dma source(%dma_start3A_132 : memref<10112x128xf32, #tpu.memory_space<hbm>>) target(%dma_start3A_126 : memref<128x128xf32, #tpu.memory_space<vmem>>) offsets(%dma_start3A_129 : memref<128xi32, #tpu.memory_space<vmem>>) semaphore(%arg12 : memref<!tpu.dma_semaphore, #tpu.memory_space<semaphore_mem>>)
      %dma_wait3A_133 = arith.constant 1 : i32
      %dma_wait3A_134 = arith.constant 1 : i32
      %dma_wait3A_135 = arith.constant 0 : i32
      %dma_wait3A_136 = arith.constant 0 : i32
      %dma_wait3A_137 = tpu.memref_slice %arg10[%dma_wait3A_134, %dma_wait3A_135, %dma_wait3A_136] : memref<2x128x128xf32, #tpu.memory_space<vmem>> -> memref<1x128x128xf32, #tpu.memory_space<vmem>>
      %dma_wait3A_138 = tpu.memref_squeeze %dma_wait3A_137 : memref<1x128x128xf32, #tpu.memory_space<vmem>> -> memref<128x128xf32, #tpu.memory_space<vmem>>
      %dma_wait3A_139 = arith.constant 0 : i32
      %dma_wait3A_140 = tpu.memref_slice %arg8[%select_n3A_74, %dma_wait3A_133, %dma_wait3A_139] : memref<2x8x128xi32, #tpu.memory_space<vmem>> -> memref<1x1x128xi32, #tpu.memory_space<vmem>>
      %dma_wait3A_141 = tpu.memref_squeeze %dma_wait3A_140 : memref<1x1x128xi32, #tpu.memory_space<vmem>> -> memref<128xi32, #tpu.memory_space<vmem>>
      %dma_wait3A_142 = arith.constant 0 : i32
      %dma_wait3A_143 = arith.constant 0 : i32
      %dma_wait3A_144 = tpu.memref_slice %arg3[%dma_wait3A_142, %dma_wait3A_143] : memref<10112x128xf32, #tpu.memory_space<hbm>> -> memref<10112x128xf32, #tpu.memory_space<hbm>>
      tpu.wait_indirect_dma semaphore(%arg13 : memref<!tpu.dma_semaphore, #tpu.memory_space<semaphore_mem>>) src(%dma_wait3A_144 : memref<10112x128xf32, #tpu.memory_space<hbm>>) dst(%dma_wait3A_138 : memref<128x128xf32, #tpu.memory_space<vmem>>)
      %run_scoped3A_145 = arith.constant 1 : i32
      %run_scoped3A_146 = arith.constant 1 : i32
      "tpu.region"() ({
        %run_scoped3A_296 = tpu.sem_alloc : memref<!tpu.dma_semaphore, #tpu.memory_space<semaphore_mem>>
        %dma_start3A_297 = arith.constant 0 : i32
        %dma_start3A_298 = arith.constant 0 : i32
        %dma_start3A_299 = tpu.memref_slice %arg10[%run_scoped3A_145, %dma_start3A_297, %dma_start3A_298] : memref<2x128x128xf32, #tpu.memory_space<vmem>> -> memref<1x128x128xf32, #tpu.memory_space<vmem>>
        %dma_start3A_300 = tpu.memref_squeeze %dma_start3A_299 : memref<1x128x128xf32, #tpu.memory_space<vmem>> -> memref<128x128xf32, #tpu.memory_space<vmem>>
        %dma_start3A_301 = arith.constant 0 : i32
        %dma_start3A_302 = tpu.memref_slice %arg9[%select_n3A_74, %run_scoped3A_146, %dma_start3A_301] : memref<2x8x128xi32, #tpu.memory_space<vmem>> -> memref<1x1x128xi32, #tpu.memory_space<vmem>>
        %dma_start3A_303 = tpu.memref_squeeze %dma_start3A_302 : memref<1x1x128xi32, #tpu.memory_space<vmem>> -> memref<128xi32, #tpu.memory_space<vmem>>
        %dma_start3A_304 = arith.constant 0 : i32
        %dma_start3A_305 = arith.constant 0 : i32
        %dma_start3A_306 = tpu.memref_slice %arg11[%dma_start3A_304, %dma_start3A_305] : memref<10112x128xf32, #tpu.memory_space<vmem_shared>> -> memref<10112x128xf32, #tpu.memory_space<vmem_shared>>
        tpu.enqueue_indirect_dma source(%dma_start3A_300 : memref<128x128xf32, #tpu.memory_space<vmem>>) target(%dma_start3A_306 : memref<10112x128xf32, #tpu.memory_space<vmem_shared>>) offsets(%dma_start3A_303 : memref<128xi32, #tpu.memory_space<vmem>>) semaphore(%run_scoped3A_296 : memref<!tpu.dma_semaphore, #tpu.memory_space<semaphore_mem>>) {add = true}
        %dma_wait3A_307 = arith.constant 0 : i32
        %dma_wait3A_308 = arith.constant 0 : i32
        %dma_wait3A_309 = tpu.memref_slice %arg10[%run_scoped3A_145, %dma_wait3A_307, %dma_wait3A_308] : memref<2x128x128xf32, #tpu.memory_space<vmem>> -> memref<1x128x128xf32, #tpu.memory_space<vmem>>
        %dma_wait3A_310 = tpu.memref_squeeze %dma_wait3A_309 : memref<1x128x128xf32, #tpu.memory_space<vmem>> -> memref<128x128xf32, #tpu.memory_space<vmem>>
        %dma_wait3A_311 = arith.constant 0 : i32
        %dma_wait3A_312 = tpu.memref_slice %arg9[%select_n3A_74, %run_scoped3A_146, %dma_wait3A_311] : memref<2x8x128xi32, #tpu.memory_space<vmem>> -> memref<1x1x128xi32, #tpu.memory_space<vmem>>
        %dma_wait3A_313 = tpu.memref_squeeze %dma_wait3A_312 : memref<1x1x128xi32, #tpu.memory_space<vmem>> -> memref<128xi32, #tpu.memory_space<vmem>>
        %dma_wait3A_314 = arith.constant 0 : i32
        %dma_wait3A_315 = arith.constant 0 : i32
        %dma_wait3A_316 = tpu.memref_slice %arg11[%dma_wait3A_314, %dma_wait3A_315] : memref<10112x128xf32, #tpu.memory_space<vmem_shared>> -> memref<10112x128xf32, #tpu.memory_space<vmem_shared>>
        tpu.wait_indirect_dma semaphore(%run_scoped3A_296 : memref<!tpu.dma_semaphore, #tpu.memory_space<semaphore_mem>>) src(%dma_wait3A_310 : memref<128x128xf32, #tpu.memory_space<vmem>>) dst(%dma_wait3A_316 : memref<10112x128xf32, #tpu.memory_space<vmem_shared>>)
        tpu.yield
      }) : () -> ()
      %dma_start3A_147 = arith.constant 3 : i32
      %dma_start3A_148 = arith.constant 1 : i32
      %dma_start3A_149 = arith.constant 0 : i32
      %dma_start3A_150 = arith.constant 0 : i32
      %dma_start3A_151 = tpu.memref_slice %arg10[%dma_start3A_148, %dma_start3A_149, %dma_start3A_150] : memref<2x128x128xf32, #tpu.memory_space<vmem>> -> memref<1x128x128xf32, #tpu.memory_space<vmem>>
      %dma_start3A_152 = tpu.memref_squeeze %dma_start3A_151 : memref<1x128x128xf32, #tpu.memory_space<vmem>> -> memref<128x128xf32, #tpu.memory_space<vmem>>
      %dma_start3A_153 = arith.constant 0 : i32
      %dma_start3A_154 = tpu.memref_slice %arg8[%select_n3A_74, %dma_start3A_147, %dma_start3A_153] : memref<2x8x128xi32, #tpu.memory_space<vmem>> -> memref<1x1x128xi32, #tpu.memory_space<vmem>>
      %dma_start3A_155 = tpu.memref_squeeze %dma_start3A_154 : memref<1x1x128xi32, #tpu.memory_space<vmem>> -> memref<128xi32, #tpu.memory_space<vmem>>
      %dma_start3A_156 = arith.constant 0 : i32
      %dma_start3A_157 = arith.constant 0 : i32
      %dma_start3A_158 = tpu.memref_slice %arg3[%dma_start3A_156, %dma_start3A_157] : memref<10112x128xf32, #tpu.memory_space<hbm>> -> memref<10112x128xf32, #tpu.memory_space<hbm>>
      tpu.enqueue_indirect_dma source(%dma_start3A_158 : memref<10112x128xf32, #tpu.memory_space<hbm>>) target(%dma_start3A_152 : memref<128x128xf32, #tpu.memory_space<vmem>>) offsets(%dma_start3A_155 : memref<128xi32, #tpu.memory_space<vmem>>) semaphore(%arg13 : memref<!tpu.dma_semaphore, #tpu.memory_space<semaphore_mem>>)
      %dma_wait3A_159 = arith.constant 2 : i32
      %dma_wait3A_160 = arith.constant 0 : i32
      %dma_wait3A_161 = arith.constant 0 : i32
      %dma_wait3A_162 = arith.constant 0 : i32
      %dma_wait3A_163 = tpu.memref_slice %arg10[%dma_wait3A_160, %dma_wait3A_161, %dma_wait3A_162] : memref<2x128x128xf32, #tpu.memory_space<vmem>> -> memref<1x128x128xf32, #tpu.memory_space<vmem>>
      %dma_wait3A_164 = tpu.memref_squeeze %dma_wait3A_163 : memref<1x128x128xf32, #tpu.memory_space<vmem>> -> memref<128x128xf32, #tpu.memory_space<vmem>>
      %dma_wait3A_165 = arith.constant 0 : i32
      %dma_wait3A_166 = tpu.memref_slice %arg8[%select_n3A_74, %dma_wait3A_159, %dma_wait3A_165] : memref<2x8x128xi32, #tpu.memory_space<vmem>> -> memref<1x1x128xi32, #tpu.memory_space<vmem>>
      %dma_wait3A_167 = tpu.memref_squeeze %dma_wait3A_166 : memref<1x1x128xi32, #tpu.memory_space<vmem>> -> memref<128xi32, #tpu.memory_space<vmem>>
      %dma_wait3A_168 = arith.constant 0 : i32
      %dma_wait3A_169 = arith.constant 0 : i32
      %dma_wait3A_170 = tpu.memref_slice %arg3[%dma_wait3A_168, %dma_wait3A_169] : memref<10112x128xf32, #tpu.memory_space<hbm>> -> memref<10112x128xf32, #tpu.memory_space<hbm>>
      tpu.wait_indirect_dma semaphore(%arg12 : memref<!tpu.dma_semaphore, #tpu.memory_space<semaphore_mem>>) src(%dma_wait3A_170 : memref<10112x128xf32, #tpu.memory_space<hbm>>) dst(%dma_wait3A_164 : memref<128x128xf32, #tpu.memory_space<vmem>>)
      %run_scoped3A_171 = arith.constant 0 : i32
      %run_scoped3A_172 = arith.constant 2 : i32
      "tpu.region"() ({
        %run_scoped3A_296 = tpu.sem_alloc : memref<!tpu.dma_semaphore, #tpu.memory_space<semaphore_mem>>
        %dma_start3A_297 = arith.constant 0 : i32
        %dma_start3A_298 = arith.constant 0 : i32
        %dma_start3A_299 = tpu.memref_slice %arg10[%run_scoped3A_171, %dma_start3A_297, %dma_start3A_298] : memref<2x128x128xf32, #tpu.memory_space<vmem>> -> memref<1x128x128xf32, #tpu.memory_space<vmem>>
        %dma_start3A_300 = tpu.memref_squeeze %dma_start3A_299 : memref<1x128x128xf32, #tpu.memory_space<vmem>> -> memref<128x128xf32, #tpu.memory_space<vmem>>
        %dma_start3A_301 = arith.constant 0 : i32
        %dma_start3A_302 = tpu.memref_slice %arg9[%select_n3A_74, %run_scoped3A_172, %dma_start3A_301] : memref<2x8x128xi32, #tpu.memory_space<vmem>> -> memref<1x1x128xi32, #tpu.memory_space<vmem>>
        %dma_start3A_303 = tpu.memref_squeeze %dma_start3A_302 : memref<1x1x128xi32, #tpu.memory_space<vmem>> -> memref<128xi32, #tpu.memory_space<vmem>>
        %dma_start3A_304 = arith.constant 0 : i32
        %dma_start3A_305 = arith.constant 0 : i32
        %dma_start3A_306 = tpu.memref_slice %arg11[%dma_start3A_304, %dma_start3A_305] : memref<10112x128xf32, #tpu.memory_space<vmem_shared>> -> memref<10112x128xf32, #tpu.memory_space<vmem_shared>>
        tpu.enqueue_indirect_dma source(%dma_start3A_300 : memref<128x128xf32, #tpu.memory_space<vmem>>) target(%dma_start3A_306 : memref<10112x128xf32, #tpu.memory_space<vmem_shared>>) offsets(%dma_start3A_303 : memref<128xi32, #tpu.memory_space<vmem>>) semaphore(%run_scoped3A_296 : memref<!tpu.dma_semaphore, #tpu.memory_space<semaphore_mem>>) {add = true}
        %dma_wait3A_307 = arith.constant 0 : i32
        %dma_wait3A_308 = arith.constant 0 : i32
        %dma_wait3A_309 = tpu.memref_slice %arg10[%run_scoped3A_171, %dma_wait3A_307, %dma_wait3A_308] : memref<2x128x128xf32, #tpu.memory_space<vmem>> -> memref<1x128x128xf32, #tpu.memory_space<vmem>>
        %dma_wait3A_310 = tpu.memref_squeeze %dma_wait3A_309 : memref<1x128x128xf32, #tpu.memory_space<vmem>> -> memref<128x128xf32, #tpu.memory_space<vmem>>
        %dma_wait3A_311 = arith.constant 0 : i32
        %dma_wait3A_312 = tpu.memref_slice %arg9[%select_n3A_74, %run_scoped3A_172, %dma_wait3A_311] : memref<2x8x128xi32, #tpu.memory_space<vmem>> -> memref<1x1x128xi32, #tpu.memory_space<vmem>>
        %dma_wait3A_313 = tpu.memref_squeeze %dma_wait3A_312 : memref<1x1x128xi32, #tpu.memory_space<vmem>> -> memref<128xi32, #tpu.memory_space<vmem>>
        %dma_wait3A_314 = arith.constant 0 : i32
        %dma_wait3A_315 = arith.constant 0 : i32
        %dma_wait3A_316 = tpu.memref_slice %arg11[%dma_wait3A_314, %dma_wait3A_315] : memref<10112x128xf32, #tpu.memory_space<vmem_shared>> -> memref<10112x128xf32, #tpu.memory_space<vmem_shared>>
        tpu.wait_indirect_dma semaphore(%run_scoped3A_296 : memref<!tpu.dma_semaphore, #tpu.memory_space<semaphore_mem>>) src(%dma_wait3A_310 : memref<128x128xf32, #tpu.memory_space<vmem>>) dst(%dma_wait3A_316 : memref<10112x128xf32, #tpu.memory_space<vmem_shared>>)
        tpu.yield
      }) : () -> ()
      %dma_start3A_173 = arith.constant 4 : i32
      %dma_start3A_174 = arith.constant 0 : i32
      %dma_start3A_175 = arith.constant 0 : i32
      %dma_start3A_176 = arith.constant 0 : i32
      %dma_start3A_177 = tpu.memref_slice %arg10[%dma_start3A_174, %dma_start3A_175, %dma_start3A_176] : memref<2x128x128xf32, #tpu.memory_space<vmem>> -> memref<1x128x128xf32, #tpu.memory_space<vmem>>
      %dma_start3A_178 = tpu.memref_squeeze %dma_start3A_177 : memref<1x128x128xf32, #tpu.memory_space<vmem>> -> memref<128x128xf32, #tpu.memory_space<vmem>>
      %dma_start3A_179 = arith.constant 0 : i32
      %dma_start3A_180 = tpu.memref_slice %arg8[%select_n3A_74, %dma_start3A_173, %dma_start3A_179] : memref<2x8x128xi32, #tpu.memory_space<vmem>> -> memref<1x1x128xi32, #tpu.memory_space<vmem>>
      %dma_start3A_181 = tpu.memref_squeeze %dma_start3A_180 : memref<1x1x128xi32, #tpu.memory_space<vmem>> -> memref<128xi32, #tpu.memory_space<vmem>>
      %dma_start3A_182 = arith.constant 0 : i32
      %dma_start3A_183 = arith.constant 0 : i32
      %dma_start3A_184 = tpu.memref_slice %arg3[%dma_start3A_182, %dma_start3A_183] : memref<10112x128xf32, #tpu.memory_space<hbm>> -> memref<10112x128xf32, #tpu.memory_space<hbm>>
      tpu.enqueue_indirect_dma source(%dma_start3A_184 : memref<10112x128xf32, #tpu.memory_space<hbm>>) target(%dma_start3A_178 : memref<128x128xf32, #tpu.memory_space<vmem>>) offsets(%dma_start3A_181 : memref<128xi32, #tpu.memory_space<vmem>>) semaphore(%arg12 : memref<!tpu.dma_semaphore, #tpu.memory_space<semaphore_mem>>)
      %dma_wait3A_185 = arith.constant 3 : i32
      %dma_wait3A_186 = arith.constant 1 : i32
      %dma_wait3A_187 = arith.constant 0 : i32
      %dma_wait3A_188 = arith.constant 0 : i32
      %dma_wait3A_189 = tpu.memref_slice %arg10[%dma_wait3A_186, %dma_wait3A_187, %dma_wait3A_188] : memref<2x128x128xf32, #tpu.memory_space<vmem>> -> memref<1x128x128xf32, #tpu.memory_space<vmem>>
      %dma_wait3A_190 = tpu.memref_squeeze %dma_wait3A_189 : memref<1x128x128xf32, #tpu.memory_space<vmem>> -> memref<128x128xf32, #tpu.memory_space<vmem>>
      %dma_wait3A_191 = arith.constant 0 : i32
      %dma_wait3A_192 = tpu.memref_slice %arg8[%select_n3A_74, %dma_wait3A_185, %dma_wait3A_191] : memref<2x8x128xi32, #tpu.memory_space<vmem>> -> memref<1x1x128xi32, #tpu.memory_space<vmem>>
      %dma_wait3A_193 = tpu.memref_squeeze %dma_wait3A_192 : memref<1x1x128xi32, #tpu.memory_space<vmem>> -> memref<128xi32, #tpu.memory_space<vmem>>
      %dma_wait3A_194 = arith.constant 0 : i32
      %dma_wait3A_195 = arith.constant 0 : i32
      %dma_wait3A_196 = tpu.memref_slice %arg3[%dma_wait3A_194, %dma_wait3A_195] : memref<10112x128xf32, #tpu.memory_space<hbm>> -> memref<10112x128xf32, #tpu.memory_space<hbm>>
      tpu.wait_indirect_dma semaphore(%arg13 : memref<!tpu.dma_semaphore, #tpu.memory_space<semaphore_mem>>) src(%dma_wait3A_196 : memref<10112x128xf32, #tpu.memory_space<hbm>>) dst(%dma_wait3A_190 : memref<128x128xf32, #tpu.memory_space<vmem>>)
      %run_scoped3A_197 = arith.constant 1 : i32
      %run_scoped3A_198 = arith.constant 3 : i32
      "tpu.region"() ({
        %run_scoped3A_296 = tpu.sem_alloc : memref<!tpu.dma_semaphore, #tpu.memory_space<semaphore_mem>>
        %dma_start3A_297 = arith.constant 0 : i32
        %dma_start3A_298 = arith.constant 0 : i32
        %dma_start3A_299 = tpu.memref_slice %arg10[%run_scoped3A_197, %dma_start3A_297, %dma_start3A_298] : memref<2x128x128xf32, #tpu.memory_space<vmem>> -> memref<1x128x128xf32, #tpu.memory_space<vmem>>
        %dma_start3A_300 = tpu.memref_squeeze %dma_start3A_299 : memref<1x128x128xf32, #tpu.memory_space<vmem>> -> memref<128x128xf32, #tpu.memory_space<vmem>>
        %dma_start3A_301 = arith.constant 0 : i32
        %dma_start3A_302 = tpu.memref_slice %arg9[%select_n3A_74, %run_scoped3A_198, %dma_start3A_301] : memref<2x8x128xi32, #tpu.memory_space<vmem>> -> memref<1x1x128xi32, #tpu.memory_space<vmem>>
        %dma_start3A_303 = tpu.memref_squeeze %dma_start3A_302 : memref<1x1x128xi32, #tpu.memory_space<vmem>> -> memref<128xi32, #tpu.memory_space<vmem>>
        %dma_start3A_304 = arith.constant 0 : i32
        %dma_start3A_305 = arith.constant 0 : i32
        %dma_start3A_306 = tpu.memref_slice %arg11[%dma_start3A_304, %dma_start3A_305] : memref<10112x128xf32, #tpu.memory_space<vmem_shared>> -> memref<10112x128xf32, #tpu.memory_space<vmem_shared>>
        tpu.enqueue_indirect_dma source(%dma_start3A_300 : memref<128x128xf32, #tpu.memory_space<vmem>>) target(%dma_start3A_306 : memref<10112x128xf32, #tpu.memory_space<vmem_shared>>) offsets(%dma_start3A_303 : memref<128xi32, #tpu.memory_space<vmem>>) semaphore(%run_scoped3A_296 : memref<!tpu.dma_semaphore, #tpu.memory_space<semaphore_mem>>) {add = true}
        %dma_wait3A_307 = arith.constant 0 : i32
        %dma_wait3A_308 = arith.constant 0 : i32
        %dma_wait3A_309 = tpu.memref_slice %arg10[%run_scoped3A_197, %dma_wait3A_307, %dma_wait3A_308] : memref<2x128x128xf32, #tpu.memory_space<vmem>> -> memref<1x128x128xf32, #tpu.memory_space<vmem>>
        %dma_wait3A_310 = tpu.memref_squeeze %dma_wait3A_309 : memref<1x128x128xf32, #tpu.memory_space<vmem>> -> memref<128x128xf32, #tpu.memory_space<vmem>>
        %dma_wait3A_311 = arith.constant 0 : i32
        %dma_wait3A_312 = tpu.memref_slice %arg9[%select_n3A_74, %run_scoped3A_198, %dma_wait3A_311] : memref<2x8x128xi32, #tpu.memory_space<vmem>> -> memref<1x1x128xi32, #tpu.memory_space<vmem>>
        %dma_wait3A_313 = tpu.memref_squeeze %dma_wait3A_312 : memref<1x1x128xi32, #tpu.memory_space<vmem>> -> memref<128xi32, #tpu.memory_space<vmem>>
        %dma_wait3A_314 = arith.constant 0 : i32
        %dma_wait3A_315 = arith.constant 0 : i32
        %dma_wait3A_316 = tpu.memref_slice %arg11[%dma_wait3A_314, %dma_wait3A_315] : memref<10112x128xf32, #tpu.memory_space<vmem_shared>> -> memref<10112x128xf32, #tpu.memory_space<vmem_shared>>
        tpu.wait_indirect_dma semaphore(%run_scoped3A_296 : memref<!tpu.dma_semaphore, #tpu.memory_space<semaphore_mem>>) src(%dma_wait3A_310 : memref<128x128xf32, #tpu.memory_space<vmem>>) dst(%dma_wait3A_316 : memref<10112x128xf32, #tpu.memory_space<vmem_shared>>)
        tpu.yield
      }) : () -> ()
      %dma_start3A_199 = arith.constant 5 : i32
      %dma_start3A_200 = arith.constant 1 : i32
      %dma_start3A_201 = arith.constant 0 : i32
      %dma_start3A_202 = arith.constant 0 : i32
      %dma_start3A_203 = tpu.memref_slice %arg10[%dma_start3A_200, %dma_start3A_201, %dma_start3A_202] : memref<2x128x128xf32, #tpu.memory_space<vmem>> -> memref<1x128x128xf32, #tpu.memory_space<vmem>>
      %dma_start3A_204 = tpu.memref_squeeze %dma_start3A_203 : memref<1x128x128xf32, #tpu.memory_space<vmem>> -> memref<128x128xf32, #tpu.memory_space<vmem>>
      %dma_start3A_205 = arith.constant 0 : i32
      %dma_start3A_206 = tpu.memref_slice %arg8[%select_n3A_74, %dma_start3A_199, %dma_start3A_205] : memref<2x8x128xi32, #tpu.memory_space<vmem>> -> memref<1x1x128xi32, #tpu.memory_space<vmem>>
      %dma_start3A_207 = tpu.memref_squeeze %dma_start3A_206 : memref<1x1x128xi32, #tpu.memory_space<vmem>> -> memref<128xi32, #tpu.memory_space<vmem>>
      %dma_start3A_208 = arith.constant 0 : i32
      %dma_start3A_209 = arith.constant 0 : i32
      %dma_start3A_210 = tpu.memref_slice %arg3[%dma_start3A_208, %dma_start3A_209] : memref<10112x128xf32, #tpu.memory_space<hbm>> -> memref<10112x128xf32, #tpu.memory_space<hbm>>
      tpu.enqueue_indirect_dma source(%dma_start3A_210 : memref<10112x128xf32, #tpu.memory_space<hbm>>) target(%dma_start3A_204 : memref<128x128xf32, #tpu.memory_space<vmem>>) offsets(%dma_start3A_207 : memref<128xi32, #tpu.memory_space<vmem>>) semaphore(%arg13 : memref<!tpu.dma_semaphore, #tpu.memory_space<semaphore_mem>>)
      %dma_wait3A_211 = arith.constant 4 : i32
      %dma_wait3A_212 = arith.constant 0 : i32
      %dma_wait3A_213 = arith.constant 0 : i32
      %dma_wait3A_214 = arith.constant 0 : i32
      %dma_wait3A_215 = tpu.memref_slice %arg10[%dma_wait3A_212, %dma_wait3A_213, %dma_wait3A_214] : memref<2x128x128xf32, #tpu.memory_space<vmem>> -> memref<1x128x128xf32, #tpu.memory_space<vmem>>
      %dma_wait3A_216 = tpu.memref_squeeze %dma_wait3A_215 : memref<1x128x128xf32, #tpu.memory_space<vmem>> -> memref<128x128xf32, #tpu.memory_space<vmem>>
      %dma_wait3A_217 = arith.constant 0 : i32
      %dma_wait3A_218 = tpu.memref_slice %arg8[%select_n3A_74, %dma_wait3A_211, %dma_wait3A_217] : memref<2x8x128xi32, #tpu.memory_space<vmem>> -> memref<1x1x128xi32, #tpu.memory_space<vmem>>
      %dma_wait3A_219 = tpu.memref_squeeze %dma_wait3A_218 : memref<1x1x128xi32, #tpu.memory_space<vmem>> -> memref<128xi32, #tpu.memory_space<vmem>>
      %dma_wait3A_220 = arith.constant 0 : i32
      %dma_wait3A_221 = arith.constant 0 : i32
      %dma_wait3A_222 = tpu.memref_slice %arg3[%dma_wait3A_220, %dma_wait3A_221] : memref<10112x128xf32, #tpu.memory_space<hbm>> -> memref<10112x128xf32, #tpu.memory_space<hbm>>
      tpu.wait_indirect_dma semaphore(%arg12 : memref<!tpu.dma_semaphore, #tpu.memory_space<semaphore_mem>>) src(%dma_wait3A_222 : memref<10112x128xf32, #tpu.memory_space<hbm>>) dst(%dma_wait3A_216 : memref<128x128xf32, #tpu.memory_space<vmem>>)
      %run_scoped3A_223 = arith.constant 0 : i32
      %run_scoped3A_224 = arith.constant 4 : i32
      "tpu.region"() ({
        %run_scoped3A_296 = tpu.sem_alloc : memref<!tpu.dma_semaphore, #tpu.memory_space<semaphore_mem>>
        %dma_start3A_297 = arith.constant 0 : i32
        %dma_start3A_298 = arith.constant 0 : i32
        %dma_start3A_299 = tpu.memref_slice %arg10[%run_scoped3A_223, %dma_start3A_297, %dma_start3A_298] : memref<2x128x128xf32, #tpu.memory_space<vmem>> -> memref<1x128x128xf32, #tpu.memory_space<vmem>>
        %dma_start3A_300 = tpu.memref_squeeze %dma_start3A_299 : memref<1x128x128xf32, #tpu.memory_space<vmem>> -> memref<128x128xf32, #tpu.memory_space<vmem>>
        %dma_start3A_301 = arith.constant 0 : i32
        %dma_start3A_302 = tpu.memref_slice %arg9[%select_n3A_74, %run_scoped3A_224, %dma_start3A_301] : memref<2x8x128xi32, #tpu.memory_space<vmem>> -> memref<1x1x128xi32, #tpu.memory_space<vmem>>
        %dma_start3A_303 = tpu.memref_squeeze %dma_start3A_302 : memref<1x1x128xi32, #tpu.memory_space<vmem>> -> memref<128xi32, #tpu.memory_space<vmem>>
        %dma_start3A_304 = arith.constant 0 : i32
        %dma_start3A_305 = arith.constant 0 : i32
        %dma_start3A_306 = tpu.memref_slice %arg11[%dma_start3A_304, %dma_start3A_305] : memref<10112x128xf32, #tpu.memory_space<vmem_shared>> -> memref<10112x128xf32, #tpu.memory_space<vmem_shared>>
        tpu.enqueue_indirect_dma source(%dma_start3A_300 : memref<128x128xf32, #tpu.memory_space<vmem>>) target(%dma_start3A_306 : memref<10112x128xf32, #tpu.memory_space<vmem_shared>>) offsets(%dma_start3A_303 : memref<128xi32, #tpu.memory_space<vmem>>) semaphore(%run_scoped3A_296 : memref<!tpu.dma_semaphore, #tpu.memory_space<semaphore_mem>>) {add = true}
        %dma_wait3A_307 = arith.constant 0 : i32
        %dma_wait3A_308 = arith.constant 0 : i32
        %dma_wait3A_309 = tpu.memref_slice %arg10[%run_scoped3A_223, %dma_wait3A_307, %dma_wait3A_308] : memref<2x128x128xf32, #tpu.memory_space<vmem>> -> memref<1x128x128xf32, #tpu.memory_space<vmem>>
        %dma_wait3A_310 = tpu.memref_squeeze %dma_wait3A_309 : memref<1x128x128xf32, #tpu.memory_space<vmem>> -> memref<128x128xf32, #tpu.memory_space<vmem>>
        %dma_wait3A_311 = arith.constant 0 : i32
        %dma_wait3A_312 = tpu.memref_slice %arg9[%select_n3A_74, %run_scoped3A_224, %dma_wait3A_311] : memref<2x8x128xi32, #tpu.memory_space<vmem>> -> memref<1x1x128xi32, #tpu.memory_space<vmem>>
        %dma_wait3A_313 = tpu.memref_squeeze %dma_wait3A_312 : memref<1x1x128xi32, #tpu.memory_space<vmem>> -> memref<128xi32, #tpu.memory_space<vmem>>
        %dma_wait3A_314 = arith.constant 0 : i32
        %dma_wait3A_315 = arith.constant 0 : i32
        %dma_wait3A_316 = tpu.memref_slice %arg11[%dma_wait3A_314, %dma_wait3A_315] : memref<10112x128xf32, #tpu.memory_space<vmem_shared>> -> memref<10112x128xf32, #tpu.memory_space<vmem_shared>>
        tpu.wait_indirect_dma semaphore(%run_scoped3A_296 : memref<!tpu.dma_semaphore, #tpu.memory_space<semaphore_mem>>) src(%dma_wait3A_310 : memref<128x128xf32, #tpu.memory_space<vmem>>) dst(%dma_wait3A_316 : memref<10112x128xf32, #tpu.memory_space<vmem_shared>>)
        tpu.yield
      }) : () -> ()
      %dma_start3A_225 = arith.constant 6 : i32
      %dma_start3A_226 = arith.constant 0 : i32
      %dma_start3A_227 = arith.constant 0 : i32
      %dma_start3A_228 = arith.constant 0 : i32
      %dma_start3A_229 = tpu.memref_slice %arg10[%dma_start3A_226, %dma_start3A_227, %dma_start3A_228] : memref<2x128x128xf32, #tpu.memory_space<vmem>> -> memref<1x128x128xf32, #tpu.memory_space<vmem>>
      %dma_start3A_230 = tpu.memref_squeeze %dma_start3A_229 : memref<1x128x128xf32, #tpu.memory_space<vmem>> -> memref<128x128xf32, #tpu.memory_space<vmem>>
      %dma_start3A_231 = arith.constant 0 : i32
      %dma_start3A_232 = tpu.memref_slice %arg8[%select_n3A_74, %dma_start3A_225, %dma_start3A_231] : memref<2x8x128xi32, #tpu.memory_space<vmem>> -> memref<1x1x128xi32, #tpu.memory_space<vmem>>
      %dma_start3A_233 = tpu.memref_squeeze %dma_start3A_232 : memref<1x1x128xi32, #tpu.memory_space<vmem>> -> memref<128xi32, #tpu.memory_space<vmem>>
      %dma_start3A_234 = arith.constant 0 : i32
      %dma_start3A_235 = arith.constant 0 : i32
      %dma_start3A_236 = tpu.memref_slice %arg3[%dma_start3A_234, %dma_start3A_235] : memref<10112x128xf32, #tpu.memory_space<hbm>> -> memref<10112x128xf32, #tpu.memory_space<hbm>>
      tpu.enqueue_indirect_dma source(%dma_start3A_236 : memref<10112x128xf32, #tpu.memory_space<hbm>>) target(%dma_start3A_230 : memref<128x128xf32, #tpu.memory_space<vmem>>) offsets(%dma_start3A_233 : memref<128xi32, #tpu.memory_space<vmem>>) semaphore(%arg12 : memref<!tpu.dma_semaphore, #tpu.memory_space<semaphore_mem>>)
      %dma_wait3A_237 = arith.constant 5 : i32
      %dma_wait3A_238 = arith.constant 1 : i32
      %dma_wait3A_239 = arith.constant 0 : i32
      %dma_wait3A_240 = arith.constant 0 : i32
      %dma_wait3A_241 = tpu.memref_slice %arg10[%dma_wait3A_238, %dma_wait3A_239, %dma_wait3A_240] : memref<2x128x128xf32, #tpu.memory_space<vmem>> -> memref<1x128x128xf32, #tpu.memory_space<vmem>>
      %dma_wait3A_242 = tpu.memref_squeeze %dma_wait3A_241 : memref<1x128x128xf32, #tpu.memory_space<vmem>> -> memref<128x128xf32, #tpu.memory_space<vmem>>
      %dma_wait3A_243 = arith.constant 0 : i32
      %dma_wait3A_244 = tpu.memref_slice %arg8[%select_n3A_74, %dma_wait3A_237, %dma_wait3A_243] : memref<2x8x128xi32, #tpu.memory_space<vmem>> -> memref<1x1x128xi32, #tpu.memory_space<vmem>>
      %dma_wait3A_245 = tpu.memref_squeeze %dma_wait3A_244 : memref<1x1x128xi32, #tpu.memory_space<vmem>> -> memref<128xi32, #tpu.memory_space<vmem>>
      %dma_wait3A_246 = arith.constant 0 : i32
      %dma_wait3A_247 = arith.constant 0 : i32
      %dma_wait3A_248 = tpu.memref_slice %arg3[%dma_wait3A_246, %dma_wait3A_247] : memref<10112x128xf32, #tpu.memory_space<hbm>> -> memref<10112x128xf32, #tpu.memory_space<hbm>>
      tpu.wait_indirect_dma semaphore(%arg13 : memref<!tpu.dma_semaphore, #tpu.memory_space<semaphore_mem>>) src(%dma_wait3A_248 : memref<10112x128xf32, #tpu.memory_space<hbm>>) dst(%dma_wait3A_242 : memref<128x128xf32, #tpu.memory_space<vmem>>)
      %run_scoped3A_249 = arith.constant 1 : i32
      %run_scoped3A_250 = arith.constant 5 : i32
      "tpu.region"() ({
        %run_scoped3A_296 = tpu.sem_alloc : memref<!tpu.dma_semaphore, #tpu.memory_space<semaphore_mem>>
        %dma_start3A_297 = arith.constant 0 : i32
        %dma_start3A_298 = arith.constant 0 : i32
        %dma_start3A_299 = tpu.memref_slice %arg10[%run_scoped3A_249, %dma_start3A_297, %dma_start3A_298] : memref<2x128x128xf32, #tpu.memory_space<vmem>> -> memref<1x128x128xf32, #tpu.memory_space<vmem>>
        %dma_start3A_300 = tpu.memref_squeeze %dma_start3A_299 : memref<1x128x128xf32, #tpu.memory_space<vmem>> -> memref<128x128xf32, #tpu.memory_space<vmem>>
        %dma_start3A_301 = arith.constant 0 : i32
        %dma_start3A_302 = tpu.memref_slice %arg9[%select_n3A_74, %run_scoped3A_250, %dma_start3A_301] : memref<2x8x128xi32, #tpu.memory_space<vmem>> -> memref<1x1x128xi32, #tpu.memory_space<vmem>>
        %dma_start3A_303 = tpu.memref_squeeze %dma_start3A_302 : memref<1x1x128xi32, #tpu.memory_space<vmem>> -> memref<128xi32, #tpu.memory_space<vmem>>
        %dma_start3A_304 = arith.constant 0 : i32
        %dma_start3A_305 = arith.constant 0 : i32
        %dma_start3A_306 = tpu.memref_slice %arg11[%dma_start3A_304, %dma_start3A_305] : memref<10112x128xf32, #tpu.memory_space<vmem_shared>> -> memref<10112x128xf32, #tpu.memory_space<vmem_shared>>
        tpu.enqueue_indirect_dma source(%dma_start3A_300 : memref<128x128xf32, #tpu.memory_space<vmem>>) target(%dma_start3A_306 : memref<10112x128xf32, #tpu.memory_space<vmem_shared>>) offsets(%dma_start3A_303 : memref<128xi32, #tpu.memory_space<vmem>>) semaphore(%run_scoped3A_296 : memref<!tpu.dma_semaphore, #tpu.memory_space<semaphore_mem>>) {add = true}
        %dma_wait3A_307 = arith.constant 0 : i32
        %dma_wait3A_308 = arith.constant 0 : i32
        %dma_wait3A_309 = tpu.memref_slice %arg10[%run_scoped3A_249, %dma_wait3A_307, %dma_wait3A_308] : memref<2x128x128xf32, #tpu.memory_space<vmem>> -> memref<1x128x128xf32, #tpu.memory_space<vmem>>
        %dma_wait3A_310 = tpu.memref_squeeze %dma_wait3A_309 : memref<1x128x128xf32, #tpu.memory_space<vmem>> -> memref<128x128xf32, #tpu.memory_space<vmem>>
        %dma_wait3A_311 = arith.constant 0 : i32
        %dma_wait3A_312 = tpu.memref_slice %arg9[%select_n3A_74, %run_scoped3A_250, %dma_wait3A_311] : memref<2x8x128xi32, #tpu.memory_space<vmem>> -> memref<1x1x128xi32, #tpu.memory_space<vmem>>
        %dma_wait3A_313 = tpu.memref_squeeze %dma_wait3A_312 : memref<1x1x128xi32, #tpu.memory_space<vmem>> -> memref<128xi32, #tpu.memory_space<vmem>>
        %dma_wait3A_314 = arith.constant 0 : i32
        %dma_wait3A_315 = arith.constant 0 : i32
        %dma_wait3A_316 = tpu.memref_slice %arg11[%dma_wait3A_314, %dma_wait3A_315] : memref<10112x128xf32, #tpu.memory_space<vmem_shared>> -> memref<10112x128xf32, #tpu.memory_space<vmem_shared>>
        tpu.wait_indirect_dma semaphore(%run_scoped3A_296 : memref<!tpu.dma_semaphore, #tpu.memory_space<semaphore_mem>>) src(%dma_wait3A_310 : memref<128x128xf32, #tpu.memory_space<vmem>>) dst(%dma_wait3A_316 : memref<10112x128xf32, #tpu.memory_space<vmem_shared>>)
        tpu.yield
      }) : () -> ()
      %dma_start3A_251 = arith.constant 7 : i32
      %dma_start3A_252 = arith.constant 1 : i32
      %dma_start3A_253 = arith.constant 0 : i32
      %dma_start3A_254 = arith.constant 0 : i32
      %dma_start3A_255 = tpu.memref_slice %arg10[%dma_start3A_252, %dma_start3A_253, %dma_start3A_254] : memref<2x128x128xf32, #tpu.memory_space<vmem>> -> memref<1x128x128xf32, #tpu.memory_space<vmem>>
      %dma_start3A_256 = tpu.memref_squeeze %dma_start3A_255 : memref<1x128x128xf32, #tpu.memory_space<vmem>> -> memref<128x128xf32, #tpu.memory_space<vmem>>
      %dma_start3A_257 = arith.constant 0 : i32
      %dma_start3A_258 = tpu.memref_slice %arg8[%select_n3A_74, %dma_start3A_251, %dma_start3A_257] : memref<2x8x128xi32, #tpu.memory_space<vmem>> -> memref<1x1x128xi32, #tpu.memory_space<vmem>>
      %dma_start3A_259 = tpu.memref_squeeze %dma_start3A_258 : memref<1x1x128xi32, #tpu.memory_space<vmem>> -> memref<128xi32, #tpu.memory_space<vmem>>
      %dma_start3A_260 = arith.constant 0 : i32
      %dma_start3A_261 = arith.constant 0 : i32
      %dma_start3A_262 = tpu.memref_slice %arg3[%dma_start3A_260, %dma_start3A_261] : memref<10112x128xf32, #tpu.memory_space<hbm>> -> memref<10112x128xf32, #tpu.memory_space<hbm>>
      tpu.enqueue_indirect_dma source(%dma_start3A_262 : memref<10112x128xf32, #tpu.memory_space<hbm>>) target(%dma_start3A_256 : memref<128x128xf32, #tpu.memory_space<vmem>>) offsets(%dma_start3A_259 : memref<128xi32, #tpu.memory_space<vmem>>) semaphore(%arg13 : memref<!tpu.dma_semaphore, #tpu.memory_space<semaphore_mem>>)
      %dma_wait3A_263 = arith.constant 6 : i32
      %dma_wait3A_264 = arith.constant 0 : i32
      %dma_wait3A_265 = arith.constant 0 : i32
      %dma_wait3A_266 = arith.constant 0 : i32
      %dma_wait3A_267 = tpu.memref_slice %arg10[%dma_wait3A_264, %dma_wait3A_265, %dma_wait3A_266] : memref<2x128x128xf32, #tpu.memory_space<vmem>> -> memref<1x128x128xf32, #tpu.memory_space<vmem>>
      %dma_wait3A_268 = tpu.memref_squeeze %dma_wait3A_267 : memref<1x128x128xf32, #tpu.memory_space<vmem>> -> memref<128x128xf32, #tpu.memory_space<vmem>>
      %dma_wait3A_269 = arith.constant 0 : i32
      %dma_wait3A_270 = tpu.memref_slice %arg8[%select_n3A_74, %dma_wait3A_263, %dma_wait3A_269] : memref<2x8x128xi32, #tpu.memory_space<vmem>> -> memref<1x1x128xi32, #tpu.memory_space<vmem>>
      %dma_wait3A_271 = tpu.memref_squeeze %dma_wait3A_270 : memref<1x1x128xi32, #tpu.memory_space<vmem>> -> memref<128xi32, #tpu.memory_space<vmem>>
      %dma_wait3A_272 = arith.constant 0 : i32
      %dma_wait3A_273 = arith.constant 0 : i32
      %dma_wait3A_274 = tpu.memref_slice %arg3[%dma_wait3A_272, %dma_wait3A_273] : memref<10112x128xf32, #tpu.memory_space<hbm>> -> memref<10112x128xf32, #tpu.memory_space<hbm>>
      tpu.wait_indirect_dma semaphore(%arg12 : memref<!tpu.dma_semaphore, #tpu.memory_space<semaphore_mem>>) src(%dma_wait3A_274 : memref<10112x128xf32, #tpu.memory_space<hbm>>) dst(%dma_wait3A_268 : memref<128x128xf32, #tpu.memory_space<vmem>>)
      %run_scoped3A_275 = arith.constant 0 : i32
      %run_scoped3A_276 = arith.constant 6 : i32
      "tpu.region"() ({
        %run_scoped3A_296 = tpu.sem_alloc : memref<!tpu.dma_semaphore, #tpu.memory_space<semaphore_mem>>
        %dma_start3A_297 = arith.constant 0 : i32
        %dma_start3A_298 = arith.constant 0 : i32
        %dma_start3A_299 = tpu.memref_slice %arg10[%run_scoped3A_275, %dma_start3A_297, %dma_start3A_298] : memref<2x128x128xf32, #tpu.memory_space<vmem>> -> memref<1x128x128xf32, #tpu.memory_space<vmem>>
        %dma_start3A_300 = tpu.memref_squeeze %dma_start3A_299 : memref<1x128x128xf32, #tpu.memory_space<vmem>> -> memref<128x128xf32, #tpu.memory_space<vmem>>
        %dma_start3A_301 = arith.constant 0 : i32
        %dma_start3A_302 = tpu.memref_slice %arg9[%select_n3A_74, %run_scoped3A_276, %dma_start3A_301] : memref<2x8x128xi32, #tpu.memory_space<vmem>> -> memref<1x1x128xi32, #tpu.memory_space<vmem>>
        %dma_start3A_303 = tpu.memref_squeeze %dma_start3A_302 : memref<1x1x128xi32, #tpu.memory_space<vmem>> -> memref<128xi32, #tpu.memory_space<vmem>>
        %dma_start3A_304 = arith.constant 0 : i32
        %dma_start3A_305 = arith.constant 0 : i32
        %dma_start3A_306 = tpu.memref_slice %arg11[%dma_start3A_304, %dma_start3A_305] : memref<10112x128xf32, #tpu.memory_space<vmem_shared>> -> memref<10112x128xf32, #tpu.memory_space<vmem_shared>>
        tpu.enqueue_indirect_dma source(%dma_start3A_300 : memref<128x128xf32, #tpu.memory_space<vmem>>) target(%dma_start3A_306 : memref<10112x128xf32, #tpu.memory_space<vmem_shared>>) offsets(%dma_start3A_303 : memref<128xi32, #tpu.memory_space<vmem>>) semaphore(%run_scoped3A_296 : memref<!tpu.dma_semaphore, #tpu.memory_space<semaphore_mem>>) {add = true}
        %dma_wait3A_307 = arith.constant 0 : i32
        %dma_wait3A_308 = arith.constant 0 : i32
        %dma_wait3A_309 = tpu.memref_slice %arg10[%run_scoped3A_275, %dma_wait3A_307, %dma_wait3A_308] : memref<2x128x128xf32, #tpu.memory_space<vmem>> -> memref<1x128x128xf32, #tpu.memory_space<vmem>>
        %dma_wait3A_310 = tpu.memref_squeeze %dma_wait3A_309 : memref<1x128x128xf32, #tpu.memory_space<vmem>> -> memref<128x128xf32, #tpu.memory_space<vmem>>
        %dma_wait3A_311 = arith.constant 0 : i32
        %dma_wait3A_312 = tpu.memref_slice %arg9[%select_n3A_74, %run_scoped3A_276, %dma_wait3A_311] : memref<2x8x128xi32, #tpu.memory_space<vmem>> -> memref<1x1x128xi32, #tpu.memory_space<vmem>>
        %dma_wait3A_313 = tpu.memref_squeeze %dma_wait3A_312 : memref<1x1x128xi32, #tpu.memory_space<vmem>> -> memref<128xi32, #tpu.memory_space<vmem>>
        %dma_wait3A_314 = arith.constant 0 : i32
        %dma_wait3A_315 = arith.constant 0 : i32
        %dma_wait3A_316 = tpu.memref_slice %arg11[%dma_wait3A_314, %dma_wait3A_315] : memref<10112x128xf32, #tpu.memory_space<vmem_shared>> -> memref<10112x128xf32, #tpu.memory_space<vmem_shared>>
        tpu.wait_indirect_dma semaphore(%run_scoped3A_296 : memref<!tpu.dma_semaphore, #tpu.memory_space<semaphore_mem>>) src(%dma_wait3A_310 : memref<128x128xf32, #tpu.memory_space<vmem>>) dst(%dma_wait3A_316 : memref<10112x128xf32, #tpu.memory_space<vmem_shared>>)
        tpu.yield
      }) : () -> ()
      %lt3A_277 = arith.constant 9 : i32
      %lt3A_278 = arith.cmpi slt, %scan3A_65, %lt3A_277 : i32
      %convert_element_type3A_279 = arith.extui %lt3A_278 : i1 to i32
      %cond3A_280 = arith.constant 0 : i32
      %cond3A_281 = arith.cmpi ne, %convert_element_type3A_279, %cond3A_280 : i32
      scf.if %cond3A_281 {
        %add3A_296 = arith.constant 1 : i32
        %add3A_297 = arith.addi %scan3A_65, %add3A_296 : i32
        %dma_wait3A_298 = arith.constant 0 : i32
        %dma_wait3A_299 = arith.constant 0 : i32
        %dma_wait3A_300 = tpu.memref_slice %arg8[%select_n3A_92, %dma_wait3A_298, %dma_wait3A_299] : memref<2x8x128xi32, #tpu.memory_space<vmem>> -> memref<1x8x128xi32, #tpu.memory_space<vmem>>
        %dma_wait3A_301 = tpu.memref_squeeze %dma_wait3A_300 : memref<1x8x128xi32, #tpu.memory_space<vmem>> -> memref<8x128xi32, #tpu.memory_space<vmem>>
        %dma_wait3A_302 = arith.constant 0 : i32
        %dma_wait3A_303 = arith.constant 0 : i32
        %dma_wait3A_304 = tpu.memref_slice %arg4[%add3A, %add3A_297, %dma_wait3A_302, %dma_wait3A_303] : memref<32x10x8x128xi32, #tpu.memory_space<hbm>> -> memref<1x1x8x128xi32, #tpu.memory_space<hbm>>
        %dma_wait3A_305 = tpu.memref_squeeze %dma_wait3A_304 : memref<1x1x8x128xi32, #tpu.memory_space<hbm>> -> memref<8x128xi32, #tpu.memory_space<hbm>>
        %dma_wait3A_306 = arith.constant 0 : i32
        %dma_wait3A_307 = arith.constant 0 : i32
        %dma_wait3A_308 = tpu.memref_slice %arg8[%select_n3A_92, %dma_wait3A_306, %dma_wait3A_307] : memref<2x8x128xi32, #tpu.memory_space<vmem>> -> memref<1x8x128xi32, #tpu.memory_space<vmem>>
        %dma_wait3A_309 = tpu.memref_squeeze %dma_wait3A_308 : memref<1x8x128xi32, #tpu.memory_space<vmem>> -> memref<8x128xi32, #tpu.memory_space<vmem>>
        %dma_wait3A_310 = arith.constant 0 : i32
        %dma_wait3A_311 = arith.constant 0 : i32
        %dma_wait3A_312 = tpu.memref_slice %arg4[%add3A, %add3A_297, %dma_wait3A_310, %dma_wait3A_311] : memref<32x10x8x128xi32, #tpu.memory_space<hbm>> -> memref<1x1x8x128xi32, #tpu.memory_space<hbm>>
        %dma_wait3A_313 = tpu.memref_squeeze %dma_wait3A_312 : memref<1x1x8x128xi32, #tpu.memory_space<hbm>> -> memref<8x128xi32, #tpu.memory_space<hbm>>
        tpu.wait_dma2 semaphore(%arg14 : memref<!tpu.dma_semaphore, #tpu.memory_space<semaphore_mem>>) src(%dma_wait3A_313 : memref<8x128xi32, #tpu.memory_space<hbm>>) dst(%dma_wait3A_309 : memref<8x128xi32, #tpu.memory_space<vmem>>)
        %add3A_314 = arith.constant 1 : i32
        %add3A_315 = arith.addi %scan3A_65, %add3A_314 : i32
        %dma_wait3A_316 = arith.constant 0 : i32
        %dma_wait3A_317 = arith.constant 0 : i32
        %dma_wait3A_318 = tpu.memref_slice %arg9[%select_n3A_92, %dma_wait3A_316, %dma_wait3A_317] : memref<2x8x128xi32, #tpu.memory_space<vmem>> -> memref<1x8x128xi32, #tpu.memory_space<vmem>>
        %dma_wait3A_319 = tpu.memref_squeeze %dma_wait3A_318 : memref<1x8x128xi32, #tpu.memory_space<vmem>> -> memref<8x128xi32, #tpu.memory_space<vmem>>
        %dma_wait3A_320 = arith.constant 0 : i32
        %dma_wait3A_321 = arith.constant 0 : i32
        %dma_wait3A_322 = tpu.memref_slice %arg5[%add3A, %add3A_315, %dma_wait3A_320, %dma_wait3A_321] : memref<32x10x8x128xi32, #tpu.memory_space<hbm>> -> memref<1x1x8x128xi32, #tpu.memory_space<hbm>>
        %dma_wait3A_323 = tpu.memref_squeeze %dma_wait3A_322 : memref<1x1x8x128xi32, #tpu.memory_space<hbm>> -> memref<8x128xi32, #tpu.memory_space<hbm>>
        %dma_wait3A_324 = arith.constant 0 : i32
        %dma_wait3A_325 = arith.constant 0 : i32
        %dma_wait3A_326 = tpu.memref_slice %arg9[%select_n3A_92, %dma_wait3A_324, %dma_wait3A_325] : memref<2x8x128xi32, #tpu.memory_space<vmem>> -> memref<1x8x128xi32, #tpu.memory_space<vmem>>
        %dma_wait3A_327 = tpu.memref_squeeze %dma_wait3A_326 : memref<1x8x128xi32, #tpu.memory_space<vmem>> -> memref<8x128xi32, #tpu.memory_space<vmem>>
        %dma_wait3A_328 = arith.constant 0 : i32
        %dma_wait3A_329 = arith.constant 0 : i32
        %dma_wait3A_330 = tpu.memref_slice %arg5[%add3A, %add3A_315, %dma_wait3A_328, %dma_wait3A_329] : memref<32x10x8x128xi32, #tpu.memory_space<hbm>> -> memref<1x1x8x128xi32, #tpu.memory_space<hbm>>
        %dma_wait3A_331 = tpu.memref_squeeze %dma_wait3A_330 : memref<1x1x8x128xi32, #tpu.memory_space<hbm>> -> memref<8x128xi32, #tpu.memory_space<hbm>>
        tpu.wait_dma2 semaphore(%arg15 : memref<!tpu.dma_semaphore, #tpu.memory_space<semaphore_mem>>) src(%dma_wait3A_331 : memref<8x128xi32, #tpu.memory_space<hbm>>) dst(%dma_wait3A_327 : memref<8x128xi32, #tpu.memory_space<vmem>>)
        %dma_start3A_332 = arith.constant 0 : i32
        %dma_start3A_333 = arith.constant 0 : i32
        %dma_start3A_334 = arith.constant 0 : i32
        %dma_start3A_335 = arith.constant 0 : i32
        %dma_start3A_336 = tpu.memref_slice %arg10[%dma_start3A_333, %dma_start3A_334, %dma_start3A_335] : memref<2x128x128xf32, #tpu.memory_space<vmem>> -> memref<1x128x128xf32, #tpu.memory_space<vmem>>
        %dma_start3A_337 = tpu.memref_squeeze %dma_start3A_336 : memref<1x128x128xf32, #tpu.memory_space<vmem>> -> memref<128x128xf32, #tpu.memory_space<vmem>>
        %dma_start3A_338 = arith.constant 0 : i32
        %dma_start3A_339 = tpu.memref_slice %arg8[%select_n3A_92, %dma_start3A_332, %dma_start3A_338] : memref<2x8x128xi32, #tpu.memory_space<vmem>> -> memref<1x1x128xi32, #tpu.memory_space<vmem>>
        %dma_start3A_340 = tpu.memref_squeeze %dma_start3A_339 : memref<1x1x128xi32, #tpu.memory_space<vmem>> -> memref<128xi32, #tpu.memory_space<vmem>>
        %dma_start3A_341 = arith.constant 0 : i32
        %dma_start3A_342 = arith.constant 0 : i32
        %dma_start3A_343 = tpu.memref_slice %arg3[%dma_start3A_341, %dma_start3A_342] : memref<10112x128xf32, #tpu.memory_space<hbm>> -> memref<10112x128xf32, #tpu.memory_space<hbm>>
        tpu.enqueue_indirect_dma source(%dma_start3A_343 : memref<10112x128xf32, #tpu.memory_space<hbm>>) target(%dma_start3A_337 : memref<128x128xf32, #tpu.memory_space<vmem>>) offsets(%dma_start3A_340 : memref<128xi32, #tpu.memory_space<vmem>>) semaphore(%arg12 : memref<!tpu.dma_semaphore, #tpu.memory_space<semaphore_mem>>)
      } else {
      }
      %dma_wait3A_282 = arith.constant 7 : i32
      %dma_wait3A_283 = arith.constant 1 : i32
      %dma_wait3A_284 = arith.constant 0 : i32
      %dma_wait3A_285 = arith.constant 0 : i32
      %dma_wait3A_286 = tpu.memref_slice %arg10[%dma_wait3A_283, %dma_wait3A_284, %dma_wait3A_285] : memref<2x128x128xf32, #tpu.memory_space<vmem>> -> memref<1x128x128xf32, #tpu.memory_space<vmem>>
      %dma_wait3A_287 = tpu.memref_squeeze %dma_wait3A_286 : memref<1x128x128xf32, #tpu.memory_space<vmem>> -> memref<128x128xf32, #tpu.memory_space<vmem>>
      %dma_wait3A_288 = arith.constant 0 : i32
      %dma_wait3A_289 = tpu.memref_slice %arg8[%select_n3A_74, %dma_wait3A_282, %dma_wait3A_288] : memref<2x8x128xi32, #tpu.memory_space<vmem>> -> memref<1x1x128xi32, #tpu.memory_space<vmem>>
      %dma_wait3A_290 = tpu.memref_squeeze %dma_wait3A_289 : memref<1x1x128xi32, #tpu.memory_space<vmem>> -> memref<128xi32, #tpu.memory_space<vmem>>
      %dma_wait3A_291 = arith.constant 0 : i32
      %dma_wait3A_292 = arith.constant 0 : i32
      %dma_wait3A_293 = tpu.memref_slice %arg3[%dma_wait3A_291, %dma_wait3A_292] : memref<10112x128xf32, #tpu.memory_space<hbm>> -> memref<10112x128xf32, #tpu.memory_space<hbm>>
      tpu.wait_indirect_dma semaphore(%arg13 : memref<!tpu.dma_semaphore, #tpu.memory_space<semaphore_mem>>) src(%dma_wait3A_293 : memref<10112x128xf32, #tpu.memory_space<hbm>>) dst(%dma_wait3A_287 : memref<128x128xf32, #tpu.memory_space<vmem>>)
      %run_scoped3A_294 = arith.constant 1 : i32
      %run_scoped3A_295 = arith.constant 7 : i32
      "tpu.region"() ({
        %run_scoped3A_296 = tpu.sem_alloc : memref<!tpu.dma_semaphore, #tpu.memory_space<semaphore_mem>>
        %dma_start3A_297 = arith.constant 0 : i32
        %dma_start3A_298 = arith.constant 0 : i32
        %dma_start3A_299 = tpu.memref_slice %arg10[%run_scoped3A_294, %dma_start3A_297, %dma_start3A_298] : memref<2x128x128xf32, #tpu.memory_space<vmem>> -> memref<1x128x128xf32, #tpu.memory_space<vmem>>
        %dma_start3A_300 = tpu.memref_squeeze %dma_start3A_299 : memref<1x128x128xf32, #tpu.memory_space<vmem>> -> memref<128x128xf32, #tpu.memory_space<vmem>>
        %dma_start3A_301 = arith.constant 0 : i32
        %dma_start3A_302 = tpu.memref_slice %arg9[%select_n3A_74, %run_scoped3A_295, %dma_start3A_301] : memref<2x8x128xi32, #tpu.memory_space<vmem>> -> memref<1x1x128xi32, #tpu.memory_space<vmem>>
        %dma_start3A_303 = tpu.memref_squeeze %dma_start3A_302 : memref<1x1x128xi32, #tpu.memory_space<vmem>> -> memref<128xi32, #tpu.memory_space<vmem>>
        %dma_start3A_304 = arith.constant 0 : i32
        %dma_start3A_305 = arith.constant 0 : i32
        %dma_start3A_306 = tpu.memref_slice %arg11[%dma_start3A_304, %dma_start3A_305] : memref<10112x128xf32, #tpu.memory_space<vmem_shared>> -> memref<10112x128xf32, #tpu.memory_space<vmem_shared>>
        tpu.enqueue_indirect_dma source(%dma_start3A_300 : memref<128x128xf32, #tpu.memory_space<vmem>>) target(%dma_start3A_306 : memref<10112x128xf32, #tpu.memory_space<vmem_shared>>) offsets(%dma_start3A_303 : memref<128xi32, #tpu.memory_space<vmem>>) semaphore(%run_scoped3A_296 : memref<!tpu.dma_semaphore, #tpu.memory_space<semaphore_mem>>) {add = true}
        %dma_wait3A_307 = arith.constant 0 : i32
        %dma_wait3A_308 = arith.constant 0 : i32
        %dma_wait3A_309 = tpu.memref_slice %arg10[%run_scoped3A_294, %dma_wait3A_307, %dma_wait3A_308] : memref<2x128x128xf32, #tpu.memory_space<vmem>> -> memref<1x128x128xf32, #tpu.memory_space<vmem>>
        %dma_wait3A_310 = tpu.memref_squeeze %dma_wait3A_309 : memref<1x128x128xf32, #tpu.memory_space<vmem>> -> memref<128x128xf32, #tpu.memory_space<vmem>>
        %dma_wait3A_311 = arith.constant 0 : i32
        %dma_wait3A_312 = tpu.memref_slice %arg9[%select_n3A_74, %run_scoped3A_295, %dma_wait3A_311] : memref<2x8x128xi32, #tpu.memory_space<vmem>> -> memref<1x1x128xi32, #tpu.memory_space<vmem>>
        %dma_wait3A_313 = tpu.memref_squeeze %dma_wait3A_312 : memref<1x1x128xi32, #tpu.memory_space<vmem>> -> memref<128xi32, #tpu.memory_space<vmem>>
        %dma_wait3A_314 = arith.constant 0 : i32
        %dma_wait3A_315 = arith.constant 0 : i32
        %dma_wait3A_316 = tpu.memref_slice %arg11[%dma_wait3A_314, %dma_wait3A_315] : memref<10112x128xf32, #tpu.memory_space<vmem_shared>> -> memref<10112x128xf32, #tpu.memory_space<vmem_shared>>
        tpu.wait_indirect_dma semaphore(%run_scoped3A_296 : memref<!tpu.dma_semaphore, #tpu.memory_space<semaphore_mem>>) src(%dma_wait3A_310 : memref<128x128xf32, #tpu.memory_space<vmem>>) dst(%dma_wait3A_316 : memref<10112x128xf32, #tpu.memory_space<vmem_shared>>)
        tpu.yield
      }) : () -> ()
    }
    %scan3A_58 = arith.constant 10 : i32
    %barrier3A_59 = arith.constant 0 : index
    tpu.barrier barrier_id(%barrier3A_59)
    %mul3A_60 = arith.constant 632 : i32
    %mul3A_61 = arith.muli %arg1, %mul3A_60 : i32
    %mul3A_62 = arith.constant 632 : i32
    %mul3A_63 = arith.muli %arg1, %mul3A_62 : i32
    %run_scoped3A_64 = arith.constant 1 : i32
    "tpu.region"() ({
      %run_scoped3A_65 = tpu.sem_alloc : memref<!tpu.dma_semaphore, #tpu.memory_space<semaphore_mem>>
      %dma_start3A_66 = arith.constant 0 : i32
      %dma_start3A_67 = tpu.memref_slice %arg7[%run_scoped3A_64, %arg0, %mul3A_63, %dma_start3A_66] : memref<2x2x10112x128xf32, #tpu.memory_space<hbm>> -> memref<1x1x632x128xf32, #tpu.memory_space<hbm>>
      %dma_start3A_68 = tpu.memref_squeeze %dma_start3A_67 : memref<1x1x632x128xf32, #tpu.memory_space<hbm>> -> memref<632x128xf32, #tpu.memory_space<hbm>>
      %dma_start3A_69 = arith.constant 0 : i32
      %dma_start3A_70 = tpu.memref_slice %arg11[%mul3A_61, %dma_start3A_69] : memref<10112x128xf32, #tpu.memory_space<vmem_shared>> -> memref<632x128xf32, #tpu.memory_space<vmem_shared>>
      tpu.enqueue_dma source(%dma_start3A_70 : memref<632x128xf32, #tpu.memory_space<vmem_shared>>) target(%dma_start3A_68 : memref<632x128xf32, #tpu.memory_space<hbm>>) target_semaphore(%run_scoped3A_65 : memref<!tpu.dma_semaphore, #tpu.memory_space<semaphore_mem>>)
      %dma_wait3A = arith.constant 0 : i32
      %dma_wait3A_71 = tpu.memref_slice %arg7[%run_scoped3A_64, %arg0, %mul3A_63, %dma_wait3A] : memref<2x2x10112x128xf32, #tpu.memory_space<hbm>> -> memref<1x1x632x128xf32, #tpu.memory_space<hbm>>
      %dma_wait3A_72 = tpu.memref_squeeze %dma_wait3A_71 : memref<1x1x632x128xf32, #tpu.memory_space<hbm>> -> memref<632x128xf32, #tpu.memory_space<hbm>>
      %dma_wait3A_73 = arith.constant 0 : i32
      %dma_wait3A_74 = tpu.memref_slice %arg11[%mul3A_61, %dma_wait3A_73] : memref<10112x128xf32, #tpu.memory_space<vmem_shared>> -> memref<632x128xf32, #tpu.memory_space<vmem_shared>>
      tpu.wait_dma2 semaphore(%run_scoped3A_65 : memref<!tpu.dma_semaphore, #tpu.memory_space<semaphore_mem>>) src(%dma_wait3A_74 : memref<632x128xf32, #tpu.memory_space<vmem_shared>>) dst(%dma_wait3A_72 : memref<632x128xf32, #tpu.memory_space<hbm>>)
      tpu.yield
    }) : () -> ()
    return
  }
}

#map = affine_map<(d0, d1) -> (0, 0, 0, 0)>
#map1 = affine_map<(d0, d1) -> (0, 0)>
#map2 = affine_map<(d0, d1) -> (0, 0, 0)>
module attributes {stable_mosaic.version = 14 : i64} {
  func.func @sc_deg(%arg0: i32, %arg1: i32, %arg2: memref<32x10x8x128xi32, #tpu.memory_space<hbm>>, %arg3: memref<128x128xf32, #tpu.memory_space<hbm>>, %arg4: memref<10112x128xf32, #tpu.memory_space<hbm>>, %arg5: memref<2x10112x128xf32, #tpu.memory_space<hbm>>, %arg6: memref<10x8x128xi32, #tpu.memory_space<vmem>>, %arg7: memref<128x128xf32, #tpu.memory_space<vmem>>, %arg8: memref<10112x128xf32, #tpu.memory_space<vmem_shared>>) attributes {dimension_semantics = [#tpu.dimension_semantics<core_parallel>, #tpu.dimension_semantics<subcore_parallel>], iteration_bounds = array<i64: 2, 16>, scalar_prefetch = 0 : i64, scratch_operands = 3 : i64, tpu.core_type = #tpu.core_type<sc_vector_subcore>, window_params = [{transform_indices = #map}, {transform_indices = #map1}, {transform_indices = #map1}, {transform_indices = #map2}]} {
    %mul3A = arith.constant 16 : i32
    %mul3A_0 = arith.muli %arg0, %mul3A : i32
    %add3A = arith.addi %mul3A_0, %arg1 : i32
    %mul3A_1 = arith.constant 632 : i32
    %mul3A_2 = arith.muli %arg1, %mul3A_1 : i32
    %mul3A_3 = arith.constant 632 : i32
    %mul3A_4 = arith.muli %arg1, %mul3A_3 : i32
    "tpu.region"() ({
      %run_scoped3A = tpu.sem_alloc : memref<!tpu.dma_semaphore, #tpu.memory_space<semaphore_mem>>
      %dma_start3A = arith.constant 0 : i32
      %dma_start3A_15 = tpu.memref_slice %arg8[%mul3A_4, %dma_start3A] : memref<10112x128xf32, #tpu.memory_space<vmem_shared>> -> memref<632x128xf32, #tpu.memory_space<vmem_shared>>
      %dma_start3A_16 = arith.constant 0 : i32
      %dma_start3A_17 = tpu.memref_slice %arg4[%mul3A_2, %dma_start3A_16] : memref<10112x128xf32, #tpu.memory_space<hbm>> -> memref<632x128xf32, #tpu.memory_space<hbm>>
      tpu.enqueue_dma source(%dma_start3A_17 : memref<632x128xf32, #tpu.memory_space<hbm>>) target(%dma_start3A_15 : memref<632x128xf32, #tpu.memory_space<vmem_shared>>) target_semaphore(%run_scoped3A : memref<!tpu.dma_semaphore, #tpu.memory_space<semaphore_mem>>)
      %dma_wait3A = arith.constant 0 : i32
      %dma_wait3A_18 = tpu.memref_slice %arg8[%mul3A_4, %dma_wait3A] : memref<10112x128xf32, #tpu.memory_space<vmem_shared>> -> memref<632x128xf32, #tpu.memory_space<vmem_shared>>
      %dma_wait3A_19 = arith.constant 0 : i32
      %dma_wait3A_20 = tpu.memref_slice %arg4[%mul3A_2, %dma_wait3A_19] : memref<10112x128xf32, #tpu.memory_space<hbm>> -> memref<632x128xf32, #tpu.memory_space<hbm>>
      tpu.wait_dma2 semaphore(%run_scoped3A : memref<!tpu.dma_semaphore, #tpu.memory_space<semaphore_mem>>) src(%dma_wait3A_20 : memref<632x128xf32, #tpu.memory_space<hbm>>) dst(%dma_wait3A_18 : memref<632x128xf32, #tpu.memory_space<vmem_shared>>)
      tpu.yield
    }) : () -> ()
    "tpu.region"() ({
      %run_scoped3A = tpu.sem_alloc : memref<!tpu.dma_semaphore, #tpu.memory_space<semaphore_mem>>
      %dma_start3A = arith.constant 0 : i32
      %dma_start3A_15 = arith.constant 0 : i32
      %dma_start3A_16 = arith.constant 0 : i32
      %dma_start3A_17 = tpu.memref_slice %arg2[%add3A, %dma_start3A, %dma_start3A_15, %dma_start3A_16] : memref<32x10x8x128xi32, #tpu.memory_space<hbm>> -> memref<1x10x8x128xi32, #tpu.memory_space<hbm>>
      %dma_start3A_18 = tpu.memref_squeeze %dma_start3A_17 : memref<1x10x8x128xi32, #tpu.memory_space<hbm>> -> memref<10x8x128xi32, #tpu.memory_space<hbm>>
      %dma_start3A_19 = arith.constant 0 : i32
      %dma_start3A_20 = arith.constant 0 : i32
      %dma_start3A_21 = arith.constant 0 : i32
      %dma_start3A_22 = tpu.memref_slice %arg2[%add3A, %dma_start3A_19, %dma_start3A_20, %dma_start3A_21] : memref<32x10x8x128xi32, #tpu.memory_space<hbm>> -> memref<1x10x8x128xi32, #tpu.memory_space<hbm>>
      %dma_start3A_23 = tpu.memref_squeeze %dma_start3A_22 : memref<1x10x8x128xi32, #tpu.memory_space<hbm>> -> memref<10x8x128xi32, #tpu.memory_space<hbm>>
      tpu.enqueue_dma source(%dma_start3A_23 : memref<10x8x128xi32, #tpu.memory_space<hbm>>) target(%arg6 : memref<10x8x128xi32, #tpu.memory_space<vmem>>) target_semaphore(%run_scoped3A : memref<!tpu.dma_semaphore, #tpu.memory_space<semaphore_mem>>)
      %dma_wait3A = arith.constant 0 : i32
      %dma_wait3A_24 = arith.constant 0 : i32
      %dma_wait3A_25 = arith.constant 0 : i32
      %dma_wait3A_26 = tpu.memref_slice %arg2[%add3A, %dma_wait3A, %dma_wait3A_24, %dma_wait3A_25] : memref<32x10x8x128xi32, #tpu.memory_space<hbm>> -> memref<1x10x8x128xi32, #tpu.memory_space<hbm>>
      %dma_wait3A_27 = tpu.memref_squeeze %dma_wait3A_26 : memref<1x10x8x128xi32, #tpu.memory_space<hbm>> -> memref<10x8x128xi32, #tpu.memory_space<hbm>>
      %dma_wait3A_28 = arith.constant 0 : i32
      %dma_wait3A_29 = arith.constant 0 : i32
      %dma_wait3A_30 = arith.constant 0 : i32
      %dma_wait3A_31 = tpu.memref_slice %arg2[%add3A, %dma_wait3A_28, %dma_wait3A_29, %dma_wait3A_30] : memref<32x10x8x128xi32, #tpu.memory_space<hbm>> -> memref<1x10x8x128xi32, #tpu.memory_space<hbm>>
      %dma_wait3A_32 = tpu.memref_squeeze %dma_wait3A_31 : memref<1x10x8x128xi32, #tpu.memory_space<hbm>> -> memref<10x8x128xi32, #tpu.memory_space<hbm>>
      tpu.wait_dma2 semaphore(%run_scoped3A : memref<!tpu.dma_semaphore, #tpu.memory_space<semaphore_mem>>) src(%dma_wait3A_32 : memref<10x8x128xi32, #tpu.memory_space<hbm>>) dst(%arg6 : memref<10x8x128xi32, #tpu.memory_space<vmem>>)
      tpu.yield
    }) : () -> ()
    "tpu.region"() ({
      %run_scoped3A = tpu.sem_alloc : memref<!tpu.dma_semaphore, #tpu.memory_space<semaphore_mem>>
      tpu.enqueue_dma source(%arg3 : memref<128x128xf32, #tpu.memory_space<hbm>>) target(%arg7 : memref<128x128xf32, #tpu.memory_space<vmem>>) target_semaphore(%run_scoped3A : memref<!tpu.dma_semaphore, #tpu.memory_space<semaphore_mem>>)
      tpu.wait_dma2 semaphore(%run_scoped3A : memref<!tpu.dma_semaphore, #tpu.memory_space<semaphore_mem>>) src(%arg3 : memref<128x128xf32, #tpu.memory_space<hbm>>) dst(%arg7 : memref<128x128xf32, #tpu.memory_space<vmem>>)
      tpu.yield
    }) : () -> ()
    %barrier3A = arith.constant 0 : index
    tpu.barrier barrier_id(%barrier3A)
    %scan3A = arith.constant 0 : i32
    %scan3A_5 = arith.constant 0 : i32
    %scan3A_6 = arith.constant 10 : i32
    %scan3A_7 = arith.addi %scan3A_5, %scan3A_6 : i32
    %scan3A_8 = arith.constant 1 : i32
    scf.for %scan3A_15 = %scan3A_5 to %scan3A_7 step %scan3A_8  : i32 {
      %run_scoped3A = arith.constant 0 : i32
      "tpu.region"() ({
        %run_scoped3A_23 = tpu.sem_alloc : memref<!tpu.dma_semaphore, #tpu.memory_space<semaphore_mem>>
        %dma_start3A = arith.constant 0 : i32
        %dma_start3A_24 = tpu.memref_slice %arg6[%scan3A_15, %run_scoped3A, %dma_start3A] : memref<10x8x128xi32, #tpu.memory_space<vmem>> -> memref<1x1x128xi32, #tpu.memory_space<vmem>>
        %dma_start3A_25 = tpu.memref_squeeze %dma_start3A_24 : memref<1x1x128xi32, #tpu.memory_space<vmem>> -> memref<128xi32, #tpu.memory_space<vmem>>
        %dma_start3A_26 = arith.constant 0 : i32
        %dma_start3A_27 = arith.constant 0 : i32
        %dma_start3A_28 = tpu.memref_slice %arg8[%dma_start3A_26, %dma_start3A_27] : memref<10112x128xf32, #tpu.memory_space<vmem_shared>> -> memref<10112x128xf32, #tpu.memory_space<vmem_shared>>
        tpu.enqueue_indirect_dma source(%arg7 : memref<128x128xf32, #tpu.memory_space<vmem>>) target(%dma_start3A_28 : memref<10112x128xf32, #tpu.memory_space<vmem_shared>>) offsets(%dma_start3A_25 : memref<128xi32, #tpu.memory_space<vmem>>) semaphore(%run_scoped3A_23 : memref<!tpu.dma_semaphore, #tpu.memory_space<semaphore_mem>>) {add = true}
        %dma_wait3A = arith.constant 0 : i32
        %dma_wait3A_29 = tpu.memref_slice %arg6[%scan3A_15, %run_scoped3A, %dma_wait3A] : memref<10x8x128xi32, #tpu.memory_space<vmem>> -> memref<1x1x128xi32, #tpu.memory_space<vmem>>
        %dma_wait3A_30 = tpu.memref_squeeze %dma_wait3A_29 : memref<1x1x128xi32, #tpu.memory_space<vmem>> -> memref<128xi32, #tpu.memory_space<vmem>>
        %dma_wait3A_31 = arith.constant 0 : i32
        %dma_wait3A_32 = arith.constant 0 : i32
        %dma_wait3A_33 = tpu.memref_slice %arg8[%dma_wait3A_31, %dma_wait3A_32] : memref<10112x128xf32, #tpu.memory_space<vmem_shared>> -> memref<10112x128xf32, #tpu.memory_space<vmem_shared>>
        tpu.wait_indirect_dma semaphore(%run_scoped3A_23 : memref<!tpu.dma_semaphore, #tpu.memory_space<semaphore_mem>>) src(%arg7 : memref<128x128xf32, #tpu.memory_space<vmem>>) dst(%dma_wait3A_33 : memref<10112x128xf32, #tpu.memory_space<vmem_shared>>)
        tpu.yield
      }) : () -> ()
      %run_scoped3A_16 = arith.constant 1 : i32
      "tpu.region"() ({
        %run_scoped3A_23 = tpu.sem_alloc : memref<!tpu.dma_semaphore, #tpu.memory_space<semaphore_mem>>
        %dma_start3A = arith.constant 0 : i32
        %dma_start3A_24 = tpu.memref_slice %arg6[%scan3A_15, %run_scoped3A_16, %dma_start3A] : memref<10x8x128xi32, #tpu.memory_space<vmem>> -> memref<1x1x128xi32, #tpu.memory_space<vmem>>
        %dma_start3A_25 = tpu.memref_squeeze %dma_start3A_24 : memref<1x1x128xi32, #tpu.memory_space<vmem>> -> memref<128xi32, #tpu.memory_space<vmem>>
        %dma_start3A_26 = arith.constant 0 : i32
        %dma_start3A_27 = arith.constant 0 : i32
        %dma_start3A_28 = tpu.memref_slice %arg8[%dma_start3A_26, %dma_start3A_27] : memref<10112x128xf32, #tpu.memory_space<vmem_shared>> -> memref<10112x128xf32, #tpu.memory_space<vmem_shared>>
        tpu.enqueue_indirect_dma source(%arg7 : memref<128x128xf32, #tpu.memory_space<vmem>>) target(%dma_start3A_28 : memref<10112x128xf32, #tpu.memory_space<vmem_shared>>) offsets(%dma_start3A_25 : memref<128xi32, #tpu.memory_space<vmem>>) semaphore(%run_scoped3A_23 : memref<!tpu.dma_semaphore, #tpu.memory_space<semaphore_mem>>) {add = true}
        %dma_wait3A = arith.constant 0 : i32
        %dma_wait3A_29 = tpu.memref_slice %arg6[%scan3A_15, %run_scoped3A_16, %dma_wait3A] : memref<10x8x128xi32, #tpu.memory_space<vmem>> -> memref<1x1x128xi32, #tpu.memory_space<vmem>>
        %dma_wait3A_30 = tpu.memref_squeeze %dma_wait3A_29 : memref<1x1x128xi32, #tpu.memory_space<vmem>> -> memref<128xi32, #tpu.memory_space<vmem>>
        %dma_wait3A_31 = arith.constant 0 : i32
        %dma_wait3A_32 = arith.constant 0 : i32
        %dma_wait3A_33 = tpu.memref_slice %arg8[%dma_wait3A_31, %dma_wait3A_32] : memref<10112x128xf32, #tpu.memory_space<vmem_shared>> -> memref<10112x128xf32, #tpu.memory_space<vmem_shared>>
        tpu.wait_indirect_dma semaphore(%run_scoped3A_23 : memref<!tpu.dma_semaphore, #tpu.memory_space<semaphore_mem>>) src(%arg7 : memref<128x128xf32, #tpu.memory_space<vmem>>) dst(%dma_wait3A_33 : memref<10112x128xf32, #tpu.memory_space<vmem_shared>>)
        tpu.yield
      }) : () -> ()
      %run_scoped3A_17 = arith.constant 2 : i32
      "tpu.region"() ({
        %run_scoped3A_23 = tpu.sem_alloc : memref<!tpu.dma_semaphore, #tpu.memory_space<semaphore_mem>>
        %dma_start3A = arith.constant 0 : i32
        %dma_start3A_24 = tpu.memref_slice %arg6[%scan3A_15, %run_scoped3A_17, %dma_start3A] : memref<10x8x128xi32, #tpu.memory_space<vmem>> -> memref<1x1x128xi32, #tpu.memory_space<vmem>>
        %dma_start3A_25 = tpu.memref_squeeze %dma_start3A_24 : memref<1x1x128xi32, #tpu.memory_space<vmem>> -> memref<128xi32, #tpu.memory_space<vmem>>
        %dma_start3A_26 = arith.constant 0 : i32
        %dma_start3A_27 = arith.constant 0 : i32
        %dma_start3A_28 = tpu.memref_slice %arg8[%dma_start3A_26, %dma_start3A_27] : memref<10112x128xf32, #tpu.memory_space<vmem_shared>> -> memref<10112x128xf32, #tpu.memory_space<vmem_shared>>
        tpu.enqueue_indirect_dma source(%arg7 : memref<128x128xf32, #tpu.memory_space<vmem>>) target(%dma_start3A_28 : memref<10112x128xf32, #tpu.memory_space<vmem_shared>>) offsets(%dma_start3A_25 : memref<128xi32, #tpu.memory_space<vmem>>) semaphore(%run_scoped3A_23 : memref<!tpu.dma_semaphore, #tpu.memory_space<semaphore_mem>>) {add = true}
        %dma_wait3A = arith.constant 0 : i32
        %dma_wait3A_29 = tpu.memref_slice %arg6[%scan3A_15, %run_scoped3A_17, %dma_wait3A] : memref<10x8x128xi32, #tpu.memory_space<vmem>> -> memref<1x1x128xi32, #tpu.memory_space<vmem>>
        %dma_wait3A_30 = tpu.memref_squeeze %dma_wait3A_29 : memref<1x1x128xi32, #tpu.memory_space<vmem>> -> memref<128xi32, #tpu.memory_space<vmem>>
        %dma_wait3A_31 = arith.constant 0 : i32
        %dma_wait3A_32 = arith.constant 0 : i32
        %dma_wait3A_33 = tpu.memref_slice %arg8[%dma_wait3A_31, %dma_wait3A_32] : memref<10112x128xf32, #tpu.memory_space<vmem_shared>> -> memref<10112x128xf32, #tpu.memory_space<vmem_shared>>
        tpu.wait_indirect_dma semaphore(%run_scoped3A_23 : memref<!tpu.dma_semaphore, #tpu.memory_space<semaphore_mem>>) src(%arg7 : memref<128x128xf32, #tpu.memory_space<vmem>>) dst(%dma_wait3A_33 : memref<10112x128xf32, #tpu.memory_space<vmem_shared>>)
        tpu.yield
      }) : () -> ()
      %run_scoped3A_18 = arith.constant 3 : i32
      "tpu.region"() ({
        %run_scoped3A_23 = tpu.sem_alloc : memref<!tpu.dma_semaphore, #tpu.memory_space<semaphore_mem>>
        %dma_start3A = arith.constant 0 : i32
        %dma_start3A_24 = tpu.memref_slice %arg6[%scan3A_15, %run_scoped3A_18, %dma_start3A] : memref<10x8x128xi32, #tpu.memory_space<vmem>> -> memref<1x1x128xi32, #tpu.memory_space<vmem>>
        %dma_start3A_25 = tpu.memref_squeeze %dma_start3A_24 : memref<1x1x128xi32, #tpu.memory_space<vmem>> -> memref<128xi32, #tpu.memory_space<vmem>>
        %dma_start3A_26 = arith.constant 0 : i32
        %dma_start3A_27 = arith.constant 0 : i32
        %dma_start3A_28 = tpu.memref_slice %arg8[%dma_start3A_26, %dma_start3A_27] : memref<10112x128xf32, #tpu.memory_space<vmem_shared>> -> memref<10112x128xf32, #tpu.memory_space<vmem_shared>>
        tpu.enqueue_indirect_dma source(%arg7 : memref<128x128xf32, #tpu.memory_space<vmem>>) target(%dma_start3A_28 : memref<10112x128xf32, #tpu.memory_space<vmem_shared>>) offsets(%dma_start3A_25 : memref<128xi32, #tpu.memory_space<vmem>>) semaphore(%run_scoped3A_23 : memref<!tpu.dma_semaphore, #tpu.memory_space<semaphore_mem>>) {add = true}
        %dma_wait3A = arith.constant 0 : i32
        %dma_wait3A_29 = tpu.memref_slice %arg6[%scan3A_15, %run_scoped3A_18, %dma_wait3A] : memref<10x8x128xi32, #tpu.memory_space<vmem>> -> memref<1x1x128xi32, #tpu.memory_space<vmem>>
        %dma_wait3A_30 = tpu.memref_squeeze %dma_wait3A_29 : memref<1x1x128xi32, #tpu.memory_space<vmem>> -> memref<128xi32, #tpu.memory_space<vmem>>
        %dma_wait3A_31 = arith.constant 0 : i32
        %dma_wait3A_32 = arith.constant 0 : i32
        %dma_wait3A_33 = tpu.memref_slice %arg8[%dma_wait3A_31, %dma_wait3A_32] : memref<10112x128xf32, #tpu.memory_space<vmem_shared>> -> memref<10112x128xf32, #tpu.memory_space<vmem_shared>>
        tpu.wait_indirect_dma semaphore(%run_scoped3A_23 : memref<!tpu.dma_semaphore, #tpu.memory_space<semaphore_mem>>) src(%arg7 : memref<128x128xf32, #tpu.memory_space<vmem>>) dst(%dma_wait3A_33 : memref<10112x128xf32, #tpu.memory_space<vmem_shared>>)
        tpu.yield
      }) : () -> ()
      %run_scoped3A_19 = arith.constant 4 : i32
      "tpu.region"() ({
        %run_scoped3A_23 = tpu.sem_alloc : memref<!tpu.dma_semaphore, #tpu.memory_space<semaphore_mem>>
        %dma_start3A = arith.constant 0 : i32
        %dma_start3A_24 = tpu.memref_slice %arg6[%scan3A_15, %run_scoped3A_19, %dma_start3A] : memref<10x8x128xi32, #tpu.memory_space<vmem>> -> memref<1x1x128xi32, #tpu.memory_space<vmem>>
        %dma_start3A_25 = tpu.memref_squeeze %dma_start3A_24 : memref<1x1x128xi32, #tpu.memory_space<vmem>> -> memref<128xi32, #tpu.memory_space<vmem>>
        %dma_start3A_26 = arith.constant 0 : i32
        %dma_start3A_27 = arith.constant 0 : i32
        %dma_start3A_28 = tpu.memref_slice %arg8[%dma_start3A_26, %dma_start3A_27] : memref<10112x128xf32, #tpu.memory_space<vmem_shared>> -> memref<10112x128xf32, #tpu.memory_space<vmem_shared>>
        tpu.enqueue_indirect_dma source(%arg7 : memref<128x128xf32, #tpu.memory_space<vmem>>) target(%dma_start3A_28 : memref<10112x128xf32, #tpu.memory_space<vmem_shared>>) offsets(%dma_start3A_25 : memref<128xi32, #tpu.memory_space<vmem>>) semaphore(%run_scoped3A_23 : memref<!tpu.dma_semaphore, #tpu.memory_space<semaphore_mem>>) {add = true}
        %dma_wait3A = arith.constant 0 : i32
        %dma_wait3A_29 = tpu.memref_slice %arg6[%scan3A_15, %run_scoped3A_19, %dma_wait3A] : memref<10x8x128xi32, #tpu.memory_space<vmem>> -> memref<1x1x128xi32, #tpu.memory_space<vmem>>
        %dma_wait3A_30 = tpu.memref_squeeze %dma_wait3A_29 : memref<1x1x128xi32, #tpu.memory_space<vmem>> -> memref<128xi32, #tpu.memory_space<vmem>>
        %dma_wait3A_31 = arith.constant 0 : i32
        %dma_wait3A_32 = arith.constant 0 : i32
        %dma_wait3A_33 = tpu.memref_slice %arg8[%dma_wait3A_31, %dma_wait3A_32] : memref<10112x128xf32, #tpu.memory_space<vmem_shared>> -> memref<10112x128xf32, #tpu.memory_space<vmem_shared>>
        tpu.wait_indirect_dma semaphore(%run_scoped3A_23 : memref<!tpu.dma_semaphore, #tpu.memory_space<semaphore_mem>>) src(%arg7 : memref<128x128xf32, #tpu.memory_space<vmem>>) dst(%dma_wait3A_33 : memref<10112x128xf32, #tpu.memory_space<vmem_shared>>)
        tpu.yield
      }) : () -> ()
      %run_scoped3A_20 = arith.constant 5 : i32
      "tpu.region"() ({
        %run_scoped3A_23 = tpu.sem_alloc : memref<!tpu.dma_semaphore, #tpu.memory_space<semaphore_mem>>
        %dma_start3A = arith.constant 0 : i32
        %dma_start3A_24 = tpu.memref_slice %arg6[%scan3A_15, %run_scoped3A_20, %dma_start3A] : memref<10x8x128xi32, #tpu.memory_space<vmem>> -> memref<1x1x128xi32, #tpu.memory_space<vmem>>
        %dma_start3A_25 = tpu.memref_squeeze %dma_start3A_24 : memref<1x1x128xi32, #tpu.memory_space<vmem>> -> memref<128xi32, #tpu.memory_space<vmem>>
        %dma_start3A_26 = arith.constant 0 : i32
        %dma_start3A_27 = arith.constant 0 : i32
        %dma_start3A_28 = tpu.memref_slice %arg8[%dma_start3A_26, %dma_start3A_27] : memref<10112x128xf32, #tpu.memory_space<vmem_shared>> -> memref<10112x128xf32, #tpu.memory_space<vmem_shared>>
        tpu.enqueue_indirect_dma source(%arg7 : memref<128x128xf32, #tpu.memory_space<vmem>>) target(%dma_start3A_28 : memref<10112x128xf32, #tpu.memory_space<vmem_shared>>) offsets(%dma_start3A_25 : memref<128xi32, #tpu.memory_space<vmem>>) semaphore(%run_scoped3A_23 : memref<!tpu.dma_semaphore, #tpu.memory_space<semaphore_mem>>) {add = true}
        %dma_wait3A = arith.constant 0 : i32
        %dma_wait3A_29 = tpu.memref_slice %arg6[%scan3A_15, %run_scoped3A_20, %dma_wait3A] : memref<10x8x128xi32, #tpu.memory_space<vmem>> -> memref<1x1x128xi32, #tpu.memory_space<vmem>>
        %dma_wait3A_30 = tpu.memref_squeeze %dma_wait3A_29 : memref<1x1x128xi32, #tpu.memory_space<vmem>> -> memref<128xi32, #tpu.memory_space<vmem>>
        %dma_wait3A_31 = arith.constant 0 : i32
        %dma_wait3A_32 = arith.constant 0 : i32
        %dma_wait3A_33 = tpu.memref_slice %arg8[%dma_wait3A_31, %dma_wait3A_32] : memref<10112x128xf32, #tpu.memory_space<vmem_shared>> -> memref<10112x128xf32, #tpu.memory_space<vmem_shared>>
        tpu.wait_indirect_dma semaphore(%run_scoped3A_23 : memref<!tpu.dma_semaphore, #tpu.memory_space<semaphore_mem>>) src(%arg7 : memref<128x128xf32, #tpu.memory_space<vmem>>) dst(%dma_wait3A_33 : memref<10112x128xf32, #tpu.memory_space<vmem_shared>>)
        tpu.yield
      }) : () -> ()
      %run_scoped3A_21 = arith.constant 6 : i32
      "tpu.region"() ({
        %run_scoped3A_23 = tpu.sem_alloc : memref<!tpu.dma_semaphore, #tpu.memory_space<semaphore_mem>>
        %dma_start3A = arith.constant 0 : i32
        %dma_start3A_24 = tpu.memref_slice %arg6[%scan3A_15, %run_scoped3A_21, %dma_start3A] : memref<10x8x128xi32, #tpu.memory_space<vmem>> -> memref<1x1x128xi32, #tpu.memory_space<vmem>>
        %dma_start3A_25 = tpu.memref_squeeze %dma_start3A_24 : memref<1x1x128xi32, #tpu.memory_space<vmem>> -> memref<128xi32, #tpu.memory_space<vmem>>
        %dma_start3A_26 = arith.constant 0 : i32
        %dma_start3A_27 = arith.constant 0 : i32
        %dma_start3A_28 = tpu.memref_slice %arg8[%dma_start3A_26, %dma_start3A_27] : memref<10112x128xf32, #tpu.memory_space<vmem_shared>> -> memref<10112x128xf32, #tpu.memory_space<vmem_shared>>
        tpu.enqueue_indirect_dma source(%arg7 : memref<128x128xf32, #tpu.memory_space<vmem>>) target(%dma_start3A_28 : memref<10112x128xf32, #tpu.memory_space<vmem_shared>>) offsets(%dma_start3A_25 : memref<128xi32, #tpu.memory_space<vmem>>) semaphore(%run_scoped3A_23 : memref<!tpu.dma_semaphore, #tpu.memory_space<semaphore_mem>>) {add = true}
        %dma_wait3A = arith.constant 0 : i32
        %dma_wait3A_29 = tpu.memref_slice %arg6[%scan3A_15, %run_scoped3A_21, %dma_wait3A] : memref<10x8x128xi32, #tpu.memory_space<vmem>> -> memref<1x1x128xi32, #tpu.memory_space<vmem>>
        %dma_wait3A_30 = tpu.memref_squeeze %dma_wait3A_29 : memref<1x1x128xi32, #tpu.memory_space<vmem>> -> memref<128xi32, #tpu.memory_space<vmem>>
        %dma_wait3A_31 = arith.constant 0 : i32
        %dma_wait3A_32 = arith.constant 0 : i32
        %dma_wait3A_33 = tpu.memref_slice %arg8[%dma_wait3A_31, %dma_wait3A_32] : memref<10112x128xf32, #tpu.memory_space<vmem_shared>> -> memref<10112x128xf32, #tpu.memory_space<vmem_shared>>
        tpu.wait_indirect_dma semaphore(%run_scoped3A_23 : memref<!tpu.dma_semaphore, #tpu.memory_space<semaphore_mem>>) src(%arg7 : memref<128x128xf32, #tpu.memory_space<vmem>>) dst(%dma_wait3A_33 : memref<10112x128xf32, #tpu.memory_space<vmem_shared>>)
        tpu.yield
      }) : () -> ()
      %run_scoped3A_22 = arith.constant 7 : i32
      "tpu.region"() ({
        %run_scoped3A_23 = tpu.sem_alloc : memref<!tpu.dma_semaphore, #tpu.memory_space<semaphore_mem>>
        %dma_start3A = arith.constant 0 : i32
        %dma_start3A_24 = tpu.memref_slice %arg6[%scan3A_15, %run_scoped3A_22, %dma_start3A] : memref<10x8x128xi32, #tpu.memory_space<vmem>> -> memref<1x1x128xi32, #tpu.memory_space<vmem>>
        %dma_start3A_25 = tpu.memref_squeeze %dma_start3A_24 : memref<1x1x128xi32, #tpu.memory_space<vmem>> -> memref<128xi32, #tpu.memory_space<vmem>>
        %dma_start3A_26 = arith.constant 0 : i32
        %dma_start3A_27 = arith.constant 0 : i32
        %dma_start3A_28 = tpu.memref_slice %arg8[%dma_start3A_26, %dma_start3A_27] : memref<10112x128xf32, #tpu.memory_space<vmem_shared>> -> memref<10112x128xf32, #tpu.memory_space<vmem_shared>>
        tpu.enqueue_indirect_dma source(%arg7 : memref<128x128xf32, #tpu.memory_space<vmem>>) target(%dma_start3A_28 : memref<10112x128xf32, #tpu.memory_space<vmem_shared>>) offsets(%dma_start3A_25 : memref<128xi32, #tpu.memory_space<vmem>>) semaphore(%run_scoped3A_23 : memref<!tpu.dma_semaphore, #tpu.memory_space<semaphore_mem>>) {add = true}
        %dma_wait3A = arith.constant 0 : i32
        %dma_wait3A_29 = tpu.memref_slice %arg6[%scan3A_15, %run_scoped3A_22, %dma_wait3A] : memref<10x8x128xi32, #tpu.memory_space<vmem>> -> memref<1x1x128xi32, #tpu.memory_space<vmem>>
        %dma_wait3A_30 = tpu.memref_squeeze %dma_wait3A_29 : memref<1x1x128xi32, #tpu.memory_space<vmem>> -> memref<128xi32, #tpu.memory_space<vmem>>
        %dma_wait3A_31 = arith.constant 0 : i32
        %dma_wait3A_32 = arith.constant 0 : i32
        %dma_wait3A_33 = tpu.memref_slice %arg8[%dma_wait3A_31, %dma_wait3A_32] : memref<10112x128xf32, #tpu.memory_space<vmem_shared>> -> memref<10112x128xf32, #tpu.memory_space<vmem_shared>>
        tpu.wait_indirect_dma semaphore(%run_scoped3A_23 : memref<!tpu.dma_semaphore, #tpu.memory_space<semaphore_mem>>) src(%arg7 : memref<128x128xf32, #tpu.memory_space<vmem>>) dst(%dma_wait3A_33 : memref<10112x128xf32, #tpu.memory_space<vmem_shared>>)
        tpu.yield
      }) : () -> ()
    }
    %scan3A_9 = arith.constant 10 : i32
    %barrier3A_10 = arith.constant 0 : index
    tpu.barrier barrier_id(%barrier3A_10)
    %mul3A_11 = arith.constant 632 : i32
    %mul3A_12 = arith.muli %arg1, %mul3A_11 : i32
    %mul3A_13 = arith.constant 632 : i32
    %mul3A_14 = arith.muli %arg1, %mul3A_13 : i32
    "tpu.region"() ({
      %run_scoped3A = tpu.sem_alloc : memref<!tpu.dma_semaphore, #tpu.memory_space<semaphore_mem>>
      %dma_start3A = arith.constant 0 : i32
      %dma_start3A_15 = tpu.memref_slice %arg5[%arg0, %mul3A_14, %dma_start3A] : memref<2x10112x128xf32, #tpu.memory_space<hbm>> -> memref<1x632x128xf32, #tpu.memory_space<hbm>>
      %dma_start3A_16 = tpu.memref_squeeze %dma_start3A_15 : memref<1x632x128xf32, #tpu.memory_space<hbm>> -> memref<632x128xf32, #tpu.memory_space<hbm>>
      %dma_start3A_17 = arith.constant 0 : i32
      %dma_start3A_18 = tpu.memref_slice %arg8[%mul3A_12, %dma_start3A_17] : memref<10112x128xf32, #tpu.memory_space<vmem_shared>> -> memref<632x128xf32, #tpu.memory_space<vmem_shared>>
      tpu.enqueue_dma source(%dma_start3A_18 : memref<632x128xf32, #tpu.memory_space<vmem_shared>>) target(%dma_start3A_16 : memref<632x128xf32, #tpu.memory_space<hbm>>) target_semaphore(%run_scoped3A : memref<!tpu.dma_semaphore, #tpu.memory_space<semaphore_mem>>)
      %dma_wait3A = arith.constant 0 : i32
      %dma_wait3A_19 = tpu.memref_slice %arg5[%arg0, %mul3A_14, %dma_wait3A] : memref<2x10112x128xf32, #tpu.memory_space<hbm>> -> memref<1x632x128xf32, #tpu.memory_space<hbm>>
      %dma_wait3A_20 = tpu.memref_squeeze %dma_wait3A_19 : memref<1x632x128xf32, #tpu.memory_space<hbm>> -> memref<632x128xf32, #tpu.memory_space<hbm>>
      %dma_wait3A_21 = arith.constant 0 : i32
      %dma_wait3A_22 = tpu.memref_slice %arg8[%mul3A_12, %dma_wait3A_21] : memref<10112x128xf32, #tpu.memory_space<vmem_shared>> -> memref<632x128xf32, #tpu.memory_space<vmem_shared>>
      tpu.wait_dma2 semaphore(%run_scoped3A : memref<!tpu.dma_semaphore, #tpu.memory_space<semaphore_mem>>) src(%dma_wait3A_22 : memref<632x128xf32, #tpu.memory_space<vmem_shared>>) dst(%dma_wait3A_20 : memref<632x128xf32, #tpu.memory_space<hbm>>)
      tpu.yield
    }) : () -> ()
    return
  }
}

#map = affine_map<(d0, d1) -> (0, 0)>
#map1 = affine_map<(d0, d1) -> (0, 0, 0, 0)>
module attributes {stable_mosaic.version = 14 : i64} {
  func.func @sc_agg(%arg0: i32, %arg1: i32, %arg2: memref<10112x128xf32, #tpu.memory_space<hbm>>, %arg3: memref<32x10x8x128xi32, #tpu.memory_space<hbm>>, %arg4: memref<32x10x8x128xi32, #tpu.memory_space<hbm>>, %arg5: memref<10112x128xf32, #tpu.memory_space<hbm>>, %arg6: memref<1x2x10112x128xf32, #tpu.memory_space<hbm>>, %arg7: memref<2x8x128xi32, #tpu.memory_space<vmem>>, %arg8: memref<2x8x128xi32, #tpu.memory_space<vmem>>, %arg9: memref<2x128x128xf32, #tpu.memory_space<vmem>>, %arg10: memref<10112x128xf32, #tpu.memory_space<vmem_shared>>, %arg11: memref<!tpu.dma_semaphore, #tpu.memory_space<semaphore_mem>>, %arg12: memref<!tpu.dma_semaphore, #tpu.memory_space<semaphore_mem>>, %arg13: memref<!tpu.dma_semaphore, #tpu.memory_space<semaphore_mem>>, %arg14: memref<!tpu.dma_semaphore, #tpu.memory_space<semaphore_mem>>) attributes {dimension_semantics = [#tpu.dimension_semantics<core_parallel>, #tpu.dimension_semantics<subcore_parallel>], iteration_bounds = array<i64: 2, 16>, scalar_prefetch = 0 : i64, scratch_operands = 8 : i64, tpu.core_type = #tpu.core_type<sc_vector_subcore>, window_params = [{transform_indices = #map}, {transform_indices = #map1}, {transform_indices = #map1}, {transform_indices = #map}, {transform_indices = #map1}]} {
    %mul3A = arith.constant 16 : i32
    %mul3A_0 = arith.muli %arg0, %mul3A : i32
    %add3A = arith.addi %mul3A_0, %arg1 : i32
    %mul3A_1 = arith.constant 632 : i32
    %mul3A_2 = arith.muli %arg1, %mul3A_1 : i32
    %mul3A_3 = arith.constant 632 : i32
    %mul3A_4 = arith.muli %arg1, %mul3A_3 : i32
    "tpu.region"() ({
      %run_scoped3A_31 = tpu.sem_alloc : memref<!tpu.dma_semaphore, #tpu.memory_space<semaphore_mem>>
      %dma_start3A_32 = arith.constant 0 : i32
      %dma_start3A_33 = tpu.memref_slice %arg10[%mul3A_4, %dma_start3A_32] : memref<10112x128xf32, #tpu.memory_space<vmem_shared>> -> memref<632x128xf32, #tpu.memory_space<vmem_shared>>
      %dma_start3A_34 = arith.constant 0 : i32
      %dma_start3A_35 = tpu.memref_slice %arg5[%mul3A_2, %dma_start3A_34] : memref<10112x128xf32, #tpu.memory_space<hbm>> -> memref<632x128xf32, #tpu.memory_space<hbm>>
      tpu.enqueue_dma source(%dma_start3A_35 : memref<632x128xf32, #tpu.memory_space<hbm>>) target(%dma_start3A_33 : memref<632x128xf32, #tpu.memory_space<vmem_shared>>) target_semaphore(%run_scoped3A_31 : memref<!tpu.dma_semaphore, #tpu.memory_space<semaphore_mem>>)
      %dma_wait3A = arith.constant 0 : i32
      %dma_wait3A_36 = tpu.memref_slice %arg10[%mul3A_4, %dma_wait3A] : memref<10112x128xf32, #tpu.memory_space<vmem_shared>> -> memref<632x128xf32, #tpu.memory_space<vmem_shared>>
      %dma_wait3A_37 = arith.constant 0 : i32
      %dma_wait3A_38 = tpu.memref_slice %arg5[%mul3A_2, %dma_wait3A_37] : memref<10112x128xf32, #tpu.memory_space<hbm>> -> memref<632x128xf32, #tpu.memory_space<hbm>>
      tpu.wait_dma2 semaphore(%run_scoped3A_31 : memref<!tpu.dma_semaphore, #tpu.memory_space<semaphore_mem>>) src(%dma_wait3A_38 : memref<632x128xf32, #tpu.memory_space<hbm>>) dst(%dma_wait3A_36 : memref<632x128xf32, #tpu.memory_space<vmem_shared>>)
      tpu.yield
    }) : () -> ()
    %run_scoped3A = arith.constant 0 : i32
    %run_scoped3A_5 = arith.constant 0 : i32
    "tpu.region"() ({
      %run_scoped3A_31 = tpu.sem_alloc : memref<!tpu.dma_semaphore, #tpu.memory_space<semaphore_mem>>
      %dma_start3A_32 = arith.constant 0 : i32
      %dma_start3A_33 = arith.constant 0 : i32
      %dma_start3A_34 = tpu.memref_slice %arg7[%run_scoped3A_5, %dma_start3A_32, %dma_start3A_33] : memref<2x8x128xi32, #tpu.memory_space<vmem>> -> memref<1x8x128xi32, #tpu.memory_space<vmem>>
      %dma_start3A_35 = tpu.memref_squeeze %dma_start3A_34 : memref<1x8x128xi32, #tpu.memory_space<vmem>> -> memref<8x128xi32, #tpu.memory_space<vmem>>
      %dma_start3A_36 = arith.constant 0 : i32
      %dma_start3A_37 = arith.constant 0 : i32
      %dma_start3A_38 = tpu.memref_slice %arg3[%add3A, %run_scoped3A, %dma_start3A_36, %dma_start3A_37] : memref<32x10x8x128xi32, #tpu.memory_space<hbm>> -> memref<1x1x8x128xi32, #tpu.memory_space<hbm>>
      %dma_start3A_39 = tpu.memref_squeeze %dma_start3A_38 : memref<1x1x8x128xi32, #tpu.memory_space<hbm>> -> memref<8x128xi32, #tpu.memory_space<hbm>>
      %dma_start3A_40 = arith.constant 0 : i32
      %dma_start3A_41 = arith.constant 0 : i32
      %dma_start3A_42 = tpu.memref_slice %arg7[%run_scoped3A_5, %dma_start3A_40, %dma_start3A_41] : memref<2x8x128xi32, #tpu.memory_space<vmem>> -> memref<1x8x128xi32, #tpu.memory_space<vmem>>
      %dma_start3A_43 = tpu.memref_squeeze %dma_start3A_42 : memref<1x8x128xi32, #tpu.memory_space<vmem>> -> memref<8x128xi32, #tpu.memory_space<vmem>>
      %dma_start3A_44 = arith.constant 0 : i32
      %dma_start3A_45 = arith.constant 0 : i32
      %dma_start3A_46 = tpu.memref_slice %arg3[%add3A, %run_scoped3A, %dma_start3A_44, %dma_start3A_45] : memref<32x10x8x128xi32, #tpu.memory_space<hbm>> -> memref<1x1x8x128xi32, #tpu.memory_space<hbm>>
      %dma_start3A_47 = tpu.memref_squeeze %dma_start3A_46 : memref<1x1x8x128xi32, #tpu.memory_space<hbm>> -> memref<8x128xi32, #tpu.memory_space<hbm>>
      tpu.enqueue_dma source(%dma_start3A_47 : memref<8x128xi32, #tpu.memory_space<hbm>>) target(%dma_start3A_43 : memref<8x128xi32, #tpu.memory_space<vmem>>) target_semaphore(%run_scoped3A_31 : memref<!tpu.dma_semaphore, #tpu.memory_space<semaphore_mem>>)
      %dma_wait3A = arith.constant 0 : i32
      %dma_wait3A_48 = arith.constant 0 : i32
      %dma_wait3A_49 = tpu.memref_slice %arg7[%run_scoped3A_5, %dma_wait3A, %dma_wait3A_48] : memref<2x8x128xi32, #tpu.memory_space<vmem>> -> memref<1x8x128xi32, #tpu.memory_space<vmem>>
      %dma_wait3A_50 = tpu.memref_squeeze %dma_wait3A_49 : memref<1x8x128xi32, #tpu.memory_space<vmem>> -> memref<8x128xi32, #tpu.memory_space<vmem>>
      %dma_wait3A_51 = arith.constant 0 : i32
      %dma_wait3A_52 = arith.constant 0 : i32
      %dma_wait3A_53 = tpu.memref_slice %arg3[%add3A, %run_scoped3A, %dma_wait3A_51, %dma_wait3A_52] : memref<32x10x8x128xi32, #tpu.memory_space<hbm>> -> memref<1x1x8x128xi32, #tpu.memory_space<hbm>>
      %dma_wait3A_54 = tpu.memref_squeeze %dma_wait3A_53 : memref<1x1x8x128xi32, #tpu.memory_space<hbm>> -> memref<8x128xi32, #tpu.memory_space<hbm>>
      %dma_wait3A_55 = arith.constant 0 : i32
      %dma_wait3A_56 = arith.constant 0 : i32
      %dma_wait3A_57 = tpu.memref_slice %arg7[%run_scoped3A_5, %dma_wait3A_55, %dma_wait3A_56] : memref<2x8x128xi32, #tpu.memory_space<vmem>> -> memref<1x8x128xi32, #tpu.memory_space<vmem>>
      %dma_wait3A_58 = tpu.memref_squeeze %dma_wait3A_57 : memref<1x8x128xi32, #tpu.memory_space<vmem>> -> memref<8x128xi32, #tpu.memory_space<vmem>>
      %dma_wait3A_59 = arith.constant 0 : i32
      %dma_wait3A_60 = arith.constant 0 : i32
      %dma_wait3A_61 = tpu.memref_slice %arg3[%add3A, %run_scoped3A, %dma_wait3A_59, %dma_wait3A_60] : memref<32x10x8x128xi32, #tpu.memory_space<hbm>> -> memref<1x1x8x128xi32, #tpu.memory_space<hbm>>
      %dma_wait3A_62 = tpu.memref_squeeze %dma_wait3A_61 : memref<1x1x8x128xi32, #tpu.memory_space<hbm>> -> memref<8x128xi32, #tpu.memory_space<hbm>>
      tpu.wait_dma2 semaphore(%run_scoped3A_31 : memref<!tpu.dma_semaphore, #tpu.memory_space<semaphore_mem>>) src(%dma_wait3A_62 : memref<8x128xi32, #tpu.memory_space<hbm>>) dst(%dma_wait3A_58 : memref<8x128xi32, #tpu.memory_space<vmem>>)
      tpu.yield
    }) : () -> ()
    %run_scoped3A_6 = arith.constant 0 : i32
    %run_scoped3A_7 = arith.constant 0 : i32
    "tpu.region"() ({
      %run_scoped3A_31 = tpu.sem_alloc : memref<!tpu.dma_semaphore, #tpu.memory_space<semaphore_mem>>
      %dma_start3A_32 = arith.constant 0 : i32
      %dma_start3A_33 = arith.constant 0 : i32
      %dma_start3A_34 = tpu.memref_slice %arg8[%run_scoped3A_7, %dma_start3A_32, %dma_start3A_33] : memref<2x8x128xi32, #tpu.memory_space<vmem>> -> memref<1x8x128xi32, #tpu.memory_space<vmem>>
      %dma_start3A_35 = tpu.memref_squeeze %dma_start3A_34 : memref<1x8x128xi32, #tpu.memory_space<vmem>> -> memref<8x128xi32, #tpu.memory_space<vmem>>
      %dma_start3A_36 = arith.constant 0 : i32
      %dma_start3A_37 = arith.constant 0 : i32
      %dma_start3A_38 = tpu.memref_slice %arg4[%add3A, %run_scoped3A_6, %dma_start3A_36, %dma_start3A_37] : memref<32x10x8x128xi32, #tpu.memory_space<hbm>> -> memref<1x1x8x128xi32, #tpu.memory_space<hbm>>
      %dma_start3A_39 = tpu.memref_squeeze %dma_start3A_38 : memref<1x1x8x128xi32, #tpu.memory_space<hbm>> -> memref<8x128xi32, #tpu.memory_space<hbm>>
      %dma_start3A_40 = arith.constant 0 : i32
      %dma_start3A_41 = arith.constant 0 : i32
      %dma_start3A_42 = tpu.memref_slice %arg8[%run_scoped3A_7, %dma_start3A_40, %dma_start3A_41] : memref<2x8x128xi32, #tpu.memory_space<vmem>> -> memref<1x8x128xi32, #tpu.memory_space<vmem>>
      %dma_start3A_43 = tpu.memref_squeeze %dma_start3A_42 : memref<1x8x128xi32, #tpu.memory_space<vmem>> -> memref<8x128xi32, #tpu.memory_space<vmem>>
      %dma_start3A_44 = arith.constant 0 : i32
      %dma_start3A_45 = arith.constant 0 : i32
      %dma_start3A_46 = tpu.memref_slice %arg4[%add3A, %run_scoped3A_6, %dma_start3A_44, %dma_start3A_45] : memref<32x10x8x128xi32, #tpu.memory_space<hbm>> -> memref<1x1x8x128xi32, #tpu.memory_space<hbm>>
      %dma_start3A_47 = tpu.memref_squeeze %dma_start3A_46 : memref<1x1x8x128xi32, #tpu.memory_space<hbm>> -> memref<8x128xi32, #tpu.memory_space<hbm>>
      tpu.enqueue_dma source(%dma_start3A_47 : memref<8x128xi32, #tpu.memory_space<hbm>>) target(%dma_start3A_43 : memref<8x128xi32, #tpu.memory_space<vmem>>) target_semaphore(%run_scoped3A_31 : memref<!tpu.dma_semaphore, #tpu.memory_space<semaphore_mem>>)
      %dma_wait3A = arith.constant 0 : i32
      %dma_wait3A_48 = arith.constant 0 : i32
      %dma_wait3A_49 = tpu.memref_slice %arg8[%run_scoped3A_7, %dma_wait3A, %dma_wait3A_48] : memref<2x8x128xi32, #tpu.memory_space<vmem>> -> memref<1x8x128xi32, #tpu.memory_space<vmem>>
      %dma_wait3A_50 = tpu.memref_squeeze %dma_wait3A_49 : memref<1x8x128xi32, #tpu.memory_space<vmem>> -> memref<8x128xi32, #tpu.memory_space<vmem>>
      %dma_wait3A_51 = arith.constant 0 : i32
      %dma_wait3A_52 = arith.constant 0 : i32
      %dma_wait3A_53 = tpu.memref_slice %arg4[%add3A, %run_scoped3A_6, %dma_wait3A_51, %dma_wait3A_52] : memref<32x10x8x128xi32, #tpu.memory_space<hbm>> -> memref<1x1x8x128xi32, #tpu.memory_space<hbm>>
      %dma_wait3A_54 = tpu.memref_squeeze %dma_wait3A_53 : memref<1x1x8x128xi32, #tpu.memory_space<hbm>> -> memref<8x128xi32, #tpu.memory_space<hbm>>
      %dma_wait3A_55 = arith.constant 0 : i32
      %dma_wait3A_56 = arith.constant 0 : i32
      %dma_wait3A_57 = tpu.memref_slice %arg8[%run_scoped3A_7, %dma_wait3A_55, %dma_wait3A_56] : memref<2x8x128xi32, #tpu.memory_space<vmem>> -> memref<1x8x128xi32, #tpu.memory_space<vmem>>
      %dma_wait3A_58 = tpu.memref_squeeze %dma_wait3A_57 : memref<1x8x128xi32, #tpu.memory_space<vmem>> -> memref<8x128xi32, #tpu.memory_space<vmem>>
      %dma_wait3A_59 = arith.constant 0 : i32
      %dma_wait3A_60 = arith.constant 0 : i32
      %dma_wait3A_61 = tpu.memref_slice %arg4[%add3A, %run_scoped3A_6, %dma_wait3A_59, %dma_wait3A_60] : memref<32x10x8x128xi32, #tpu.memory_space<hbm>> -> memref<1x1x8x128xi32, #tpu.memory_space<hbm>>
      %dma_wait3A_62 = tpu.memref_squeeze %dma_wait3A_61 : memref<1x1x8x128xi32, #tpu.memory_space<hbm>> -> memref<8x128xi32, #tpu.memory_space<hbm>>
      tpu.wait_dma2 semaphore(%run_scoped3A_31 : memref<!tpu.dma_semaphore, #tpu.memory_space<semaphore_mem>>) src(%dma_wait3A_62 : memref<8x128xi32, #tpu.memory_space<hbm>>) dst(%dma_wait3A_58 : memref<8x128xi32, #tpu.memory_space<vmem>>)
      tpu.yield
    }) : () -> ()
    %barrier3A = arith.constant 0 : index
    tpu.barrier barrier_id(%barrier3A)
    %dma_start3A = arith.constant 0 : i32
    %dma_start3A_8 = arith.constant 0 : i32
    %dma_start3A_9 = arith.constant 0 : i32
    %dma_start3A_10 = arith.constant 0 : i32
    %dma_start3A_11 = arith.constant 0 : i32
    %dma_start3A_12 = tpu.memref_slice %arg9[%dma_start3A_9, %dma_start3A_10, %dma_start3A_11] : memref<2x128x128xf32, #tpu.memory_space<vmem>> -> memref<1x128x128xf32, #tpu.memory_space<vmem>>
    %dma_start3A_13 = tpu.memref_squeeze %dma_start3A_12 : memref<1x128x128xf32, #tpu.memory_space<vmem>> -> memref<128x128xf32, #tpu.memory_space<vmem>>
    %dma_start3A_14 = arith.constant 0 : i32
    %dma_start3A_15 = tpu.memref_slice %arg7[%dma_start3A, %dma_start3A_8, %dma_start3A_14] : memref<2x8x128xi32, #tpu.memory_space<vmem>> -> memref<1x1x128xi32, #tpu.memory_space<vmem>>
    %dma_start3A_16 = tpu.memref_squeeze %dma_start3A_15 : memref<1x1x128xi32, #tpu.memory_space<vmem>> -> memref<128xi32, #tpu.memory_space<vmem>>
    %dma_start3A_17 = arith.constant 0 : i32
    %dma_start3A_18 = arith.constant 0 : i32
    %dma_start3A_19 = tpu.memref_slice %arg2[%dma_start3A_17, %dma_start3A_18] : memref<10112x128xf32, #tpu.memory_space<hbm>> -> memref<10112x128xf32, #tpu.memory_space<hbm>>
    tpu.enqueue_indirect_dma source(%dma_start3A_19 : memref<10112x128xf32, #tpu.memory_space<hbm>>) target(%dma_start3A_13 : memref<128x128xf32, #tpu.memory_space<vmem>>) offsets(%dma_start3A_16 : memref<128xi32, #tpu.memory_space<vmem>>) semaphore(%arg11 : memref<!tpu.dma_semaphore, #tpu.memory_space<semaphore_mem>>)
    %scan3A = arith.constant 0 : i32
    %scan3A_20 = arith.constant 0 : i32
    %scan3A_21 = arith.constant 10 : i32
    %scan3A_22 = arith.addi %scan3A_20, %scan3A_21 : i32
    %scan3A_23 = arith.constant 1 : i32
    scf.for %scan3A_31 = %scan3A_20 to %scan3A_22 step %scan3A_23  : i32 {
      %jit3A = arith.constant 2 : i32
      %eq3A = arith.constant 0 : i32
      %eq3A_32 = arith.cmpi eq, %jit3A, %eq3A : i32
      %jit3A_33 = arith.constant 1 : i32
      %select_n3A = arith.select %eq3A_32, %jit3A_33, %jit3A : i32
      %rem3A = arith.remsi %scan3A_31, %select_n3A : i32
      %ne3A = arith.constant 0 : i32
      %ne3A_34 = arith.cmpi ne, %rem3A, %ne3A : i32
      %lt3A = arith.constant 0 : i32
      %lt3A_35 = arith.cmpi slt, %rem3A, %lt3A : i32
      %lt3A_36 = arith.constant 0 : i32
      %lt3A_37 = arith.cmpi slt, %select_n3A, %lt3A_36 : i32
      %ne3A_38 = arith.xori %lt3A_35, %lt3A_37 : i1
      %and3A = arith.andi %ne3A_38, %ne3A_34 : i1
      %add3A_39 = arith.addi %rem3A, %select_n3A : i32
      %select_n3A_40 = arith.select %and3A, %add3A_39, %rem3A : i32
      %add3A_41 = arith.constant 1 : i32
      %add3A_42 = arith.addi %scan3A_31, %add3A_41 : i32
      %jit3A_43 = arith.constant 2 : i32
      %eq3A_44 = arith.constant 0 : i32
      %eq3A_45 = arith.cmpi eq, %jit3A_43, %eq3A_44 : i32
      %jit3A_46 = arith.constant 1 : i32
      %select_n3A_47 = arith.select %eq3A_45, %jit3A_46, %jit3A_43 : i32
      %rem3A_48 = arith.remsi %add3A_42, %select_n3A_47 : i32
      %ne3A_49 = arith.constant 0 : i32
      %ne3A_50 = arith.cmpi ne, %rem3A_48, %ne3A_49 : i32
      %lt3A_51 = arith.constant 0 : i32
      %lt3A_52 = arith.cmpi slt, %rem3A_48, %lt3A_51 : i32
      %lt3A_53 = arith.constant 0 : i32
      %lt3A_54 = arith.cmpi slt, %select_n3A_47, %lt3A_53 : i32
      %ne3A_55 = arith.xori %lt3A_52, %lt3A_54 : i1
      %and3A_56 = arith.andi %ne3A_55, %ne3A_50 : i1
      %add3A_57 = arith.addi %rem3A_48, %select_n3A_47 : i32
      %select_n3A_58 = arith.select %and3A_56, %add3A_57, %rem3A_48 : i32
      %lt3A_59 = arith.constant 9 : i32
      %lt3A_60 = arith.cmpi slt, %scan3A_31, %lt3A_59 : i32
      %convert_element_type3A = arith.extui %lt3A_60 : i1 to i32
      %cond3A = arith.constant 0 : i32
      %cond3A_61 = arith.cmpi ne, %convert_element_type3A, %cond3A : i32
      scf.if %cond3A_61 {
        %add3A_262 = arith.constant 1 : i32
        %add3A_263 = arith.addi %scan3A_31, %add3A_262 : i32
        %dma_start3A_264 = arith.constant 0 : i32
        %dma_start3A_265 = arith.constant 0 : i32
        %dma_start3A_266 = tpu.memref_slice %arg7[%select_n3A_58, %dma_start3A_264, %dma_start3A_265] : memref<2x8x128xi32, #tpu.memory_space<vmem>> -> memref<1x8x128xi32, #tpu.memory_space<vmem>>
        %dma_start3A_267 = tpu.memref_squeeze %dma_start3A_266 : memref<1x8x128xi32, #tpu.memory_space<vmem>> -> memref<8x128xi32, #tpu.memory_space<vmem>>
        %dma_start3A_268 = arith.constant 0 : i32
        %dma_start3A_269 = arith.constant 0 : i32
        %dma_start3A_270 = tpu.memref_slice %arg3[%add3A, %add3A_263, %dma_start3A_268, %dma_start3A_269] : memref<32x10x8x128xi32, #tpu.memory_space<hbm>> -> memref<1x1x8x128xi32, #tpu.memory_space<hbm>>
        %dma_start3A_271 = tpu.memref_squeeze %dma_start3A_270 : memref<1x1x8x128xi32, #tpu.memory_space<hbm>> -> memref<8x128xi32, #tpu.memory_space<hbm>>
        %dma_start3A_272 = arith.constant 0 : i32
        %dma_start3A_273 = arith.constant 0 : i32
        %dma_start3A_274 = tpu.memref_slice %arg7[%select_n3A_58, %dma_start3A_272, %dma_start3A_273] : memref<2x8x128xi32, #tpu.memory_space<vmem>> -> memref<1x8x128xi32, #tpu.memory_space<vmem>>
        %dma_start3A_275 = tpu.memref_squeeze %dma_start3A_274 : memref<1x8x128xi32, #tpu.memory_space<vmem>> -> memref<8x128xi32, #tpu.memory_space<vmem>>
        %dma_start3A_276 = arith.constant 0 : i32
        %dma_start3A_277 = arith.constant 0 : i32
        %dma_start3A_278 = tpu.memref_slice %arg3[%add3A, %add3A_263, %dma_start3A_276, %dma_start3A_277] : memref<32x10x8x128xi32, #tpu.memory_space<hbm>> -> memref<1x1x8x128xi32, #tpu.memory_space<hbm>>
        %dma_start3A_279 = tpu.memref_squeeze %dma_start3A_278 : memref<1x1x8x128xi32, #tpu.memory_space<hbm>> -> memref<8x128xi32, #tpu.memory_space<hbm>>
        tpu.enqueue_dma source(%dma_start3A_279 : memref<8x128xi32, #tpu.memory_space<hbm>>) target(%dma_start3A_275 : memref<8x128xi32, #tpu.memory_space<vmem>>) target_semaphore(%arg13 : memref<!tpu.dma_semaphore, #tpu.memory_space<semaphore_mem>>)
        %add3A_280 = arith.constant 1 : i32
        %add3A_281 = arith.addi %scan3A_31, %add3A_280 : i32
        %dma_start3A_282 = arith.constant 0 : i32
        %dma_start3A_283 = arith.constant 0 : i32
        %dma_start3A_284 = tpu.memref_slice %arg8[%select_n3A_58, %dma_start3A_282, %dma_start3A_283] : memref<2x8x128xi32, #tpu.memory_space<vmem>> -> memref<1x8x128xi32, #tpu.memory_space<vmem>>
        %dma_start3A_285 = tpu.memref_squeeze %dma_start3A_284 : memref<1x8x128xi32, #tpu.memory_space<vmem>> -> memref<8x128xi32, #tpu.memory_space<vmem>>
        %dma_start3A_286 = arith.constant 0 : i32
        %dma_start3A_287 = arith.constant 0 : i32
        %dma_start3A_288 = tpu.memref_slice %arg4[%add3A, %add3A_281, %dma_start3A_286, %dma_start3A_287] : memref<32x10x8x128xi32, #tpu.memory_space<hbm>> -> memref<1x1x8x128xi32, #tpu.memory_space<hbm>>
        %dma_start3A_289 = tpu.memref_squeeze %dma_start3A_288 : memref<1x1x8x128xi32, #tpu.memory_space<hbm>> -> memref<8x128xi32, #tpu.memory_space<hbm>>
        %dma_start3A_290 = arith.constant 0 : i32
        %dma_start3A_291 = arith.constant 0 : i32
        %dma_start3A_292 = tpu.memref_slice %arg8[%select_n3A_58, %dma_start3A_290, %dma_start3A_291] : memref<2x8x128xi32, #tpu.memory_space<vmem>> -> memref<1x8x128xi32, #tpu.memory_space<vmem>>
        %dma_start3A_293 = tpu.memref_squeeze %dma_start3A_292 : memref<1x8x128xi32, #tpu.memory_space<vmem>> -> memref<8x128xi32, #tpu.memory_space<vmem>>
        %dma_start3A_294 = arith.constant 0 : i32
        %dma_start3A_295 = arith.constant 0 : i32
        %dma_start3A_296 = tpu.memref_slice %arg4[%add3A, %add3A_281, %dma_start3A_294, %dma_start3A_295] : memref<32x10x8x128xi32, #tpu.memory_space<hbm>> -> memref<1x1x8x128xi32, #tpu.memory_space<hbm>>
        %dma_start3A_297 = tpu.memref_squeeze %dma_start3A_296 : memref<1x1x8x128xi32, #tpu.memory_space<hbm>> -> memref<8x128xi32, #tpu.memory_space<hbm>>
        tpu.enqueue_dma source(%dma_start3A_297 : memref<8x128xi32, #tpu.memory_space<hbm>>) target(%dma_start3A_293 : memref<8x128xi32, #tpu.memory_space<vmem>>) target_semaphore(%arg14 : memref<!tpu.dma_semaphore, #tpu.memory_space<semaphore_mem>>)
      } else {
      }
      %dma_start3A_62 = arith.constant 1 : i32
      %dma_start3A_63 = arith.constant 1 : i32
      %dma_start3A_64 = arith.constant 0 : i32
      %dma_start3A_65 = arith.constant 0 : i32
      %dma_start3A_66 = tpu.memref_slice %arg9[%dma_start3A_63, %dma_start3A_64, %dma_start3A_65] : memref<2x128x128xf32, #tpu.memory_space<vmem>> -> memref<1x128x128xf32, #tpu.memory_space<vmem>>
      %dma_start3A_67 = tpu.memref_squeeze %dma_start3A_66 : memref<1x128x128xf32, #tpu.memory_space<vmem>> -> memref<128x128xf32, #tpu.memory_space<vmem>>
      %dma_start3A_68 = arith.constant 0 : i32
      %dma_start3A_69 = tpu.memref_slice %arg7[%select_n3A_40, %dma_start3A_62, %dma_start3A_68] : memref<2x8x128xi32, #tpu.memory_space<vmem>> -> memref<1x1x128xi32, #tpu.memory_space<vmem>>
      %dma_start3A_70 = tpu.memref_squeeze %dma_start3A_69 : memref<1x1x128xi32, #tpu.memory_space<vmem>> -> memref<128xi32, #tpu.memory_space<vmem>>
      %dma_start3A_71 = arith.constant 0 : i32
      %dma_start3A_72 = arith.constant 0 : i32
      %dma_start3A_73 = tpu.memref_slice %arg2[%dma_start3A_71, %dma_start3A_72] : memref<10112x128xf32, #tpu.memory_space<hbm>> -> memref<10112x128xf32, #tpu.memory_space<hbm>>
      tpu.enqueue_indirect_dma source(%dma_start3A_73 : memref<10112x128xf32, #tpu.memory_space<hbm>>) target(%dma_start3A_67 : memref<128x128xf32, #tpu.memory_space<vmem>>) offsets(%dma_start3A_70 : memref<128xi32, #tpu.memory_space<vmem>>) semaphore(%arg12 : memref<!tpu.dma_semaphore, #tpu.memory_space<semaphore_mem>>)
      %dma_wait3A = arith.constant 0 : i32
      %dma_wait3A_74 = arith.constant 0 : i32
      %dma_wait3A_75 = arith.constant 0 : i32
      %dma_wait3A_76 = arith.constant 0 : i32
      %dma_wait3A_77 = tpu.memref_slice %arg9[%dma_wait3A_74, %dma_wait3A_75, %dma_wait3A_76] : memref<2x128x128xf32, #tpu.memory_space<vmem>> -> memref<1x128x128xf32, #tpu.memory_space<vmem>>
      %dma_wait3A_78 = tpu.memref_squeeze %dma_wait3A_77 : memref<1x128x128xf32, #tpu.memory_space<vmem>> -> memref<128x128xf32, #tpu.memory_space<vmem>>
      %dma_wait3A_79 = arith.constant 0 : i32
      %dma_wait3A_80 = tpu.memref_slice %arg7[%select_n3A_40, %dma_wait3A, %dma_wait3A_79] : memref<2x8x128xi32, #tpu.memory_space<vmem>> -> memref<1x1x128xi32, #tpu.memory_space<vmem>>
      %dma_wait3A_81 = tpu.memref_squeeze %dma_wait3A_80 : memref<1x1x128xi32, #tpu.memory_space<vmem>> -> memref<128xi32, #tpu.memory_space<vmem>>
      %dma_wait3A_82 = arith.constant 0 : i32
      %dma_wait3A_83 = arith.constant 0 : i32
      %dma_wait3A_84 = tpu.memref_slice %arg2[%dma_wait3A_82, %dma_wait3A_83] : memref<10112x128xf32, #tpu.memory_space<hbm>> -> memref<10112x128xf32, #tpu.memory_space<hbm>>
      tpu.wait_indirect_dma semaphore(%arg11 : memref<!tpu.dma_semaphore, #tpu.memory_space<semaphore_mem>>) src(%dma_wait3A_84 : memref<10112x128xf32, #tpu.memory_space<hbm>>) dst(%dma_wait3A_78 : memref<128x128xf32, #tpu.memory_space<vmem>>)
      %run_scoped3A_85 = arith.constant 0 : i32
      %run_scoped3A_86 = arith.constant 0 : i32
      "tpu.region"() ({
        %run_scoped3A_262 = tpu.sem_alloc : memref<!tpu.dma_semaphore, #tpu.memory_space<semaphore_mem>>
        %dma_start3A_263 = arith.constant 0 : i32
        %dma_start3A_264 = arith.constant 0 : i32
        %dma_start3A_265 = tpu.memref_slice %arg9[%run_scoped3A_85, %dma_start3A_263, %dma_start3A_264] : memref<2x128x128xf32, #tpu.memory_space<vmem>> -> memref<1x128x128xf32, #tpu.memory_space<vmem>>
        %dma_start3A_266 = tpu.memref_squeeze %dma_start3A_265 : memref<1x128x128xf32, #tpu.memory_space<vmem>> -> memref<128x128xf32, #tpu.memory_space<vmem>>
        %dma_start3A_267 = arith.constant 0 : i32
        %dma_start3A_268 = tpu.memref_slice %arg8[%select_n3A_40, %run_scoped3A_86, %dma_start3A_267] : memref<2x8x128xi32, #tpu.memory_space<vmem>> -> memref<1x1x128xi32, #tpu.memory_space<vmem>>
        %dma_start3A_269 = tpu.memref_squeeze %dma_start3A_268 : memref<1x1x128xi32, #tpu.memory_space<vmem>> -> memref<128xi32, #tpu.memory_space<vmem>>
        %dma_start3A_270 = arith.constant 0 : i32
        %dma_start3A_271 = arith.constant 0 : i32
        %dma_start3A_272 = tpu.memref_slice %arg10[%dma_start3A_270, %dma_start3A_271] : memref<10112x128xf32, #tpu.memory_space<vmem_shared>> -> memref<10112x128xf32, #tpu.memory_space<vmem_shared>>
        tpu.enqueue_indirect_dma source(%dma_start3A_266 : memref<128x128xf32, #tpu.memory_space<vmem>>) target(%dma_start3A_272 : memref<10112x128xf32, #tpu.memory_space<vmem_shared>>) offsets(%dma_start3A_269 : memref<128xi32, #tpu.memory_space<vmem>>) semaphore(%run_scoped3A_262 : memref<!tpu.dma_semaphore, #tpu.memory_space<semaphore_mem>>) {add = true}
        %dma_wait3A_273 = arith.constant 0 : i32
        %dma_wait3A_274 = arith.constant 0 : i32
        %dma_wait3A_275 = tpu.memref_slice %arg9[%run_scoped3A_85, %dma_wait3A_273, %dma_wait3A_274] : memref<2x128x128xf32, #tpu.memory_space<vmem>> -> memref<1x128x128xf32, #tpu.memory_space<vmem>>
        %dma_wait3A_276 = tpu.memref_squeeze %dma_wait3A_275 : memref<1x128x128xf32, #tpu.memory_space<vmem>> -> memref<128x128xf32, #tpu.memory_space<vmem>>
        %dma_wait3A_277 = arith.constant 0 : i32
        %dma_wait3A_278 = tpu.memref_slice %arg8[%select_n3A_40, %run_scoped3A_86, %dma_wait3A_277] : memref<2x8x128xi32, #tpu.memory_space<vmem>> -> memref<1x1x128xi32, #tpu.memory_space<vmem>>
        %dma_wait3A_279 = tpu.memref_squeeze %dma_wait3A_278 : memref<1x1x128xi32, #tpu.memory_space<vmem>> -> memref<128xi32, #tpu.memory_space<vmem>>
        %dma_wait3A_280 = arith.constant 0 : i32
        %dma_wait3A_281 = arith.constant 0 : i32
        %dma_wait3A_282 = tpu.memref_slice %arg10[%dma_wait3A_280, %dma_wait3A_281] : memref<10112x128xf32, #tpu.memory_space<vmem_shared>> -> memref<10112x128xf32, #tpu.memory_space<vmem_shared>>
        tpu.wait_indirect_dma semaphore(%run_scoped3A_262 : memref<!tpu.dma_semaphore, #tpu.memory_space<semaphore_mem>>) src(%dma_wait3A_276 : memref<128x128xf32, #tpu.memory_space<vmem>>) dst(%dma_wait3A_282 : memref<10112x128xf32, #tpu.memory_space<vmem_shared>>)
        tpu.yield
      }) : () -> ()
      %dma_start3A_87 = arith.constant 2 : i32
      %dma_start3A_88 = arith.constant 0 : i32
      %dma_start3A_89 = arith.constant 0 : i32
      %dma_start3A_90 = arith.constant 0 : i32
      %dma_start3A_91 = tpu.memref_slice %arg9[%dma_start3A_88, %dma_start3A_89, %dma_start3A_90] : memref<2x128x128xf32, #tpu.memory_space<vmem>> -> memref<1x128x128xf32, #tpu.memory_space<vmem>>
      %dma_start3A_92 = tpu.memref_squeeze %dma_start3A_91 : memref<1x128x128xf32, #tpu.memory_space<vmem>> -> memref<128x128xf32, #tpu.memory_space<vmem>>
      %dma_start3A_93 = arith.constant 0 : i32
      %dma_start3A_94 = tpu.memref_slice %arg7[%select_n3A_40, %dma_start3A_87, %dma_start3A_93] : memref<2x8x128xi32, #tpu.memory_space<vmem>> -> memref<1x1x128xi32, #tpu.memory_space<vmem>>
      %dma_start3A_95 = tpu.memref_squeeze %dma_start3A_94 : memref<1x1x128xi32, #tpu.memory_space<vmem>> -> memref<128xi32, #tpu.memory_space<vmem>>
      %dma_start3A_96 = arith.constant 0 : i32
      %dma_start3A_97 = arith.constant 0 : i32
      %dma_start3A_98 = tpu.memref_slice %arg2[%dma_start3A_96, %dma_start3A_97] : memref<10112x128xf32, #tpu.memory_space<hbm>> -> memref<10112x128xf32, #tpu.memory_space<hbm>>
      tpu.enqueue_indirect_dma source(%dma_start3A_98 : memref<10112x128xf32, #tpu.memory_space<hbm>>) target(%dma_start3A_92 : memref<128x128xf32, #tpu.memory_space<vmem>>) offsets(%dma_start3A_95 : memref<128xi32, #tpu.memory_space<vmem>>) semaphore(%arg11 : memref<!tpu.dma_semaphore, #tpu.memory_space<semaphore_mem>>)
      %dma_wait3A_99 = arith.constant 1 : i32
      %dma_wait3A_100 = arith.constant 1 : i32
      %dma_wait3A_101 = arith.constant 0 : i32
      %dma_wait3A_102 = arith.constant 0 : i32
      %dma_wait3A_103 = tpu.memref_slice %arg9[%dma_wait3A_100, %dma_wait3A_101, %dma_wait3A_102] : memref<2x128x128xf32, #tpu.memory_space<vmem>> -> memref<1x128x128xf32, #tpu.memory_space<vmem>>
      %dma_wait3A_104 = tpu.memref_squeeze %dma_wait3A_103 : memref<1x128x128xf32, #tpu.memory_space<vmem>> -> memref<128x128xf32, #tpu.memory_space<vmem>>
      %dma_wait3A_105 = arith.constant 0 : i32
      %dma_wait3A_106 = tpu.memref_slice %arg7[%select_n3A_40, %dma_wait3A_99, %dma_wait3A_105] : memref<2x8x128xi32, #tpu.memory_space<vmem>> -> memref<1x1x128xi32, #tpu.memory_space<vmem>>
      %dma_wait3A_107 = tpu.memref_squeeze %dma_wait3A_106 : memref<1x1x128xi32, #tpu.memory_space<vmem>> -> memref<128xi32, #tpu.memory_space<vmem>>
      %dma_wait3A_108 = arith.constant 0 : i32
      %dma_wait3A_109 = arith.constant 0 : i32
      %dma_wait3A_110 = tpu.memref_slice %arg2[%dma_wait3A_108, %dma_wait3A_109] : memref<10112x128xf32, #tpu.memory_space<hbm>> -> memref<10112x128xf32, #tpu.memory_space<hbm>>
      tpu.wait_indirect_dma semaphore(%arg12 : memref<!tpu.dma_semaphore, #tpu.memory_space<semaphore_mem>>) src(%dma_wait3A_110 : memref<10112x128xf32, #tpu.memory_space<hbm>>) dst(%dma_wait3A_104 : memref<128x128xf32, #tpu.memory_space<vmem>>)
      %run_scoped3A_111 = arith.constant 1 : i32
      %run_scoped3A_112 = arith.constant 1 : i32
      "tpu.region"() ({
        %run_scoped3A_262 = tpu.sem_alloc : memref<!tpu.dma_semaphore, #tpu.memory_space<semaphore_mem>>
        %dma_start3A_263 = arith.constant 0 : i32
        %dma_start3A_264 = arith.constant 0 : i32
        %dma_start3A_265 = tpu.memref_slice %arg9[%run_scoped3A_111, %dma_start3A_263, %dma_start3A_264] : memref<2x128x128xf32, #tpu.memory_space<vmem>> -> memref<1x128x128xf32, #tpu.memory_space<vmem>>
        %dma_start3A_266 = tpu.memref_squeeze %dma_start3A_265 : memref<1x128x128xf32, #tpu.memory_space<vmem>> -> memref<128x128xf32, #tpu.memory_space<vmem>>
        %dma_start3A_267 = arith.constant 0 : i32
        %dma_start3A_268 = tpu.memref_slice %arg8[%select_n3A_40, %run_scoped3A_112, %dma_start3A_267] : memref<2x8x128xi32, #tpu.memory_space<vmem>> -> memref<1x1x128xi32, #tpu.memory_space<vmem>>
        %dma_start3A_269 = tpu.memref_squeeze %dma_start3A_268 : memref<1x1x128xi32, #tpu.memory_space<vmem>> -> memref<128xi32, #tpu.memory_space<vmem>>
        %dma_start3A_270 = arith.constant 0 : i32
        %dma_start3A_271 = arith.constant 0 : i32
        %dma_start3A_272 = tpu.memref_slice %arg10[%dma_start3A_270, %dma_start3A_271] : memref<10112x128xf32, #tpu.memory_space<vmem_shared>> -> memref<10112x128xf32, #tpu.memory_space<vmem_shared>>
        tpu.enqueue_indirect_dma source(%dma_start3A_266 : memref<128x128xf32, #tpu.memory_space<vmem>>) target(%dma_start3A_272 : memref<10112x128xf32, #tpu.memory_space<vmem_shared>>) offsets(%dma_start3A_269 : memref<128xi32, #tpu.memory_space<vmem>>) semaphore(%run_scoped3A_262 : memref<!tpu.dma_semaphore, #tpu.memory_space<semaphore_mem>>) {add = true}
        %dma_wait3A_273 = arith.constant 0 : i32
        %dma_wait3A_274 = arith.constant 0 : i32
        %dma_wait3A_275 = tpu.memref_slice %arg9[%run_scoped3A_111, %dma_wait3A_273, %dma_wait3A_274] : memref<2x128x128xf32, #tpu.memory_space<vmem>> -> memref<1x128x128xf32, #tpu.memory_space<vmem>>
        %dma_wait3A_276 = tpu.memref_squeeze %dma_wait3A_275 : memref<1x128x128xf32, #tpu.memory_space<vmem>> -> memref<128x128xf32, #tpu.memory_space<vmem>>
        %dma_wait3A_277 = arith.constant 0 : i32
        %dma_wait3A_278 = tpu.memref_slice %arg8[%select_n3A_40, %run_scoped3A_112, %dma_wait3A_277] : memref<2x8x128xi32, #tpu.memory_space<vmem>> -> memref<1x1x128xi32, #tpu.memory_space<vmem>>
        %dma_wait3A_279 = tpu.memref_squeeze %dma_wait3A_278 : memref<1x1x128xi32, #tpu.memory_space<vmem>> -> memref<128xi32, #tpu.memory_space<vmem>>
        %dma_wait3A_280 = arith.constant 0 : i32
        %dma_wait3A_281 = arith.constant 0 : i32
        %dma_wait3A_282 = tpu.memref_slice %arg10[%dma_wait3A_280, %dma_wait3A_281] : memref<10112x128xf32, #tpu.memory_space<vmem_shared>> -> memref<10112x128xf32, #tpu.memory_space<vmem_shared>>
        tpu.wait_indirect_dma semaphore(%run_scoped3A_262 : memref<!tpu.dma_semaphore, #tpu.memory_space<semaphore_mem>>) src(%dma_wait3A_276 : memref<128x128xf32, #tpu.memory_space<vmem>>) dst(%dma_wait3A_282 : memref<10112x128xf32, #tpu.memory_space<vmem_shared>>)
        tpu.yield
      }) : () -> ()
      %dma_start3A_113 = arith.constant 3 : i32
      %dma_start3A_114 = arith.constant 1 : i32
      %dma_start3A_115 = arith.constant 0 : i32
      %dma_start3A_116 = arith.constant 0 : i32
      %dma_start3A_117 = tpu.memref_slice %arg9[%dma_start3A_114, %dma_start3A_115, %dma_start3A_116] : memref<2x128x128xf32, #tpu.memory_space<vmem>> -> memref<1x128x128xf32, #tpu.memory_space<vmem>>
      %dma_start3A_118 = tpu.memref_squeeze %dma_start3A_117 : memref<1x128x128xf32, #tpu.memory_space<vmem>> -> memref<128x128xf32, #tpu.memory_space<vmem>>
      %dma_start3A_119 = arith.constant 0 : i32
      %dma_start3A_120 = tpu.memref_slice %arg7[%select_n3A_40, %dma_start3A_113, %dma_start3A_119] : memref<2x8x128xi32, #tpu.memory_space<vmem>> -> memref<1x1x128xi32, #tpu.memory_space<vmem>>
      %dma_start3A_121 = tpu.memref_squeeze %dma_start3A_120 : memref<1x1x128xi32, #tpu.memory_space<vmem>> -> memref<128xi32, #tpu.memory_space<vmem>>
      %dma_start3A_122 = arith.constant 0 : i32
      %dma_start3A_123 = arith.constant 0 : i32
      %dma_start3A_124 = tpu.memref_slice %arg2[%dma_start3A_122, %dma_start3A_123] : memref<10112x128xf32, #tpu.memory_space<hbm>> -> memref<10112x128xf32, #tpu.memory_space<hbm>>
      tpu.enqueue_indirect_dma source(%dma_start3A_124 : memref<10112x128xf32, #tpu.memory_space<hbm>>) target(%dma_start3A_118 : memref<128x128xf32, #tpu.memory_space<vmem>>) offsets(%dma_start3A_121 : memref<128xi32, #tpu.memory_space<vmem>>) semaphore(%arg12 : memref<!tpu.dma_semaphore, #tpu.memory_space<semaphore_mem>>)
      %dma_wait3A_125 = arith.constant 2 : i32
      %dma_wait3A_126 = arith.constant 0 : i32
      %dma_wait3A_127 = arith.constant 0 : i32
      %dma_wait3A_128 = arith.constant 0 : i32
      %dma_wait3A_129 = tpu.memref_slice %arg9[%dma_wait3A_126, %dma_wait3A_127, %dma_wait3A_128] : memref<2x128x128xf32, #tpu.memory_space<vmem>> -> memref<1x128x128xf32, #tpu.memory_space<vmem>>
      %dma_wait3A_130 = tpu.memref_squeeze %dma_wait3A_129 : memref<1x128x128xf32, #tpu.memory_space<vmem>> -> memref<128x128xf32, #tpu.memory_space<vmem>>
      %dma_wait3A_131 = arith.constant 0 : i32
      %dma_wait3A_132 = tpu.memref_slice %arg7[%select_n3A_40, %dma_wait3A_125, %dma_wait3A_131] : memref<2x8x128xi32, #tpu.memory_space<vmem>> -> memref<1x1x128xi32, #tpu.memory_space<vmem>>
      %dma_wait3A_133 = tpu.memref_squeeze %dma_wait3A_132 : memref<1x1x128xi32, #tpu.memory_space<vmem>> -> memref<128xi32, #tpu.memory_space<vmem>>
      %dma_wait3A_134 = arith.constant 0 : i32
      %dma_wait3A_135 = arith.constant 0 : i32
      %dma_wait3A_136 = tpu.memref_slice %arg2[%dma_wait3A_134, %dma_wait3A_135] : memref<10112x128xf32, #tpu.memory_space<hbm>> -> memref<10112x128xf32, #tpu.memory_space<hbm>>
      tpu.wait_indirect_dma semaphore(%arg11 : memref<!tpu.dma_semaphore, #tpu.memory_space<semaphore_mem>>) src(%dma_wait3A_136 : memref<10112x128xf32, #tpu.memory_space<hbm>>) dst(%dma_wait3A_130 : memref<128x128xf32, #tpu.memory_space<vmem>>)
      %run_scoped3A_137 = arith.constant 0 : i32
      %run_scoped3A_138 = arith.constant 2 : i32
      "tpu.region"() ({
        %run_scoped3A_262 = tpu.sem_alloc : memref<!tpu.dma_semaphore, #tpu.memory_space<semaphore_mem>>
        %dma_start3A_263 = arith.constant 0 : i32
        %dma_start3A_264 = arith.constant 0 : i32
        %dma_start3A_265 = tpu.memref_slice %arg9[%run_scoped3A_137, %dma_start3A_263, %dma_start3A_264] : memref<2x128x128xf32, #tpu.memory_space<vmem>> -> memref<1x128x128xf32, #tpu.memory_space<vmem>>
        %dma_start3A_266 = tpu.memref_squeeze %dma_start3A_265 : memref<1x128x128xf32, #tpu.memory_space<vmem>> -> memref<128x128xf32, #tpu.memory_space<vmem>>
        %dma_start3A_267 = arith.constant 0 : i32
        %dma_start3A_268 = tpu.memref_slice %arg8[%select_n3A_40, %run_scoped3A_138, %dma_start3A_267] : memref<2x8x128xi32, #tpu.memory_space<vmem>> -> memref<1x1x128xi32, #tpu.memory_space<vmem>>
        %dma_start3A_269 = tpu.memref_squeeze %dma_start3A_268 : memref<1x1x128xi32, #tpu.memory_space<vmem>> -> memref<128xi32, #tpu.memory_space<vmem>>
        %dma_start3A_270 = arith.constant 0 : i32
        %dma_start3A_271 = arith.constant 0 : i32
        %dma_start3A_272 = tpu.memref_slice %arg10[%dma_start3A_270, %dma_start3A_271] : memref<10112x128xf32, #tpu.memory_space<vmem_shared>> -> memref<10112x128xf32, #tpu.memory_space<vmem_shared>>
        tpu.enqueue_indirect_dma source(%dma_start3A_266 : memref<128x128xf32, #tpu.memory_space<vmem>>) target(%dma_start3A_272 : memref<10112x128xf32, #tpu.memory_space<vmem_shared>>) offsets(%dma_start3A_269 : memref<128xi32, #tpu.memory_space<vmem>>) semaphore(%run_scoped3A_262 : memref<!tpu.dma_semaphore, #tpu.memory_space<semaphore_mem>>) {add = true}
        %dma_wait3A_273 = arith.constant 0 : i32
        %dma_wait3A_274 = arith.constant 0 : i32
        %dma_wait3A_275 = tpu.memref_slice %arg9[%run_scoped3A_137, %dma_wait3A_273, %dma_wait3A_274] : memref<2x128x128xf32, #tpu.memory_space<vmem>> -> memref<1x128x128xf32, #tpu.memory_space<vmem>>
        %dma_wait3A_276 = tpu.memref_squeeze %dma_wait3A_275 : memref<1x128x128xf32, #tpu.memory_space<vmem>> -> memref<128x128xf32, #tpu.memory_space<vmem>>
        %dma_wait3A_277 = arith.constant 0 : i32
        %dma_wait3A_278 = tpu.memref_slice %arg8[%select_n3A_40, %run_scoped3A_138, %dma_wait3A_277] : memref<2x8x128xi32, #tpu.memory_space<vmem>> -> memref<1x1x128xi32, #tpu.memory_space<vmem>>
        %dma_wait3A_279 = tpu.memref_squeeze %dma_wait3A_278 : memref<1x1x128xi32, #tpu.memory_space<vmem>> -> memref<128xi32, #tpu.memory_space<vmem>>
        %dma_wait3A_280 = arith.constant 0 : i32
        %dma_wait3A_281 = arith.constant 0 : i32
        %dma_wait3A_282 = tpu.memref_slice %arg10[%dma_wait3A_280, %dma_wait3A_281] : memref<10112x128xf32, #tpu.memory_space<vmem_shared>> -> memref<10112x128xf32, #tpu.memory_space<vmem_shared>>
        tpu.wait_indirect_dma semaphore(%run_scoped3A_262 : memref<!tpu.dma_semaphore, #tpu.memory_space<semaphore_mem>>) src(%dma_wait3A_276 : memref<128x128xf32, #tpu.memory_space<vmem>>) dst(%dma_wait3A_282 : memref<10112x128xf32, #tpu.memory_space<vmem_shared>>)
        tpu.yield
      }) : () -> ()
      %dma_start3A_139 = arith.constant 4 : i32
      %dma_start3A_140 = arith.constant 0 : i32
      %dma_start3A_141 = arith.constant 0 : i32
      %dma_start3A_142 = arith.constant 0 : i32
      %dma_start3A_143 = tpu.memref_slice %arg9[%dma_start3A_140, %dma_start3A_141, %dma_start3A_142] : memref<2x128x128xf32, #tpu.memory_space<vmem>> -> memref<1x128x128xf32, #tpu.memory_space<vmem>>
      %dma_start3A_144 = tpu.memref_squeeze %dma_start3A_143 : memref<1x128x128xf32, #tpu.memory_space<vmem>> -> memref<128x128xf32, #tpu.memory_space<vmem>>
      %dma_start3A_145 = arith.constant 0 : i32
      %dma_start3A_146 = tpu.memref_slice %arg7[%select_n3A_40, %dma_start3A_139, %dma_start3A_145] : memref<2x8x128xi32, #tpu.memory_space<vmem>> -> memref<1x1x128xi32, #tpu.memory_space<vmem>>
      %dma_start3A_147 = tpu.memref_squeeze %dma_start3A_146 : memref<1x1x128xi32, #tpu.memory_space<vmem>> -> memref<128xi32, #tpu.memory_space<vmem>>
      %dma_start3A_148 = arith.constant 0 : i32
      %dma_start3A_149 = arith.constant 0 : i32
      %dma_start3A_150 = tpu.memref_slice %arg2[%dma_start3A_148, %dma_start3A_149] : memref<10112x128xf32, #tpu.memory_space<hbm>> -> memref<10112x128xf32, #tpu.memory_space<hbm>>
      tpu.enqueue_indirect_dma source(%dma_start3A_150 : memref<10112x128xf32, #tpu.memory_space<hbm>>) target(%dma_start3A_144 : memref<128x128xf32, #tpu.memory_space<vmem>>) offsets(%dma_start3A_147 : memref<128xi32, #tpu.memory_space<vmem>>) semaphore(%arg11 : memref<!tpu.dma_semaphore, #tpu.memory_space<semaphore_mem>>)
      %dma_wait3A_151 = arith.constant 3 : i32
      %dma_wait3A_152 = arith.constant 1 : i32
      %dma_wait3A_153 = arith.constant 0 : i32
      %dma_wait3A_154 = arith.constant 0 : i32
      %dma_wait3A_155 = tpu.memref_slice %arg9[%dma_wait3A_152, %dma_wait3A_153, %dma_wait3A_154] : memref<2x128x128xf32, #tpu.memory_space<vmem>> -> memref<1x128x128xf32, #tpu.memory_space<vmem>>
      %dma_wait3A_156 = tpu.memref_squeeze %dma_wait3A_155 : memref<1x128x128xf32, #tpu.memory_space<vmem>> -> memref<128x128xf32, #tpu.memory_space<vmem>>
      %dma_wait3A_157 = arith.constant 0 : i32
      %dma_wait3A_158 = tpu.memref_slice %arg7[%select_n3A_40, %dma_wait3A_151, %dma_wait3A_157] : memref<2x8x128xi32, #tpu.memory_space<vmem>> -> memref<1x1x128xi32, #tpu.memory_space<vmem>>
      %dma_wait3A_159 = tpu.memref_squeeze %dma_wait3A_158 : memref<1x1x128xi32, #tpu.memory_space<vmem>> -> memref<128xi32, #tpu.memory_space<vmem>>
      %dma_wait3A_160 = arith.constant 0 : i32
      %dma_wait3A_161 = arith.constant 0 : i32
      %dma_wait3A_162 = tpu.memref_slice %arg2[%dma_wait3A_160, %dma_wait3A_161] : memref<10112x128xf32, #tpu.memory_space<hbm>> -> memref<10112x128xf32, #tpu.memory_space<hbm>>
      tpu.wait_indirect_dma semaphore(%arg12 : memref<!tpu.dma_semaphore, #tpu.memory_space<semaphore_mem>>) src(%dma_wait3A_162 : memref<10112x128xf32, #tpu.memory_space<hbm>>) dst(%dma_wait3A_156 : memref<128x128xf32, #tpu.memory_space<vmem>>)
      %run_scoped3A_163 = arith.constant 1 : i32
      %run_scoped3A_164 = arith.constant 3 : i32
      "tpu.region"() ({
        %run_scoped3A_262 = tpu.sem_alloc : memref<!tpu.dma_semaphore, #tpu.memory_space<semaphore_mem>>
        %dma_start3A_263 = arith.constant 0 : i32
        %dma_start3A_264 = arith.constant 0 : i32
        %dma_start3A_265 = tpu.memref_slice %arg9[%run_scoped3A_163, %dma_start3A_263, %dma_start3A_264] : memref<2x128x128xf32, #tpu.memory_space<vmem>> -> memref<1x128x128xf32, #tpu.memory_space<vmem>>
        %dma_start3A_266 = tpu.memref_squeeze %dma_start3A_265 : memref<1x128x128xf32, #tpu.memory_space<vmem>> -> memref<128x128xf32, #tpu.memory_space<vmem>>
        %dma_start3A_267 = arith.constant 0 : i32
        %dma_start3A_268 = tpu.memref_slice %arg8[%select_n3A_40, %run_scoped3A_164, %dma_start3A_267] : memref<2x8x128xi32, #tpu.memory_space<vmem>> -> memref<1x1x128xi32, #tpu.memory_space<vmem>>
        %dma_start3A_269 = tpu.memref_squeeze %dma_start3A_268 : memref<1x1x128xi32, #tpu.memory_space<vmem>> -> memref<128xi32, #tpu.memory_space<vmem>>
        %dma_start3A_270 = arith.constant 0 : i32
        %dma_start3A_271 = arith.constant 0 : i32
        %dma_start3A_272 = tpu.memref_slice %arg10[%dma_start3A_270, %dma_start3A_271] : memref<10112x128xf32, #tpu.memory_space<vmem_shared>> -> memref<10112x128xf32, #tpu.memory_space<vmem_shared>>
        tpu.enqueue_indirect_dma source(%dma_start3A_266 : memref<128x128xf32, #tpu.memory_space<vmem>>) target(%dma_start3A_272 : memref<10112x128xf32, #tpu.memory_space<vmem_shared>>) offsets(%dma_start3A_269 : memref<128xi32, #tpu.memory_space<vmem>>) semaphore(%run_scoped3A_262 : memref<!tpu.dma_semaphore, #tpu.memory_space<semaphore_mem>>) {add = true}
        %dma_wait3A_273 = arith.constant 0 : i32
        %dma_wait3A_274 = arith.constant 0 : i32
        %dma_wait3A_275 = tpu.memref_slice %arg9[%run_scoped3A_163, %dma_wait3A_273, %dma_wait3A_274] : memref<2x128x128xf32, #tpu.memory_space<vmem>> -> memref<1x128x128xf32, #tpu.memory_space<vmem>>
        %dma_wait3A_276 = tpu.memref_squeeze %dma_wait3A_275 : memref<1x128x128xf32, #tpu.memory_space<vmem>> -> memref<128x128xf32, #tpu.memory_space<vmem>>
        %dma_wait3A_277 = arith.constant 0 : i32
        %dma_wait3A_278 = tpu.memref_slice %arg8[%select_n3A_40, %run_scoped3A_164, %dma_wait3A_277] : memref<2x8x128xi32, #tpu.memory_space<vmem>> -> memref<1x1x128xi32, #tpu.memory_space<vmem>>
        %dma_wait3A_279 = tpu.memref_squeeze %dma_wait3A_278 : memref<1x1x128xi32, #tpu.memory_space<vmem>> -> memref<128xi32, #tpu.memory_space<vmem>>
        %dma_wait3A_280 = arith.constant 0 : i32
        %dma_wait3A_281 = arith.constant 0 : i32
        %dma_wait3A_282 = tpu.memref_slice %arg10[%dma_wait3A_280, %dma_wait3A_281] : memref<10112x128xf32, #tpu.memory_space<vmem_shared>> -> memref<10112x128xf32, #tpu.memory_space<vmem_shared>>
        tpu.wait_indirect_dma semaphore(%run_scoped3A_262 : memref<!tpu.dma_semaphore, #tpu.memory_space<semaphore_mem>>) src(%dma_wait3A_276 : memref<128x128xf32, #tpu.memory_space<vmem>>) dst(%dma_wait3A_282 : memref<10112x128xf32, #tpu.memory_space<vmem_shared>>)
        tpu.yield
      }) : () -> ()
      %dma_start3A_165 = arith.constant 5 : i32
      %dma_start3A_166 = arith.constant 1 : i32
      %dma_start3A_167 = arith.constant 0 : i32
      %dma_start3A_168 = arith.constant 0 : i32
      %dma_start3A_169 = tpu.memref_slice %arg9[%dma_start3A_166, %dma_start3A_167, %dma_start3A_168] : memref<2x128x128xf32, #tpu.memory_space<vmem>> -> memref<1x128x128xf32, #tpu.memory_space<vmem>>
      %dma_start3A_170 = tpu.memref_squeeze %dma_start3A_169 : memref<1x128x128xf32, #tpu.memory_space<vmem>> -> memref<128x128xf32, #tpu.memory_space<vmem>>
      %dma_start3A_171 = arith.constant 0 : i32
      %dma_start3A_172 = tpu.memref_slice %arg7[%select_n3A_40, %dma_start3A_165, %dma_start3A_171] : memref<2x8x128xi32, #tpu.memory_space<vmem>> -> memref<1x1x128xi32, #tpu.memory_space<vmem>>
      %dma_start3A_173 = tpu.memref_squeeze %dma_start3A_172 : memref<1x1x128xi32, #tpu.memory_space<vmem>> -> memref<128xi32, #tpu.memory_space<vmem>>
      %dma_start3A_174 = arith.constant 0 : i32
      %dma_start3A_175 = arith.constant 0 : i32
      %dma_start3A_176 = tpu.memref_slice %arg2[%dma_start3A_174, %dma_start3A_175] : memref<10112x128xf32, #tpu.memory_space<hbm>> -> memref<10112x128xf32, #tpu.memory_space<hbm>>
      tpu.enqueue_indirect_dma source(%dma_start3A_176 : memref<10112x128xf32, #tpu.memory_space<hbm>>) target(%dma_start3A_170 : memref<128x128xf32, #tpu.memory_space<vmem>>) offsets(%dma_start3A_173 : memref<128xi32, #tpu.memory_space<vmem>>) semaphore(%arg12 : memref<!tpu.dma_semaphore, #tpu.memory_space<semaphore_mem>>)
      %dma_wait3A_177 = arith.constant 4 : i32
      %dma_wait3A_178 = arith.constant 0 : i32
      %dma_wait3A_179 = arith.constant 0 : i32
      %dma_wait3A_180 = arith.constant 0 : i32
      %dma_wait3A_181 = tpu.memref_slice %arg9[%dma_wait3A_178, %dma_wait3A_179, %dma_wait3A_180] : memref<2x128x128xf32, #tpu.memory_space<vmem>> -> memref<1x128x128xf32, #tpu.memory_space<vmem>>
      %dma_wait3A_182 = tpu.memref_squeeze %dma_wait3A_181 : memref<1x128x128xf32, #tpu.memory_space<vmem>> -> memref<128x128xf32, #tpu.memory_space<vmem>>
      %dma_wait3A_183 = arith.constant 0 : i32
      %dma_wait3A_184 = tpu.memref_slice %arg7[%select_n3A_40, %dma_wait3A_177, %dma_wait3A_183] : memref<2x8x128xi32, #tpu.memory_space<vmem>> -> memref<1x1x128xi32, #tpu.memory_space<vmem>>
      %dma_wait3A_185 = tpu.memref_squeeze %dma_wait3A_184 : memref<1x1x128xi32, #tpu.memory_space<vmem>> -> memref<128xi32, #tpu.memory_space<vmem>>
      %dma_wait3A_186 = arith.constant 0 : i32
      %dma_wait3A_187 = arith.constant 0 : i32
      %dma_wait3A_188 = tpu.memref_slice %arg2[%dma_wait3A_186, %dma_wait3A_187] : memref<10112x128xf32, #tpu.memory_space<hbm>> -> memref<10112x128xf32, #tpu.memory_space<hbm>>
      tpu.wait_indirect_dma semaphore(%arg11 : memref<!tpu.dma_semaphore, #tpu.memory_space<semaphore_mem>>) src(%dma_wait3A_188 : memref<10112x128xf32, #tpu.memory_space<hbm>>) dst(%dma_wait3A_182 : memref<128x128xf32, #tpu.memory_space<vmem>>)
      %run_scoped3A_189 = arith.constant 0 : i32
      %run_scoped3A_190 = arith.constant 4 : i32
      "tpu.region"() ({
        %run_scoped3A_262 = tpu.sem_alloc : memref<!tpu.dma_semaphore, #tpu.memory_space<semaphore_mem>>
        %dma_start3A_263 = arith.constant 0 : i32
        %dma_start3A_264 = arith.constant 0 : i32
        %dma_start3A_265 = tpu.memref_slice %arg9[%run_scoped3A_189, %dma_start3A_263, %dma_start3A_264] : memref<2x128x128xf32, #tpu.memory_space<vmem>> -> memref<1x128x128xf32, #tpu.memory_space<vmem>>
        %dma_start3A_266 = tpu.memref_squeeze %dma_start3A_265 : memref<1x128x128xf32, #tpu.memory_space<vmem>> -> memref<128x128xf32, #tpu.memory_space<vmem>>
        %dma_start3A_267 = arith.constant 0 : i32
        %dma_start3A_268 = tpu.memref_slice %arg8[%select_n3A_40, %run_scoped3A_190, %dma_start3A_267] : memref<2x8x128xi32, #tpu.memory_space<vmem>> -> memref<1x1x128xi32, #tpu.memory_space<vmem>>
        %dma_start3A_269 = tpu.memref_squeeze %dma_start3A_268 : memref<1x1x128xi32, #tpu.memory_space<vmem>> -> memref<128xi32, #tpu.memory_space<vmem>>
        %dma_start3A_270 = arith.constant 0 : i32
        %dma_start3A_271 = arith.constant 0 : i32
        %dma_start3A_272 = tpu.memref_slice %arg10[%dma_start3A_270, %dma_start3A_271] : memref<10112x128xf32, #tpu.memory_space<vmem_shared>> -> memref<10112x128xf32, #tpu.memory_space<vmem_shared>>
        tpu.enqueue_indirect_dma source(%dma_start3A_266 : memref<128x128xf32, #tpu.memory_space<vmem>>) target(%dma_start3A_272 : memref<10112x128xf32, #tpu.memory_space<vmem_shared>>) offsets(%dma_start3A_269 : memref<128xi32, #tpu.memory_space<vmem>>) semaphore(%run_scoped3A_262 : memref<!tpu.dma_semaphore, #tpu.memory_space<semaphore_mem>>) {add = true}
        %dma_wait3A_273 = arith.constant 0 : i32
        %dma_wait3A_274 = arith.constant 0 : i32
        %dma_wait3A_275 = tpu.memref_slice %arg9[%run_scoped3A_189, %dma_wait3A_273, %dma_wait3A_274] : memref<2x128x128xf32, #tpu.memory_space<vmem>> -> memref<1x128x128xf32, #tpu.memory_space<vmem>>
        %dma_wait3A_276 = tpu.memref_squeeze %dma_wait3A_275 : memref<1x128x128xf32, #tpu.memory_space<vmem>> -> memref<128x128xf32, #tpu.memory_space<vmem>>
        %dma_wait3A_277 = arith.constant 0 : i32
        %dma_wait3A_278 = tpu.memref_slice %arg8[%select_n3A_40, %run_scoped3A_190, %dma_wait3A_277] : memref<2x8x128xi32, #tpu.memory_space<vmem>> -> memref<1x1x128xi32, #tpu.memory_space<vmem>>
        %dma_wait3A_279 = tpu.memref_squeeze %dma_wait3A_278 : memref<1x1x128xi32, #tpu.memory_space<vmem>> -> memref<128xi32, #tpu.memory_space<vmem>>
        %dma_wait3A_280 = arith.constant 0 : i32
        %dma_wait3A_281 = arith.constant 0 : i32
        %dma_wait3A_282 = tpu.memref_slice %arg10[%dma_wait3A_280, %dma_wait3A_281] : memref<10112x128xf32, #tpu.memory_space<vmem_shared>> -> memref<10112x128xf32, #tpu.memory_space<vmem_shared>>
        tpu.wait_indirect_dma semaphore(%run_scoped3A_262 : memref<!tpu.dma_semaphore, #tpu.memory_space<semaphore_mem>>) src(%dma_wait3A_276 : memref<128x128xf32, #tpu.memory_space<vmem>>) dst(%dma_wait3A_282 : memref<10112x128xf32, #tpu.memory_space<vmem_shared>>)
        tpu.yield
      }) : () -> ()
      %dma_start3A_191 = arith.constant 6 : i32
      %dma_start3A_192 = arith.constant 0 : i32
      %dma_start3A_193 = arith.constant 0 : i32
      %dma_start3A_194 = arith.constant 0 : i32
      %dma_start3A_195 = tpu.memref_slice %arg9[%dma_start3A_192, %dma_start3A_193, %dma_start3A_194] : memref<2x128x128xf32, #tpu.memory_space<vmem>> -> memref<1x128x128xf32, #tpu.memory_space<vmem>>
      %dma_start3A_196 = tpu.memref_squeeze %dma_start3A_195 : memref<1x128x128xf32, #tpu.memory_space<vmem>> -> memref<128x128xf32, #tpu.memory_space<vmem>>
      %dma_start3A_197 = arith.constant 0 : i32
      %dma_start3A_198 = tpu.memref_slice %arg7[%select_n3A_40, %dma_start3A_191, %dma_start3A_197] : memref<2x8x128xi32, #tpu.memory_space<vmem>> -> memref<1x1x128xi32, #tpu.memory_space<vmem>>
      %dma_start3A_199 = tpu.memref_squeeze %dma_start3A_198 : memref<1x1x128xi32, #tpu.memory_space<vmem>> -> memref<128xi32, #tpu.memory_space<vmem>>
      %dma_start3A_200 = arith.constant 0 : i32
      %dma_start3A_201 = arith.constant 0 : i32
      %dma_start3A_202 = tpu.memref_slice %arg2[%dma_start3A_200, %dma_start3A_201] : memref<10112x128xf32, #tpu.memory_space<hbm>> -> memref<10112x128xf32, #tpu.memory_space<hbm>>
      tpu.enqueue_indirect_dma source(%dma_start3A_202 : memref<10112x128xf32, #tpu.memory_space<hbm>>) target(%dma_start3A_196 : memref<128x128xf32, #tpu.memory_space<vmem>>) offsets(%dma_start3A_199 : memref<128xi32, #tpu.memory_space<vmem>>) semaphore(%arg11 : memref<!tpu.dma_semaphore, #tpu.memory_space<semaphore_mem>>)
      %dma_wait3A_203 = arith.constant 5 : i32
      %dma_wait3A_204 = arith.constant 1 : i32
      %dma_wait3A_205 = arith.constant 0 : i32
      %dma_wait3A_206 = arith.constant 0 : i32
      %dma_wait3A_207 = tpu.memref_slice %arg9[%dma_wait3A_204, %dma_wait3A_205, %dma_wait3A_206] : memref<2x128x128xf32, #tpu.memory_space<vmem>> -> memref<1x128x128xf32, #tpu.memory_space<vmem>>
      %dma_wait3A_208 = tpu.memref_squeeze %dma_wait3A_207 : memref<1x128x128xf32, #tpu.memory_space<vmem>> -> memref<128x128xf32, #tpu.memory_space<vmem>>
      %dma_wait3A_209 = arith.constant 0 : i32
      %dma_wait3A_210 = tpu.memref_slice %arg7[%select_n3A_40, %dma_wait3A_203, %dma_wait3A_209] : memref<2x8x128xi32, #tpu.memory_space<vmem>> -> memref<1x1x128xi32, #tpu.memory_space<vmem>>
      %dma_wait3A_211 = tpu.memref_squeeze %dma_wait3A_210 : memref<1x1x128xi32, #tpu.memory_space<vmem>> -> memref<128xi32, #tpu.memory_space<vmem>>
      %dma_wait3A_212 = arith.constant 0 : i32
      %dma_wait3A_213 = arith.constant 0 : i32
      %dma_wait3A_214 = tpu.memref_slice %arg2[%dma_wait3A_212, %dma_wait3A_213] : memref<10112x128xf32, #tpu.memory_space<hbm>> -> memref<10112x128xf32, #tpu.memory_space<hbm>>
      tpu.wait_indirect_dma semaphore(%arg12 : memref<!tpu.dma_semaphore, #tpu.memory_space<semaphore_mem>>) src(%dma_wait3A_214 : memref<10112x128xf32, #tpu.memory_space<hbm>>) dst(%dma_wait3A_208 : memref<128x128xf32, #tpu.memory_space<vmem>>)
      %run_scoped3A_215 = arith.constant 1 : i32
      %run_scoped3A_216 = arith.constant 5 : i32
      "tpu.region"() ({
        %run_scoped3A_262 = tpu.sem_alloc : memref<!tpu.dma_semaphore, #tpu.memory_space<semaphore_mem>>
        %dma_start3A_263 = arith.constant 0 : i32
        %dma_start3A_264 = arith.constant 0 : i32
        %dma_start3A_265 = tpu.memref_slice %arg9[%run_scoped3A_215, %dma_start3A_263, %dma_start3A_264] : memref<2x128x128xf32, #tpu.memory_space<vmem>> -> memref<1x128x128xf32, #tpu.memory_space<vmem>>
        %dma_start3A_266 = tpu.memref_squeeze %dma_start3A_265 : memref<1x128x128xf32, #tpu.memory_space<vmem>> -> memref<128x128xf32, #tpu.memory_space<vmem>>
        %dma_start3A_267 = arith.constant 0 : i32
        %dma_start3A_268 = tpu.memref_slice %arg8[%select_n3A_40, %run_scoped3A_216, %dma_start3A_267] : memref<2x8x128xi32, #tpu.memory_space<vmem>> -> memref<1x1x128xi32, #tpu.memory_space<vmem>>
        %dma_start3A_269 = tpu.memref_squeeze %dma_start3A_268 : memref<1x1x128xi32, #tpu.memory_space<vmem>> -> memref<128xi32, #tpu.memory_space<vmem>>
        %dma_start3A_270 = arith.constant 0 : i32
        %dma_start3A_271 = arith.constant 0 : i32
        %dma_start3A_272 = tpu.memref_slice %arg10[%dma_start3A_270, %dma_start3A_271] : memref<10112x128xf32, #tpu.memory_space<vmem_shared>> -> memref<10112x128xf32, #tpu.memory_space<vmem_shared>>
        tpu.enqueue_indirect_dma source(%dma_start3A_266 : memref<128x128xf32, #tpu.memory_space<vmem>>) target(%dma_start3A_272 : memref<10112x128xf32, #tpu.memory_space<vmem_shared>>) offsets(%dma_start3A_269 : memref<128xi32, #tpu.memory_space<vmem>>) semaphore(%run_scoped3A_262 : memref<!tpu.dma_semaphore, #tpu.memory_space<semaphore_mem>>) {add = true}
        %dma_wait3A_273 = arith.constant 0 : i32
        %dma_wait3A_274 = arith.constant 0 : i32
        %dma_wait3A_275 = tpu.memref_slice %arg9[%run_scoped3A_215, %dma_wait3A_273, %dma_wait3A_274] : memref<2x128x128xf32, #tpu.memory_space<vmem>> -> memref<1x128x128xf32, #tpu.memory_space<vmem>>
        %dma_wait3A_276 = tpu.memref_squeeze %dma_wait3A_275 : memref<1x128x128xf32, #tpu.memory_space<vmem>> -> memref<128x128xf32, #tpu.memory_space<vmem>>
        %dma_wait3A_277 = arith.constant 0 : i32
        %dma_wait3A_278 = tpu.memref_slice %arg8[%select_n3A_40, %run_scoped3A_216, %dma_wait3A_277] : memref<2x8x128xi32, #tpu.memory_space<vmem>> -> memref<1x1x128xi32, #tpu.memory_space<vmem>>
        %dma_wait3A_279 = tpu.memref_squeeze %dma_wait3A_278 : memref<1x1x128xi32, #tpu.memory_space<vmem>> -> memref<128xi32, #tpu.memory_space<vmem>>
        %dma_wait3A_280 = arith.constant 0 : i32
        %dma_wait3A_281 = arith.constant 0 : i32
        %dma_wait3A_282 = tpu.memref_slice %arg10[%dma_wait3A_280, %dma_wait3A_281] : memref<10112x128xf32, #tpu.memory_space<vmem_shared>> -> memref<10112x128xf32, #tpu.memory_space<vmem_shared>>
        tpu.wait_indirect_dma semaphore(%run_scoped3A_262 : memref<!tpu.dma_semaphore, #tpu.memory_space<semaphore_mem>>) src(%dma_wait3A_276 : memref<128x128xf32, #tpu.memory_space<vmem>>) dst(%dma_wait3A_282 : memref<10112x128xf32, #tpu.memory_space<vmem_shared>>)
        tpu.yield
      }) : () -> ()
      %dma_start3A_217 = arith.constant 7 : i32
      %dma_start3A_218 = arith.constant 1 : i32
      %dma_start3A_219 = arith.constant 0 : i32
      %dma_start3A_220 = arith.constant 0 : i32
      %dma_start3A_221 = tpu.memref_slice %arg9[%dma_start3A_218, %dma_start3A_219, %dma_start3A_220] : memref<2x128x128xf32, #tpu.memory_space<vmem>> -> memref<1x128x128xf32, #tpu.memory_space<vmem>>
      %dma_start3A_222 = tpu.memref_squeeze %dma_start3A_221 : memref<1x128x128xf32, #tpu.memory_space<vmem>> -> memref<128x128xf32, #tpu.memory_space<vmem>>
      %dma_start3A_223 = arith.constant 0 : i32
      %dma_start3A_224 = tpu.memref_slice %arg7[%select_n3A_40, %dma_start3A_217, %dma_start3A_223] : memref<2x8x128xi32, #tpu.memory_space<vmem>> -> memref<1x1x128xi32, #tpu.memory_space<vmem>>
      %dma_start3A_225 = tpu.memref_squeeze %dma_start3A_224 : memref<1x1x128xi32, #tpu.memory_space<vmem>> -> memref<128xi32, #tpu.memory_space<vmem>>
      %dma_start3A_226 = arith.constant 0 : i32
      %dma_start3A_227 = arith.constant 0 : i32
      %dma_start3A_228 = tpu.memref_slice %arg2[%dma_start3A_226, %dma_start3A_227] : memref<10112x128xf32, #tpu.memory_space<hbm>> -> memref<10112x128xf32, #tpu.memory_space<hbm>>
      tpu.enqueue_indirect_dma source(%dma_start3A_228 : memref<10112x128xf32, #tpu.memory_space<hbm>>) target(%dma_start3A_222 : memref<128x128xf32, #tpu.memory_space<vmem>>) offsets(%dma_start3A_225 : memref<128xi32, #tpu.memory_space<vmem>>) semaphore(%arg12 : memref<!tpu.dma_semaphore, #tpu.memory_space<semaphore_mem>>)
      %dma_wait3A_229 = arith.constant 6 : i32
      %dma_wait3A_230 = arith.constant 0 : i32
      %dma_wait3A_231 = arith.constant 0 : i32
      %dma_wait3A_232 = arith.constant 0 : i32
      %dma_wait3A_233 = tpu.memref_slice %arg9[%dma_wait3A_230, %dma_wait3A_231, %dma_wait3A_232] : memref<2x128x128xf32, #tpu.memory_space<vmem>> -> memref<1x128x128xf32, #tpu.memory_space<vmem>>
      %dma_wait3A_234 = tpu.memref_squeeze %dma_wait3A_233 : memref<1x128x128xf32, #tpu.memory_space<vmem>> -> memref<128x128xf32, #tpu.memory_space<vmem>>
      %dma_wait3A_235 = arith.constant 0 : i32
      %dma_wait3A_236 = tpu.memref_slice %arg7[%select_n3A_40, %dma_wait3A_229, %dma_wait3A_235] : memref<2x8x128xi32, #tpu.memory_space<vmem>> -> memref<1x1x128xi32, #tpu.memory_space<vmem>>
      %dma_wait3A_237 = tpu.memref_squeeze %dma_wait3A_236 : memref<1x1x128xi32, #tpu.memory_space<vmem>> -> memref<128xi32, #tpu.memory_space<vmem>>
      %dma_wait3A_238 = arith.constant 0 : i32
      %dma_wait3A_239 = arith.constant 0 : i32
      %dma_wait3A_240 = tpu.memref_slice %arg2[%dma_wait3A_238, %dma_wait3A_239] : memref<10112x128xf32, #tpu.memory_space<hbm>> -> memref<10112x128xf32, #tpu.memory_space<hbm>>
      tpu.wait_indirect_dma semaphore(%arg11 : memref<!tpu.dma_semaphore, #tpu.memory_space<semaphore_mem>>) src(%dma_wait3A_240 : memref<10112x128xf32, #tpu.memory_space<hbm>>) dst(%dma_wait3A_234 : memref<128x128xf32, #tpu.memory_space<vmem>>)
      %run_scoped3A_241 = arith.constant 0 : i32
      %run_scoped3A_242 = arith.constant 6 : i32
      "tpu.region"() ({
        %run_scoped3A_262 = tpu.sem_alloc : memref<!tpu.dma_semaphore, #tpu.memory_space<semaphore_mem>>
        %dma_start3A_263 = arith.constant 0 : i32
        %dma_start3A_264 = arith.constant 0 : i32
        %dma_start3A_265 = tpu.memref_slice %arg9[%run_scoped3A_241, %dma_start3A_263, %dma_start3A_264] : memref<2x128x128xf32, #tpu.memory_space<vmem>> -> memref<1x128x128xf32, #tpu.memory_space<vmem>>
        %dma_start3A_266 = tpu.memref_squeeze %dma_start3A_265 : memref<1x128x128xf32, #tpu.memory_space<vmem>> -> memref<128x128xf32, #tpu.memory_space<vmem>>
        %dma_start3A_267 = arith.constant 0 : i32
        %dma_start3A_268 = tpu.memref_slice %arg8[%select_n3A_40, %run_scoped3A_242, %dma_start3A_267] : memref<2x8x128xi32, #tpu.memory_space<vmem>> -> memref<1x1x128xi32, #tpu.memory_space<vmem>>
        %dma_start3A_269 = tpu.memref_squeeze %dma_start3A_268 : memref<1x1x128xi32, #tpu.memory_space<vmem>> -> memref<128xi32, #tpu.memory_space<vmem>>
        %dma_start3A_270 = arith.constant 0 : i32
        %dma_start3A_271 = arith.constant 0 : i32
        %dma_start3A_272 = tpu.memref_slice %arg10[%dma_start3A_270, %dma_start3A_271] : memref<10112x128xf32, #tpu.memory_space<vmem_shared>> -> memref<10112x128xf32, #tpu.memory_space<vmem_shared>>
        tpu.enqueue_indirect_dma source(%dma_start3A_266 : memref<128x128xf32, #tpu.memory_space<vmem>>) target(%dma_start3A_272 : memref<10112x128xf32, #tpu.memory_space<vmem_shared>>) offsets(%dma_start3A_269 : memref<128xi32, #tpu.memory_space<vmem>>) semaphore(%run_scoped3A_262 : memref<!tpu.dma_semaphore, #tpu.memory_space<semaphore_mem>>) {add = true}
        %dma_wait3A_273 = arith.constant 0 : i32
        %dma_wait3A_274 = arith.constant 0 : i32
        %dma_wait3A_275 = tpu.memref_slice %arg9[%run_scoped3A_241, %dma_wait3A_273, %dma_wait3A_274] : memref<2x128x128xf32, #tpu.memory_space<vmem>> -> memref<1x128x128xf32, #tpu.memory_space<vmem>>
        %dma_wait3A_276 = tpu.memref_squeeze %dma_wait3A_275 : memref<1x128x128xf32, #tpu.memory_space<vmem>> -> memref<128x128xf32, #tpu.memory_space<vmem>>
        %dma_wait3A_277 = arith.constant 0 : i32
        %dma_wait3A_278 = tpu.memref_slice %arg8[%select_n3A_40, %run_scoped3A_242, %dma_wait3A_277] : memref<2x8x128xi32, #tpu.memory_space<vmem>> -> memref<1x1x128xi32, #tpu.memory_space<vmem>>
        %dma_wait3A_279 = tpu.memref_squeeze %dma_wait3A_278 : memref<1x1x128xi32, #tpu.memory_space<vmem>> -> memref<128xi32, #tpu.memory_space<vmem>>
        %dma_wait3A_280 = arith.constant 0 : i32
        %dma_wait3A_281 = arith.constant 0 : i32
        %dma_wait3A_282 = tpu.memref_slice %arg10[%dma_wait3A_280, %dma_wait3A_281] : memref<10112x128xf32, #tpu.memory_space<vmem_shared>> -> memref<10112x128xf32, #tpu.memory_space<vmem_shared>>
        tpu.wait_indirect_dma semaphore(%run_scoped3A_262 : memref<!tpu.dma_semaphore, #tpu.memory_space<semaphore_mem>>) src(%dma_wait3A_276 : memref<128x128xf32, #tpu.memory_space<vmem>>) dst(%dma_wait3A_282 : memref<10112x128xf32, #tpu.memory_space<vmem_shared>>)
        tpu.yield
      }) : () -> ()
      %lt3A_243 = arith.constant 9 : i32
      %lt3A_244 = arith.cmpi slt, %scan3A_31, %lt3A_243 : i32
      %convert_element_type3A_245 = arith.extui %lt3A_244 : i1 to i32
      %cond3A_246 = arith.constant 0 : i32
      %cond3A_247 = arith.cmpi ne, %convert_element_type3A_245, %cond3A_246 : i32
      scf.if %cond3A_247 {
        %add3A_262 = arith.constant 1 : i32
        %add3A_263 = arith.addi %scan3A_31, %add3A_262 : i32
        %dma_wait3A_264 = arith.constant 0 : i32
        %dma_wait3A_265 = arith.constant 0 : i32
        %dma_wait3A_266 = tpu.memref_slice %arg7[%select_n3A_58, %dma_wait3A_264, %dma_wait3A_265] : memref<2x8x128xi32, #tpu.memory_space<vmem>> -> memref<1x8x128xi32, #tpu.memory_space<vmem>>
        %dma_wait3A_267 = tpu.memref_squeeze %dma_wait3A_266 : memref<1x8x128xi32, #tpu.memory_space<vmem>> -> memref<8x128xi32, #tpu.memory_space<vmem>>
        %dma_wait3A_268 = arith.constant 0 : i32
        %dma_wait3A_269 = arith.constant 0 : i32
        %dma_wait3A_270 = tpu.memref_slice %arg3[%add3A, %add3A_263, %dma_wait3A_268, %dma_wait3A_269] : memref<32x10x8x128xi32, #tpu.memory_space<hbm>> -> memref<1x1x8x128xi32, #tpu.memory_space<hbm>>
        %dma_wait3A_271 = tpu.memref_squeeze %dma_wait3A_270 : memref<1x1x8x128xi32, #tpu.memory_space<hbm>> -> memref<8x128xi32, #tpu.memory_space<hbm>>
        %dma_wait3A_272 = arith.constant 0 : i32
        %dma_wait3A_273 = arith.constant 0 : i32
        %dma_wait3A_274 = tpu.memref_slice %arg7[%select_n3A_58, %dma_wait3A_272, %dma_wait3A_273] : memref<2x8x128xi32, #tpu.memory_space<vmem>> -> memref<1x8x128xi32, #tpu.memory_space<vmem>>
        %dma_wait3A_275 = tpu.memref_squeeze %dma_wait3A_274 : memref<1x8x128xi32, #tpu.memory_space<vmem>> -> memref<8x128xi32, #tpu.memory_space<vmem>>
        %dma_wait3A_276 = arith.constant 0 : i32
        %dma_wait3A_277 = arith.constant 0 : i32
        %dma_wait3A_278 = tpu.memref_slice %arg3[%add3A, %add3A_263, %dma_wait3A_276, %dma_wait3A_277] : memref<32x10x8x128xi32, #tpu.memory_space<hbm>> -> memref<1x1x8x128xi32, #tpu.memory_space<hbm>>
        %dma_wait3A_279 = tpu.memref_squeeze %dma_wait3A_278 : memref<1x1x8x128xi32, #tpu.memory_space<hbm>> -> memref<8x128xi32, #tpu.memory_space<hbm>>
        tpu.wait_dma2 semaphore(%arg13 : memref<!tpu.dma_semaphore, #tpu.memory_space<semaphore_mem>>) src(%dma_wait3A_279 : memref<8x128xi32, #tpu.memory_space<hbm>>) dst(%dma_wait3A_275 : memref<8x128xi32, #tpu.memory_space<vmem>>)
        %add3A_280 = arith.constant 1 : i32
        %add3A_281 = arith.addi %scan3A_31, %add3A_280 : i32
        %dma_wait3A_282 = arith.constant 0 : i32
        %dma_wait3A_283 = arith.constant 0 : i32
        %dma_wait3A_284 = tpu.memref_slice %arg8[%select_n3A_58, %dma_wait3A_282, %dma_wait3A_283] : memref<2x8x128xi32, #tpu.memory_space<vmem>> -> memref<1x8x128xi32, #tpu.memory_space<vmem>>
        %dma_wait3A_285 = tpu.memref_squeeze %dma_wait3A_284 : memref<1x8x128xi32, #tpu.memory_space<vmem>> -> memref<8x128xi32, #tpu.memory_space<vmem>>
        %dma_wait3A_286 = arith.constant 0 : i32
        %dma_wait3A_287 = arith.constant 0 : i32
        %dma_wait3A_288 = tpu.memref_slice %arg4[%add3A, %add3A_281, %dma_wait3A_286, %dma_wait3A_287] : memref<32x10x8x128xi32, #tpu.memory_space<hbm>> -> memref<1x1x8x128xi32, #tpu.memory_space<hbm>>
        %dma_wait3A_289 = tpu.memref_squeeze %dma_wait3A_288 : memref<1x1x8x128xi32, #tpu.memory_space<hbm>> -> memref<8x128xi32, #tpu.memory_space<hbm>>
        %dma_wait3A_290 = arith.constant 0 : i32
        %dma_wait3A_291 = arith.constant 0 : i32
        %dma_wait3A_292 = tpu.memref_slice %arg8[%select_n3A_58, %dma_wait3A_290, %dma_wait3A_291] : memref<2x8x128xi32, #tpu.memory_space<vmem>> -> memref<1x8x128xi32, #tpu.memory_space<vmem>>
        %dma_wait3A_293 = tpu.memref_squeeze %dma_wait3A_292 : memref<1x8x128xi32, #tpu.memory_space<vmem>> -> memref<8x128xi32, #tpu.memory_space<vmem>>
        %dma_wait3A_294 = arith.constant 0 : i32
        %dma_wait3A_295 = arith.constant 0 : i32
        %dma_wait3A_296 = tpu.memref_slice %arg4[%add3A, %add3A_281, %dma_wait3A_294, %dma_wait3A_295] : memref<32x10x8x128xi32, #tpu.memory_space<hbm>> -> memref<1x1x8x128xi32, #tpu.memory_space<hbm>>
        %dma_wait3A_297 = tpu.memref_squeeze %dma_wait3A_296 : memref<1x1x8x128xi32, #tpu.memory_space<hbm>> -> memref<8x128xi32, #tpu.memory_space<hbm>>
        tpu.wait_dma2 semaphore(%arg14 : memref<!tpu.dma_semaphore, #tpu.memory_space<semaphore_mem>>) src(%dma_wait3A_297 : memref<8x128xi32, #tpu.memory_space<hbm>>) dst(%dma_wait3A_293 : memref<8x128xi32, #tpu.memory_space<vmem>>)
        %dma_start3A_298 = arith.constant 0 : i32
        %dma_start3A_299 = arith.constant 0 : i32
        %dma_start3A_300 = arith.constant 0 : i32
        %dma_start3A_301 = arith.constant 0 : i32
        %dma_start3A_302 = tpu.memref_slice %arg9[%dma_start3A_299, %dma_start3A_300, %dma_start3A_301] : memref<2x128x128xf32, #tpu.memory_space<vmem>> -> memref<1x128x128xf32, #tpu.memory_space<vmem>>
        %dma_start3A_303 = tpu.memref_squeeze %dma_start3A_302 : memref<1x128x128xf32, #tpu.memory_space<vmem>> -> memref<128x128xf32, #tpu.memory_space<vmem>>
        %dma_start3A_304 = arith.constant 0 : i32
        %dma_start3A_305 = tpu.memref_slice %arg7[%select_n3A_58, %dma_start3A_298, %dma_start3A_304] : memref<2x8x128xi32, #tpu.memory_space<vmem>> -> memref<1x1x128xi32, #tpu.memory_space<vmem>>
        %dma_start3A_306 = tpu.memref_squeeze %dma_start3A_305 : memref<1x1x128xi32, #tpu.memory_space<vmem>> -> memref<128xi32, #tpu.memory_space<vmem>>
        %dma_start3A_307 = arith.constant 0 : i32
        %dma_start3A_308 = arith.constant 0 : i32
        %dma_start3A_309 = tpu.memref_slice %arg2[%dma_start3A_307, %dma_start3A_308] : memref<10112x128xf32, #tpu.memory_space<hbm>> -> memref<10112x128xf32, #tpu.memory_space<hbm>>
        tpu.enqueue_indirect_dma source(%dma_start3A_309 : memref<10112x128xf32, #tpu.memory_space<hbm>>) target(%dma_start3A_303 : memref<128x128xf32, #tpu.memory_space<vmem>>) offsets(%dma_start3A_306 : memref<128xi32, #tpu.memory_space<vmem>>) semaphore(%arg11 : memref<!tpu.dma_semaphore, #tpu.memory_space<semaphore_mem>>)
      } else {
      }
      %dma_wait3A_248 = arith.constant 7 : i32
      %dma_wait3A_249 = arith.constant 1 : i32
      %dma_wait3A_250 = arith.constant 0 : i32
      %dma_wait3A_251 = arith.constant 0 : i32
      %dma_wait3A_252 = tpu.memref_slice %arg9[%dma_wait3A_249, %dma_wait3A_250, %dma_wait3A_251] : memref<2x128x128xf32, #tpu.memory_space<vmem>> -> memref<1x128x128xf32, #tpu.memory_space<vmem>>
      %dma_wait3A_253 = tpu.memref_squeeze %dma_wait3A_252 : memref<1x128x128xf32, #tpu.memory_space<vmem>> -> memref<128x128xf32, #tpu.memory_space<vmem>>
      %dma_wait3A_254 = arith.constant 0 : i32
      %dma_wait3A_255 = tpu.memref_slice %arg7[%select_n3A_40, %dma_wait3A_248, %dma_wait3A_254] : memref<2x8x128xi32, #tpu.memory_space<vmem>> -> memref<1x1x128xi32, #tpu.memory_space<vmem>>
      %dma_wait3A_256 = tpu.memref_squeeze %dma_wait3A_255 : memref<1x1x128xi32, #tpu.memory_space<vmem>> -> memref<128xi32, #tpu.memory_space<vmem>>
      %dma_wait3A_257 = arith.constant 0 : i32
      %dma_wait3A_258 = arith.constant 0 : i32
      %dma_wait3A_259 = tpu.memref_slice %arg2[%dma_wait3A_257, %dma_wait3A_258] : memref<10112x128xf32, #tpu.memory_space<hbm>> -> memref<10112x128xf32, #tpu.memory_space<hbm>>
      tpu.wait_indirect_dma semaphore(%arg12 : memref<!tpu.dma_semaphore, #tpu.memory_space<semaphore_mem>>) src(%dma_wait3A_259 : memref<10112x128xf32, #tpu.memory_space<hbm>>) dst(%dma_wait3A_253 : memref<128x128xf32, #tpu.memory_space<vmem>>)
      %run_scoped3A_260 = arith.constant 1 : i32
      %run_scoped3A_261 = arith.constant 7 : i32
      "tpu.region"() ({
        %run_scoped3A_262 = tpu.sem_alloc : memref<!tpu.dma_semaphore, #tpu.memory_space<semaphore_mem>>
        %dma_start3A_263 = arith.constant 0 : i32
        %dma_start3A_264 = arith.constant 0 : i32
        %dma_start3A_265 = tpu.memref_slice %arg9[%run_scoped3A_260, %dma_start3A_263, %dma_start3A_264] : memref<2x128x128xf32, #tpu.memory_space<vmem>> -> memref<1x128x128xf32, #tpu.memory_space<vmem>>
        %dma_start3A_266 = tpu.memref_squeeze %dma_start3A_265 : memref<1x128x128xf32, #tpu.memory_space<vmem>> -> memref<128x128xf32, #tpu.memory_space<vmem>>
        %dma_start3A_267 = arith.constant 0 : i32
        %dma_start3A_268 = tpu.memref_slice %arg8[%select_n3A_40, %run_scoped3A_261, %dma_start3A_267] : memref<2x8x128xi32, #tpu.memory_space<vmem>> -> memref<1x1x128xi32, #tpu.memory_space<vmem>>
        %dma_start3A_269 = tpu.memref_squeeze %dma_start3A_268 : memref<1x1x128xi32, #tpu.memory_space<vmem>> -> memref<128xi32, #tpu.memory_space<vmem>>
        %dma_start3A_270 = arith.constant 0 : i32
        %dma_start3A_271 = arith.constant 0 : i32
        %dma_start3A_272 = tpu.memref_slice %arg10[%dma_start3A_270, %dma_start3A_271] : memref<10112x128xf32, #tpu.memory_space<vmem_shared>> -> memref<10112x128xf32, #tpu.memory_space<vmem_shared>>
        tpu.enqueue_indirect_dma source(%dma_start3A_266 : memref<128x128xf32, #tpu.memory_space<vmem>>) target(%dma_start3A_272 : memref<10112x128xf32, #tpu.memory_space<vmem_shared>>) offsets(%dma_start3A_269 : memref<128xi32, #tpu.memory_space<vmem>>) semaphore(%run_scoped3A_262 : memref<!tpu.dma_semaphore, #tpu.memory_space<semaphore_mem>>) {add = true}
        %dma_wait3A_273 = arith.constant 0 : i32
        %dma_wait3A_274 = arith.constant 0 : i32
        %dma_wait3A_275 = tpu.memref_slice %arg9[%run_scoped3A_260, %dma_wait3A_273, %dma_wait3A_274] : memref<2x128x128xf32, #tpu.memory_space<vmem>> -> memref<1x128x128xf32, #tpu.memory_space<vmem>>
        %dma_wait3A_276 = tpu.memref_squeeze %dma_wait3A_275 : memref<1x128x128xf32, #tpu.memory_space<vmem>> -> memref<128x128xf32, #tpu.memory_space<vmem>>
        %dma_wait3A_277 = arith.constant 0 : i32
        %dma_wait3A_278 = tpu.memref_slice %arg8[%select_n3A_40, %run_scoped3A_261, %dma_wait3A_277] : memref<2x8x128xi32, #tpu.memory_space<vmem>> -> memref<1x1x128xi32, #tpu.memory_space<vmem>>
        %dma_wait3A_279 = tpu.memref_squeeze %dma_wait3A_278 : memref<1x1x128xi32, #tpu.memory_space<vmem>> -> memref<128xi32, #tpu.memory_space<vmem>>
        %dma_wait3A_280 = arith.constant 0 : i32
        %dma_wait3A_281 = arith.constant 0 : i32
        %dma_wait3A_282 = tpu.memref_slice %arg10[%dma_wait3A_280, %dma_wait3A_281] : memref<10112x128xf32, #tpu.memory_space<vmem_shared>> -> memref<10112x128xf32, #tpu.memory_space<vmem_shared>>
        tpu.wait_indirect_dma semaphore(%run_scoped3A_262 : memref<!tpu.dma_semaphore, #tpu.memory_space<semaphore_mem>>) src(%dma_wait3A_276 : memref<128x128xf32, #tpu.memory_space<vmem>>) dst(%dma_wait3A_282 : memref<10112x128xf32, #tpu.memory_space<vmem_shared>>)
        tpu.yield
      }) : () -> ()
    }
    %scan3A_24 = arith.constant 10 : i32
    %barrier3A_25 = arith.constant 0 : index
    tpu.barrier barrier_id(%barrier3A_25)
    %mul3A_26 = arith.constant 632 : i32
    %mul3A_27 = arith.muli %arg1, %mul3A_26 : i32
    %mul3A_28 = arith.constant 632 : i32
    %mul3A_29 = arith.muli %arg1, %mul3A_28 : i32
    %run_scoped3A_30 = arith.constant 0 : i32
    "tpu.region"() ({
      %run_scoped3A_31 = tpu.sem_alloc : memref<!tpu.dma_semaphore, #tpu.memory_space<semaphore_mem>>
      %dma_start3A_32 = arith.constant 0 : i32
      %dma_start3A_33 = tpu.memref_slice %arg6[%run_scoped3A_30, %arg0, %mul3A_29, %dma_start3A_32] : memref<1x2x10112x128xf32, #tpu.memory_space<hbm>> -> memref<1x1x632x128xf32, #tpu.memory_space<hbm>>
      %dma_start3A_34 = tpu.memref_squeeze %dma_start3A_33 : memref<1x1x632x128xf32, #tpu.memory_space<hbm>> -> memref<632x128xf32, #tpu.memory_space<hbm>>
      %dma_start3A_35 = arith.constant 0 : i32
      %dma_start3A_36 = tpu.memref_slice %arg10[%mul3A_27, %dma_start3A_35] : memref<10112x128xf32, #tpu.memory_space<vmem_shared>> -> memref<632x128xf32, #tpu.memory_space<vmem_shared>>
      tpu.enqueue_dma source(%dma_start3A_36 : memref<632x128xf32, #tpu.memory_space<vmem_shared>>) target(%dma_start3A_34 : memref<632x128xf32, #tpu.memory_space<hbm>>) target_semaphore(%run_scoped3A_31 : memref<!tpu.dma_semaphore, #tpu.memory_space<semaphore_mem>>)
      %dma_wait3A = arith.constant 0 : i32
      %dma_wait3A_37 = tpu.memref_slice %arg6[%run_scoped3A_30, %arg0, %mul3A_29, %dma_wait3A] : memref<1x2x10112x128xf32, #tpu.memory_space<hbm>> -> memref<1x1x632x128xf32, #tpu.memory_space<hbm>>
      %dma_wait3A_38 = tpu.memref_squeeze %dma_wait3A_37 : memref<1x1x632x128xf32, #tpu.memory_space<hbm>> -> memref<632x128xf32, #tpu.memory_space<hbm>>
      %dma_wait3A_39 = arith.constant 0 : i32
      %dma_wait3A_40 = tpu.memref_slice %arg10[%mul3A_27, %dma_wait3A_39] : memref<10112x128xf32, #tpu.memory_space<vmem_shared>> -> memref<632x128xf32, #tpu.memory_space<vmem_shared>>
      tpu.wait_dma2 semaphore(%run_scoped3A_31 : memref<!tpu.dma_semaphore, #tpu.memory_space<semaphore_mem>>) src(%dma_wait3A_40 : memref<632x128xf32, #tpu.memory_space<vmem_shared>>) dst(%dma_wait3A_38 : memref<632x128xf32, #tpu.memory_space<hbm>>)
      tpu.yield
    }) : () -> ()
    return
  }
}

#map = affine_map<(d0, d1) -> (0, 0)>
#map1 = affine_map<(d0, d1) -> (0, 0, 0, 0)>
module attributes {stable_mosaic.version = 14 : i64} {
  func.func @sc_agg(%arg0: i32, %arg1: i32, %arg2: memref<10112x128xf32, #tpu.memory_space<hbm>>, %arg3: memref<32x10x8x128xi32, #tpu.memory_space<hbm>>, %arg4: memref<32x10x8x128xi32, #tpu.memory_space<hbm>>, %arg5: memref<10112x128xf32, #tpu.memory_space<hbm>>, %arg6: memref<1x2x10112x128xf32, #tpu.memory_space<hbm>>, %arg7: memref<2x8x128xi32, #tpu.memory_space<vmem>>, %arg8: memref<2x8x128xi32, #tpu.memory_space<vmem>>, %arg9: memref<2x128x128xf32, #tpu.memory_space<vmem>>, %arg10: memref<10112x128xf32, #tpu.memory_space<vmem_shared>>, %arg11: memref<!tpu.dma_semaphore, #tpu.memory_space<semaphore_mem>>, %arg12: memref<!tpu.dma_semaphore, #tpu.memory_space<semaphore_mem>>, %arg13: memref<!tpu.dma_semaphore, #tpu.memory_space<semaphore_mem>>, %arg14: memref<!tpu.dma_semaphore, #tpu.memory_space<semaphore_mem>>) attributes {dimension_semantics = [#tpu.dimension_semantics<core_parallel>, #tpu.dimension_semantics<subcore_parallel>], iteration_bounds = array<i64: 2, 16>, scalar_prefetch = 0 : i64, scratch_operands = 8 : i64, tpu.core_type = #tpu.core_type<sc_vector_subcore>, window_params = [{transform_indices = #map}, {transform_indices = #map1}, {transform_indices = #map1}, {transform_indices = #map}, {transform_indices = #map1}]} {
    %mul3A = arith.constant 16 : i32
    %mul3A_0 = arith.muli %arg0, %mul3A : i32
    %add3A = arith.addi %mul3A_0, %arg1 : i32
    %mul3A_1 = arith.constant 632 : i32
    %mul3A_2 = arith.muli %arg1, %mul3A_1 : i32
    %mul3A_3 = arith.constant 632 : i32
    %mul3A_4 = arith.muli %arg1, %mul3A_3 : i32
    "tpu.region"() ({
      %run_scoped3A_31 = tpu.sem_alloc : memref<!tpu.dma_semaphore, #tpu.memory_space<semaphore_mem>>
      %dma_start3A_32 = arith.constant 0 : i32
      %dma_start3A_33 = tpu.memref_slice %arg10[%mul3A_4, %dma_start3A_32] : memref<10112x128xf32, #tpu.memory_space<vmem_shared>> -> memref<632x128xf32, #tpu.memory_space<vmem_shared>>
      %dma_start3A_34 = arith.constant 0 : i32
      %dma_start3A_35 = tpu.memref_slice %arg5[%mul3A_2, %dma_start3A_34] : memref<10112x128xf32, #tpu.memory_space<hbm>> -> memref<632x128xf32, #tpu.memory_space<hbm>>
      tpu.enqueue_dma source(%dma_start3A_35 : memref<632x128xf32, #tpu.memory_space<hbm>>) target(%dma_start3A_33 : memref<632x128xf32, #tpu.memory_space<vmem_shared>>) target_semaphore(%run_scoped3A_31 : memref<!tpu.dma_semaphore, #tpu.memory_space<semaphore_mem>>)
      %dma_wait3A = arith.constant 0 : i32
      %dma_wait3A_36 = tpu.memref_slice %arg10[%mul3A_4, %dma_wait3A] : memref<10112x128xf32, #tpu.memory_space<vmem_shared>> -> memref<632x128xf32, #tpu.memory_space<vmem_shared>>
      %dma_wait3A_37 = arith.constant 0 : i32
      %dma_wait3A_38 = tpu.memref_slice %arg5[%mul3A_2, %dma_wait3A_37] : memref<10112x128xf32, #tpu.memory_space<hbm>> -> memref<632x128xf32, #tpu.memory_space<hbm>>
      tpu.wait_dma2 semaphore(%run_scoped3A_31 : memref<!tpu.dma_semaphore, #tpu.memory_space<semaphore_mem>>) src(%dma_wait3A_38 : memref<632x128xf32, #tpu.memory_space<hbm>>) dst(%dma_wait3A_36 : memref<632x128xf32, #tpu.memory_space<vmem_shared>>)
      tpu.yield
    }) : () -> ()
    %run_scoped3A = arith.constant 0 : i32
    %run_scoped3A_5 = arith.constant 0 : i32
    "tpu.region"() ({
      %run_scoped3A_31 = tpu.sem_alloc : memref<!tpu.dma_semaphore, #tpu.memory_space<semaphore_mem>>
      %dma_start3A_32 = arith.constant 0 : i32
      %dma_start3A_33 = arith.constant 0 : i32
      %dma_start3A_34 = tpu.memref_slice %arg7[%run_scoped3A_5, %dma_start3A_32, %dma_start3A_33] : memref<2x8x128xi32, #tpu.memory_space<vmem>> -> memref<1x8x128xi32, #tpu.memory_space<vmem>>
      %dma_start3A_35 = tpu.memref_squeeze %dma_start3A_34 : memref<1x8x128xi32, #tpu.memory_space<vmem>> -> memref<8x128xi32, #tpu.memory_space<vmem>>
      %dma_start3A_36 = arith.constant 0 : i32
      %dma_start3A_37 = arith.constant 0 : i32
      %dma_start3A_38 = tpu.memref_slice %arg3[%add3A, %run_scoped3A, %dma_start3A_36, %dma_start3A_37] : memref<32x10x8x128xi32, #tpu.memory_space<hbm>> -> memref<1x1x8x128xi32, #tpu.memory_space<hbm>>
      %dma_start3A_39 = tpu.memref_squeeze %dma_start3A_38 : memref<1x1x8x128xi32, #tpu.memory_space<hbm>> -> memref<8x128xi32, #tpu.memory_space<hbm>>
      %dma_start3A_40 = arith.constant 0 : i32
      %dma_start3A_41 = arith.constant 0 : i32
      %dma_start3A_42 = tpu.memref_slice %arg7[%run_scoped3A_5, %dma_start3A_40, %dma_start3A_41] : memref<2x8x128xi32, #tpu.memory_space<vmem>> -> memref<1x8x128xi32, #tpu.memory_space<vmem>>
      %dma_start3A_43 = tpu.memref_squeeze %dma_start3A_42 : memref<1x8x128xi32, #tpu.memory_space<vmem>> -> memref<8x128xi32, #tpu.memory_space<vmem>>
      %dma_start3A_44 = arith.constant 0 : i32
      %dma_start3A_45 = arith.constant 0 : i32
      %dma_start3A_46 = tpu.memref_slice %arg3[%add3A, %run_scoped3A, %dma_start3A_44, %dma_start3A_45] : memref<32x10x8x128xi32, #tpu.memory_space<hbm>> -> memref<1x1x8x128xi32, #tpu.memory_space<hbm>>
      %dma_start3A_47 = tpu.memref_squeeze %dma_start3A_46 : memref<1x1x8x128xi32, #tpu.memory_space<hbm>> -> memref<8x128xi32, #tpu.memory_space<hbm>>
      tpu.enqueue_dma source(%dma_start3A_47 : memref<8x128xi32, #tpu.memory_space<hbm>>) target(%dma_start3A_43 : memref<8x128xi32, #tpu.memory_space<vmem>>) target_semaphore(%run_scoped3A_31 : memref<!tpu.dma_semaphore, #tpu.memory_space<semaphore_mem>>)
      %dma_wait3A = arith.constant 0 : i32
      %dma_wait3A_48 = arith.constant 0 : i32
      %dma_wait3A_49 = tpu.memref_slice %arg7[%run_scoped3A_5, %dma_wait3A, %dma_wait3A_48] : memref<2x8x128xi32, #tpu.memory_space<vmem>> -> memref<1x8x128xi32, #tpu.memory_space<vmem>>
      %dma_wait3A_50 = tpu.memref_squeeze %dma_wait3A_49 : memref<1x8x128xi32, #tpu.memory_space<vmem>> -> memref<8x128xi32, #tpu.memory_space<vmem>>
      %dma_wait3A_51 = arith.constant 0 : i32
      %dma_wait3A_52 = arith.constant 0 : i32
      %dma_wait3A_53 = tpu.memref_slice %arg3[%add3A, %run_scoped3A, %dma_wait3A_51, %dma_wait3A_52] : memref<32x10x8x128xi32, #tpu.memory_space<hbm>> -> memref<1x1x8x128xi32, #tpu.memory_space<hbm>>
      %dma_wait3A_54 = tpu.memref_squeeze %dma_wait3A_53 : memref<1x1x8x128xi32, #tpu.memory_space<hbm>> -> memref<8x128xi32, #tpu.memory_space<hbm>>
      %dma_wait3A_55 = arith.constant 0 : i32
      %dma_wait3A_56 = arith.constant 0 : i32
      %dma_wait3A_57 = tpu.memref_slice %arg7[%run_scoped3A_5, %dma_wait3A_55, %dma_wait3A_56] : memref<2x8x128xi32, #tpu.memory_space<vmem>> -> memref<1x8x128xi32, #tpu.memory_space<vmem>>
      %dma_wait3A_58 = tpu.memref_squeeze %dma_wait3A_57 : memref<1x8x128xi32, #tpu.memory_space<vmem>> -> memref<8x128xi32, #tpu.memory_space<vmem>>
      %dma_wait3A_59 = arith.constant 0 : i32
      %dma_wait3A_60 = arith.constant 0 : i32
      %dma_wait3A_61 = tpu.memref_slice %arg3[%add3A, %run_scoped3A, %dma_wait3A_59, %dma_wait3A_60] : memref<32x10x8x128xi32, #tpu.memory_space<hbm>> -> memref<1x1x8x128xi32, #tpu.memory_space<hbm>>
      %dma_wait3A_62 = tpu.memref_squeeze %dma_wait3A_61 : memref<1x1x8x128xi32, #tpu.memory_space<hbm>> -> memref<8x128xi32, #tpu.memory_space<hbm>>
      tpu.wait_dma2 semaphore(%run_scoped3A_31 : memref<!tpu.dma_semaphore, #tpu.memory_space<semaphore_mem>>) src(%dma_wait3A_62 : memref<8x128xi32, #tpu.memory_space<hbm>>) dst(%dma_wait3A_58 : memref<8x128xi32, #tpu.memory_space<vmem>>)
      tpu.yield
    }) : () -> ()
    %run_scoped3A_6 = arith.constant 0 : i32
    %run_scoped3A_7 = arith.constant 0 : i32
    "tpu.region"() ({
      %run_scoped3A_31 = tpu.sem_alloc : memref<!tpu.dma_semaphore, #tpu.memory_space<semaphore_mem>>
      %dma_start3A_32 = arith.constant 0 : i32
      %dma_start3A_33 = arith.constant 0 : i32
      %dma_start3A_34 = tpu.memref_slice %arg8[%run_scoped3A_7, %dma_start3A_32, %dma_start3A_33] : memref<2x8x128xi32, #tpu.memory_space<vmem>> -> memref<1x8x128xi32, #tpu.memory_space<vmem>>
      %dma_start3A_35 = tpu.memref_squeeze %dma_start3A_34 : memref<1x8x128xi32, #tpu.memory_space<vmem>> -> memref<8x128xi32, #tpu.memory_space<vmem>>
      %dma_start3A_36 = arith.constant 0 : i32
      %dma_start3A_37 = arith.constant 0 : i32
      %dma_start3A_38 = tpu.memref_slice %arg4[%add3A, %run_scoped3A_6, %dma_start3A_36, %dma_start3A_37] : memref<32x10x8x128xi32, #tpu.memory_space<hbm>> -> memref<1x1x8x128xi32, #tpu.memory_space<hbm>>
      %dma_start3A_39 = tpu.memref_squeeze %dma_start3A_38 : memref<1x1x8x128xi32, #tpu.memory_space<hbm>> -> memref<8x128xi32, #tpu.memory_space<hbm>>
      %dma_start3A_40 = arith.constant 0 : i32
      %dma_start3A_41 = arith.constant 0 : i32
      %dma_start3A_42 = tpu.memref_slice %arg8[%run_scoped3A_7, %dma_start3A_40, %dma_start3A_41] : memref<2x8x128xi32, #tpu.memory_space<vmem>> -> memref<1x8x128xi32, #tpu.memory_space<vmem>>
      %dma_start3A_43 = tpu.memref_squeeze %dma_start3A_42 : memref<1x8x128xi32, #tpu.memory_space<vmem>> -> memref<8x128xi32, #tpu.memory_space<vmem>>
      %dma_start3A_44 = arith.constant 0 : i32
      %dma_start3A_45 = arith.constant 0 : i32
      %dma_start3A_46 = tpu.memref_slice %arg4[%add3A, %run_scoped3A_6, %dma_start3A_44, %dma_start3A_45] : memref<32x10x8x128xi32, #tpu.memory_space<hbm>> -> memref<1x1x8x128xi32, #tpu.memory_space<hbm>>
      %dma_start3A_47 = tpu.memref_squeeze %dma_start3A_46 : memref<1x1x8x128xi32, #tpu.memory_space<hbm>> -> memref<8x128xi32, #tpu.memory_space<hbm>>
      tpu.enqueue_dma source(%dma_start3A_47 : memref<8x128xi32, #tpu.memory_space<hbm>>) target(%dma_start3A_43 : memref<8x128xi32, #tpu.memory_space<vmem>>) target_semaphore(%run_scoped3A_31 : memref<!tpu.dma_semaphore, #tpu.memory_space<semaphore_mem>>)
      %dma_wait3A = arith.constant 0 : i32
      %dma_wait3A_48 = arith.constant 0 : i32
      %dma_wait3A_49 = tpu.memref_slice %arg8[%run_scoped3A_7, %dma_wait3A, %dma_wait3A_48] : memref<2x8x128xi32, #tpu.memory_space<vmem>> -> memref<1x8x128xi32, #tpu.memory_space<vmem>>
      %dma_wait3A_50 = tpu.memref_squeeze %dma_wait3A_49 : memref<1x8x128xi32, #tpu.memory_space<vmem>> -> memref<8x128xi32, #tpu.memory_space<vmem>>
      %dma_wait3A_51 = arith.constant 0 : i32
      %dma_wait3A_52 = arith.constant 0 : i32
      %dma_wait3A_53 = tpu.memref_slice %arg4[%add3A, %run_scoped3A_6, %dma_wait3A_51, %dma_wait3A_52] : memref<32x10x8x128xi32, #tpu.memory_space<hbm>> -> memref<1x1x8x128xi32, #tpu.memory_space<hbm>>
      %dma_wait3A_54 = tpu.memref_squeeze %dma_wait3A_53 : memref<1x1x8x128xi32, #tpu.memory_space<hbm>> -> memref<8x128xi32, #tpu.memory_space<hbm>>
      %dma_wait3A_55 = arith.constant 0 : i32
      %dma_wait3A_56 = arith.constant 0 : i32
      %dma_wait3A_57 = tpu.memref_slice %arg8[%run_scoped3A_7, %dma_wait3A_55, %dma_wait3A_56] : memref<2x8x128xi32, #tpu.memory_space<vmem>> -> memref<1x8x128xi32, #tpu.memory_space<vmem>>
      %dma_wait3A_58 = tpu.memref_squeeze %dma_wait3A_57 : memref<1x8x128xi32, #tpu.memory_space<vmem>> -> memref<8x128xi32, #tpu.memory_space<vmem>>
      %dma_wait3A_59 = arith.constant 0 : i32
      %dma_wait3A_60 = arith.constant 0 : i32
      %dma_wait3A_61 = tpu.memref_slice %arg4[%add3A, %run_scoped3A_6, %dma_wait3A_59, %dma_wait3A_60] : memref<32x10x8x128xi32, #tpu.memory_space<hbm>> -> memref<1x1x8x128xi32, #tpu.memory_space<hbm>>
      %dma_wait3A_62 = tpu.memref_squeeze %dma_wait3A_61 : memref<1x1x8x128xi32, #tpu.memory_space<hbm>> -> memref<8x128xi32, #tpu.memory_space<hbm>>
      tpu.wait_dma2 semaphore(%run_scoped3A_31 : memref<!tpu.dma_semaphore, #tpu.memory_space<semaphore_mem>>) src(%dma_wait3A_62 : memref<8x128xi32, #tpu.memory_space<hbm>>) dst(%dma_wait3A_58 : memref<8x128xi32, #tpu.memory_space<vmem>>)
      tpu.yield
    }) : () -> ()
    %barrier3A = arith.constant 0 : index
    tpu.barrier barrier_id(%barrier3A)
    %dma_start3A = arith.constant 0 : i32
    %dma_start3A_8 = arith.constant 0 : i32
    %dma_start3A_9 = arith.constant 0 : i32
    %dma_start3A_10 = arith.constant 0 : i32
    %dma_start3A_11 = arith.constant 0 : i32
    %dma_start3A_12 = tpu.memref_slice %arg9[%dma_start3A_9, %dma_start3A_10, %dma_start3A_11] : memref<2x128x128xf32, #tpu.memory_space<vmem>> -> memref<1x128x128xf32, #tpu.memory_space<vmem>>
    %dma_start3A_13 = tpu.memref_squeeze %dma_start3A_12 : memref<1x128x128xf32, #tpu.memory_space<vmem>> -> memref<128x128xf32, #tpu.memory_space<vmem>>
    %dma_start3A_14 = arith.constant 0 : i32
    %dma_start3A_15 = tpu.memref_slice %arg7[%dma_start3A, %dma_start3A_8, %dma_start3A_14] : memref<2x8x128xi32, #tpu.memory_space<vmem>> -> memref<1x1x128xi32, #tpu.memory_space<vmem>>
    %dma_start3A_16 = tpu.memref_squeeze %dma_start3A_15 : memref<1x1x128xi32, #tpu.memory_space<vmem>> -> memref<128xi32, #tpu.memory_space<vmem>>
    %dma_start3A_17 = arith.constant 0 : i32
    %dma_start3A_18 = arith.constant 0 : i32
    %dma_start3A_19 = tpu.memref_slice %arg2[%dma_start3A_17, %dma_start3A_18] : memref<10112x128xf32, #tpu.memory_space<hbm>> -> memref<10112x128xf32, #tpu.memory_space<hbm>>
    tpu.enqueue_indirect_dma source(%dma_start3A_19 : memref<10112x128xf32, #tpu.memory_space<hbm>>) target(%dma_start3A_13 : memref<128x128xf32, #tpu.memory_space<vmem>>) offsets(%dma_start3A_16 : memref<128xi32, #tpu.memory_space<vmem>>) semaphore(%arg11 : memref<!tpu.dma_semaphore, #tpu.memory_space<semaphore_mem>>)
    %scan3A = arith.constant 0 : i32
    %scan3A_20 = arith.constant 0 : i32
    %scan3A_21 = arith.constant 10 : i32
    %scan3A_22 = arith.addi %scan3A_20, %scan3A_21 : i32
    %scan3A_23 = arith.constant 1 : i32
    scf.for %scan3A_31 = %scan3A_20 to %scan3A_22 step %scan3A_23  : i32 {
      %jit3A = arith.constant 2 : i32
      %eq3A = arith.constant 0 : i32
      %eq3A_32 = arith.cmpi eq, %jit3A, %eq3A : i32
      %jit3A_33 = arith.constant 1 : i32
      %select_n3A = arith.select %eq3A_32, %jit3A_33, %jit3A : i32
      %rem3A = arith.remsi %scan3A_31, %select_n3A : i32
      %ne3A = arith.constant 0 : i32
      %ne3A_34 = arith.cmpi ne, %rem3A, %ne3A : i32
      %lt3A = arith.constant 0 : i32
      %lt3A_35 = arith.cmpi slt, %rem3A, %lt3A : i32
      %lt3A_36 = arith.constant 0 : i32
      %lt3A_37 = arith.cmpi slt, %select_n3A, %lt3A_36 : i32
      %ne3A_38 = arith.xori %lt3A_35, %lt3A_37 : i1
      %and3A = arith.andi %ne3A_38, %ne3A_34 : i1
      %add3A_39 = arith.addi %rem3A, %select_n3A : i32
      %select_n3A_40 = arith.select %and3A, %add3A_39, %rem3A : i32
      %add3A_41 = arith.constant 1 : i32
      %add3A_42 = arith.addi %scan3A_31, %add3A_41 : i32
      %jit3A_43 = arith.constant 2 : i32
      %eq3A_44 = arith.constant 0 : i32
      %eq3A_45 = arith.cmpi eq, %jit3A_43, %eq3A_44 : i32
      %jit3A_46 = arith.constant 1 : i32
      %select_n3A_47 = arith.select %eq3A_45, %jit3A_46, %jit3A_43 : i32
      %rem3A_48 = arith.remsi %add3A_42, %select_n3A_47 : i32
      %ne3A_49 = arith.constant 0 : i32
      %ne3A_50 = arith.cmpi ne, %rem3A_48, %ne3A_49 : i32
      %lt3A_51 = arith.constant 0 : i32
      %lt3A_52 = arith.cmpi slt, %rem3A_48, %lt3A_51 : i32
      %lt3A_53 = arith.constant 0 : i32
      %lt3A_54 = arith.cmpi slt, %select_n3A_47, %lt3A_53 : i32
      %ne3A_55 = arith.xori %lt3A_52, %lt3A_54 : i1
      %and3A_56 = arith.andi %ne3A_55, %ne3A_50 : i1
      %add3A_57 = arith.addi %rem3A_48, %select_n3A_47 : i32
      %select_n3A_58 = arith.select %and3A_56, %add3A_57, %rem3A_48 : i32
      %lt3A_59 = arith.constant 9 : i32
      %lt3A_60 = arith.cmpi slt, %scan3A_31, %lt3A_59 : i32
      %convert_element_type3A = arith.extui %lt3A_60 : i1 to i32
      %cond3A = arith.constant 0 : i32
      %cond3A_61 = arith.cmpi ne, %convert_element_type3A, %cond3A : i32
      scf.if %cond3A_61 {
        %add3A_262 = arith.constant 1 : i32
        %add3A_263 = arith.addi %scan3A_31, %add3A_262 : i32
        %dma_start3A_264 = arith.constant 0 : i32
        %dma_start3A_265 = arith.constant 0 : i32
        %dma_start3A_266 = tpu.memref_slice %arg7[%select_n3A_58, %dma_start3A_264, %dma_start3A_265] : memref<2x8x128xi32, #tpu.memory_space<vmem>> -> memref<1x8x128xi32, #tpu.memory_space<vmem>>
        %dma_start3A_267 = tpu.memref_squeeze %dma_start3A_266 : memref<1x8x128xi32, #tpu.memory_space<vmem>> -> memref<8x128xi32, #tpu.memory_space<vmem>>
        %dma_start3A_268 = arith.constant 0 : i32
        %dma_start3A_269 = arith.constant 0 : i32
        %dma_start3A_270 = tpu.memref_slice %arg3[%add3A, %add3A_263, %dma_start3A_268, %dma_start3A_269] : memref<32x10x8x128xi32, #tpu.memory_space<hbm>> -> memref<1x1x8x128xi32, #tpu.memory_space<hbm>>
        %dma_start3A_271 = tpu.memref_squeeze %dma_start3A_270 : memref<1x1x8x128xi32, #tpu.memory_space<hbm>> -> memref<8x128xi32, #tpu.memory_space<hbm>>
        %dma_start3A_272 = arith.constant 0 : i32
        %dma_start3A_273 = arith.constant 0 : i32
        %dma_start3A_274 = tpu.memref_slice %arg7[%select_n3A_58, %dma_start3A_272, %dma_start3A_273] : memref<2x8x128xi32, #tpu.memory_space<vmem>> -> memref<1x8x128xi32, #tpu.memory_space<vmem>>
        %dma_start3A_275 = tpu.memref_squeeze %dma_start3A_274 : memref<1x8x128xi32, #tpu.memory_space<vmem>> -> memref<8x128xi32, #tpu.memory_space<vmem>>
        %dma_start3A_276 = arith.constant 0 : i32
        %dma_start3A_277 = arith.constant 0 : i32
        %dma_start3A_278 = tpu.memref_slice %arg3[%add3A, %add3A_263, %dma_start3A_276, %dma_start3A_277] : memref<32x10x8x128xi32, #tpu.memory_space<hbm>> -> memref<1x1x8x128xi32, #tpu.memory_space<hbm>>
        %dma_start3A_279 = tpu.memref_squeeze %dma_start3A_278 : memref<1x1x8x128xi32, #tpu.memory_space<hbm>> -> memref<8x128xi32, #tpu.memory_space<hbm>>
        tpu.enqueue_dma source(%dma_start3A_279 : memref<8x128xi32, #tpu.memory_space<hbm>>) target(%dma_start3A_275 : memref<8x128xi32, #tpu.memory_space<vmem>>) target_semaphore(%arg13 : memref<!tpu.dma_semaphore, #tpu.memory_space<semaphore_mem>>)
        %add3A_280 = arith.constant 1 : i32
        %add3A_281 = arith.addi %scan3A_31, %add3A_280 : i32
        %dma_start3A_282 = arith.constant 0 : i32
        %dma_start3A_283 = arith.constant 0 : i32
        %dma_start3A_284 = tpu.memref_slice %arg8[%select_n3A_58, %dma_start3A_282, %dma_start3A_283] : memref<2x8x128xi32, #tpu.memory_space<vmem>> -> memref<1x8x128xi32, #tpu.memory_space<vmem>>
        %dma_start3A_285 = tpu.memref_squeeze %dma_start3A_284 : memref<1x8x128xi32, #tpu.memory_space<vmem>> -> memref<8x128xi32, #tpu.memory_space<vmem>>
        %dma_start3A_286 = arith.constant 0 : i32
        %dma_start3A_287 = arith.constant 0 : i32
        %dma_start3A_288 = tpu.memref_slice %arg4[%add3A, %add3A_281, %dma_start3A_286, %dma_start3A_287] : memref<32x10x8x128xi32, #tpu.memory_space<hbm>> -> memref<1x1x8x128xi32, #tpu.memory_space<hbm>>
        %dma_start3A_289 = tpu.memref_squeeze %dma_start3A_288 : memref<1x1x8x128xi32, #tpu.memory_space<hbm>> -> memref<8x128xi32, #tpu.memory_space<hbm>>
        %dma_start3A_290 = arith.constant 0 : i32
        %dma_start3A_291 = arith.constant 0 : i32
        %dma_start3A_292 = tpu.memref_slice %arg8[%select_n3A_58, %dma_start3A_290, %dma_start3A_291] : memref<2x8x128xi32, #tpu.memory_space<vmem>> -> memref<1x8x128xi32, #tpu.memory_space<vmem>>
        %dma_start3A_293 = tpu.memref_squeeze %dma_start3A_292 : memref<1x8x128xi32, #tpu.memory_space<vmem>> -> memref<8x128xi32, #tpu.memory_space<vmem>>
        %dma_start3A_294 = arith.constant 0 : i32
        %dma_start3A_295 = arith.constant 0 : i32
        %dma_start3A_296 = tpu.memref_slice %arg4[%add3A, %add3A_281, %dma_start3A_294, %dma_start3A_295] : memref<32x10x8x128xi32, #tpu.memory_space<hbm>> -> memref<1x1x8x128xi32, #tpu.memory_space<hbm>>
        %dma_start3A_297 = tpu.memref_squeeze %dma_start3A_296 : memref<1x1x8x128xi32, #tpu.memory_space<hbm>> -> memref<8x128xi32, #tpu.memory_space<hbm>>
        tpu.enqueue_dma source(%dma_start3A_297 : memref<8x128xi32, #tpu.memory_space<hbm>>) target(%dma_start3A_293 : memref<8x128xi32, #tpu.memory_space<vmem>>) target_semaphore(%arg14 : memref<!tpu.dma_semaphore, #tpu.memory_space<semaphore_mem>>)
      } else {
      }
      %dma_start3A_62 = arith.constant 1 : i32
      %dma_start3A_63 = arith.constant 1 : i32
      %dma_start3A_64 = arith.constant 0 : i32
      %dma_start3A_65 = arith.constant 0 : i32
      %dma_start3A_66 = tpu.memref_slice %arg9[%dma_start3A_63, %dma_start3A_64, %dma_start3A_65] : memref<2x128x128xf32, #tpu.memory_space<vmem>> -> memref<1x128x128xf32, #tpu.memory_space<vmem>>
      %dma_start3A_67 = tpu.memref_squeeze %dma_start3A_66 : memref<1x128x128xf32, #tpu.memory_space<vmem>> -> memref<128x128xf32, #tpu.memory_space<vmem>>
      %dma_start3A_68 = arith.constant 0 : i32
      %dma_start3A_69 = tpu.memref_slice %arg7[%select_n3A_40, %dma_start3A_62, %dma_start3A_68] : memref<2x8x128xi32, #tpu.memory_space<vmem>> -> memref<1x1x128xi32, #tpu.memory_space<vmem>>
      %dma_start3A_70 = tpu.memref_squeeze %dma_start3A_69 : memref<1x1x128xi32, #tpu.memory_space<vmem>> -> memref<128xi32, #tpu.memory_space<vmem>>
      %dma_start3A_71 = arith.constant 0 : i32
      %dma_start3A_72 = arith.constant 0 : i32
      %dma_start3A_73 = tpu.memref_slice %arg2[%dma_start3A_71, %dma_start3A_72] : memref<10112x128xf32, #tpu.memory_space<hbm>> -> memref<10112x128xf32, #tpu.memory_space<hbm>>
      tpu.enqueue_indirect_dma source(%dma_start3A_73 : memref<10112x128xf32, #tpu.memory_space<hbm>>) target(%dma_start3A_67 : memref<128x128xf32, #tpu.memory_space<vmem>>) offsets(%dma_start3A_70 : memref<128xi32, #tpu.memory_space<vmem>>) semaphore(%arg12 : memref<!tpu.dma_semaphore, #tpu.memory_space<semaphore_mem>>)
      %dma_wait3A = arith.constant 0 : i32
      %dma_wait3A_74 = arith.constant 0 : i32
      %dma_wait3A_75 = arith.constant 0 : i32
      %dma_wait3A_76 = arith.constant 0 : i32
      %dma_wait3A_77 = tpu.memref_slice %arg9[%dma_wait3A_74, %dma_wait3A_75, %dma_wait3A_76] : memref<2x128x128xf32, #tpu.memory_space<vmem>> -> memref<1x128x128xf32, #tpu.memory_space<vmem>>
      %dma_wait3A_78 = tpu.memref_squeeze %dma_wait3A_77 : memref<1x128x128xf32, #tpu.memory_space<vmem>> -> memref<128x128xf32, #tpu.memory_space<vmem>>
      %dma_wait3A_79 = arith.constant 0 : i32
      %dma_wait3A_80 = tpu.memref_slice %arg7[%select_n3A_40, %dma_wait3A, %dma_wait3A_79] : memref<2x8x128xi32, #tpu.memory_space<vmem>> -> memref<1x1x128xi32, #tpu.memory_space<vmem>>
      %dma_wait3A_81 = tpu.memref_squeeze %dma_wait3A_80 : memref<1x1x128xi32, #tpu.memory_space<vmem>> -> memref<128xi32, #tpu.memory_space<vmem>>
      %dma_wait3A_82 = arith.constant 0 : i32
      %dma_wait3A_83 = arith.constant 0 : i32
      %dma_wait3A_84 = tpu.memref_slice %arg2[%dma_wait3A_82, %dma_wait3A_83] : memref<10112x128xf32, #tpu.memory_space<hbm>> -> memref<10112x128xf32, #tpu.memory_space<hbm>>
      tpu.wait_indirect_dma semaphore(%arg11 : memref<!tpu.dma_semaphore, #tpu.memory_space<semaphore_mem>>) src(%dma_wait3A_84 : memref<10112x128xf32, #tpu.memory_space<hbm>>) dst(%dma_wait3A_78 : memref<128x128xf32, #tpu.memory_space<vmem>>)
      %run_scoped3A_85 = arith.constant 0 : i32
      %run_scoped3A_86 = arith.constant 0 : i32
      "tpu.region"() ({
        %run_scoped3A_262 = tpu.sem_alloc : memref<!tpu.dma_semaphore, #tpu.memory_space<semaphore_mem>>
        %dma_start3A_263 = arith.constant 0 : i32
        %dma_start3A_264 = arith.constant 0 : i32
        %dma_start3A_265 = tpu.memref_slice %arg9[%run_scoped3A_85, %dma_start3A_263, %dma_start3A_264] : memref<2x128x128xf32, #tpu.memory_space<vmem>> -> memref<1x128x128xf32, #tpu.memory_space<vmem>>
        %dma_start3A_266 = tpu.memref_squeeze %dma_start3A_265 : memref<1x128x128xf32, #tpu.memory_space<vmem>> -> memref<128x128xf32, #tpu.memory_space<vmem>>
        %dma_start3A_267 = arith.constant 0 : i32
        %dma_start3A_268 = tpu.memref_slice %arg8[%select_n3A_40, %run_scoped3A_86, %dma_start3A_267] : memref<2x8x128xi32, #tpu.memory_space<vmem>> -> memref<1x1x128xi32, #tpu.memory_space<vmem>>
        %dma_start3A_269 = tpu.memref_squeeze %dma_start3A_268 : memref<1x1x128xi32, #tpu.memory_space<vmem>> -> memref<128xi32, #tpu.memory_space<vmem>>
        %dma_start3A_270 = arith.constant 0 : i32
        %dma_start3A_271 = arith.constant 0 : i32
        %dma_start3A_272 = tpu.memref_slice %arg10[%dma_start3A_270, %dma_start3A_271] : memref<10112x128xf32, #tpu.memory_space<vmem_shared>> -> memref<10112x128xf32, #tpu.memory_space<vmem_shared>>
        tpu.enqueue_indirect_dma source(%dma_start3A_266 : memref<128x128xf32, #tpu.memory_space<vmem>>) target(%dma_start3A_272 : memref<10112x128xf32, #tpu.memory_space<vmem_shared>>) offsets(%dma_start3A_269 : memref<128xi32, #tpu.memory_space<vmem>>) semaphore(%run_scoped3A_262 : memref<!tpu.dma_semaphore, #tpu.memory_space<semaphore_mem>>) {add = true}
        %dma_wait3A_273 = arith.constant 0 : i32
        %dma_wait3A_274 = arith.constant 0 : i32
        %dma_wait3A_275 = tpu.memref_slice %arg9[%run_scoped3A_85, %dma_wait3A_273, %dma_wait3A_274] : memref<2x128x128xf32, #tpu.memory_space<vmem>> -> memref<1x128x128xf32, #tpu.memory_space<vmem>>
        %dma_wait3A_276 = tpu.memref_squeeze %dma_wait3A_275 : memref<1x128x128xf32, #tpu.memory_space<vmem>> -> memref<128x128xf32, #tpu.memory_space<vmem>>
        %dma_wait3A_277 = arith.constant 0 : i32
        %dma_wait3A_278 = tpu.memref_slice %arg8[%select_n3A_40, %run_scoped3A_86, %dma_wait3A_277] : memref<2x8x128xi32, #tpu.memory_space<vmem>> -> memref<1x1x128xi32, #tpu.memory_space<vmem>>
        %dma_wait3A_279 = tpu.memref_squeeze %dma_wait3A_278 : memref<1x1x128xi32, #tpu.memory_space<vmem>> -> memref<128xi32, #tpu.memory_space<vmem>>
        %dma_wait3A_280 = arith.constant 0 : i32
        %dma_wait3A_281 = arith.constant 0 : i32
        %dma_wait3A_282 = tpu.memref_slice %arg10[%dma_wait3A_280, %dma_wait3A_281] : memref<10112x128xf32, #tpu.memory_space<vmem_shared>> -> memref<10112x128xf32, #tpu.memory_space<vmem_shared>>
        tpu.wait_indirect_dma semaphore(%run_scoped3A_262 : memref<!tpu.dma_semaphore, #tpu.memory_space<semaphore_mem>>) src(%dma_wait3A_276 : memref<128x128xf32, #tpu.memory_space<vmem>>) dst(%dma_wait3A_282 : memref<10112x128xf32, #tpu.memory_space<vmem_shared>>)
        tpu.yield
      }) : () -> ()
      %dma_start3A_87 = arith.constant 2 : i32
      %dma_start3A_88 = arith.constant 0 : i32
      %dma_start3A_89 = arith.constant 0 : i32
      %dma_start3A_90 = arith.constant 0 : i32
      %dma_start3A_91 = tpu.memref_slice %arg9[%dma_start3A_88, %dma_start3A_89, %dma_start3A_90] : memref<2x128x128xf32, #tpu.memory_space<vmem>> -> memref<1x128x128xf32, #tpu.memory_space<vmem>>
      %dma_start3A_92 = tpu.memref_squeeze %dma_start3A_91 : memref<1x128x128xf32, #tpu.memory_space<vmem>> -> memref<128x128xf32, #tpu.memory_space<vmem>>
      %dma_start3A_93 = arith.constant 0 : i32
      %dma_start3A_94 = tpu.memref_slice %arg7[%select_n3A_40, %dma_start3A_87, %dma_start3A_93] : memref<2x8x128xi32, #tpu.memory_space<vmem>> -> memref<1x1x128xi32, #tpu.memory_space<vmem>>
      %dma_start3A_95 = tpu.memref_squeeze %dma_start3A_94 : memref<1x1x128xi32, #tpu.memory_space<vmem>> -> memref<128xi32, #tpu.memory_space<vmem>>
      %dma_start3A_96 = arith.constant 0 : i32
      %dma_start3A_97 = arith.constant 0 : i32
      %dma_start3A_98 = tpu.memref_slice %arg2[%dma_start3A_96, %dma_start3A_97] : memref<10112x128xf32, #tpu.memory_space<hbm>> -> memref<10112x128xf32, #tpu.memory_space<hbm>>
      tpu.enqueue_indirect_dma source(%dma_start3A_98 : memref<10112x128xf32, #tpu.memory_space<hbm>>) target(%dma_start3A_92 : memref<128x128xf32, #tpu.memory_space<vmem>>) offsets(%dma_start3A_95 : memref<128xi32, #tpu.memory_space<vmem>>) semaphore(%arg11 : memref<!tpu.dma_semaphore, #tpu.memory_space<semaphore_mem>>)
      %dma_wait3A_99 = arith.constant 1 : i32
      %dma_wait3A_100 = arith.constant 1 : i32
      %dma_wait3A_101 = arith.constant 0 : i32
      %dma_wait3A_102 = arith.constant 0 : i32
      %dma_wait3A_103 = tpu.memref_slice %arg9[%dma_wait3A_100, %dma_wait3A_101, %dma_wait3A_102] : memref<2x128x128xf32, #tpu.memory_space<vmem>> -> memref<1x128x128xf32, #tpu.memory_space<vmem>>
      %dma_wait3A_104 = tpu.memref_squeeze %dma_wait3A_103 : memref<1x128x128xf32, #tpu.memory_space<vmem>> -> memref<128x128xf32, #tpu.memory_space<vmem>>
      %dma_wait3A_105 = arith.constant 0 : i32
      %dma_wait3A_106 = tpu.memref_slice %arg7[%select_n3A_40, %dma_wait3A_99, %dma_wait3A_105] : memref<2x8x128xi32, #tpu.memory_space<vmem>> -> memref<1x1x128xi32, #tpu.memory_space<vmem>>
      %dma_wait3A_107 = tpu.memref_squeeze %dma_wait3A_106 : memref<1x1x128xi32, #tpu.memory_space<vmem>> -> memref<128xi32, #tpu.memory_space<vmem>>
      %dma_wait3A_108 = arith.constant 0 : i32
      %dma_wait3A_109 = arith.constant 0 : i32
      %dma_wait3A_110 = tpu.memref_slice %arg2[%dma_wait3A_108, %dma_wait3A_109] : memref<10112x128xf32, #tpu.memory_space<hbm>> -> memref<10112x128xf32, #tpu.memory_space<hbm>>
      tpu.wait_indirect_dma semaphore(%arg12 : memref<!tpu.dma_semaphore, #tpu.memory_space<semaphore_mem>>) src(%dma_wait3A_110 : memref<10112x128xf32, #tpu.memory_space<hbm>>) dst(%dma_wait3A_104 : memref<128x128xf32, #tpu.memory_space<vmem>>)
      %run_scoped3A_111 = arith.constant 1 : i32
      %run_scoped3A_112 = arith.constant 1 : i32
      "tpu.region"() ({
        %run_scoped3A_262 = tpu.sem_alloc : memref<!tpu.dma_semaphore, #tpu.memory_space<semaphore_mem>>
        %dma_start3A_263 = arith.constant 0 : i32
        %dma_start3A_264 = arith.constant 0 : i32
        %dma_start3A_265 = tpu.memref_slice %arg9[%run_scoped3A_111, %dma_start3A_263, %dma_start3A_264] : memref<2x128x128xf32, #tpu.memory_space<vmem>> -> memref<1x128x128xf32, #tpu.memory_space<vmem>>
        %dma_start3A_266 = tpu.memref_squeeze %dma_start3A_265 : memref<1x128x128xf32, #tpu.memory_space<vmem>> -> memref<128x128xf32, #tpu.memory_space<vmem>>
        %dma_start3A_267 = arith.constant 0 : i32
        %dma_start3A_268 = tpu.memref_slice %arg8[%select_n3A_40, %run_scoped3A_112, %dma_start3A_267] : memref<2x8x128xi32, #tpu.memory_space<vmem>> -> memref<1x1x128xi32, #tpu.memory_space<vmem>>
        %dma_start3A_269 = tpu.memref_squeeze %dma_start3A_268 : memref<1x1x128xi32, #tpu.memory_space<vmem>> -> memref<128xi32, #tpu.memory_space<vmem>>
        %dma_start3A_270 = arith.constant 0 : i32
        %dma_start3A_271 = arith.constant 0 : i32
        %dma_start3A_272 = tpu.memref_slice %arg10[%dma_start3A_270, %dma_start3A_271] : memref<10112x128xf32, #tpu.memory_space<vmem_shared>> -> memref<10112x128xf32, #tpu.memory_space<vmem_shared>>
        tpu.enqueue_indirect_dma source(%dma_start3A_266 : memref<128x128xf32, #tpu.memory_space<vmem>>) target(%dma_start3A_272 : memref<10112x128xf32, #tpu.memory_space<vmem_shared>>) offsets(%dma_start3A_269 : memref<128xi32, #tpu.memory_space<vmem>>) semaphore(%run_scoped3A_262 : memref<!tpu.dma_semaphore, #tpu.memory_space<semaphore_mem>>) {add = true}
        %dma_wait3A_273 = arith.constant 0 : i32
        %dma_wait3A_274 = arith.constant 0 : i32
        %dma_wait3A_275 = tpu.memref_slice %arg9[%run_scoped3A_111, %dma_wait3A_273, %dma_wait3A_274] : memref<2x128x128xf32, #tpu.memory_space<vmem>> -> memref<1x128x128xf32, #tpu.memory_space<vmem>>
        %dma_wait3A_276 = tpu.memref_squeeze %dma_wait3A_275 : memref<1x128x128xf32, #tpu.memory_space<vmem>> -> memref<128x128xf32, #tpu.memory_space<vmem>>
        %dma_wait3A_277 = arith.constant 0 : i32
        %dma_wait3A_278 = tpu.memref_slice %arg8[%select_n3A_40, %run_scoped3A_112, %dma_wait3A_277] : memref<2x8x128xi32, #tpu.memory_space<vmem>> -> memref<1x1x128xi32, #tpu.memory_space<vmem>>
        %dma_wait3A_279 = tpu.memref_squeeze %dma_wait3A_278 : memref<1x1x128xi32, #tpu.memory_space<vmem>> -> memref<128xi32, #tpu.memory_space<vmem>>
        %dma_wait3A_280 = arith.constant 0 : i32
        %dma_wait3A_281 = arith.constant 0 : i32
        %dma_wait3A_282 = tpu.memref_slice %arg10[%dma_wait3A_280, %dma_wait3A_281] : memref<10112x128xf32, #tpu.memory_space<vmem_shared>> -> memref<10112x128xf32, #tpu.memory_space<vmem_shared>>
        tpu.wait_indirect_dma semaphore(%run_scoped3A_262 : memref<!tpu.dma_semaphore, #tpu.memory_space<semaphore_mem>>) src(%dma_wait3A_276 : memref<128x128xf32, #tpu.memory_space<vmem>>) dst(%dma_wait3A_282 : memref<10112x128xf32, #tpu.memory_space<vmem_shared>>)
        tpu.yield
      }) : () -> ()
      %dma_start3A_113 = arith.constant 3 : i32
      %dma_start3A_114 = arith.constant 1 : i32
      %dma_start3A_115 = arith.constant 0 : i32
      %dma_start3A_116 = arith.constant 0 : i32
      %dma_start3A_117 = tpu.memref_slice %arg9[%dma_start3A_114, %dma_start3A_115, %dma_start3A_116] : memref<2x128x128xf32, #tpu.memory_space<vmem>> -> memref<1x128x128xf32, #tpu.memory_space<vmem>>
      %dma_start3A_118 = tpu.memref_squeeze %dma_start3A_117 : memref<1x128x128xf32, #tpu.memory_space<vmem>> -> memref<128x128xf32, #tpu.memory_space<vmem>>
      %dma_start3A_119 = arith.constant 0 : i32
      %dma_start3A_120 = tpu.memref_slice %arg7[%select_n3A_40, %dma_start3A_113, %dma_start3A_119] : memref<2x8x128xi32, #tpu.memory_space<vmem>> -> memref<1x1x128xi32, #tpu.memory_space<vmem>>
      %dma_start3A_121 = tpu.memref_squeeze %dma_start3A_120 : memref<1x1x128xi32, #tpu.memory_space<vmem>> -> memref<128xi32, #tpu.memory_space<vmem>>
      %dma_start3A_122 = arith.constant 0 : i32
      %dma_start3A_123 = arith.constant 0 : i32
      %dma_start3A_124 = tpu.memref_slice %arg2[%dma_start3A_122, %dma_start3A_123] : memref<10112x128xf32, #tpu.memory_space<hbm>> -> memref<10112x128xf32, #tpu.memory_space<hbm>>
      tpu.enqueue_indirect_dma source(%dma_start3A_124 : memref<10112x128xf32, #tpu.memory_space<hbm>>) target(%dma_start3A_118 : memref<128x128xf32, #tpu.memory_space<vmem>>) offsets(%dma_start3A_121 : memref<128xi32, #tpu.memory_space<vmem>>) semaphore(%arg12 : memref<!tpu.dma_semaphore, #tpu.memory_space<semaphore_mem>>)
      %dma_wait3A_125 = arith.constant 2 : i32
      %dma_wait3A_126 = arith.constant 0 : i32
      %dma_wait3A_127 = arith.constant 0 : i32
      %dma_wait3A_128 = arith.constant 0 : i32
      %dma_wait3A_129 = tpu.memref_slice %arg9[%dma_wait3A_126, %dma_wait3A_127, %dma_wait3A_128] : memref<2x128x128xf32, #tpu.memory_space<vmem>> -> memref<1x128x128xf32, #tpu.memory_space<vmem>>
      %dma_wait3A_130 = tpu.memref_squeeze %dma_wait3A_129 : memref<1x128x128xf32, #tpu.memory_space<vmem>> -> memref<128x128xf32, #tpu.memory_space<vmem>>
      %dma_wait3A_131 = arith.constant 0 : i32
      %dma_wait3A_132 = tpu.memref_slice %arg7[%select_n3A_40, %dma_wait3A_125, %dma_wait3A_131] : memref<2x8x128xi32, #tpu.memory_space<vmem>> -> memref<1x1x128xi32, #tpu.memory_space<vmem>>
      %dma_wait3A_133 = tpu.memref_squeeze %dma_wait3A_132 : memref<1x1x128xi32, #tpu.memory_space<vmem>> -> memref<128xi32, #tpu.memory_space<vmem>>
      %dma_wait3A_134 = arith.constant 0 : i32
      %dma_wait3A_135 = arith.constant 0 : i32
      %dma_wait3A_136 = tpu.memref_slice %arg2[%dma_wait3A_134, %dma_wait3A_135] : memref<10112x128xf32, #tpu.memory_space<hbm>> -> memref<10112x128xf32, #tpu.memory_space<hbm>>
      tpu.wait_indirect_dma semaphore(%arg11 : memref<!tpu.dma_semaphore, #tpu.memory_space<semaphore_mem>>) src(%dma_wait3A_136 : memref<10112x128xf32, #tpu.memory_space<hbm>>) dst(%dma_wait3A_130 : memref<128x128xf32, #tpu.memory_space<vmem>>)
      %run_scoped3A_137 = arith.constant 0 : i32
      %run_scoped3A_138 = arith.constant 2 : i32
      "tpu.region"() ({
        %run_scoped3A_262 = tpu.sem_alloc : memref<!tpu.dma_semaphore, #tpu.memory_space<semaphore_mem>>
        %dma_start3A_263 = arith.constant 0 : i32
        %dma_start3A_264 = arith.constant 0 : i32
        %dma_start3A_265 = tpu.memref_slice %arg9[%run_scoped3A_137, %dma_start3A_263, %dma_start3A_264] : memref<2x128x128xf32, #tpu.memory_space<vmem>> -> memref<1x128x128xf32, #tpu.memory_space<vmem>>
        %dma_start3A_266 = tpu.memref_squeeze %dma_start3A_265 : memref<1x128x128xf32, #tpu.memory_space<vmem>> -> memref<128x128xf32, #tpu.memory_space<vmem>>
        %dma_start3A_267 = arith.constant 0 : i32
        %dma_start3A_268 = tpu.memref_slice %arg8[%select_n3A_40, %run_scoped3A_138, %dma_start3A_267] : memref<2x8x128xi32, #tpu.memory_space<vmem>> -> memref<1x1x128xi32, #tpu.memory_space<vmem>>
        %dma_start3A_269 = tpu.memref_squeeze %dma_start3A_268 : memref<1x1x128xi32, #tpu.memory_space<vmem>> -> memref<128xi32, #tpu.memory_space<vmem>>
        %dma_start3A_270 = arith.constant 0 : i32
        %dma_start3A_271 = arith.constant 0 : i32
        %dma_start3A_272 = tpu.memref_slice %arg10[%dma_start3A_270, %dma_start3A_271] : memref<10112x128xf32, #tpu.memory_space<vmem_shared>> -> memref<10112x128xf32, #tpu.memory_space<vmem_shared>>
        tpu.enqueue_indirect_dma source(%dma_start3A_266 : memref<128x128xf32, #tpu.memory_space<vmem>>) target(%dma_start3A_272 : memref<10112x128xf32, #tpu.memory_space<vmem_shared>>) offsets(%dma_start3A_269 : memref<128xi32, #tpu.memory_space<vmem>>) semaphore(%run_scoped3A_262 : memref<!tpu.dma_semaphore, #tpu.memory_space<semaphore_mem>>) {add = true}
        %dma_wait3A_273 = arith.constant 0 : i32
        %dma_wait3A_274 = arith.constant 0 : i32
        %dma_wait3A_275 = tpu.memref_slice %arg9[%run_scoped3A_137, %dma_wait3A_273, %dma_wait3A_274] : memref<2x128x128xf32, #tpu.memory_space<vmem>> -> memref<1x128x128xf32, #tpu.memory_space<vmem>>
        %dma_wait3A_276 = tpu.memref_squeeze %dma_wait3A_275 : memref<1x128x128xf32, #tpu.memory_space<vmem>> -> memref<128x128xf32, #tpu.memory_space<vmem>>
        %dma_wait3A_277 = arith.constant 0 : i32
        %dma_wait3A_278 = tpu.memref_slice %arg8[%select_n3A_40, %run_scoped3A_138, %dma_wait3A_277] : memref<2x8x128xi32, #tpu.memory_space<vmem>> -> memref<1x1x128xi32, #tpu.memory_space<vmem>>
        %dma_wait3A_279 = tpu.memref_squeeze %dma_wait3A_278 : memref<1x1x128xi32, #tpu.memory_space<vmem>> -> memref<128xi32, #tpu.memory_space<vmem>>
        %dma_wait3A_280 = arith.constant 0 : i32
        %dma_wait3A_281 = arith.constant 0 : i32
        %dma_wait3A_282 = tpu.memref_slice %arg10[%dma_wait3A_280, %dma_wait3A_281] : memref<10112x128xf32, #tpu.memory_space<vmem_shared>> -> memref<10112x128xf32, #tpu.memory_space<vmem_shared>>
        tpu.wait_indirect_dma semaphore(%run_scoped3A_262 : memref<!tpu.dma_semaphore, #tpu.memory_space<semaphore_mem>>) src(%dma_wait3A_276 : memref<128x128xf32, #tpu.memory_space<vmem>>) dst(%dma_wait3A_282 : memref<10112x128xf32, #tpu.memory_space<vmem_shared>>)
        tpu.yield
      }) : () -> ()
      %dma_start3A_139 = arith.constant 4 : i32
      %dma_start3A_140 = arith.constant 0 : i32
      %dma_start3A_141 = arith.constant 0 : i32
      %dma_start3A_142 = arith.constant 0 : i32
      %dma_start3A_143 = tpu.memref_slice %arg9[%dma_start3A_140, %dma_start3A_141, %dma_start3A_142] : memref<2x128x128xf32, #tpu.memory_space<vmem>> -> memref<1x128x128xf32, #tpu.memory_space<vmem>>
      %dma_start3A_144 = tpu.memref_squeeze %dma_start3A_143 : memref<1x128x128xf32, #tpu.memory_space<vmem>> -> memref<128x128xf32, #tpu.memory_space<vmem>>
      %dma_start3A_145 = arith.constant 0 : i32
      %dma_start3A_146 = tpu.memref_slice %arg7[%select_n3A_40, %dma_start3A_139, %dma_start3A_145] : memref<2x8x128xi32, #tpu.memory_space<vmem>> -> memref<1x1x128xi32, #tpu.memory_space<vmem>>
      %dma_start3A_147 = tpu.memref_squeeze %dma_start3A_146 : memref<1x1x128xi32, #tpu.memory_space<vmem>> -> memref<128xi32, #tpu.memory_space<vmem>>
      %dma_start3A_148 = arith.constant 0 : i32
      %dma_start3A_149 = arith.constant 0 : i32
      %dma_start3A_150 = tpu.memref_slice %arg2[%dma_start3A_148, %dma_start3A_149] : memref<10112x128xf32, #tpu.memory_space<hbm>> -> memref<10112x128xf32, #tpu.memory_space<hbm>>
      tpu.enqueue_indirect_dma source(%dma_start3A_150 : memref<10112x128xf32, #tpu.memory_space<hbm>>) target(%dma_start3A_144 : memref<128x128xf32, #tpu.memory_space<vmem>>) offsets(%dma_start3A_147 : memref<128xi32, #tpu.memory_space<vmem>>) semaphore(%arg11 : memref<!tpu.dma_semaphore, #tpu.memory_space<semaphore_mem>>)
      %dma_wait3A_151 = arith.constant 3 : i32
      %dma_wait3A_152 = arith.constant 1 : i32
      %dma_wait3A_153 = arith.constant 0 : i32
      %dma_wait3A_154 = arith.constant 0 : i32
      %dma_wait3A_155 = tpu.memref_slice %arg9[%dma_wait3A_152, %dma_wait3A_153, %dma_wait3A_154] : memref<2x128x128xf32, #tpu.memory_space<vmem>> -> memref<1x128x128xf32, #tpu.memory_space<vmem>>
      %dma_wait3A_156 = tpu.memref_squeeze %dma_wait3A_155 : memref<1x128x128xf32, #tpu.memory_space<vmem>> -> memref<128x128xf32, #tpu.memory_space<vmem>>
      %dma_wait3A_157 = arith.constant 0 : i32
      %dma_wait3A_158 = tpu.memref_slice %arg7[%select_n3A_40, %dma_wait3A_151, %dma_wait3A_157] : memref<2x8x128xi32, #tpu.memory_space<vmem>> -> memref<1x1x128xi32, #tpu.memory_space<vmem>>
      %dma_wait3A_159 = tpu.memref_squeeze %dma_wait3A_158 : memref<1x1x128xi32, #tpu.memory_space<vmem>> -> memref<128xi32, #tpu.memory_space<vmem>>
      %dma_wait3A_160 = arith.constant 0 : i32
      %dma_wait3A_161 = arith.constant 0 : i32
      %dma_wait3A_162 = tpu.memref_slice %arg2[%dma_wait3A_160, %dma_wait3A_161] : memref<10112x128xf32, #tpu.memory_space<hbm>> -> memref<10112x128xf32, #tpu.memory_space<hbm>>
      tpu.wait_indirect_dma semaphore(%arg12 : memref<!tpu.dma_semaphore, #tpu.memory_space<semaphore_mem>>) src(%dma_wait3A_162 : memref<10112x128xf32, #tpu.memory_space<hbm>>) dst(%dma_wait3A_156 : memref<128x128xf32, #tpu.memory_space<vmem>>)
      %run_scoped3A_163 = arith.constant 1 : i32
      %run_scoped3A_164 = arith.constant 3 : i32
      "tpu.region"() ({
        %run_scoped3A_262 = tpu.sem_alloc : memref<!tpu.dma_semaphore, #tpu.memory_space<semaphore_mem>>
        %dma_start3A_263 = arith.constant 0 : i32
        %dma_start3A_264 = arith.constant 0 : i32
        %dma_start3A_265 = tpu.memref_slice %arg9[%run_scoped3A_163, %dma_start3A_263, %dma_start3A_264] : memref<2x128x128xf32, #tpu.memory_space<vmem>> -> memref<1x128x128xf32, #tpu.memory_space<vmem>>
        %dma_start3A_266 = tpu.memref_squeeze %dma_start3A_265 : memref<1x128x128xf32, #tpu.memory_space<vmem>> -> memref<128x128xf32, #tpu.memory_space<vmem>>
        %dma_start3A_267 = arith.constant 0 : i32
        %dma_start3A_268 = tpu.memref_slice %arg8[%select_n3A_40, %run_scoped3A_164, %dma_start3A_267] : memref<2x8x128xi32, #tpu.memory_space<vmem>> -> memref<1x1x128xi32, #tpu.memory_space<vmem>>
        %dma_start3A_269 = tpu.memref_squeeze %dma_start3A_268 : memref<1x1x128xi32, #tpu.memory_space<vmem>> -> memref<128xi32, #tpu.memory_space<vmem>>
        %dma_start3A_270 = arith.constant 0 : i32
        %dma_start3A_271 = arith.constant 0 : i32
        %dma_start3A_272 = tpu.memref_slice %arg10[%dma_start3A_270, %dma_start3A_271] : memref<10112x128xf32, #tpu.memory_space<vmem_shared>> -> memref<10112x128xf32, #tpu.memory_space<vmem_shared>>
        tpu.enqueue_indirect_dma source(%dma_start3A_266 : memref<128x128xf32, #tpu.memory_space<vmem>>) target(%dma_start3A_272 : memref<10112x128xf32, #tpu.memory_space<vmem_shared>>) offsets(%dma_start3A_269 : memref<128xi32, #tpu.memory_space<vmem>>) semaphore(%run_scoped3A_262 : memref<!tpu.dma_semaphore, #tpu.memory_space<semaphore_mem>>) {add = true}
        %dma_wait3A_273 = arith.constant 0 : i32
        %dma_wait3A_274 = arith.constant 0 : i32
        %dma_wait3A_275 = tpu.memref_slice %arg9[%run_scoped3A_163, %dma_wait3A_273, %dma_wait3A_274] : memref<2x128x128xf32, #tpu.memory_space<vmem>> -> memref<1x128x128xf32, #tpu.memory_space<vmem>>
        %dma_wait3A_276 = tpu.memref_squeeze %dma_wait3A_275 : memref<1x128x128xf32, #tpu.memory_space<vmem>> -> memref<128x128xf32, #tpu.memory_space<vmem>>
        %dma_wait3A_277 = arith.constant 0 : i32
        %dma_wait3A_278 = tpu.memref_slice %arg8[%select_n3A_40, %run_scoped3A_164, %dma_wait3A_277] : memref<2x8x128xi32, #tpu.memory_space<vmem>> -> memref<1x1x128xi32, #tpu.memory_space<vmem>>
        %dma_wait3A_279 = tpu.memref_squeeze %dma_wait3A_278 : memref<1x1x128xi32, #tpu.memory_space<vmem>> -> memref<128xi32, #tpu.memory_space<vmem>>
        %dma_wait3A_280 = arith.constant 0 : i32
        %dma_wait3A_281 = arith.constant 0 : i32
        %dma_wait3A_282 = tpu.memref_slice %arg10[%dma_wait3A_280, %dma_wait3A_281] : memref<10112x128xf32, #tpu.memory_space<vmem_shared>> -> memref<10112x128xf32, #tpu.memory_space<vmem_shared>>
        tpu.wait_indirect_dma semaphore(%run_scoped3A_262 : memref<!tpu.dma_semaphore, #tpu.memory_space<semaphore_mem>>) src(%dma_wait3A_276 : memref<128x128xf32, #tpu.memory_space<vmem>>) dst(%dma_wait3A_282 : memref<10112x128xf32, #tpu.memory_space<vmem_shared>>)
        tpu.yield
      }) : () -> ()
      %dma_start3A_165 = arith.constant 5 : i32
      %dma_start3A_166 = arith.constant 1 : i32
      %dma_start3A_167 = arith.constant 0 : i32
      %dma_start3A_168 = arith.constant 0 : i32
      %dma_start3A_169 = tpu.memref_slice %arg9[%dma_start3A_166, %dma_start3A_167, %dma_start3A_168] : memref<2x128x128xf32, #tpu.memory_space<vmem>> -> memref<1x128x128xf32, #tpu.memory_space<vmem>>
      %dma_start3A_170 = tpu.memref_squeeze %dma_start3A_169 : memref<1x128x128xf32, #tpu.memory_space<vmem>> -> memref<128x128xf32, #tpu.memory_space<vmem>>
      %dma_start3A_171 = arith.constant 0 : i32
      %dma_start3A_172 = tpu.memref_slice %arg7[%select_n3A_40, %dma_start3A_165, %dma_start3A_171] : memref<2x8x128xi32, #tpu.memory_space<vmem>> -> memref<1x1x128xi32, #tpu.memory_space<vmem>>
      %dma_start3A_173 = tpu.memref_squeeze %dma_start3A_172 : memref<1x1x128xi32, #tpu.memory_space<vmem>> -> memref<128xi32, #tpu.memory_space<vmem>>
      %dma_start3A_174 = arith.constant 0 : i32
      %dma_start3A_175 = arith.constant 0 : i32
      %dma_start3A_176 = tpu.memref_slice %arg2[%dma_start3A_174, %dma_start3A_175] : memref<10112x128xf32, #tpu.memory_space<hbm>> -> memref<10112x128xf32, #tpu.memory_space<hbm>>
      tpu.enqueue_indirect_dma source(%dma_start3A_176 : memref<10112x128xf32, #tpu.memory_space<hbm>>) target(%dma_start3A_170 : memref<128x128xf32, #tpu.memory_space<vmem>>) offsets(%dma_start3A_173 : memref<128xi32, #tpu.memory_space<vmem>>) semaphore(%arg12 : memref<!tpu.dma_semaphore, #tpu.memory_space<semaphore_mem>>)
      %dma_wait3A_177 = arith.constant 4 : i32
      %dma_wait3A_178 = arith.constant 0 : i32
      %dma_wait3A_179 = arith.constant 0 : i32
      %dma_wait3A_180 = arith.constant 0 : i32
      %dma_wait3A_181 = tpu.memref_slice %arg9[%dma_wait3A_178, %dma_wait3A_179, %dma_wait3A_180] : memref<2x128x128xf32, #tpu.memory_space<vmem>> -> memref<1x128x128xf32, #tpu.memory_space<vmem>>
      %dma_wait3A_182 = tpu.memref_squeeze %dma_wait3A_181 : memref<1x128x128xf32, #tpu.memory_space<vmem>> -> memref<128x128xf32, #tpu.memory_space<vmem>>
      %dma_wait3A_183 = arith.constant 0 : i32
      %dma_wait3A_184 = tpu.memref_slice %arg7[%select_n3A_40, %dma_wait3A_177, %dma_wait3A_183] : memref<2x8x128xi32, #tpu.memory_space<vmem>> -> memref<1x1x128xi32, #tpu.memory_space<vmem>>
      %dma_wait3A_185 = tpu.memref_squeeze %dma_wait3A_184 : memref<1x1x128xi32, #tpu.memory_space<vmem>> -> memref<128xi32, #tpu.memory_space<vmem>>
      %dma_wait3A_186 = arith.constant 0 : i32
      %dma_wait3A_187 = arith.constant 0 : i32
      %dma_wait3A_188 = tpu.memref_slice %arg2[%dma_wait3A_186, %dma_wait3A_187] : memref<10112x128xf32, #tpu.memory_space<hbm>> -> memref<10112x128xf32, #tpu.memory_space<hbm>>
      tpu.wait_indirect_dma semaphore(%arg11 : memref<!tpu.dma_semaphore, #tpu.memory_space<semaphore_mem>>) src(%dma_wait3A_188 : memref<10112x128xf32, #tpu.memory_space<hbm>>) dst(%dma_wait3A_182 : memref<128x128xf32, #tpu.memory_space<vmem>>)
      %run_scoped3A_189 = arith.constant 0 : i32
      %run_scoped3A_190 = arith.constant 4 : i32
      "tpu.region"() ({
        %run_scoped3A_262 = tpu.sem_alloc : memref<!tpu.dma_semaphore, #tpu.memory_space<semaphore_mem>>
        %dma_start3A_263 = arith.constant 0 : i32
        %dma_start3A_264 = arith.constant 0 : i32
        %dma_start3A_265 = tpu.memref_slice %arg9[%run_scoped3A_189, %dma_start3A_263, %dma_start3A_264] : memref<2x128x128xf32, #tpu.memory_space<vmem>> -> memref<1x128x128xf32, #tpu.memory_space<vmem>>
        %dma_start3A_266 = tpu.memref_squeeze %dma_start3A_265 : memref<1x128x128xf32, #tpu.memory_space<vmem>> -> memref<128x128xf32, #tpu.memory_space<vmem>>
        %dma_start3A_267 = arith.constant 0 : i32
        %dma_start3A_268 = tpu.memref_slice %arg8[%select_n3A_40, %run_scoped3A_190, %dma_start3A_267] : memref<2x8x128xi32, #tpu.memory_space<vmem>> -> memref<1x1x128xi32, #tpu.memory_space<vmem>>
        %dma_start3A_269 = tpu.memref_squeeze %dma_start3A_268 : memref<1x1x128xi32, #tpu.memory_space<vmem>> -> memref<128xi32, #tpu.memory_space<vmem>>
        %dma_start3A_270 = arith.constant 0 : i32
        %dma_start3A_271 = arith.constant 0 : i32
        %dma_start3A_272 = tpu.memref_slice %arg10[%dma_start3A_270, %dma_start3A_271] : memref<10112x128xf32, #tpu.memory_space<vmem_shared>> -> memref<10112x128xf32, #tpu.memory_space<vmem_shared>>
        tpu.enqueue_indirect_dma source(%dma_start3A_266 : memref<128x128xf32, #tpu.memory_space<vmem>>) target(%dma_start3A_272 : memref<10112x128xf32, #tpu.memory_space<vmem_shared>>) offsets(%dma_start3A_269 : memref<128xi32, #tpu.memory_space<vmem>>) semaphore(%run_scoped3A_262 : memref<!tpu.dma_semaphore, #tpu.memory_space<semaphore_mem>>) {add = true}
        %dma_wait3A_273 = arith.constant 0 : i32
        %dma_wait3A_274 = arith.constant 0 : i32
        %dma_wait3A_275 = tpu.memref_slice %arg9[%run_scoped3A_189, %dma_wait3A_273, %dma_wait3A_274] : memref<2x128x128xf32, #tpu.memory_space<vmem>> -> memref<1x128x128xf32, #tpu.memory_space<vmem>>
        %dma_wait3A_276 = tpu.memref_squeeze %dma_wait3A_275 : memref<1x128x128xf32, #tpu.memory_space<vmem>> -> memref<128x128xf32, #tpu.memory_space<vmem>>
        %dma_wait3A_277 = arith.constant 0 : i32
        %dma_wait3A_278 = tpu.memref_slice %arg8[%select_n3A_40, %run_scoped3A_190, %dma_wait3A_277] : memref<2x8x128xi32, #tpu.memory_space<vmem>> -> memref<1x1x128xi32, #tpu.memory_space<vmem>>
        %dma_wait3A_279 = tpu.memref_squeeze %dma_wait3A_278 : memref<1x1x128xi32, #tpu.memory_space<vmem>> -> memref<128xi32, #tpu.memory_space<vmem>>
        %dma_wait3A_280 = arith.constant 0 : i32
        %dma_wait3A_281 = arith.constant 0 : i32
        %dma_wait3A_282 = tpu.memref_slice %arg10[%dma_wait3A_280, %dma_wait3A_281] : memref<10112x128xf32, #tpu.memory_space<vmem_shared>> -> memref<10112x128xf32, #tpu.memory_space<vmem_shared>>
        tpu.wait_indirect_dma semaphore(%run_scoped3A_262 : memref<!tpu.dma_semaphore, #tpu.memory_space<semaphore_mem>>) src(%dma_wait3A_276 : memref<128x128xf32, #tpu.memory_space<vmem>>) dst(%dma_wait3A_282 : memref<10112x128xf32, #tpu.memory_space<vmem_shared>>)
        tpu.yield
      }) : () -> ()
      %dma_start3A_191 = arith.constant 6 : i32
      %dma_start3A_192 = arith.constant 0 : i32
      %dma_start3A_193 = arith.constant 0 : i32
      %dma_start3A_194 = arith.constant 0 : i32
      %dma_start3A_195 = tpu.memref_slice %arg9[%dma_start3A_192, %dma_start3A_193, %dma_start3A_194] : memref<2x128x128xf32, #tpu.memory_space<vmem>> -> memref<1x128x128xf32, #tpu.memory_space<vmem>>
      %dma_start3A_196 = tpu.memref_squeeze %dma_start3A_195 : memref<1x128x128xf32, #tpu.memory_space<vmem>> -> memref<128x128xf32, #tpu.memory_space<vmem>>
      %dma_start3A_197 = arith.constant 0 : i32
      %dma_start3A_198 = tpu.memref_slice %arg7[%select_n3A_40, %dma_start3A_191, %dma_start3A_197] : memref<2x8x128xi32, #tpu.memory_space<vmem>> -> memref<1x1x128xi32, #tpu.memory_space<vmem>>
      %dma_start3A_199 = tpu.memref_squeeze %dma_start3A_198 : memref<1x1x128xi32, #tpu.memory_space<vmem>> -> memref<128xi32, #tpu.memory_space<vmem>>
      %dma_start3A_200 = arith.constant 0 : i32
      %dma_start3A_201 = arith.constant 0 : i32
      %dma_start3A_202 = tpu.memref_slice %arg2[%dma_start3A_200, %dma_start3A_201] : memref<10112x128xf32, #tpu.memory_space<hbm>> -> memref<10112x128xf32, #tpu.memory_space<hbm>>
      tpu.enqueue_indirect_dma source(%dma_start3A_202 : memref<10112x128xf32, #tpu.memory_space<hbm>>) target(%dma_start3A_196 : memref<128x128xf32, #tpu.memory_space<vmem>>) offsets(%dma_start3A_199 : memref<128xi32, #tpu.memory_space<vmem>>) semaphore(%arg11 : memref<!tpu.dma_semaphore, #tpu.memory_space<semaphore_mem>>)
      %dma_wait3A_203 = arith.constant 5 : i32
      %dma_wait3A_204 = arith.constant 1 : i32
      %dma_wait3A_205 = arith.constant 0 : i32
      %dma_wait3A_206 = arith.constant 0 : i32
      %dma_wait3A_207 = tpu.memref_slice %arg9[%dma_wait3A_204, %dma_wait3A_205, %dma_wait3A_206] : memref<2x128x128xf32, #tpu.memory_space<vmem>> -> memref<1x128x128xf32, #tpu.memory_space<vmem>>
      %dma_wait3A_208 = tpu.memref_squeeze %dma_wait3A_207 : memref<1x128x128xf32, #tpu.memory_space<vmem>> -> memref<128x128xf32, #tpu.memory_space<vmem>>
      %dma_wait3A_209 = arith.constant 0 : i32
      %dma_wait3A_210 = tpu.memref_slice %arg7[%select_n3A_40, %dma_wait3A_203, %dma_wait3A_209] : memref<2x8x128xi32, #tpu.memory_space<vmem>> -> memref<1x1x128xi32, #tpu.memory_space<vmem>>
      %dma_wait3A_211 = tpu.memref_squeeze %dma_wait3A_210 : memref<1x1x128xi32, #tpu.memory_space<vmem>> -> memref<128xi32, #tpu.memory_space<vmem>>
      %dma_wait3A_212 = arith.constant 0 : i32
      %dma_wait3A_213 = arith.constant 0 : i32
      %dma_wait3A_214 = tpu.memref_slice %arg2[%dma_wait3A_212, %dma_wait3A_213] : memref<10112x128xf32, #tpu.memory_space<hbm>> -> memref<10112x128xf32, #tpu.memory_space<hbm>>
      tpu.wait_indirect_dma semaphore(%arg12 : memref<!tpu.dma_semaphore, #tpu.memory_space<semaphore_mem>>) src(%dma_wait3A_214 : memref<10112x128xf32, #tpu.memory_space<hbm>>) dst(%dma_wait3A_208 : memref<128x128xf32, #tpu.memory_space<vmem>>)
      %run_scoped3A_215 = arith.constant 1 : i32
      %run_scoped3A_216 = arith.constant 5 : i32
      "tpu.region"() ({
        %run_scoped3A_262 = tpu.sem_alloc : memref<!tpu.dma_semaphore, #tpu.memory_space<semaphore_mem>>
        %dma_start3A_263 = arith.constant 0 : i32
        %dma_start3A_264 = arith.constant 0 : i32
        %dma_start3A_265 = tpu.memref_slice %arg9[%run_scoped3A_215, %dma_start3A_263, %dma_start3A_264] : memref<2x128x128xf32, #tpu.memory_space<vmem>> -> memref<1x128x128xf32, #tpu.memory_space<vmem>>
        %dma_start3A_266 = tpu.memref_squeeze %dma_start3A_265 : memref<1x128x128xf32, #tpu.memory_space<vmem>> -> memref<128x128xf32, #tpu.memory_space<vmem>>
        %dma_start3A_267 = arith.constant 0 : i32
        %dma_start3A_268 = tpu.memref_slice %arg8[%select_n3A_40, %run_scoped3A_216, %dma_start3A_267] : memref<2x8x128xi32, #tpu.memory_space<vmem>> -> memref<1x1x128xi32, #tpu.memory_space<vmem>>
        %dma_start3A_269 = tpu.memref_squeeze %dma_start3A_268 : memref<1x1x128xi32, #tpu.memory_space<vmem>> -> memref<128xi32, #tpu.memory_space<vmem>>
        %dma_start3A_270 = arith.constant 0 : i32
        %dma_start3A_271 = arith.constant 0 : i32
        %dma_start3A_272 = tpu.memref_slice %arg10[%dma_start3A_270, %dma_start3A_271] : memref<10112x128xf32, #tpu.memory_space<vmem_shared>> -> memref<10112x128xf32, #tpu.memory_space<vmem_shared>>
        tpu.enqueue_indirect_dma source(%dma_start3A_266 : memref<128x128xf32, #tpu.memory_space<vmem>>) target(%dma_start3A_272 : memref<10112x128xf32, #tpu.memory_space<vmem_shared>>) offsets(%dma_start3A_269 : memref<128xi32, #tpu.memory_space<vmem>>) semaphore(%run_scoped3A_262 : memref<!tpu.dma_semaphore, #tpu.memory_space<semaphore_mem>>) {add = true}
        %dma_wait3A_273 = arith.constant 0 : i32
        %dma_wait3A_274 = arith.constant 0 : i32
        %dma_wait3A_275 = tpu.memref_slice %arg9[%run_scoped3A_215, %dma_wait3A_273, %dma_wait3A_274] : memref<2x128x128xf32, #tpu.memory_space<vmem>> -> memref<1x128x128xf32, #tpu.memory_space<vmem>>
        %dma_wait3A_276 = tpu.memref_squeeze %dma_wait3A_275 : memref<1x128x128xf32, #tpu.memory_space<vmem>> -> memref<128x128xf32, #tpu.memory_space<vmem>>
        %dma_wait3A_277 = arith.constant 0 : i32
        %dma_wait3A_278 = tpu.memref_slice %arg8[%select_n3A_40, %run_scoped3A_216, %dma_wait3A_277] : memref<2x8x128xi32, #tpu.memory_space<vmem>> -> memref<1x1x128xi32, #tpu.memory_space<vmem>>
        %dma_wait3A_279 = tpu.memref_squeeze %dma_wait3A_278 : memref<1x1x128xi32, #tpu.memory_space<vmem>> -> memref<128xi32, #tpu.memory_space<vmem>>
        %dma_wait3A_280 = arith.constant 0 : i32
        %dma_wait3A_281 = arith.constant 0 : i32
        %dma_wait3A_282 = tpu.memref_slice %arg10[%dma_wait3A_280, %dma_wait3A_281] : memref<10112x128xf32, #tpu.memory_space<vmem_shared>> -> memref<10112x128xf32, #tpu.memory_space<vmem_shared>>
        tpu.wait_indirect_dma semaphore(%run_scoped3A_262 : memref<!tpu.dma_semaphore, #tpu.memory_space<semaphore_mem>>) src(%dma_wait3A_276 : memref<128x128xf32, #tpu.memory_space<vmem>>) dst(%dma_wait3A_282 : memref<10112x128xf32, #tpu.memory_space<vmem_shared>>)
        tpu.yield
      }) : () -> ()
      %dma_start3A_217 = arith.constant 7 : i32
      %dma_start3A_218 = arith.constant 1 : i32
      %dma_start3A_219 = arith.constant 0 : i32
      %dma_start3A_220 = arith.constant 0 : i32
      %dma_start3A_221 = tpu.memref_slice %arg9[%dma_start3A_218, %dma_start3A_219, %dma_start3A_220] : memref<2x128x128xf32, #tpu.memory_space<vmem>> -> memref<1x128x128xf32, #tpu.memory_space<vmem>>
      %dma_start3A_222 = tpu.memref_squeeze %dma_start3A_221 : memref<1x128x128xf32, #tpu.memory_space<vmem>> -> memref<128x128xf32, #tpu.memory_space<vmem>>
      %dma_start3A_223 = arith.constant 0 : i32
      %dma_start3A_224 = tpu.memref_slice %arg7[%select_n3A_40, %dma_start3A_217, %dma_start3A_223] : memref<2x8x128xi32, #tpu.memory_space<vmem>> -> memref<1x1x128xi32, #tpu.memory_space<vmem>>
      %dma_start3A_225 = tpu.memref_squeeze %dma_start3A_224 : memref<1x1x128xi32, #tpu.memory_space<vmem>> -> memref<128xi32, #tpu.memory_space<vmem>>
      %dma_start3A_226 = arith.constant 0 : i32
      %dma_start3A_227 = arith.constant 0 : i32
      %dma_start3A_228 = tpu.memref_slice %arg2[%dma_start3A_226, %dma_start3A_227] : memref<10112x128xf32, #tpu.memory_space<hbm>> -> memref<10112x128xf32, #tpu.memory_space<hbm>>
      tpu.enqueue_indirect_dma source(%dma_start3A_228 : memref<10112x128xf32, #tpu.memory_space<hbm>>) target(%dma_start3A_222 : memref<128x128xf32, #tpu.memory_space<vmem>>) offsets(%dma_start3A_225 : memref<128xi32, #tpu.memory_space<vmem>>) semaphore(%arg12 : memref<!tpu.dma_semaphore, #tpu.memory_space<semaphore_mem>>)
      %dma_wait3A_229 = arith.constant 6 : i32
      %dma_wait3A_230 = arith.constant 0 : i32
      %dma_wait3A_231 = arith.constant 0 : i32
      %dma_wait3A_232 = arith.constant 0 : i32
      %dma_wait3A_233 = tpu.memref_slice %arg9[%dma_wait3A_230, %dma_wait3A_231, %dma_wait3A_232] : memref<2x128x128xf32, #tpu.memory_space<vmem>> -> memref<1x128x128xf32, #tpu.memory_space<vmem>>
      %dma_wait3A_234 = tpu.memref_squeeze %dma_wait3A_233 : memref<1x128x128xf32, #tpu.memory_space<vmem>> -> memref<128x128xf32, #tpu.memory_space<vmem>>
      %dma_wait3A_235 = arith.constant 0 : i32
      %dma_wait3A_236 = tpu.memref_slice %arg7[%select_n3A_40, %dma_wait3A_229, %dma_wait3A_235] : memref<2x8x128xi32, #tpu.memory_space<vmem>> -> memref<1x1x128xi32, #tpu.memory_space<vmem>>
      %dma_wait3A_237 = tpu.memref_squeeze %dma_wait3A_236 : memref<1x1x128xi32, #tpu.memory_space<vmem>> -> memref<128xi32, #tpu.memory_space<vmem>>
      %dma_wait3A_238 = arith.constant 0 : i32
      %dma_wait3A_239 = arith.constant 0 : i32
      %dma_wait3A_240 = tpu.memref_slice %arg2[%dma_wait3A_238, %dma_wait3A_239] : memref<10112x128xf32, #tpu.memory_space<hbm>> -> memref<10112x128xf32, #tpu.memory_space<hbm>>
      tpu.wait_indirect_dma semaphore(%arg11 : memref<!tpu.dma_semaphore, #tpu.memory_space<semaphore_mem>>) src(%dma_wait3A_240 : memref<10112x128xf32, #tpu.memory_space<hbm>>) dst(%dma_wait3A_234 : memref<128x128xf32, #tpu.memory_space<vmem>>)
      %run_scoped3A_241 = arith.constant 0 : i32
      %run_scoped3A_242 = arith.constant 6 : i32
      "tpu.region"() ({
        %run_scoped3A_262 = tpu.sem_alloc : memref<!tpu.dma_semaphore, #tpu.memory_space<semaphore_mem>>
        %dma_start3A_263 = arith.constant 0 : i32
        %dma_start3A_264 = arith.constant 0 : i32
        %dma_start3A_265 = tpu.memref_slice %arg9[%run_scoped3A_241, %dma_start3A_263, %dma_start3A_264] : memref<2x128x128xf32, #tpu.memory_space<vmem>> -> memref<1x128x128xf32, #tpu.memory_space<vmem>>
        %dma_start3A_266 = tpu.memref_squeeze %dma_start3A_265 : memref<1x128x128xf32, #tpu.memory_space<vmem>> -> memref<128x128xf32, #tpu.memory_space<vmem>>
        %dma_start3A_267 = arith.constant 0 : i32
        %dma_start3A_268 = tpu.memref_slice %arg8[%select_n3A_40, %run_scoped3A_242, %dma_start3A_267] : memref<2x8x128xi32, #tpu.memory_space<vmem>> -> memref<1x1x128xi32, #tpu.memory_space<vmem>>
        %dma_start3A_269 = tpu.memref_squeeze %dma_start3A_268 : memref<1x1x128xi32, #tpu.memory_space<vmem>> -> memref<128xi32, #tpu.memory_space<vmem>>
        %dma_start3A_270 = arith.constant 0 : i32
        %dma_start3A_271 = arith.constant 0 : i32
        %dma_start3A_272 = tpu.memref_slice %arg10[%dma_start3A_270, %dma_start3A_271] : memref<10112x128xf32, #tpu.memory_space<vmem_shared>> -> memref<10112x128xf32, #tpu.memory_space<vmem_shared>>
        tpu.enqueue_indirect_dma source(%dma_start3A_266 : memref<128x128xf32, #tpu.memory_space<vmem>>) target(%dma_start3A_272 : memref<10112x128xf32, #tpu.memory_space<vmem_shared>>) offsets(%dma_start3A_269 : memref<128xi32, #tpu.memory_space<vmem>>) semaphore(%run_scoped3A_262 : memref<!tpu.dma_semaphore, #tpu.memory_space<semaphore_mem>>) {add = true}
        %dma_wait3A_273 = arith.constant 0 : i32
        %dma_wait3A_274 = arith.constant 0 : i32
        %dma_wait3A_275 = tpu.memref_slice %arg9[%run_scoped3A_241, %dma_wait3A_273, %dma_wait3A_274] : memref<2x128x128xf32, #tpu.memory_space<vmem>> -> memref<1x128x128xf32, #tpu.memory_space<vmem>>
        %dma_wait3A_276 = tpu.memref_squeeze %dma_wait3A_275 : memref<1x128x128xf32, #tpu.memory_space<vmem>> -> memref<128x128xf32, #tpu.memory_space<vmem>>
        %dma_wait3A_277 = arith.constant 0 : i32
        %dma_wait3A_278 = tpu.memref_slice %arg8[%select_n3A_40, %run_scoped3A_242, %dma_wait3A_277] : memref<2x8x128xi32, #tpu.memory_space<vmem>> -> memref<1x1x128xi32, #tpu.memory_space<vmem>>
        %dma_wait3A_279 = tpu.memref_squeeze %dma_wait3A_278 : memref<1x1x128xi32, #tpu.memory_space<vmem>> -> memref<128xi32, #tpu.memory_space<vmem>>
        %dma_wait3A_280 = arith.constant 0 : i32
        %dma_wait3A_281 = arith.constant 0 : i32
        %dma_wait3A_282 = tpu.memref_slice %arg10[%dma_wait3A_280, %dma_wait3A_281] : memref<10112x128xf32, #tpu.memory_space<vmem_shared>> -> memref<10112x128xf32, #tpu.memory_space<vmem_shared>>
        tpu.wait_indirect_dma semaphore(%run_scoped3A_262 : memref<!tpu.dma_semaphore, #tpu.memory_space<semaphore_mem>>) src(%dma_wait3A_276 : memref<128x128xf32, #tpu.memory_space<vmem>>) dst(%dma_wait3A_282 : memref<10112x128xf32, #tpu.memory_space<vmem_shared>>)
        tpu.yield
      }) : () -> ()
      %lt3A_243 = arith.constant 9 : i32
      %lt3A_244 = arith.cmpi slt, %scan3A_31, %lt3A_243 : i32
      %convert_element_type3A_245 = arith.extui %lt3A_244 : i1 to i32
      %cond3A_246 = arith.constant 0 : i32
      %cond3A_247 = arith.cmpi ne, %convert_element_type3A_245, %cond3A_246 : i32
      scf.if %cond3A_247 {
        %add3A_262 = arith.constant 1 : i32
        %add3A_263 = arith.addi %scan3A_31, %add3A_262 : i32
        %dma_wait3A_264 = arith.constant 0 : i32
        %dma_wait3A_265 = arith.constant 0 : i32
        %dma_wait3A_266 = tpu.memref_slice %arg7[%select_n3A_58, %dma_wait3A_264, %dma_wait3A_265] : memref<2x8x128xi32, #tpu.memory_space<vmem>> -> memref<1x8x128xi32, #tpu.memory_space<vmem>>
        %dma_wait3A_267 = tpu.memref_squeeze %dma_wait3A_266 : memref<1x8x128xi32, #tpu.memory_space<vmem>> -> memref<8x128xi32, #tpu.memory_space<vmem>>
        %dma_wait3A_268 = arith.constant 0 : i32
        %dma_wait3A_269 = arith.constant 0 : i32
        %dma_wait3A_270 = tpu.memref_slice %arg3[%add3A, %add3A_263, %dma_wait3A_268, %dma_wait3A_269] : memref<32x10x8x128xi32, #tpu.memory_space<hbm>> -> memref<1x1x8x128xi32, #tpu.memory_space<hbm>>
        %dma_wait3A_271 = tpu.memref_squeeze %dma_wait3A_270 : memref<1x1x8x128xi32, #tpu.memory_space<hbm>> -> memref<8x128xi32, #tpu.memory_space<hbm>>
        %dma_wait3A_272 = arith.constant 0 : i32
        %dma_wait3A_273 = arith.constant 0 : i32
        %dma_wait3A_274 = tpu.memref_slice %arg7[%select_n3A_58, %dma_wait3A_272, %dma_wait3A_273] : memref<2x8x128xi32, #tpu.memory_space<vmem>> -> memref<1x8x128xi32, #tpu.memory_space<vmem>>
        %dma_wait3A_275 = tpu.memref_squeeze %dma_wait3A_274 : memref<1x8x128xi32, #tpu.memory_space<vmem>> -> memref<8x128xi32, #tpu.memory_space<vmem>>
        %dma_wait3A_276 = arith.constant 0 : i32
        %dma_wait3A_277 = arith.constant 0 : i32
        %dma_wait3A_278 = tpu.memref_slice %arg3[%add3A, %add3A_263, %dma_wait3A_276, %dma_wait3A_277] : memref<32x10x8x128xi32, #tpu.memory_space<hbm>> -> memref<1x1x8x128xi32, #tpu.memory_space<hbm>>
        %dma_wait3A_279 = tpu.memref_squeeze %dma_wait3A_278 : memref<1x1x8x128xi32, #tpu.memory_space<hbm>> -> memref<8x128xi32, #tpu.memory_space<hbm>>
        tpu.wait_dma2 semaphore(%arg13 : memref<!tpu.dma_semaphore, #tpu.memory_space<semaphore_mem>>) src(%dma_wait3A_279 : memref<8x128xi32, #tpu.memory_space<hbm>>) dst(%dma_wait3A_275 : memref<8x128xi32, #tpu.memory_space<vmem>>)
        %add3A_280 = arith.constant 1 : i32
        %add3A_281 = arith.addi %scan3A_31, %add3A_280 : i32
        %dma_wait3A_282 = arith.constant 0 : i32
        %dma_wait3A_283 = arith.constant 0 : i32
        %dma_wait3A_284 = tpu.memref_slice %arg8[%select_n3A_58, %dma_wait3A_282, %dma_wait3A_283] : memref<2x8x128xi32, #tpu.memory_space<vmem>> -> memref<1x8x128xi32, #tpu.memory_space<vmem>>
        %dma_wait3A_285 = tpu.memref_squeeze %dma_wait3A_284 : memref<1x8x128xi32, #tpu.memory_space<vmem>> -> memref<8x128xi32, #tpu.memory_space<vmem>>
        %dma_wait3A_286 = arith.constant 0 : i32
        %dma_wait3A_287 = arith.constant 0 : i32
        %dma_wait3A_288 = tpu.memref_slice %arg4[%add3A, %add3A_281, %dma_wait3A_286, %dma_wait3A_287] : memref<32x10x8x128xi32, #tpu.memory_space<hbm>> -> memref<1x1x8x128xi32, #tpu.memory_space<hbm>>
        %dma_wait3A_289 = tpu.memref_squeeze %dma_wait3A_288 : memref<1x1x8x128xi32, #tpu.memory_space<hbm>> -> memref<8x128xi32, #tpu.memory_space<hbm>>
        %dma_wait3A_290 = arith.constant 0 : i32
        %dma_wait3A_291 = arith.constant 0 : i32
        %dma_wait3A_292 = tpu.memref_slice %arg8[%select_n3A_58, %dma_wait3A_290, %dma_wait3A_291] : memref<2x8x128xi32, #tpu.memory_space<vmem>> -> memref<1x8x128xi32, #tpu.memory_space<vmem>>
        %dma_wait3A_293 = tpu.memref_squeeze %dma_wait3A_292 : memref<1x8x128xi32, #tpu.memory_space<vmem>> -> memref<8x128xi32, #tpu.memory_space<vmem>>
        %dma_wait3A_294 = arith.constant 0 : i32
        %dma_wait3A_295 = arith.constant 0 : i32
        %dma_wait3A_296 = tpu.memref_slice %arg4[%add3A, %add3A_281, %dma_wait3A_294, %dma_wait3A_295] : memref<32x10x8x128xi32, #tpu.memory_space<hbm>> -> memref<1x1x8x128xi32, #tpu.memory_space<hbm>>
        %dma_wait3A_297 = tpu.memref_squeeze %dma_wait3A_296 : memref<1x1x8x128xi32, #tpu.memory_space<hbm>> -> memref<8x128xi32, #tpu.memory_space<hbm>>
        tpu.wait_dma2 semaphore(%arg14 : memref<!tpu.dma_semaphore, #tpu.memory_space<semaphore_mem>>) src(%dma_wait3A_297 : memref<8x128xi32, #tpu.memory_space<hbm>>) dst(%dma_wait3A_293 : memref<8x128xi32, #tpu.memory_space<vmem>>)
        %dma_start3A_298 = arith.constant 0 : i32
        %dma_start3A_299 = arith.constant 0 : i32
        %dma_start3A_300 = arith.constant 0 : i32
        %dma_start3A_301 = arith.constant 0 : i32
        %dma_start3A_302 = tpu.memref_slice %arg9[%dma_start3A_299, %dma_start3A_300, %dma_start3A_301] : memref<2x128x128xf32, #tpu.memory_space<vmem>> -> memref<1x128x128xf32, #tpu.memory_space<vmem>>
        %dma_start3A_303 = tpu.memref_squeeze %dma_start3A_302 : memref<1x128x128xf32, #tpu.memory_space<vmem>> -> memref<128x128xf32, #tpu.memory_space<vmem>>
        %dma_start3A_304 = arith.constant 0 : i32
        %dma_start3A_305 = tpu.memref_slice %arg7[%select_n3A_58, %dma_start3A_298, %dma_start3A_304] : memref<2x8x128xi32, #tpu.memory_space<vmem>> -> memref<1x1x128xi32, #tpu.memory_space<vmem>>
        %dma_start3A_306 = tpu.memref_squeeze %dma_start3A_305 : memref<1x1x128xi32, #tpu.memory_space<vmem>> -> memref<128xi32, #tpu.memory_space<vmem>>
        %dma_start3A_307 = arith.constant 0 : i32
        %dma_start3A_308 = arith.constant 0 : i32
        %dma_start3A_309 = tpu.memref_slice %arg2[%dma_start3A_307, %dma_start3A_308] : memref<10112x128xf32, #tpu.memory_space<hbm>> -> memref<10112x128xf32, #tpu.memory_space<hbm>>
        tpu.enqueue_indirect_dma source(%dma_start3A_309 : memref<10112x128xf32, #tpu.memory_space<hbm>>) target(%dma_start3A_303 : memref<128x128xf32, #tpu.memory_space<vmem>>) offsets(%dma_start3A_306 : memref<128xi32, #tpu.memory_space<vmem>>) semaphore(%arg11 : memref<!tpu.dma_semaphore, #tpu.memory_space<semaphore_mem>>)
      } else {
      }
      %dma_wait3A_248 = arith.constant 7 : i32
      %dma_wait3A_249 = arith.constant 1 : i32
      %dma_wait3A_250 = arith.constant 0 : i32
      %dma_wait3A_251 = arith.constant 0 : i32
      %dma_wait3A_252 = tpu.memref_slice %arg9[%dma_wait3A_249, %dma_wait3A_250, %dma_wait3A_251] : memref<2x128x128xf32, #tpu.memory_space<vmem>> -> memref<1x128x128xf32, #tpu.memory_space<vmem>>
      %dma_wait3A_253 = tpu.memref_squeeze %dma_wait3A_252 : memref<1x128x128xf32, #tpu.memory_space<vmem>> -> memref<128x128xf32, #tpu.memory_space<vmem>>
      %dma_wait3A_254 = arith.constant 0 : i32
      %dma_wait3A_255 = tpu.memref_slice %arg7[%select_n3A_40, %dma_wait3A_248, %dma_wait3A_254] : memref<2x8x128xi32, #tpu.memory_space<vmem>> -> memref<1x1x128xi32, #tpu.memory_space<vmem>>
      %dma_wait3A_256 = tpu.memref_squeeze %dma_wait3A_255 : memref<1x1x128xi32, #tpu.memory_space<vmem>> -> memref<128xi32, #tpu.memory_space<vmem>>
      %dma_wait3A_257 = arith.constant 0 : i32
      %dma_wait3A_258 = arith.constant 0 : i32
      %dma_wait3A_259 = tpu.memref_slice %arg2[%dma_wait3A_257, %dma_wait3A_258] : memref<10112x128xf32, #tpu.memory_space<hbm>> -> memref<10112x128xf32, #tpu.memory_space<hbm>>
      tpu.wait_indirect_dma semaphore(%arg12 : memref<!tpu.dma_semaphore, #tpu.memory_space<semaphore_mem>>) src(%dma_wait3A_259 : memref<10112x128xf32, #tpu.memory_space<hbm>>) dst(%dma_wait3A_253 : memref<128x128xf32, #tpu.memory_space<vmem>>)
      %run_scoped3A_260 = arith.constant 1 : i32
      %run_scoped3A_261 = arith.constant 7 : i32
      "tpu.region"() ({
        %run_scoped3A_262 = tpu.sem_alloc : memref<!tpu.dma_semaphore, #tpu.memory_space<semaphore_mem>>
        %dma_start3A_263 = arith.constant 0 : i32
        %dma_start3A_264 = arith.constant 0 : i32
        %dma_start3A_265 = tpu.memref_slice %arg9[%run_scoped3A_260, %dma_start3A_263, %dma_start3A_264] : memref<2x128x128xf32, #tpu.memory_space<vmem>> -> memref<1x128x128xf32, #tpu.memory_space<vmem>>
        %dma_start3A_266 = tpu.memref_squeeze %dma_start3A_265 : memref<1x128x128xf32, #tpu.memory_space<vmem>> -> memref<128x128xf32, #tpu.memory_space<vmem>>
        %dma_start3A_267 = arith.constant 0 : i32
        %dma_start3A_268 = tpu.memref_slice %arg8[%select_n3A_40, %run_scoped3A_261, %dma_start3A_267] : memref<2x8x128xi32, #tpu.memory_space<vmem>> -> memref<1x1x128xi32, #tpu.memory_space<vmem>>
        %dma_start3A_269 = tpu.memref_squeeze %dma_start3A_268 : memref<1x1x128xi32, #tpu.memory_space<vmem>> -> memref<128xi32, #tpu.memory_space<vmem>>
        %dma_start3A_270 = arith.constant 0 : i32
        %dma_start3A_271 = arith.constant 0 : i32
        %dma_start3A_272 = tpu.memref_slice %arg10[%dma_start3A_270, %dma_start3A_271] : memref<10112x128xf32, #tpu.memory_space<vmem_shared>> -> memref<10112x128xf32, #tpu.memory_space<vmem_shared>>
        tpu.enqueue_indirect_dma source(%dma_start3A_266 : memref<128x128xf32, #tpu.memory_space<vmem>>) target(%dma_start3A_272 : memref<10112x128xf32, #tpu.memory_space<vmem_shared>>) offsets(%dma_start3A_269 : memref<128xi32, #tpu.memory_space<vmem>>) semaphore(%run_scoped3A_262 : memref<!tpu.dma_semaphore, #tpu.memory_space<semaphore_mem>>) {add = true}
        %dma_wait3A_273 = arith.constant 0 : i32
        %dma_wait3A_274 = arith.constant 0 : i32
        %dma_wait3A_275 = tpu.memref_slice %arg9[%run_scoped3A_260, %dma_wait3A_273, %dma_wait3A_274] : memref<2x128x128xf32, #tpu.memory_space<vmem>> -> memref<1x128x128xf32, #tpu.memory_space<vmem>>
        %dma_wait3A_276 = tpu.memref_squeeze %dma_wait3A_275 : memref<1x128x128xf32, #tpu.memory_space<vmem>> -> memref<128x128xf32, #tpu.memory_space<vmem>>
        %dma_wait3A_277 = arith.constant 0 : i32
        %dma_wait3A_278 = tpu.memref_slice %arg8[%select_n3A_40, %run_scoped3A_261, %dma_wait3A_277] : memref<2x8x128xi32, #tpu.memory_space<vmem>> -> memref<1x1x128xi32, #tpu.memory_space<vmem>>
        %dma_wait3A_279 = tpu.memref_squeeze %dma_wait3A_278 : memref<1x1x128xi32, #tpu.memory_space<vmem>> -> memref<128xi32, #tpu.memory_space<vmem>>
        %dma_wait3A_280 = arith.constant 0 : i32
        %dma_wait3A_281 = arith.constant 0 : i32
        %dma_wait3A_282 = tpu.memref_slice %arg10[%dma_wait3A_280, %dma_wait3A_281] : memref<10112x128xf32, #tpu.memory_space<vmem_shared>> -> memref<10112x128xf32, #tpu.memory_space<vmem_shared>>
        tpu.wait_indirect_dma semaphore(%run_scoped3A_262 : memref<!tpu.dma_semaphore, #tpu.memory_space<semaphore_mem>>) src(%dma_wait3A_276 : memref<128x128xf32, #tpu.memory_space<vmem>>) dst(%dma_wait3A_282 : memref<10112x128xf32, #tpu.memory_space<vmem_shared>>)
        tpu.yield
      }) : () -> ()
    }
    %scan3A_24 = arith.constant 10 : i32
    %barrier3A_25 = arith.constant 0 : index
    tpu.barrier barrier_id(%barrier3A_25)
    %mul3A_26 = arith.constant 632 : i32
    %mul3A_27 = arith.muli %arg1, %mul3A_26 : i32
    %mul3A_28 = arith.constant 632 : i32
    %mul3A_29 = arith.muli %arg1, %mul3A_28 : i32
    %run_scoped3A_30 = arith.constant 0 : i32
    "tpu.region"() ({
      %run_scoped3A_31 = tpu.sem_alloc : memref<!tpu.dma_semaphore, #tpu.memory_space<semaphore_mem>>
      %dma_start3A_32 = arith.constant 0 : i32
      %dma_start3A_33 = tpu.memref_slice %arg6[%run_scoped3A_30, %arg0, %mul3A_29, %dma_start3A_32] : memref<1x2x10112x128xf32, #tpu.memory_space<hbm>> -> memref<1x1x632x128xf32, #tpu.memory_space<hbm>>
      %dma_start3A_34 = tpu.memref_squeeze %dma_start3A_33 : memref<1x1x632x128xf32, #tpu.memory_space<hbm>> -> memref<632x128xf32, #tpu.memory_space<hbm>>
      %dma_start3A_35 = arith.constant 0 : i32
      %dma_start3A_36 = tpu.memref_slice %arg10[%mul3A_27, %dma_start3A_35] : memref<10112x128xf32, #tpu.memory_space<vmem_shared>> -> memref<632x128xf32, #tpu.memory_space<vmem_shared>>
      tpu.enqueue_dma source(%dma_start3A_36 : memref<632x128xf32, #tpu.memory_space<vmem_shared>>) target(%dma_start3A_34 : memref<632x128xf32, #tpu.memory_space<hbm>>) target_semaphore(%run_scoped3A_31 : memref<!tpu.dma_semaphore, #tpu.memory_space<semaphore_mem>>)
      %dma_wait3A = arith.constant 0 : i32
      %dma_wait3A_37 = tpu.memref_slice %arg6[%run_scoped3A_30, %arg0, %mul3A_29, %dma_wait3A] : memref<1x2x10112x128xf32, #tpu.memory_space<hbm>> -> memref<1x1x632x128xf32, #tpu.memory_space<hbm>>
      %dma_wait3A_38 = tpu.memref_squeeze %dma_wait3A_37 : memref<1x1x632x128xf32, #tpu.memory_space<hbm>> -> memref<632x128xf32, #tpu.memory_space<hbm>>
      %dma_wait3A_39 = arith.constant 0 : i32
      %dma_wait3A_40 = tpu.memref_slice %arg10[%mul3A_27, %dma_wait3A_39] : memref<10112x128xf32, #tpu.memory_space<vmem_shared>> -> memref<632x128xf32, #tpu.memory_space<vmem_shared>>
      tpu.wait_dma2 semaphore(%run_scoped3A_31 : memref<!tpu.dma_semaphore, #tpu.memory_space<semaphore_mem>>) src(%dma_wait3A_40 : memref<632x128xf32, #tpu.memory_space<vmem_shared>>) dst(%dma_wait3A_38 : memref<632x128xf32, #tpu.memory_space<hbm>>)
      tpu.yield
    }) : () -> ()
    return
  }
}

module attributes {stable_mosaic.version = 14 : i64} {
  func.func @_tc_prep_body(%arg0: i32, %arg1: memref<1264x128xf32, #tpu.memory_space<vmem>>, %arg2: memref<2x1264x128xf32, #tpu.memory_space<vmem>>, %arg3: memref<1264x1xf32, #tpu.memory_space<vmem>>, %arg4: memref<1264x128xf32, #tpu.memory_space<vmem>>) attributes {dimension_semantics = [#tpu.dimension_semantics<arbitrary>], iteration_bounds = array<i64: 8>, scalar_prefetch = 0 : i64, scratch_operands = 0 : i64, tpu.core_type = #tpu.core_type<tc>, window_params = [{transform_indices = @transform_0, window_bounds = array<i64: 1264, 128>}, {transform_indices = @transform_1, window_bounds = array<i64: 2, 1264, 128>}, {transform_indices = @transform_2, window_bounds = array<i64: 1264, 1>}, {transform_indices = @transform_3, window_bounds = array<i64: 1264, 128>}]} {
    %get3A = arith.constant 0 : index
    %get3A_0 = arith.constant 0 : index
    %get3A_1 = arith.constant 0 : index
    %get3A_2 = vector.load %arg2[%get3A, %get3A_0, %get3A_1] : memref<2x1264x128xf32, #tpu.memory_space<vmem>>, vector<1x1264x1xf32>
    %get3A_3 = vector.shape_cast %get3A_2 : vector<1x1264x1xf32> to vector<1264x1xf32>
    %add3A = arith.constant 1.000000e+00 : f32
    %add3A_4 = vector.broadcast %add3A : f32 to vector<1264x1xf32>
    %add3A_5 = arith.addf %add3A_4, %get3A_3 : vector<1264x1xf32>
    %get3A_6 = arith.constant 1 : index
    %get3A_7 = arith.constant 0 : index
    %get3A_8 = arith.constant 0 : index
    %get3A_9 = vector.load %arg2[%get3A_6, %get3A_7, %get3A_8] : memref<2x1264x128xf32, #tpu.memory_space<vmem>>, vector<1x1264x1xf32>
    %get3A_10 = vector.shape_cast %get3A_9 : vector<1x1264x1xf32> to vector<1264x1xf32>
    %add3A_11 = arith.addf %add3A_5, %get3A_10 : vector<1264x1xf32>
    %rsqrt3A = math.rsqrt %add3A_11 : vector<1264x1xf32>
    %swap3A = arith.constant 0 : index
    %swap3A_12 = arith.constant 0 : index
    %swap3A_13 = vector.load %arg3[%swap3A, %swap3A_12] : memref<1264x1xf32, #tpu.memory_space<vmem>>, vector<1264x1xf32>
    tpu.vector_store %arg3[%swap3A, %swap3A_12], %rsqrt3A {strides = array<i32>} : memref<1264x1xf32, #tpu.memory_space<vmem>>, vector<1264x1xf32>,
    %get3A_14 = arith.constant 0 : index
    %get3A_15 = arith.constant 0 : index
    %get3A_16 = vector.load %arg1[%get3A_14, %get3A_15] : memref<1264x128xf32, #tpu.memory_space<vmem>>, vector<1264x128xf32>
    %mul3A = vector.broadcast %rsqrt3A : vector<1264x1xf32> to vector<1264x128xf32>
    %mul3A_17 = arith.mulf %get3A_16, %mul3A : vector<1264x128xf32>
    %swap3A_18 = arith.constant 0 : index
    %swap3A_19 = arith.constant 0 : index
    %swap3A_20 = vector.load %arg4[%swap3A_18, %swap3A_19] : memref<1264x128xf32, #tpu.memory_space<vmem>>, vector<1264x128xf32>
    tpu.vector_store %arg4[%swap3A_18, %swap3A_19], %mul3A_17 {strides = array<i32>} : memref<1264x128xf32, #tpu.memory_space<vmem>>, vector<1264x128xf32>,
    return
  }
  func.func @transform_0(%arg0: i32) -> (i32, i32) {
    %c0_i32 = arith.constant 0 : i32
    %c0_i32_0 = arith.constant 0 : i32
    return %arg0, %c0_i32 : i32, i32
  }
  func.func @transform_1(%arg0: i32) -> (i32, i32, i32) {
    %c0_i32 = arith.constant 0 : i32
    %c0_i32_0 = arith.constant 0 : i32
    %c0_i32_1 = arith.constant 0 : i32
    return %c0_i32, %arg0, %c0_i32_0 : i32, i32, i32
  }
  func.func @transform_2(%arg0: i32) -> (i32, i32) {
    %c0_i32 = arith.constant 0 : i32
    %c0_i32_0 = arith.constant 0 : i32
    return %arg0, %c0_i32 : i32, i32
  }
  func.func @transform_3(%arg0: i32) -> (i32, i32) {
    %c0_i32 = arith.constant 0 : i32
    %c0_i32_0 = arith.constant 0 : i32
    return %arg0, %c0_i32 : i32, i32
  }
}

module attributes {stable_mosaic.version = 14 : i64} {
  func.func @_tc_l2_body(%arg0: i32, %arg1: memref<2x2x1264x128xf32, #tpu.memory_space<vmem>>, %arg2: memref<1264x128xf32, #tpu.memory_space<vmem>>, %arg3: memref<1264x128xf32, #tpu.memory_space<vmem>>, %arg4: memref<1264x1xf32, #tpu.memory_space<vmem>>, %arg5: memref<1x256xf32, #tpu.memory_space<vmem>>, %arg6: memref<256x128xf32, #tpu.memory_space<vmem>>, %arg7: memref<1264x128xf32, #tpu.memory_space<vmem>>) attributes {dimension_semantics = [#tpu.dimension_semantics<arbitrary>], iteration_bounds = array<i64: 8>, scalar_prefetch = 0 : i64, scratch_operands = 0 : i64, tpu.core_type = #tpu.core_type<tc>, window_params = [{transform_indices = @transform_0, window_bounds = array<i64: 2, 2, 1264, 128>}, {transform_indices = @transform_1, window_bounds = array<i64: 1264, 128>}, {transform_indices = @transform_2, window_bounds = array<i64: 1264, 128>}, {transform_indices = @transform_3, window_bounds = array<i64: 1264, 1>}, {pipeline_mode = #tpu.pipeline_mode<synchronous>, transform_indices = @transform_4, window_bounds = array<i64: 1, 256>}, {pipeline_mode = #tpu.pipeline_mode<synchronous>, transform_indices = @transform_5, window_bounds = array<i64: 256, 128>}, {transform_indices = @transform_6, window_bounds = array<i64: 1264, 128>}]} {
    %get3A = arith.constant 0 : index
    %get3A_0 = arith.constant 0 : index
    %get3A_1 = vector.load %arg4[%get3A, %get3A_0] : memref<1264x1xf32, #tpu.memory_space<vmem>>, vector<1264x1xf32>
    %get3A_2 = arith.constant 0 : index
    %get3A_3 = arith.constant 0 : index
    %get3A_4 = arith.constant 0 : index
    %get3A_5 = arith.constant 0 : index
    %get3A_6 = vector.load %arg1[%get3A_2, %get3A_3, %get3A_4, %get3A_5] : memref<2x2x1264x128xf32, #tpu.memory_space<vmem>>, vector<1x1x1264x128xf32>
    %get3A_7 = vector.shape_cast %get3A_6 : vector<1x1x1264x128xf32> to vector<1264x128xf32>
    %get3A_8 = arith.constant 0 : index
    %get3A_9 = arith.constant 1 : index
    %get3A_10 = arith.constant 0 : index
    %get3A_11 = arith.constant 0 : index
    %get3A_12 = vector.load %arg1[%get3A_8, %get3A_9, %get3A_10, %get3A_11] : memref<2x2x1264x128xf32, #tpu.memory_space<vmem>>, vector<1x1x1264x128xf32>
    %get3A_13 = vector.shape_cast %get3A_12 : vector<1x1x1264x128xf32> to vector<1264x128xf32>
    %add3A = arith.addf %get3A_7, %get3A_13 : vector<1264x128xf32>
    %get3A_14 = arith.constant 0 : index
    %get3A_15 = arith.constant 0 : index
    %get3A_16 = vector.load %arg2[%get3A_14, %get3A_15] : memref<1264x128xf32, #tpu.memory_space<vmem>>, vector<1264x128xf32>
    %add3A_17 = arith.addf %add3A, %get3A_16 : vector<1264x128xf32>
    %mul3A = vector.broadcast %get3A_1 : vector<1264x1xf32> to vector<1264x128xf32>
    %mul3A_18 = arith.mulf %mul3A, %add3A_17 : vector<1264x128xf32>
    %get3A_19 = arith.constant 0 : index
    %get3A_20 = arith.constant 0 : index
    %get3A_21 = vector.load %arg5[%get3A_19, %get3A_20] : memref<1x256xf32, #tpu.memory_space<vmem>>, vector<1x128xf32>
    %add3A_22 = vector.broadcast %get3A_21 : vector<1x128xf32> to vector<1264x128xf32>
    %add3A_23 = arith.addf %mul3A_18, %add3A_22 : vector<1264x128xf32>
    %get3A_24 = arith.constant 1 : index
    %get3A_25 = arith.constant 0 : index
    %get3A_26 = arith.constant 0 : index
    %get3A_27 = arith.constant 0 : index
    %get3A_28 = vector.load %arg1[%get3A_24, %get3A_25, %get3A_26, %get3A_27] : memref<2x2x1264x128xf32, #tpu.memory_space<vmem>>, vector<1x1x1264x128xf32>
    %get3A_29 = vector.shape_cast %get3A_28 : vector<1x1x1264x128xf32> to vector<1264x128xf32>
    %get3A_30 = arith.constant 1 : index
    %get3A_31 = arith.constant 1 : index
    %get3A_32 = arith.constant 0 : index
    %get3A_33 = arith.constant 0 : index
    %get3A_34 = vector.load %arg1[%get3A_30, %get3A_31, %get3A_32, %get3A_33] : memref<2x2x1264x128xf32, #tpu.memory_space<vmem>>, vector<1x1x1264x128xf32>
    %get3A_35 = vector.shape_cast %get3A_34 : vector<1x1x1264x128xf32> to vector<1264x128xf32>
    %add3A_36 = arith.addf %get3A_29, %get3A_35 : vector<1264x128xf32>
    %get3A_37 = arith.constant 0 : index
    %get3A_38 = arith.constant 0 : index
    %get3A_39 = vector.load %arg3[%get3A_37, %get3A_38] : memref<1264x128xf32, #tpu.memory_space<vmem>>, vector<1264x128xf32>
    %add3A_40 = arith.addf %add3A_36, %get3A_39 : vector<1264x128xf32>
    %mul3A_41 = vector.broadcast %get3A_1 : vector<1264x1xf32> to vector<1264x128xf32>
    %mul3A_42 = arith.mulf %mul3A_41, %add3A_40 : vector<1264x128xf32>
    %get3A_43 = arith.constant 0 : index
    %get3A_44 = arith.constant 128 : index
    %get3A_45 = vector.load %arg5[%get3A_43, %get3A_44] : memref<1x256xf32, #tpu.memory_space<vmem>>, vector<1x128xf32>
    %add3A_46 = vector.broadcast %get3A_45 : vector<1x128xf32> to vector<1264x128xf32>
    %add3A_47 = arith.addf %mul3A_42, %add3A_46 : vector<1264x128xf32>
    %concatenate3A = tpu.concatenate %add3A_23, %add3A_47 in 1 : vector<1264x128xf32>, vector<1264x128xf32> -> vector<1264x256xf32>
    %max3A = arith.constant 0.000000e+00 : f32
    %max3A_48 = vector.broadcast %max3A : f32 to vector<1264x256xf32>
    %max3A_49 = arith.maximumf %concatenate3A, %max3A_48 : vector<1264x256xf32>
    %get3A_50 = arith.constant 0 : index
    %get3A_51 = arith.constant 0 : index
    %get3A_52 = vector.load %arg6[%get3A_50, %get3A_51] : memref<256x128xf32, #tpu.memory_space<vmem>>, vector<256x128xf32>
    %dot_general3A = arith.constant dense<0.000000e+00> : vector<1264x128xf32>
    %dot_general3A_53 = tpu.matmul %max3A_49, %get3A_52, %dot_general3A {dimension_numbers = #tpu.dot_dimension_numbers<[1], [0], [0], [1], [0, 0, 1, 1], [], []>, transpose_lhs_hint = false} : vector<1264x256xf32>, vector<256x128xf32>, vector<1264x128xf32> -> vector<1264x128xf32>
    %mul3A_54 = vector.broadcast %get3A_1 : vector<1264x1xf32> to vector<1264x128xf32>
    %mul3A_55 = arith.mulf %mul3A_54, %dot_general3A_53 : vector<1264x128xf32>
    %swap3A = arith.constant 0 : index
    %swap3A_56 = arith.constant 0 : index
    %swap3A_57 = vector.load %arg7[%swap3A, %swap3A_56] : memref<1264x128xf32, #tpu.memory_space<vmem>>, vector<1264x128xf32>
    tpu.vector_store %arg7[%swap3A, %swap3A_56], %mul3A_55 {strides = array<i32>} : memref<1264x128xf32, #tpu.memory_space<vmem>>, vector<1264x128xf32>,
    return
  }
  func.func @transform_0(%arg0: i32) -> (i32, i32, i32, i32) {
    %c0_i32 = arith.constant 0 : i32
    %c0_i32_0 = arith.constant 0 : i32
    %c0_i32_1 = arith.constant 0 : i32
    %c0_i32_2 = arith.constant 0 : i32
    return %c0_i32, %c0_i32_0, %arg0, %c0_i32_1 : i32, i32, i32, i32
  }
  func.func @transform_1(%arg0: i32) -> (i32, i32) {
    %c0_i32 = arith.constant 0 : i32
    %c0_i32_0 = arith.constant 0 : i32
    return %arg0, %c0_i32 : i32, i32
  }
  func.func @transform_2(%arg0: i32) -> (i32, i32) {
    %c0_i32 = arith.constant 0 : i32
    %c0_i32_0 = arith.constant 0 : i32
    return %arg0, %c0_i32 : i32, i32
  }
  func.func @transform_3(%arg0: i32) -> (i32, i32) {
    %c0_i32 = arith.constant 0 : i32
    %c0_i32_0 = arith.constant 0 : i32
    return %arg0, %c0_i32 : i32, i32
  }
  func.func @transform_4(%arg0: i32) -> (i32, i32) {
    %c0_i32 = arith.constant 0 : i32
    %c0_i32_0 = arith.constant 0 : i32
    %c0_i32_1 = arith.constant 0 : i32
    return %c0_i32, %c0_i32_0 : i32, i32
  }
  func.func @transform_5(%arg0: i32) -> (i32, i32) {
    %c0_i32 = arith.constant 0 : i32
    %c0_i32_0 = arith.constant 0 : i32
    %c0_i32_1 = arith.constant 0 : i32
    return %c0_i32, %c0_i32_0 : i32, i32
  }
  func.func @transform_6(%arg0: i32) -> (i32, i32) {
    %c0_i32 = arith.constant 0 : i32
    %c0_i32_0 = arith.constant 0 : i32
    return %arg0, %c0_i32 : i32, i32
  }
}

module attributes {stable_mosaic.version = 14 : i64} {
  func.func @_tc_l1_body(%arg0: i32, %arg1: memref<1x2x1264x128xf32, #tpu.memory_space<vmem>>, %arg2: memref<1264x128xf32, #tpu.memory_space<vmem>>, %arg3: memref<1264x1xf32, #tpu.memory_space<vmem>>, %arg4: memref<128x256xf32, #tpu.memory_space<vmem>>, %arg5: memref<1x256xf32, #tpu.memory_space<vmem>>, %arg6: memref<256x256xf32, #tpu.memory_space<vmem>>, %arg7: memref<1264x128xf32, #tpu.memory_space<vmem>>, %arg8: memref<1264x128xf32, #tpu.memory_space<vmem>>) attributes {dimension_semantics = [#tpu.dimension_semantics<arbitrary>], iteration_bounds = array<i64: 8>, scalar_prefetch = 0 : i64, scratch_operands = 0 : i64, tpu.core_type = #tpu.core_type<tc>, window_params = [{transform_indices = @transform_0, window_bounds = array<i64: 1, 2, 1264, 128>}, {transform_indices = @transform_1, window_bounds = array<i64: 1264, 128>}, {transform_indices = @transform_2, window_bounds = array<i64: 1264, 1>}, {pipeline_mode = #tpu.pipeline_mode<synchronous>, transform_indices = @transform_3, window_bounds = array<i64: 128, 256>}, {pipeline_mode = #tpu.pipeline_mode<synchronous>, transform_indices = @transform_4, window_bounds = array<i64: 1, 256>}, {pipeline_mode = #tpu.pipeline_mode<synchronous>, transform_indices = @transform_5, window_bounds = array<i64: 256, 256>}, {transform_indices = @transform_6, window_bounds = array<i64: 1264, 128>}, {transform_indices = @transform_7, window_bounds = array<i64: 1264, 128>}]} {
    %get3A = arith.constant 0 : index
    %get3A_0 = arith.constant 0 : index
    %get3A_1 = vector.load %arg3[%get3A, %get3A_0] : memref<1264x1xf32, #tpu.memory_space<vmem>>, vector<1264x1xf32>
    %get3A_2 = arith.constant 0 : index
    %get3A_3 = arith.constant 0 : index
    %get3A_4 = arith.constant 0 : index
    %get3A_5 = arith.constant 0 : index
    %get3A_6 = vector.load %arg1[%get3A_2, %get3A_3, %get3A_4, %get3A_5] : memref<1x2x1264x128xf32, #tpu.memory_space<vmem>>, vector<1x1x1264x128xf32>
    %get3A_7 = vector.shape_cast %get3A_6 : vector<1x1x1264x128xf32> to vector<1264x128xf32>
    %get3A_8 = arith.constant 0 : index
    %get3A_9 = arith.constant 1 : index
    %get3A_10 = arith.constant 0 : index
    %get3A_11 = arith.constant 0 : index
    %get3A_12 = vector.load %arg1[%get3A_8, %get3A_9, %get3A_10, %get3A_11] : memref<1x2x1264x128xf32, #tpu.memory_space<vmem>>, vector<1x1x1264x128xf32>
    %get3A_13 = vector.shape_cast %get3A_12 : vector<1x1x1264x128xf32> to vector<1264x128xf32>
    %add3A = arith.addf %get3A_7, %get3A_13 : vector<1264x128xf32>
    %get3A_14 = arith.constant 0 : index
    %get3A_15 = arith.constant 0 : index
    %get3A_16 = vector.load %arg2[%get3A_14, %get3A_15] : memref<1264x128xf32, #tpu.memory_space<vmem>>, vector<1264x128xf32>
    %add3A_17 = arith.addf %add3A, %get3A_16 : vector<1264x128xf32>
    %mul3A = vector.broadcast %get3A_1 : vector<1264x1xf32> to vector<1264x128xf32>
    %mul3A_18 = arith.mulf %mul3A, %add3A_17 : vector<1264x128xf32>
    %get3A_19 = arith.constant 0 : index
    %get3A_20 = arith.constant 0 : index
    %get3A_21 = vector.load %arg4[%get3A_19, %get3A_20] : memref<128x256xf32, #tpu.memory_space<vmem>>, vector<128x256xf32>
    %dot_general3A = arith.constant dense<0.000000e+00> : vector<1264x256xf32>
    %dot_general3A_22 = tpu.matmul %mul3A_18, %get3A_21, %dot_general3A {dimension_numbers = #tpu.dot_dimension_numbers<[1], [0], [0], [1], [0, 0, 1, 1], [], []>, transpose_lhs_hint = false} : vector<1264x128xf32>, vector<128x256xf32>, vector<1264x256xf32> -> vector<1264x256xf32>
    %get3A_23 = arith.constant 0 : index
    %get3A_24 = arith.constant 0 : index
    %get3A_25 = vector.load %arg5[%get3A_23, %get3A_24] : memref<1x256xf32, #tpu.memory_space<vmem>>, vector<1x256xf32>
    %add3A_26 = vector.broadcast %get3A_25 : vector<1x256xf32> to vector<1264x256xf32>
    %add3A_27 = arith.addf %dot_general3A_22, %add3A_26 : vector<1264x256xf32>
    %max3A = arith.constant 0.000000e+00 : f32
    %max3A_28 = vector.broadcast %max3A : f32 to vector<1264x256xf32>
    %max3A_29 = arith.maximumf %add3A_27, %max3A_28 : vector<1264x256xf32>
    %get3A_30 = arith.constant 0 : index
    %get3A_31 = arith.constant 0 : index
    %get3A_32 = vector.load %arg6[%get3A_30, %get3A_31] : memref<256x256xf32, #tpu.memory_space<vmem>>, vector<256x256xf32>
    %dot_general3A_33 = arith.constant dense<0.000000e+00> : vector<1264x256xf32>
    %dot_general3A_34 = tpu.matmul %max3A_29, %get3A_32, %dot_general3A_33 {dimension_numbers = #tpu.dot_dimension_numbers<[1], [0], [0], [1], [0, 0, 1, 1], [], []>, transpose_lhs_hint = false} : vector<1264x256xf32>, vector<256x256xf32>, vector<1264x256xf32> -> vector<1264x256xf32>
    %mul3A_35 = vector.broadcast %get3A_1 : vector<1264x1xf32> to vector<1264x256xf32>
    %mul3A_36 = arith.mulf %mul3A_35, %dot_general3A_34 : vector<1264x256xf32>
    %slice3A = vector.extract_strided_slice %mul3A_36 {offsets = [0, 0], sizes = [1264, 128], strides = [1, 1]} : vector<1264x256xf32> to vector<1264x128xf32>
    %swap3A = arith.constant 0 : index
    %swap3A_37 = arith.constant 0 : index
    %swap3A_38 = vector.load %arg7[%swap3A, %swap3A_37] : memref<1264x128xf32, #tpu.memory_space<vmem>>, vector<1264x128xf32>
    tpu.vector_store %arg7[%swap3A, %swap3A_37], %slice3A {strides = array<i32>} : memref<1264x128xf32, #tpu.memory_space<vmem>>, vector<1264x128xf32>,
    %slice3A_39 = vector.extract_strided_slice %mul3A_36 {offsets = [0, 128], sizes = [1264, 128], strides = [1, 1]} : vector<1264x256xf32> to vector<1264x128xf32>
    %swap3A_40 = arith.constant 0 : index
    %swap3A_41 = arith.constant 0 : index
    %swap3A_42 = vector.load %arg8[%swap3A_40, %swap3A_41] : memref<1264x128xf32, #tpu.memory_space<vmem>>, vector<1264x128xf32>
    tpu.vector_store %arg8[%swap3A_40, %swap3A_41], %slice3A_39 {strides = array<i32>} : memref<1264x128xf32, #tpu.memory_space<vmem>>, vector<1264x128xf32>,
    return
  }
  func.func @transform_0(%arg0: i32) -> (i32, i32, i32, i32) {
    %c0_i32 = arith.constant 0 : i32
    %c0_i32_0 = arith.constant 0 : i32
    %c0_i32_1 = arith.constant 0 : i32
    %c0_i32_2 = arith.constant 0 : i32
    return %c0_i32, %c0_i32_0, %arg0, %c0_i32_1 : i32, i32, i32, i32
  }
  func.func @transform_1(%arg0: i32) -> (i32, i32) {
    %c0_i32 = arith.constant 0 : i32
    %c0_i32_0 = arith.constant 0 : i32
    return %arg0, %c0_i32 : i32, i32
  }
  func.func @transform_2(%arg0: i32) -> (i32, i32) {
    %c0_i32 = arith.constant 0 : i32
    %c0_i32_0 = arith.constant 0 : i32
    return %arg0, %c0_i32 : i32, i32
  }
  func.func @transform_3(%arg0: i32) -> (i32, i32) {
    %c0_i32 = arith.constant 0 : i32
    %c0_i32_0 = arith.constant 0 : i32
    %c0_i32_1 = arith.constant 0 : i32
    return %c0_i32, %c0_i32_0 : i32, i32
  }
  func.func @transform_4(%arg0: i32) -> (i32, i32) {
    %c0_i32 = arith.constant 0 : i32
    %c0_i32_0 = arith.constant 0 : i32
    %c0_i32_1 = arith.constant 0 : i32
    return %c0_i32, %c0_i32_0 : i32, i32
  }
  func.func @transform_5(%arg0: i32) -> (i32, i32) {
    %c0_i32 = arith.constant 0 : i32
    %c0_i32_0 = arith.constant 0 : i32
    %c0_i32_1 = arith.constant 0 : i32
    return %c0_i32, %c0_i32_0 : i32, i32
  }
  func.func @transform_6(%arg0: i32) -> (i32, i32) {
    %c0_i32 = arith.constant 0 : i32
    %c0_i32_0 = arith.constant 0 : i32
    return %arg0, %c0_i32 : i32, i32
  }
  func.func @transform_7(%arg0: i32) -> (i32, i32) {
    %c0_i32 = arith.constant 0 : i32
    %c0_i32_0 = arith.constant 0 : i32
    return %arg0, %c0_i32 : i32, i32
  }
}

module attributes {stable_mosaic.version = 14 : i64} {
  func.func @_tc_fin_body(%arg0: i32, %arg1: memref<1x2x1264x128xf32, #tpu.memory_space<vmem>>, %arg2: memref<1264x128xf32, #tpu.memory_space<vmem>>, %arg3: memref<1264x1xf32, #tpu.memory_space<vmem>>, %arg4: memref<1x128xf32, #tpu.memory_space<vmem>>, %arg5: memref<1264x128xf32, #tpu.memory_space<vmem>>) attributes {dimension_semantics = [#tpu.dimension_semantics<arbitrary>], iteration_bounds = array<i64: 8>, scalar_prefetch = 0 : i64, scratch_operands = 0 : i64, tpu.core_type = #tpu.core_type<tc>, window_params = [{transform_indices = @transform_0, window_bounds = array<i64: 1, 2, 1264, 128>}, {transform_indices = @transform_1, window_bounds = array<i64: 1264, 128>}, {transform_indices = @transform_2, window_bounds = array<i64: 1264, 1>}, {pipeline_mode = #tpu.pipeline_mode<synchronous>, transform_indices = @transform_3, window_bounds = array<i64: 1, 128>}, {transform_indices = @transform_4, window_bounds = array<i64: 1264, 128>}]} {
    %get3A = arith.constant 0 : index
    %get3A_0 = arith.constant 0 : index
    %get3A_1 = vector.load %arg3[%get3A, %get3A_0] : memref<1264x1xf32, #tpu.memory_space<vmem>>, vector<1264x1xf32>
    %get3A_2 = arith.constant 0 : index
    %get3A_3 = arith.constant 0 : index
    %get3A_4 = arith.constant 0 : index
    %get3A_5 = arith.constant 0 : index
    %get3A_6 = vector.load %arg1[%get3A_2, %get3A_3, %get3A_4, %get3A_5] : memref<1x2x1264x128xf32, #tpu.memory_space<vmem>>, vector<1x1x1264x128xf32>
    %get3A_7 = vector.shape_cast %get3A_6 : vector<1x1x1264x128xf32> to vector<1264x128xf32>
    %get3A_8 = arith.constant 0 : index
    %get3A_9 = arith.constant 1 : index
    %get3A_10 = arith.constant 0 : index
    %get3A_11 = arith.constant 0 : index
    %get3A_12 = vector.load %arg1[%get3A_8, %get3A_9, %get3A_10, %get3A_11] : memref<1x2x1264x128xf32, #tpu.memory_space<vmem>>, vector<1x1x1264x128xf32>
    %get3A_13 = vector.shape_cast %get3A_12 : vector<1x1x1264x128xf32> to vector<1264x128xf32>
    %add3A = arith.addf %get3A_7, %get3A_13 : vector<1264x128xf32>
    %get3A_14 = arith.constant 0 : index
    %get3A_15 = arith.constant 0 : index
    %get3A_16 = vector.load %arg2[%get3A_14, %get3A_15] : memref<1264x128xf32, #tpu.memory_space<vmem>>, vector<1264x128xf32>
    %add3A_17 = arith.addf %add3A, %get3A_16 : vector<1264x128xf32>
    %mul3A = vector.broadcast %get3A_1 : vector<1264x1xf32> to vector<1264x128xf32>
    %mul3A_18 = arith.mulf %mul3A, %add3A_17 : vector<1264x128xf32>
    %get3A_19 = arith.constant 0 : index
    %get3A_20 = arith.constant 0 : index
    %get3A_21 = vector.load %arg4[%get3A_19, %get3A_20] : memref<1x128xf32, #tpu.memory_space<vmem>>, vector<1x128xf32>
    %add3A_22 = vector.broadcast %get3A_21 : vector<1x128xf32> to vector<1264x128xf32>
    %add3A_23 = arith.addf %mul3A_18, %add3A_22 : vector<1264x128xf32>
    %swap3A = arith.constant 0 : index
    %swap3A_24 = arith.constant 0 : index
    %swap3A_25 = vector.load %arg5[%swap3A, %swap3A_24] : memref<1264x128xf32, #tpu.memory_space<vmem>>, vector<1264x128xf32>
    tpu.vector_store %arg5[%swap3A, %swap3A_24], %add3A_23 {strides = array<i32>} : memref<1264x128xf32, #tpu.memory_space<vmem>>, vector<1264x128xf32>,
    return
  }
  func.func @transform_0(%arg0: i32) -> (i32, i32, i32, i32) {
    %c0_i32 = arith.constant 0 : i32
    %c0_i32_0 = arith.constant 0 : i32
    %c0_i32_1 = arith.constant 0 : i32
    %c0_i32_2 = arith.constant 0 : i32
    return %c0_i32, %c0_i32_0, %arg0, %c0_i32_1 : i32, i32, i32, i32
  }
  func.func @transform_1(%arg0: i32) -> (i32, i32) {
    %c0_i32 = arith.constant 0 : i32
    %c0_i32_0 = arith.constant 0 : i32
    return %arg0, %c0_i32 : i32, i32
  }
  func.func @transform_2(%arg0: i32) -> (i32, i32) {
    %c0_i32 = arith.constant 0 : i32
    %c0_i32_0 = arith.constant 0 : i32
    return %arg0, %c0_i32 : i32, i32
  }
  func.func @transform_3(%arg0: i32) -> (i32, i32) {
    %c0_i32 = arith.constant 0 : i32
    %c0_i32_0 = arith.constant 0 : i32
    %c0_i32_1 = arith.constant 0 : i32
    return %c0_i32, %c0_i32_0 : i32, i32
  }
  func.func @transform_4(%arg0: i32) -> (i32, i32) {
    %c0_i32 = arith.constant 0 : i32
    %c0_i32_0 = arith.constant 0 : i32
    return %arg0, %c0_i32 : i32, i32
  }
}

</mosaic_0001>

<sc_bundles>
// kernel: kernel.10.cloned.1.call-start
scs
__scs_entry_jumppad:
0x0: {  	(pc) =	sbr.rel $0x88, $3  }
0x1: {  	(tag) =	ssettag $0x0;
	lr =	simm.s32 $0x1  }
0x2: {  	[smem:$0x3F99] =	sst lr;
	_ =	strace $0xD0000000  }
0x3: {  	_ = 	snop  }
0x4: {  	_ = 	snop  }
0x5: {  	_ = 	snop  }
0x6: {  	_ = 	snop  }
0x7: {  	_ = 	snop  }
__scs_overlays_trampoline_lowered:
0x8: {  	[smem:$0x3FA8] =	sst s0  }
0x9: {  	[smem:$0x3FA9] =	sst s1  }
0xa: {  	[smem:$0x3FAA] =	sst s2  }
0xb: {  	[smem:$0x3FAB] =	sst s3  }
0xc: {  	[smem:$0x3FAC] =	sst s4  }
0xd: {  	[smem:$0x3FAD] =	sst s5  }
0xe: {  	[smem:$0x3FAE] =	sst s6  }
0xf: {  	[smem:$0x3FAF] =	sst s7  }
0x10: {  	[smem:$0x3FB0] =	sst s8  }
0x11: {  	[smem:$0x3FB1] =	sst s9;
	s0 =	simm.s32 @!p0 $0x0  }
0x12: {  	s1 =	sld [smem:$0x3F97];
	s0 =	simm.s32 @p0 $0x1  }
0x13: {  	[smem:$0x3FB2] =	sst s0;
	s0 =	simm.s32 @!p1 $0x0  }
0x14: {  	s2 =	sld [smem:$0x3F96];
	s0 =	simm.s32 @p1 $0x1  }
0x15: {  	[smem:$0x3FB3] =	sst s0;
	s0 =	simm.s32 @!p2 $0x0  }
0x16: {  	s3 =	sld [smem:$0x3FDB];
	s0 =	simm.s32 @p2 $0x1  }
0x17: {  	s4 =	simm.s32 $0x1BF5;
	[smem:$0x3FB5] =	sst s0  }
0x18: {  	s0 =	sld [smem:$0x3F98];
	_ =	swait.ge [sflag:s4], $0x0  }
0x19: {  	s7 =	sld [smem:$0x3F99]  }
0x1a: {  	s8 =	sadd.s32 $0xFFFFE003, lr  }
0x1b: {  	s9 =	sadd.s32 $0xFFFFFEF7, lr;
	s5 =	simm.s32 $0xFFFFFFFF;
	p2 =	slt.u32 s8, $0xFFFFF086  }
0x1c: {  	p1 =	slt.u32 s9, $0xF7A;
	s5 =	simm.s32 @!p2 $0x0  }
0x1d: {  	s5 =	simm.s32 @p1 $0x1;
	p0 =	seq.s32 s7, s2  }
0x1e: {  	s7 =	smul.u32 @!p0 $0xF7A, s2;
	p2 =	seq.s32 @!p0 s5, $0x0  }
0x1f: {  	s9 =	smul.u32 $0xF7A, s1;
	s8 =	simm.s32 @!p0 $0x1BF5;
	p2 =	por !p2, p0  }
0x20: {  	[sflag:s8] =	ssyncset.s32 @!p0 $0xFFFFF086;
	s6 =	sadd.s32 @!p0 s3, s7;
	s7 =	simm.s32 @!p0 $0x108  }
0x21: {  	s3 =	sadd.s32 s3, s9;
	s6 =	sadd.s32 @!p0 $0x88, s6;
	s7 =	simm.s32 @p2 $0x1082  }
0x22: {  	[simem:s7], [sflag:s8] =	dma.local @!p0 [hbm:s6], $0xF7A  }
0x23: {  	s9 =	sor.u32 $0xD0000000, s2;
	s6 =	simm.s32 $0x108;
	_ =	swait.ge @!p0 [sflag:s8], $0x0  }
0x24: {  	s3 =	sadd.s32 $0x88, s3;
	s6 =	simm.s32 @!p1 $0x1082;
	[sflag:s4] =	ssyncset.s32 $0xFFFFF086  }
0x25: {  	[simem:s6], [sflag:s4] =	dma.local [hbm:s3], $0xF7A  }
0x26: {  	[smem:$0x3F99] =	sst s1;
	(tag) =	ssettag s2;
	_ =	strace s9  }
0x27: {  	s1 =	sld [smem:$0x3FA9]  }
0x28: {  	s2 =	sld [smem:$0x3FAA]  }
0x29: {  	s4 =	sld [smem:$0x3FAC]  }
0x2a: {  	p0 =	seq.s32 s5, $0x0;
	s5 =	sld [smem:$0x3FAD]  }
0x2b: {  	s6 =	sld [smem:$0x3FAE]  }
0x2c: {  	s7 =	sld [smem:$0x3FAF]  }
0x2d: {  	s3 =	simm.s32 $0x108;
	s8 =	sld [smem:$0x3FB0]  }
0x2e: {  	s3 =	simm.s32 @!p0 $0x1082;
	s9 =	sld [smem:$0x3FB1]  }
0x2f: {  	lr =	sadd.s32 s0, s3;
	s0 =	sld [smem:$0x3FA8]  }
0x30: {  	s3 =	sld [smem:$0x3FAB]  }
0x31: {  	[smem:$0x3FB4] =	sst s10  }
0x32: {  	s10 =	sld [smem:$0x3FB2];
	_ =	sdelay $0x3  }
0x33: {  	p0 =	seq.s32 s10, $0x1;
	s10 =	sld [smem:$0x3FB4];
	_ =	sdelay $0x3  }
0x34: {  	[smem:$0x3FB4] =	sst s10  }
0x35: {  	s10 =	sld [smem:$0x3FB3];
	_ =	sdelay $0x3  }
0x36: {  	p1 =	seq.s32 s10, $0x1;
	s10 =	sld [smem:$0x3FB4];
	_ =	sdelay $0x3  }
0x37: {  	[smem:$0x3FB4] =	sst s10  }
0x38: {  	s10 =	sld [smem:$0x3FB5]  }
0x39: {  	_ = 	snop;
	(pc) =	sbr.ind lr, $3  }
0x3a: {  	_ = 	snop  }
0x3b: {  	_ = 	snop  }
0x3c: {  	p2 =	seq.s32 s10, $0x1;
	s10 =	sld [smem:$0x3FB4]  }
0x3d: {  	_ =	shalt  }
0x3e: {  	_ =	shalt  }
0x3f: {  	_ =	shalt  }
0x40: {  	_ =	shalt  }
0x41: {  	_ =	shalt  }
0x42: {  	_ =	shalt  }
0x43: {  	_ =	shalt  }
0x44: {  	_ =	shalt  }
0x45: {  	_ =	shalt  }
0x46: {  	_ =	shalt  }
0x47: {  	_ =	shalt  }
0x48: {  	_ =	shalt  }
0x49: {  	_ =	shalt  }
0x4a: {  	_ =	shalt  }
0x4b: {  	_ =	shalt  }
0x4c: {  	_ =	shalt  }
0x4d: {  	_ =	shalt  }
0x4e: {  	_ =	shalt  }
0x4f: {  	_ =	shalt  }
0x50: {  	_ =	shalt  }
0x51: {  	_ =	shalt  }
0x52: {  	_ =	shalt  }
0x53: {  	_ =	shalt  }
0x54: {  	_ =	shalt  }
0x55: {  	_ =	shalt  }
0x56: {  	_ =	shalt  }
0x57: {  	_ =	shalt  }
0x58: {  	_ =	shalt  }
0x59: {  	_ =	shalt  }
0x5a: {  	_ =	shalt  }
0x5b: {  	_ =	shalt  }
0x5c: {  	_ =	shalt  }
0x5d: {  	_ =	shalt  }
0x5e: {  	_ =	shalt  }
0x5f: {  	_ =	shalt  }
0x60: {  	_ =	shalt  }
0x61: {  	_ =	shalt  }
0x62: {  	_ =	shalt  }
0x63: {  	_ =	shalt  }
0x64: {  	_ =	shalt  }
0x65: {  	_ =	shalt  }
0x66: {  	_ =	shalt  }
0x67: {  	_ =	shalt  }
0x68: {  	_ =	shalt  }
0x69: {  	_ =	shalt  }
0x6a: {  	_ =	shalt  }
0x6b: {  	_ =	shalt  }
0x6c: {  	_ =	shalt  }
0x6d: {  	_ =	shalt  }
0x6e: {  	_ =	shalt  }
0x6f: {  	_ =	shalt  }
0x70: {  	_ =	shalt  }
0x71: {  	_ =	shalt  }
0x72: {  	_ =	shalt  }
0x73: {  	_ =	shalt  }
0x74: {  	_ =	shalt  }
0x75: {  	_ =	shalt  }
0x76: {  	_ =	shalt  }
0x77: {  	_ =	shalt  }
0x78: {  	_ =	shalt  }
0x79: {  	_ =	shalt  }
0x7a: {  	_ =	shalt  }
0x7b: {  	_ =	shalt  }
0x7c: {  	_ =	shalt  }
0x7d: {  	_ =	shalt  }
0x7e: {  	_ =	shalt  }
0x7f: {  	_ =	shalt  }
0x80: {  	_ =	shalt  }
0x81: {  	_ =	shalt  }
0x82: {  	_ =	shalt  }
0x83: {  	_ =	shalt  }
0x84: {  	_ =	shalt  }
0x85: {  	_ =	shalt  }
0x86: {  	_ =	shalt  }
0x87: {  	_ =	shalt  }
.Lfunc_end0:
.L_simem_size_0:
called_computation_lowered:
.L_overlay_start_0:
0x88: {  	s2 =	sld [smem:$0x3FD9]  }
0x89: {  	s3 =	sld [smem:$0x3FFE];
	_ =	sdelay $0x1  }
0x8a: {  	s1 =	srdreg.scid  }
0x8b: {  	s0 =	sand.u32 $0x1, s1  }
0x8c: {  	s17 =	sshll.u32 s0, $0xA;
	s2 =	sadd.s32 s3, s2  }
0x8d: {  	s2 =	sadd.s32 s2, s17  }
0x8e: {  	[smem:$0x3FC0] =	sst s2  }
0x8f: {  	_ = 	snop  }
0x90: {  	s2 =	sld [smem:$0x3FD0];
	(tm) =	ssettm $0x1  }
0x91: {  	s18 =	sld [smem:$0x3FFB];
	_ =	sdelay $0x3  }
0x92: {  	_ =	strace s18  }
0x93: {  	s3 =	sld [smem:$0x3FFC];
	_ =	sdelay $0x3  }
0x94: {  	_ =	strace s3  }
0x95: {  	s3 =	sld [smem:$0x3FFD];
	_ =	sdelay $0x3  }
0x96: {  	_ =	strace s3  }
0x97: {  	_ =	strace $0x8FFFFFFF  }
0x98: {  	s19 =	sld [smem:$0x3FDB];
	_ =	sdelay $0x1  }
0x99: {  	s4 =	simm.s32 $_scs_section_size  }
0x9a: {  	s5 =	simm.s32 $_size__tile_overlayer_lowered;
	s6 =	simm.s32 $_tile_overlayer_lowered  }
0x9b: {  	s22 =	simm.s32 $0x1BFF;
	s21 =	sshll.u32 s6, $0x1;
	s3 =	sadd.s32 s4, s19  }
0x9c: {  	s7 =	simm.s32 $0x0;
	s20 =	sshll.u32 s5, $0x1;
	s5 =	sadd.s32 s21, s3  }
0x9d: {  	[timem:s7], [sflag:s22] =	dma.local [hbm:s5], s20  }
0x9e: {  	_ =	swait.ge [sflag:s22], s20  }
0x9f: {  	s4 =	ssub.s32 $0x0, s20;
	[sflag:s22] =	ssyncset.done $0x0  }
0xa0: {  	[sflag:s22] =	ssyncadd.s32 s4;
	_ =	sdelay $0x1  }
0xa1: {  	s23 =	simm.s32 $0x1B8B  }
0xa2: {  	_ =	swait.ge [sflag:s23], $0x1  }
0xa3: {  	[sflag:s23] =	ssyncset.done $0x0  }
0xa4: {  	s25 =	simm.s32 $0x1B8E;
	s24 =	sld [smem:$0x3FFE];
	[sflag:s23] =	ssyncadd.s32 $0xFFFFFFFF  }
0xa5: {  	s26 =	simm.s32 $execute0_lowered;
	[smem:$0x3FD2] =	sst s25  }
0xa6: {  	s5 =	sshll.u32 s26, $0x1;
	_ =	strace $0x80000046;
	[dreg:$0x1] =	wrdreg $0xFFFFFFFF  }
0xa7: {  	s28 =	simm.s32 $_size_execute0_lowered;
	s3 =	sadd.s32 s3, s5;
	[dreg:$0x0] =	wrdreg $0x0  }
0xa8: {  	s5 =	sshll.u32 s28, $0x1;
	[dreg:$0x2] =	wrdreg s3  }
0xa9: {  	[dreg:$0x3] =	wrdreg s5  }
0xaa: {  	[dreg:$0x4] =	wrdreg $0xC0  }
0xab: {  	_ =	task [dreg:s7], $0x5FFFF  }
0xac: {  	[dreg:$0x1] =	wrdreg $0xFFFFFFFF  }
0xad: {  	[dreg:$0x0] =	wrdreg $0x60  }
0xae: {  	[dreg:$0x2] =	wrdreg s2  }
0xaf: {  	[dreg:$0x3] =	wrdreg s24  }
0xb0: {  	[dreg:$0x4] =	wrdreg $0x68000  }
0xb1: {  	[dreg:$0x5] =	wrdreg $0x9  }
0xb2: {  	_ =	task.clear_ibuf [dreg:s7], $0x6FFFF;
	_ =	strace $0x90000046  }
0xb3: {  	s29 =	simm.s32 $0x9;
	_ =	strace $0x80000048  }
0xb4: {  	_ =	swait.ge [sflag:s29], $0x1  }
0xb5: {  	[sflag:s29] =	ssyncadd.s32 $0xFFFFFFFF  }
0xb6: {  	_ =	strace $0x90000048  }
0xb7: {  	_ =	sfence  }
0xb8: {  	s30 =	sld [smem:$0x0];
	_ =	sdelay $0x2  }
0xb9: {  	s31 =	sshll.u32 s1, $0xD;
	s1 =	sshrl.u32 s1, $0x2  }
0xba: {  	s3 =	sand.u32 $0x4000, s31;
	s1 =	sadd.s32 s1, s30  }
0xbb: {  	s0 =	sor.u32 s3, s0;
	s1 =	sshll.u32 s1, $0x11  }
0xbc: {  	s0 =	sor.u32 s1, s0  }
0xbd: {  	s0 =	sadd.s32 $0x8F2B, s0  }
0xbe: {  	[sflag:s0] =	ssyncadd.remote.s32 $0x1  }
0xbf: {  	_ =	sfence.sel $0xFFFF  }
0xc0: {  	[dreg:$0x0] =	wrdreg $0xFFFFFFFF;
	(pc) =	sbr.abs _section_cstart, $3  }
0xc1: {  	[dreg:$0x1] =	wrdreg $0xFFFFFFFF  }
0xc2: {  	_ =	task.clear_ibuf [dreg:s7], $0x2FFFF;
	_ =	strace $0x9FFFFFFF  }
0xc3: {  	(tm) =	ssettm $0x7FFFFFFF  }
tec
execute0_lowered:
.L_overlay_start_1:
0x0: {  	(tag) =	ssettag $0x1  }
0x1: {  	s7 =	rddreg [dreg:$0x0]  }
0x2: {  	s5 =	rddreg [dreg:$0x1];
	s0 =	stileid.u32  }
0x3: {  	s1 =	srdreg.scid;
	s2 =	rddreg [dreg:$0x2]  }
0x4: {  	s3 =	simm.s32 $0x0;
	s13 =	simm.s32 $0x80;
	s14 =	simm.s32 $0x0  }
0x5: {  	s4 =	smul.u32 $0x13C00, s0;
	s6 =	sand.u32 $0x1, s1;
	s1 =	rddreg [dreg:$0x3]  }
0x6: {  	[smem:$0x7FF] =	sst s3;
	s11 =	smul.u32 $0x4F000, s0;
	s31 =	sshll.u32 s0, $0x6  }
0x7: {  	s8 =	smul.u32 $0x13C000, s6;
	_ =	strace $0x80000047;
	s10 =	ssub.s32 $0x2, s6  }
0x8: {  	s6 =	sshll.u32 s6, $0x4;
	s9 =	sshrl.u32 s4, $0x3;
	s28 =	sshrl.u32 s10, $0x1  }
0x9: {  	s6 =	sor.u32 s0, s6;
	s29 =	sshrl.u32 s11, $0x2;
	s11 =	simm.s32 $0x1  }
0xa: {  	s8 =	sadd.s32 s4, s8;
	s4 =	sadd.s32 $0xE400, s5;
	s9 =	sadd.s32 s9, s5  }
0xb: {  	s10 =	ssub.s32 s10, s28;
	s30 =	smul.u32 $0x500, s6;
	s8 =	sshrl.u32 s8, $0x3  }
0xc: {  	s12 =	sadd.s32 s29, s2;
	s6 =	sor.u32 $0x1C01, s31;
	s8 =	sadd.s32 s8, s5  }
0xd: {  	s5 =	sadd.s32 $0xEC00, s9;
	s7 =	sadd.s32 s7, s30;
	s9 =	smax.u32 s10, $0x1  }
0xe: {  	s10 =	sshrl.u32 s12, $0x3;
	s12 =	simm.s32 $0x2800;
	s8 =	sadd.s32 $0x36400, s8  }
.LBB2_1:
0xf: {  	[spmem:s10], [sflag:s6] =	dma.local [hbm:s5], $0x2780  }
0x10: {  	_ =	swait.ge [sflag:s11], $0x2780  }
0x11: {  	[sflag:s11] =	ssyncset.done $0x0  }
0x12: {  	[sflag:s11] =	ssyncadd.s32 $0xFFFFD880  }
0x13: {  	[tilespmem:s3], [sflag:$0x1] =	stream.linear.gather [hbm4b:s7+s3], $0x2800, $0x38;
	[tilespmem:$0x1A400] =	vst v63  }
0x14: {  	_ =	swait.ge [sflag:s11], $0x2800  }
0x15: {  	[sflag:s11] =	ssyncset.done $0x0  }
0x16: {  	[sflag:s11] =	ssyncadd.s32 $0xFFFFD800  }
0x17: {  	[tilespmem:s12], [sflag:$0x1] =	stream.linear.gather [hbm4b:s4+s3], $0x4000, $0x38;
	[tilespmem:$0x1A400] =	vst v63  }
0x18: {  	_ =	swait.ge [sflag:s11], $0x4000  }
0x19: {  	[sflag:s11] =	ssyncset.done $0x0  }
0x1a: {  	[sflag:s11] =	ssyncadd.s32 $0xFFFFC000  }
0x1b: {  	s15 =	simm.s32 $0x0;
	[bflag:$0x0] =	sbarrier.arrive $0xFFFF  }
0x1c: {  	[spmem:s2] =	stream.indirect.scatter.add.f32 [tilespmem:s12], [sflag:$0x1], $0x80, s15, s13, $0xb8;
	[tilespmem:$0x1A400] =	vst v63  }
0x1d: {  	_ =	swait.ge [sflag:s11], $0x4000  }
0x1e: {  	[sflag:s11] =	ssyncset.done $0x0  }
0x1f: {  	s24 =	simm.s32 $0x80;
	[sflag:s11] =	ssyncadd.s32 $0xFFFFC000  }
0x20: {  	[spmem:s2] =	stream.indirect.scatter.add.f32 [tilespmem:s12], [sflag:$0x1], $0x80, s24, s13, $0xb8;
	[tilespmem:$0x1A400] =	vst v63  }
0x21: {  	_ =	swait.ge [sflag:s11], $0x4000  }
0x22: {  	[sflag:s11] =	ssyncset.done $0x0  }
0x23: {  	s25 =	simm.s32 $0x100;
	[sflag:s11] =	ssyncadd.s32 $0xFFFFC000  }
0x24: {  	[spmem:s2] =	stream.indirect.scatter.add.f32 [tilespmem:s12], [sflag:$0x1], $0x80, s25, s13, $0xb8;
	[tilespmem:$0x1A400] =	vst v63  }
0x25: {  	_ =	swait.ge [sflag:s11], $0x4000  }
0x26: {  	[sflag:s11] =	ssyncset.done $0x0  }
0x27: {  	s26 =	simm.s32 $0x180;
	[sflag:s11] =	ssyncadd.s32 $0xFFFFC000  }
0x28: {  	[spmem:s2] =	stream.indirect.scatter.add.f32 [tilespmem:s12], [sflag:$0x1], $0x80, s26, s13, $0xb8;
	[tilespmem:$0x1A400] =	vst v63  }
0x29: {  	_ =	swait.ge [sflag:s11], $0x4000  }
0x2a: {  	[sflag:s11] =	ssyncset.done $0x0  }
0x2b: {  	s28 =	simm.s32 $0x200;
	[sflag:s11] =	ssyncadd.s32 $0xFFFFC000  }
0x2c: {  	[spmem:s2] =	stream.indirect.scatter.add.f32 [tilespmem:s12], [sflag:$0x1], $0x80, s28, s13, $0xb8;
	[tilespmem:$0x1A400] =	vst v63  }
0x2d: {  	_ =	swait.ge [sflag:s11], $0x4000  }
0x2e: {  	[sflag:s11] =	ssyncset.done $0x0  }
0x2f: {  	s29 =	simm.s32 $0x280;
	[sflag:s11] =	ssyncadd.s32 $0xFFFFC000  }
0x30: {  	[spmem:s2] =	stream.indirect.scatter.add.f32 [tilespmem:s12], [sflag:$0x1], $0x80, s29, s13, $0xb8;
	[tilespmem:$0x1A400] =	vst v63  }
0x31: {  	_ =	swait.ge [sflag:s11], $0x4000  }
0x32: {  	[sflag:s11] =	ssyncset.done $0x0  }
0x33: {  	s30 =	simm.s32 $0x300;
	[sflag:s11] =	ssyncadd.s32 $0xFFFFC000  }
0x34: {  	[spmem:s2] =	stream.indirect.scatter.add.f32 [tilespmem:s12], [sflag:$0x1], $0x80, s30, s13, $0xb8;
	[tilespmem:$0x1A400] =	vst v63  }
0x35: {  	_ =	swait.ge [sflag:s11], $0x4000  }
0x36: {  	[sflag:s11] =	ssyncset.done $0x0  }
0x37: {  	s31 =	simm.s32 $0x380;
	[sflag:s11] =	ssyncadd.s32 $0xFFFFC000  }
0x38: {  	[spmem:s2] =	stream.indirect.scatter.add.f32 [tilespmem:s12], [sflag:$0x1], $0x80, s31, s13, $0xb8;
	[tilespmem:$0x1A400] =	vst v63  }
0x39: {  	_ =	swait.ge [sflag:s11], $0x4000  }
0x3a: {  	s18 =	simm.s32 $0x2000;
	s15 =	simm.s32 $0x1000;
	[sflag:s11] =	ssyncset.done $0x0  }
.LBB2_2:
0x3b: {  	s17 =	sshra.s32 s15, $0x2  }
0x3c: {  	[sflag:s11] =	ssyncadd.s32 $0xFFFFC000;
	s15 =	smov.u32 s18;
	s16 =	sadd.s32 $0x1000, s18  }
0x3d: {  	[spmem:s2] =	stream.indirect.scatter.add.f32 [tilespmem:s12], [sflag:$0x1], $0x80, s17, s13, $0xb8;
	[tilespmem:$0x1A400] =	vst v63  }
0x3e: {  	p0 =	sne.s32 s18, $0x9000;
	_ =	swait.ge [sflag:s11], $0x4000  }
0x3f: {  	[sflag:s11] =	ssyncset.done $0x0  }
0x40: {  	s18 =	sadd.s32 $0x80, s17;
	[sflag:s11] =	ssyncadd.s32 $0xFFFFC000  }
0x41: {  	[spmem:s2] =	stream.indirect.scatter.add.f32 [tilespmem:s12], [sflag:$0x1], $0x80, s18, s13, $0xb8;
	[tilespmem:$0x1A400] =	vst v63  }
0x42: {  	_ =	swait.ge [sflag:s11], $0x4000  }
0x43: {  	[sflag:s11] =	ssyncset.done $0x0  }
0x44: {  	s18 =	sadd.s32 $0x100, s17;
	[sflag:s11] =	ssyncadd.s32 $0xFFFFC000  }
0x45: {  	[spmem:s2] =	stream.indirect.scatter.add.f32 [tilespmem:s12], [sflag:$0x1], $0x80, s18, s13, $0xb8;
	[tilespmem:$0x1A400] =	vst v63  }
0x46: {  	_ =	swait.ge [sflag:s11], $0x4000  }
0x47: {  	[sflag:s11] =	ssyncset.done $0x0  }
0x48: {  	s18 =	sadd.s32 $0x180, s17;
	[sflag:s11] =	ssyncadd.s32 $0xFFFFC000  }
0x49: {  	[spmem:s2] =	stream.indirect.scatter.add.f32 [tilespmem:s12], [sflag:$0x1], $0x80, s18, s13, $0xb8;
	[tilespmem:$0x1A400] =	vst v63  }
0x4a: {  	_ =	swait.ge [sflag:s11], $0x4000  }
0x4b: {  	[sflag:s11] =	ssyncset.done $0x0  }
0x4c: {  	s18 =	sadd.s32 $0x200, s17;
	[sflag:s11] =	ssyncadd.s32 $0xFFFFC000  }
0x4d: {  	[spmem:s2] =	stream.indirect.scatter.add.f32 [tilespmem:s12], [sflag:$0x1], $0x80, s18, s13, $0xb8;
	[tilespmem:$0x1A400] =	vst v63  }
0x4e: {  	_ =	swait.ge [sflag:s11], $0x4000  }
0x4f: {  	[sflag:s11] =	ssyncset.done $0x0  }
0x50: {  	s18 =	sadd.s32 $0x280, s17;
	[sflag:s11] =	ssyncadd.s32 $0xFFFFC000  }
0x51: {  	[spmem:s2] =	stream.indirect.scatter.add.f32 [tilespmem:s12], [sflag:$0x1], $0x80, s18, s13, $0xb8;
	[tilespmem:$0x1A400] =	vst v63  }
0x52: {  	_ =	swait.ge [sflag:s11], $0x4000  }
0x53: {  	[sflag:s11] =	ssyncset.done $0x0  }
0x54: {  	s18 =	sadd.s32 $0x300, s17;
	[sflag:s11] =	ssyncadd.s32 $0xFFFFC000  }
0x55: {  	[spmem:s2] =	stream.indirect.scatter.add.f32 [tilespmem:s12], [sflag:$0x1], $0x80, s18, s13, $0xb8;
	[tilespmem:$0x1A400] =	vst v63  }
0x56: {  	_ =	swait.ge [sflag:s11], $0x4000  }
.Ltmp0:
0x57: {  	[sflag:s11] =	ssyncset.done $0x0;
	(pc) =	sbr.rel @p0 .LBB2_2-.Ltmp0, $4  }
0x58: {  	s17 =	sadd.s32 $0x380, s17;
	[sflag:s11] =	ssyncadd.s32 $0xFFFFC000  }
0x59: {  	[spmem:s2] =	stream.indirect.scatter.add.f32 [tilespmem:s12], [sflag:$0x1], $0x80, s17, s13, $0xb8;
	[tilespmem:$0x1A400] =	vst v63  }
0x5a: {  	_ =	swait.ge [sflag:s11], $0x4000  }
0x5b: {  	s18 =	smov.u32 s16;
	[sflag:s11] =	ssyncset.done $0x0  }
0x5c: {  	s15 =	sshra.s32 s15, $0x2;
	[sflag:s11] =	ssyncadd.s32 $0xFFFFC000  }
0x5d: {  	[spmem:s2] =	stream.indirect.scatter.add.f32 [tilespmem:s12], [sflag:$0x1], $0x80, s15, s13, $0xb8;
	[tilespmem:$0x1A400] =	vst v63  }
0x5e: {  	_ =	swait.ge [sflag:s11], $0x4000  }
0x5f: {  	[sflag:s11] =	ssyncset.done $0x0  }
0x60: {  	s16 =	sadd.s32 $0x80, s15;
	[sflag:s11] =	ssyncadd.s32 $0xFFFFC000  }
0x61: {  	[spmem:s2] =	stream.indirect.scatter.add.f32 [tilespmem:s12], [sflag:$0x1], $0x80, s16, s13, $0xb8;
	[tilespmem:$0x1A400] =	vst v63  }
0x62: {  	_ =	swait.ge [sflag:s11], $0x4000  }
0x63: {  	[sflag:s11] =	ssyncset.done $0x0  }
0x64: {  	s26 =	sadd.s32 $0x100, s15;
	[sflag:s11] =	ssyncadd.s32 $0xFFFFC000  }
0x65: {  	[spmem:s2] =	stream.indirect.scatter.add.f32 [tilespmem:s12], [sflag:$0x1], $0x80, s26, s13, $0xb8;
	[tilespmem:$0x1A400] =	vst v63  }
0x66: {  	_ =	swait.ge [sflag:s11], $0x4000  }
0x67: {  	[sflag:s11] =	ssyncset.done $0x0  }
0x68: {  	s28 =	sadd.s32 $0x180, s15;
	[sflag:s11] =	ssyncadd.s32 $0xFFFFC000  }
0x69: {  	[spmem:s2] =	stream.indirect.scatter.add.f32 [tilespmem:s12], [sflag:$0x1], $0x80, s28, s13, $0xb8;
	[tilespmem:$0x1A400] =	vst v63  }
0x6a: {  	_ =	swait.ge [sflag:s11], $0x4000  }
0x6b: {  	[sflag:s11] =	ssyncset.done $0x0  }
0x6c: {  	s29 =	sadd.s32 $0x200, s15;
	[sflag:s11] =	ssyncadd.s32 $0xFFFFC000  }
0x6d: {  	[spmem:s2] =	stream.indirect.scatter.add.f32 [tilespmem:s12], [sflag:$0x1], $0x80, s29, s13, $0xb8;
	[tilespmem:$0x1A400] =	vst v63  }
0x6e: {  	_ =	swait.ge [sflag:s11], $0x4000  }
0x6f: {  	[sflag:s11] =	ssyncset.done $0x0  }
0x70: {  	s30 =	sadd.s32 $0x280, s15;
	[sflag:s11] =	ssyncadd.s32 $0xFFFFC000  }
0x71: {  	[spmem:s2] =	stream.indirect.scatter.add.f32 [tilespmem:s12], [sflag:$0x1], $0x80, s30, s13, $0xb8;
	[tilespmem:$0x1A400] =	vst v63  }
0x72: {  	_ =	swait.ge [sflag:s11], $0x4000  }
0x73: {  	[sflag:s11] =	ssyncset.done $0x0  }
0x74: {  	s31 =	sadd.s32 $0x300, s15;
	[sflag:s11] =	ssyncadd.s32 $0xFFFFC000  }
0x75: {  	[spmem:s2] =	stream.indirect.scatter.add.f32 [tilespmem:s12], [sflag:$0x1], $0x80, s31, s13, $0xb8;
	[tilespmem:$0x1A400] =	vst v63  }
0x76: {  	_ =	swait.ge [sflag:s11], $0x4000  }
0x77: {  	[sflag:s11] =	ssyncset.done $0x0  }
0x78: {  	s15 =	sadd.s32 $0x380, s15;
	[sflag:s11] =	ssyncadd.s32 $0xFFFFC000  }
0x79: {  	[spmem:s2] =	stream.indirect.scatter.add.f32 [tilespmem:s12], [sflag:$0x1], $0x80, s15, s13, $0xb8;
	[tilespmem:$0x1A400] =	vst v63  }
0x7a: {  	_ =	swait.ge [sflag:s11], $0x4000  }
0x7b: {  	s14 =	sadd.s32 $0x1, s14;
	[sflag:s11] =	ssyncset.done $0x0  }
0x7c: {  	p0 =	sne.s32 s14, s9;
	[sflag:s11] =	ssyncadd.s32 $0xFFFFC000  }
.Ltmp1:
0x7d: {  	[bflag:$0x0] =	sbarrier.arrive $0xFFFF;
	(pc) =	sbr.rel @p0 .LBB2_1-.Ltmp1, $4  }
0x7e: {  	[hbm:s8], [sflag:s6] =	dma.local [spmem:s10], $0x2780  }
0x7f: {  	_ =	swait.ge [sflag:s11], $0x2780  }
0x80: {  	[sflag:s11] =	ssyncset.done $0x0  }
0x81: {  	[sflag:s11] =	ssyncadd.s32 $0xFFFFD880  }
0x82: {  	_ =	sfence.sel $0x180000  }
0x83: {  	[bflag:$0x0] =	sbarrier.arrive $0xFFFF  }
0x84: {  	p0 =	sne.s32 s0, $0x0;
	_ =	strace $0x90000047  }
0x85: {  	s0 =	sadd.s32 @!p0 $0x100000, s1;
	[bflag:$0x2] =	sbarrier.arrive $0xFFFF  }
0x86: {  	[sflag:s0] =	ssyncadd.tile.s32 @!p0 $0x1;
	_ =	shalt  }
.Lfunc_end2:
_tile_overlayer_lowered:
.L_overlay_start_2:
0x87: {  	(tag) =	ssettag $0x2  }
0x88: {  	s0 =	rddreg [dreg:$0x0];
	s2 =	stileid.u32  }
0x89: {  	s1 =	rddreg [dreg:$0x1];
	p0 =	sne.s32 s2, $0x0  }
0x8a: {  	s3 =	rddreg [dreg:$0x2];
	[bflag:$0x3] =	sbarrier.arrive $0xFFFF;
	s2 =	simm.s32 @!p0 $0x1C01  }
0x8b: {  	[timem:s3], [sflag:s2] =	dma.local @!p0 [hbm:s0], s1  }
0x8c: {  	s0 =	simm.s32 @!p0 $0x1  }
0x8d: {  	_ =	swait.ge @!p0 [sflag:s0], s1  }
0x8e: {  	s1 =	ssub.s32 @!p0 $0x0, s1;
	[sflag:s0] =	ssyncset.done @!p0 $0x0  }
0x8f: {  	[sflag:s0] =	ssyncadd.s32 @!p0 s1  }
0x90: {  	[bflag:$0x3] =	sbarrier.arrive $0xFFFF  }
0x91: {  	_ =	shalt  }

// kernel: kernel.13.cloned.1.call-start
scs
__scs_entry_jumppad:
0x0: {  	(pc) =	sbr.rel $0x88, $3  }
0x1: {  	(tag) =	ssettag $0x0;
	lr =	simm.s32 $0x1  }
0x2: {  	[smem:$0x3F99] =	sst lr;
	_ =	strace $0xD0000000  }
0x3: {  	_ = 	snop  }
0x4: {  	_ = 	snop  }
0x5: {  	_ = 	snop  }
0x6: {  	_ = 	snop  }
0x7: {  	_ = 	snop  }
__scs_overlays_trampoline_lowered:
0x8: {  	[smem:$0x3FA8] =	sst s0  }
0x9: {  	[smem:$0x3FA9] =	sst s1  }
0xa: {  	[smem:$0x3FAA] =	sst s2  }
0xb: {  	[smem:$0x3FAB] =	sst s3  }
0xc: {  	[smem:$0x3FAC] =	sst s4  }
0xd: {  	[smem:$0x3FAD] =	sst s5  }
0xe: {  	[smem:$0x3FAE] =	sst s6  }
0xf: {  	[smem:$0x3FAF] =	sst s7  }
0x10: {  	[smem:$0x3FB0] =	sst s8  }
0x11: {  	[smem:$0x3FB1] =	sst s9;
	s0 =	simm.s32 @!p0 $0x0  }
0x12: {  	s1 =	sld [smem:$0x3F97];
	s0 =	simm.s32 @p0 $0x1  }
0x13: {  	[smem:$0x3FB2] =	sst s0;
	s0 =	simm.s32 @!p1 $0x0  }
0x14: {  	s2 =	sld [smem:$0x3F96];
	s0 =	simm.s32 @p1 $0x1  }
0x15: {  	[smem:$0x3FB3] =	sst s0;
	s0 =	simm.s32 @!p2 $0x0  }
0x16: {  	s3 =	sld [smem:$0x3FDB];
	s0 =	simm.s32 @p2 $0x1  }
0x17: {  	s4 =	simm.s32 $0x1BF5;
	[smem:$0x3FB5] =	sst s0  }
0x18: {  	s0 =	sld [smem:$0x3F98];
	_ =	swait.ge [sflag:s4], $0x0  }
0x19: {  	s7 =	sld [smem:$0x3F99]  }
0x1a: {  	s8 =	sadd.s32 $0xFFFFE003, lr  }
0x1b: {  	s9 =	sadd.s32 $0xFFFFFEF7, lr;
	s5 =	simm.s32 $0xFFFFFFFF;
	p2 =	slt.u32 s8, $0xFFFFF086  }
0x1c: {  	p1 =	slt.u32 s9, $0xF7A;
	s5 =	simm.s32 @!p2 $0x0  }
0x1d: {  	s5 =	simm.s32 @p1 $0x1;
	p0 =	seq.s32 s7, s2  }
0x1e: {  	s7 =	smul.u32 @!p0 $0xF7A, s2;
	p2 =	seq.s32 @!p0 s5, $0x0  }
0x1f: {  	s9 =	smul.u32 $0xF7A, s1;
	s8 =	simm.s32 @!p0 $0x1BF5;
	p2 =	por !p2, p0  }
0x20: {  	[sflag:s8] =	ssyncset.s32 @!p0 $0xFFFFF086;
	s6 =	sadd.s32 @!p0 s3, s7;
	s7 =	simm.s32 @!p0 $0x108  }
0x21: {  	s3 =	sadd.s32 s3, s9;
	s6 =	sadd.s32 @!p0 $0x88, s6;
	s7 =	simm.s32 @p2 $0x1082  }
0x22: {  	[simem:s7], [sflag:s8] =	dma.local @!p0 [hbm:s6], $0xF7A  }
0x23: {  	s9 =	sor.u32 $0xD0000000, s2;
	s6 =	simm.s32 $0x108;
	_ =	swait.ge @!p0 [sflag:s8], $0x0  }
0x24: {  	s3 =	sadd.s32 $0x88, s3;
	s6 =	simm.s32 @!p1 $0x1082;
	[sflag:s4] =	ssyncset.s32 $0xFFFFF086  }
0x25: {  	[simem:s6], [sflag:s4] =	dma.local [hbm:s3], $0xF7A  }
0x26: {  	[smem:$0x3F99] =	sst s1;
	(tag) =	ssettag s2;
	_ =	strace s9  }
0x27: {  	s1 =	sld [smem:$0x3FA9]  }
0x28: {  	s2 =	sld [smem:$0x3FAA]  }
0x29: {  	s4 =	sld [smem:$0x3FAC]  }
0x2a: {  	p0 =	seq.s32 s5, $0x0;
	s5 =	sld [smem:$0x3FAD]  }
0x2b: {  	s6 =	sld [smem:$0x3FAE]  }
0x2c: {  	s7 =	sld [smem:$0x3FAF]  }
0x2d: {  	s3 =	simm.s32 $0x108;
	s8 =	sld [smem:$0x3FB0]  }
0x2e: {  	s3 =	simm.s32 @!p0 $0x1082;
	s9 =	sld [smem:$0x3FB1]  }
0x2f: {  	lr =	sadd.s32 s0, s3;
	s0 =	sld [smem:$0x3FA8]  }
0x30: {  	s3 =	sld [smem:$0x3FAB]  }
0x31: {  	[smem:$0x3FB4] =	sst s10  }
0x32: {  	s10 =	sld [smem:$0x3FB2];
	_ =	sdelay $0x3  }
0x33: {  	p0 =	seq.s32 s10, $0x1;
	s10 =	sld [smem:$0x3FB4];
	_ =	sdelay $0x3  }
0x34: {  	[smem:$0x3FB4] =	sst s10  }
0x35: {  	s10 =	sld [smem:$0x3FB3];
	_ =	sdelay $0x3  }
0x36: {  	p1 =	seq.s32 s10, $0x1;
	s10 =	sld [smem:$0x3FB4];
	_ =	sdelay $0x3  }
0x37: {  	[smem:$0x3FB4] =	sst s10  }
0x38: {  	s10 =	sld [smem:$0x3FB5]  }
0x39: {  	_ = 	snop;
	(pc) =	sbr.ind lr, $3  }
0x3a: {  	_ = 	snop  }
0x3b: {  	_ = 	snop  }
0x3c: {  	p2 =	seq.s32 s10, $0x1;
	s10 =	sld [smem:$0x3FB4]  }
0x3d: {  	_ =	shalt  }
0x3e: {  	_ =	shalt  }
0x3f: {  	_ =	shalt  }
0x40: {  	_ =	shalt  }
0x41: {  	_ =	shalt  }
0x42: {  	_ =	shalt  }
0x43: {  	_ =	shalt  }
0x44: {  	_ =	shalt  }
0x45: {  	_ =	shalt  }
0x46: {  	_ =	shalt  }
0x47: {  	_ =	shalt  }
0x48: {  	_ =	shalt  }
0x49: {  	_ =	shalt  }
0x4a: {  	_ =	shalt  }
0x4b: {  	_ =	shalt  }
0x4c: {  	_ =	shalt  }
0x4d: {  	_ =	shalt  }
0x4e: {  	_ =	shalt  }
0x4f: {  	_ =	shalt  }
0x50: {  	_ =	shalt  }
0x51: {  	_ =	shalt  }
0x52: {  	_ =	shalt  }
0x53: {  	_ =	shalt  }
0x54: {  	_ =	shalt  }
0x55: {  	_ =	shalt  }
0x56: {  	_ =	shalt  }
0x57: {  	_ =	shalt  }
0x58: {  	_ =	shalt  }
0x59: {  	_ =	shalt  }
0x5a: {  	_ =	shalt  }
0x5b: {  	_ =	shalt  }
0x5c: {  	_ =	shalt  }
0x5d: {  	_ =	shalt  }
0x5e: {  	_ =	shalt  }
0x5f: {  	_ =	shalt  }
0x60: {  	_ =	shalt  }
0x61: {  	_ =	shalt  }
0x62: {  	_ =	shalt  }
0x63: {  	_ =	shalt  }
0x64: {  	_ =	shalt  }
0x65: {  	_ =	shalt  }
0x66: {  	_ =	shalt  }
0x67: {  	_ =	shalt  }
0x68: {  	_ =	shalt  }
0x69: {  	_ =	shalt  }
0x6a: {  	_ =	shalt  }
0x6b: {  	_ =	shalt  }
0x6c: {  	_ =	shalt  }
0x6d: {  	_ =	shalt  }
0x6e: {  	_ =	shalt  }
0x6f: {  	_ =	shalt  }
0x70: {  	_ =	shalt  }
0x71: {  	_ =	shalt  }
0x72: {  	_ =	shalt  }
0x73: {  	_ =	shalt  }
0x74: {  	_ =	shalt  }
0x75: {  	_ =	shalt  }
0x76: {  	_ =	shalt  }
0x77: {  	_ =	shalt  }
0x78: {  	_ =	shalt  }
0x79: {  	_ =	shalt  }
0x7a: {  	_ =	shalt  }
0x7b: {  	_ =	shalt  }
0x7c: {  	_ =	shalt  }
0x7d: {  	_ =	shalt  }
0x7e: {  	_ =	shalt  }
0x7f: {  	_ =	shalt  }
0x80: {  	_ =	shalt  }
0x81: {  	_ =	shalt  }
0x82: {  	_ =	shalt  }
0x83: {  	_ =	shalt  }
0x84: {  	_ =	shalt  }
0x85: {  	_ =	shalt  }
0x86: {  	_ =	shalt  }
0x87: {  	_ =	shalt  }
.Lfunc_end0:
.L_simem_size_0:
called_computation.1_lowered:
.L_overlay_start_0:
0x88: {  	s2 =	sld [smem:$0x3FD9]  }
0x89: {  	s3 =	sld [smem:$0x3FFE];
	_ =	sdelay $0x1  }
0x8a: {  	s1 =	srdreg.scid  }
0x8b: {  	s0 =	sand.u32 $0x1, s1  }
0x8c: {  	s17 =	sshll.u32 s0, $0xA;
	s2 =	sadd.s32 s3, s2  }
0x8d: {  	s2 =	sadd.s32 s2, s17  }
0x8e: {  	[smem:$0x3FC0] =	sst s2  }
0x8f: {  	_ = 	snop  }
0x90: {  	s2 =	sld [smem:$0x3FD0];
	(tm) =	ssettm $0x1  }
0x91: {  	s18 =	sld [smem:$0x3FFB];
	_ =	sdelay $0x3  }
0x92: {  	_ =	strace s18  }
0x93: {  	s3 =	sld [smem:$0x3FFC];
	_ =	sdelay $0x3  }
0x94: {  	_ =	strace s3  }
0x95: {  	s3 =	sld [smem:$0x3FFD];
	_ =	sdelay $0x3  }
0x96: {  	_ =	strace s3  }
0x97: {  	_ =	strace $0x8FFFFFFF  }
0x98: {  	s19 =	sld [smem:$0x3FDB];
	_ =	sdelay $0x1  }
0x99: {  	s4 =	simm.s32 $_scs_section_size  }
0x9a: {  	s5 =	simm.s32 $_size__tile_overlayer_lowered;
	s6 =	simm.s32 $_tile_overlayer_lowered  }
0x9b: {  	s22 =	simm.s32 $0x1BFF;
	s21 =	sshll.u32 s6, $0x1;
	s3 =	sadd.s32 s4, s19  }
0x9c: {  	s7 =	simm.s32 $0x0;
	s20 =	sshll.u32 s5, $0x1;
	s5 =	sadd.s32 s21, s3  }
0x9d: {  	[timem:s7], [sflag:s22] =	dma.local [hbm:s5], s20  }
0x9e: {  	_ =	swait.ge [sflag:s22], s20  }
0x9f: {  	s4 =	ssub.s32 $0x0, s20;
	[sflag:s22] =	ssyncset.done $0x0  }
0xa0: {  	[sflag:s22] =	ssyncadd.s32 s4;
	_ =	sdelay $0x1  }
0xa1: {  	s23 =	simm.s32 $0x1B8B  }
0xa2: {  	_ =	swait.ge [sflag:s23], $0x1  }
0xa3: {  	[sflag:s23] =	ssyncset.done $0x0  }
0xa4: {  	s25 =	simm.s32 $0x1B8E;
	s24 =	sld [smem:$0x3FFE];
	[sflag:s23] =	ssyncadd.s32 $0xFFFFFFFF  }
0xa5: {  	s26 =	simm.s32 $execute0_lowered;
	[smem:$0x3FD2] =	sst s25  }
0xa6: {  	s5 =	sshll.u32 s26, $0x1;
	_ =	strace $0x80000049;
	[dreg:$0x1] =	wrdreg $0xFFFFFFFF  }
0xa7: {  	s28 =	simm.s32 $_size_execute0_lowered;
	s3 =	sadd.s32 s3, s5;
	[dreg:$0x0] =	wrdreg $0x0  }
0xa8: {  	s5 =	sshll.u32 s28, $0x1;
	[dreg:$0x2] =	wrdreg s3  }
0xa9: {  	[dreg:$0x3] =	wrdreg s5  }
0xaa: {  	[dreg:$0x4] =	wrdreg $0xC0  }
0xab: {  	_ =	task [dreg:s7], $0x5FFFF  }
0xac: {  	[dreg:$0x1] =	wrdreg $0xFFFFFFFF  }
0xad: {  	[dreg:$0x0] =	wrdreg $0x60  }
0xae: {  	[dreg:$0x2] =	wrdreg s24  }
0xaf: {  	[dreg:$0x3] =	wrdreg s2  }
0xb0: {  	[dreg:$0x4] =	wrdreg $0x90000  }
0xb1: {  	[dreg:$0x5] =	wrdreg $0x9  }
0xb2: {  	_ =	task.clear_ibuf [dreg:s7], $0x6FFFF;
	_ =	strace $0x90000049  }
0xb3: {  	s29 =	simm.s32 $0x9;
	_ =	strace $0x8000004B  }
0xb4: {  	_ =	swait.ge [sflag:s29], $0x1  }
0xb5: {  	[sflag:s29] =	ssyncadd.s32 $0xFFFFFFFF  }
0xb6: {  	_ =	strace $0x9000004B  }
0xb7: {  	_ =	sfence  }
0xb8: {  	s30 =	sld [smem:$0x0];
	_ =	sdelay $0x2  }
0xb9: {  	s31 =	sshll.u32 s1, $0xD;
	s1 =	sshrl.u32 s1, $0x2  }
0xba: {  	s3 =	sand.u32 $0x4000, s31;
	s1 =	sadd.s32 s1, s30  }
0xbb: {  	s0 =	sor.u32 s3, s0;
	s1 =	sshll.u32 s1, $0x11  }
0xbc: {  	s0 =	sor.u32 s1, s0  }
0xbd: {  	s0 =	sadd.s32 $0x8F2B, s0  }
0xbe: {  	[sflag:s0] =	ssyncadd.remote.s32 $0x1  }
0xbf: {  	_ =	sfence.sel $0xFFFF  }
0xc0: {  	[dreg:$0x0] =	wrdreg $0xFFFFFFFF;
	(pc) =	sbr.abs _section_cstart, $3  }
0xc1: {  	[dreg:$0x1] =	wrdreg $0xFFFFFFFF  }
0xc2: {  	_ =	task.clear_ibuf [dreg:s7], $0x2FFFF;
	_ =	strace $0x9FFFFFFF  }
0xc3: {  	(tm) =	ssettm $0x7FFFFFFF  }
tec
execute0_lowered:
.L_overlay_start_1:
0x0: {  	(tag) =	ssettag $0x1  }
0x1: {  	s5 =	rddreg [dreg:$0x0]  }
0x2: {  	s8 =	rddreg [dreg:$0x1]  }
0x3: {  	s2 =	rddreg [dreg:$0x2]  }
0x4: {  	s0 =	rddreg [dreg:$0x3];
	s3 =	simm.s32 $0x0;
	s1 =	stileid.u32  }
0x5: {  	s4 =	srdreg.scid;
	s17 =	simm.s32 $0x1;
	s18 =	simm.s32 $0x2  }
0x6: {  	s19 =	simm.s32 $0x0;
	[smem:$0x7FF] =	sst s3;
	s6 =	smul.u32 $0x13C00, s1  }
0x7: {  	s7 =	sand.u32 $0x1, s4;
	s4 =	sadd.s32 $0x36400, s5;
	s20 =	smul.u32 $0x4F000, s1  }
0x8: {  	s10 =	sadd.s32 $0x4400, s5;
	s15 =	smul.u32 $0x2800, s1;
	s26 =	sshll.u32 s1, $0x6  }
0x9: {  	_ =	strace $0x8000004A;
	s9 =	smul.u32 $0x13C000, s7;
	s12 =	ssub.s32 $0x2, s7  }
0xa: {  	s13 =	smul.u32 $0x28000, s7;
	s7 =	sshll.u32 s7, $0x4;
	s11 =	sshrl.u32 s6, $0x3  }
0xb: {  	s14 =	sshrl.u32 s12, $0x1;
	s21 =	sor.u32 s1, s7;
	s22 =	sshrl.u32 s20, $0x2  }
0xc: {  	s11 =	sadd.s32 s11, s5;
	s6 =	sadd.s32 s6, s9;
	s12 =	ssub.s32 s12, s14  }
0xd: {  	s7 =	smul.u32 $0x2800, s21;
	s23 =	sadd.s32 s15, s13;
	s24 =	sadd.s32 s22, s2  }
0xe: {  	s13 =	simm.s32 $0x800;
	s14 =	simm.s32 $0x80;
	s6 =	sshrl.u32 s6, $0x3  }
0xf: {  	s15 =	simm.s32 $0x1000;
	s25 =	sor.u32 $0x400, s23;
	s16 =	sadd.s32 s6, s5  }
0x10: {  	s5 =	sadd.s32 $0xEC00, s11;
	s28 =	sshrl.u32 s7, $0x3;
	s29 =	sshrl.u32 s25, $0x3  }
0x11: {  	s6 =	sor.u32 $0x1C05, s26;
	s11 =	sshrl.u32 s24, $0x3;
	s7 =	sadd.s32 s10, s28  }
0x12: {  	s30 =	sadd.s32 s29, s8;
	s8 =	sadd.s32 s8, s28;
	s31 =	sadd.s32 s29, s10  }
0x13: {  	s9 =	sadd.s32 $0x5DC00, s16;
	s10 =	smax.u32 s12, $0x1;
	[dreg:$0x5] =	wrdreg s30  }
0x14: {  	s12 =	simm.s32 $0x5;
	s16 =	simm.s32 $0x5000;
	[dreg:$0x4] =	wrdreg s31  }
.LBB2_1:
0x15: {  	[spmem:s11], [sflag:s6] =	dma.local [hbm:s5], $0x2780  }
0x16: {  	_ =	swait.ge [sflag:s12], $0x2780  }
0x17: {  	[sflag:s12] =	ssyncset.done $0x0  }
0x18: {  	[sflag:s12] =	ssyncadd.s32 $0xFFFFD880  }
0x19: {  	[tilespmem:s3], [sflag:$0x5] =	stream.linear.gather [hbm4b:s7+s3], $0x400, $0x38;
	[tilespmem:$0x1CC00] =	vst v63  }
0x1a: {  	_ =	swait.ge [sflag:s12], $0x400  }
0x1b: {  	[sflag:s12] =	ssyncset.done $0x0  }
0x1c: {  	[sflag:s12] =	ssyncadd.s32 $0xFFFFFC00  }
0x1d: {  	[tilespmem:s13], [sflag:$0x5] =	stream.linear.gather [hbm4b:s8+s3], $0x400, $0x38;
	[tilespmem:$0x1CC00] =	vst v63  }
0x1e: {  	_ =	swait.ge [sflag:s12], $0x400  }
0x1f: {  	[sflag:s12] =	ssyncset.done $0x0  }
0x20: {  	[sflag:s12] =	ssyncadd.s32 $0xFFFFFC00  }
0x21: {  	s20 =	sand.u32 $0x1, s17;
	p0 =	por $0x0, $0x0;
	[bflag:$0x0] =	sbarrier.arrive $0xFFFF  }
0x22: {  	s20 =	sshll.u32 @!p0 s20, $0xA;
	s21 =	rddreg [dreg:$0x4]  }
0x23: {  	[tilespmem:s15], [sflag:$0x1] =	stream.indirect.gather [hbm4b:s4+s14], $0x80, s3, s14, $0xb8;
	[tilespmem:$0x1CC00] =	vst v63  }
0x24: {  	s23 =	simm.s32 @!p0 $0x0;
	s22 =	rddreg [dreg:$0x5];
	s21 =	sadd.s32 @!p0 $0x0, s21  }
0x25: {  	[tilespmem:s20], [sflag:$0x3] =	stream.linear.gather @!p0 [hbm4b:s21+s23], $0x400, $0x38;
	[tilespmem:$0x1CC00] =	vst v63  }
0x26: {  	s24 =	sor.u32 @!p0 $0x800, s20;
	s22 =	sadd.s32 @!p0 $0x0, s22;
	s21 =	sand.u32 $0x400, s3  }
0x27: {  	[tilespmem:s24], [sflag:$0x4] =	stream.linear.gather @!p0 [hbm4b:s22+s23], $0x400, $0x38;
	[tilespmem:$0x1CC00] =	vst v63  }
0x28: {  	s25 =	sor.u32 $0x80, s21  }
0x29: {  	[tilespmem:s16], [sflag:$0x2] =	stream.indirect.gather [hbm4b:s4+s14], $0x80, s25, s14, $0xb8;
	[tilespmem:$0x1CC00] =	vst v63  }
0x2a: {  	_ =	swait.ge [sflag:s17], $0x4000  }
0x2b: {  	[sflag:s17] =	ssyncset.done $0x0  }
0x2c: {  	s26 =	sor.u32 $0x800, s21;
	[sflag:s17] =	ssyncadd.s32 $0xFFFFC000  }
0x2d: {  	[spmem:s2] =	stream.indirect.scatter.add.f32 [tilespmem:s15], [sflag:$0x5], $0x80, s26, s14, $0xb8;
	[tilespmem:$0x1CC00] =	vst v63  }
0x2e: {  	_ =	swait.ge [sflag:s12], $0x4000  }
0x2f: {  	[sflag:s12] =	ssyncset.done $0x0  }
0x30: {  	s28 =	sor.u32 $0x100, s21;
	[sflag:s12] =	ssyncadd.s32 $0xFFFFC000  }
0x31: {  	[tilespmem:s15], [sflag:$0x1] =	stream.indirect.gather [hbm4b:s4+s14], $0x80, s28, s14, $0xb8;
	[tilespmem:$0x1CC00] =	vst v63  }
0x32: {  	_ =	swait.ge [sflag:s18], $0x4000  }
0x33: {  	[sflag:s18] =	ssyncset.done $0x0  }
0x34: {  	s29 =	sor.u32 $0x880, s21;
	[sflag:s18] =	ssyncadd.s32 $0xFFFFC000  }
0x35: {  	[spmem:s2] =	stream.indirect.scatter.add.f32 [tilespmem:s16], [sflag:$0x5], $0x80, s29, s14, $0xb8;
	[tilespmem:$0x1CC00] =	vst v63  }
0x36: {  	_ =	swait.ge [sflag:s12], $0x4000  }
0x37: {  	[sflag:s12] =	ssyncset.done $0x0  }
0x38: {  	s30 =	sor.u32 $0x180, s21;
	[sflag:s12] =	ssyncadd.s32 $0xFFFFC000  }
0x39: {  	[tilespmem:s16], [sflag:$0x2] =	stream.indirect.gather [hbm4b:s4+s14], $0x80, s30, s14, $0xb8;
	[tilespmem:$0x1CC00] =	vst v63  }
0x3a: {  	_ =	swait.ge [sflag:s17], $0x4000  }
0x3b: {  	[sflag:s17] =	ssyncset.done $0x0  }
0x3c: {  	s31 =	sor.u32 $0x900, s21;
	[sflag:s17] =	ssyncadd.s32 $0xFFFFC000  }
0x3d: {  	[spmem:s2] =	stream.indirect.scatter.add.f32 [tilespmem:s15], [sflag:$0x5], $0x80, s31, s14, $0xb8;
	[tilespmem:$0x1CC00] =	vst v63  }
0x3e: {  	_ =	swait.ge [sflag:s12], $0x4000  }
0x3f: {  	[sflag:s12] =	ssyncset.done $0x0  }
0x40: {  	s23 =	sor.u32 $0x200, s21;
	[sflag:s12] =	ssyncadd.s32 $0xFFFFC000  }
0x41: {  	[tilespmem:s15], [sflag:$0x1] =	stream.indirect.gather [hbm4b:s4+s14], $0x80, s23, s14, $0xb8;
	[tilespmem:$0x1CC00] =	vst v63  }
0x42: {  	_ =	swait.ge [sflag:s18], $0x4000  }
0x43: {  	[sflag:s18] =	ssyncset.done $0x0  }
0x44: {  	s24 =	sor.u32 $0x980, s21;
	[sflag:s18] =	ssyncadd.s32 $0xFFFFC000  }
0x45: {  	[spmem:s2] =	stream.indirect.scatter.add.f32 [tilespmem:s16], [sflag:$0x5], $0x80, s24, s14, $0xb8;
	[tilespmem:$0x1CC00] =	vst v63  }
0x46: {  	_ =	swait.ge [sflag:s12], $0x4000  }
0x47: {  	[sflag:s12] =	ssyncset.done $0x0  }
0x48: {  	s25 =	sor.u32 $0x280, s21;
	[sflag:s12] =	ssyncadd.s32 $0xFFFFC000  }
0x49: {  	[tilespmem:s16], [sflag:$0x2] =	stream.indirect.gather [hbm4b:s4+s14], $0x80, s25, s14, $0xb8;
	[tilespmem:$0x1CC00] =	vst v63  }
0x4a: {  	_ =	swait.ge [sflag:s17], $0x4000  }
0x4b: {  	[sflag:s17] =	ssyncset.done $0x0  }
0x4c: {  	s26 =	sor.u32 $0xA00, s21;
	[sflag:s17] =	ssyncadd.s32 $0xFFFFC000  }
0x4d: {  	[spmem:s2] =	stream.indirect.scatter.add.f32 [tilespmem:s15], [sflag:$0x5], $0x80, s26, s14, $0xb8;
	[tilespmem:$0x1CC00] =	vst v63  }
0x4e: {  	_ =	swait.ge [sflag:s12], $0x4000  }
0x4f: {  	[sflag:s12] =	ssyncset.done $0x0  }
0x50: {  	s28 =	sor.u32 $0x300, s21;
	[sflag:s12] =	ssyncadd.s32 $0xFFFFC000  }
0x51: {  	[tilespmem:s15], [sflag:$0x1] =	stream.indirect.gather [hbm4b:s4+s14], $0x80, s28, s14, $0xb8;
	[tilespmem:$0x1CC00] =	vst v63  }
0x52: {  	_ =	swait.ge [sflag:s18], $0x4000  }
0x53: {  	[sflag:s18] =	ssyncset.done $0x0  }
0x54: {  	s29 =	sor.u32 $0xA80, s21;
	[sflag:s18] =	ssyncadd.s32 $0xFFFFC000  }
0x55: {  	[spmem:s2] =	stream.indirect.scatter.add.f32 [tilespmem:s16], [sflag:$0x5], $0x80, s29, s14, $0xb8;
	[tilespmem:$0x1CC00] =	vst v63  }
0x56: {  	_ =	swait.ge [sflag:s12], $0x4000  }
0x57: {  	[sflag:s12] =	ssyncset.done $0x0  }
0x58: {  	s30 =	sor.u32 $0x380, s21;
	[sflag:s12] =	ssyncadd.s32 $0xFFFFC000  }
0x59: {  	[tilespmem:s16], [sflag:$0x2] =	stream.indirect.gather [hbm4b:s4+s14], $0x80, s30, s14, $0xb8;
	[tilespmem:$0x1CC00] =	vst v63  }
0x5a: {  	_ =	swait.ge [sflag:s17], $0x4000  }
0x5b: {  	[sflag:s17] =	ssyncset.done $0x0  }
0x5c: {  	s21 =	sor.u32 $0xB00, s21;
	[sflag:s17] =	ssyncadd.s32 $0xFFFFC000  }
0x5d: {  	[spmem:s2] =	stream.indirect.scatter.add.f32 [tilespmem:s15], [sflag:$0x5], $0x80, s21, s14, $0xb8;
	[tilespmem:$0x1CC00] =	vst v63  }
0x5e: {  	_ =	swait.ge [sflag:s12], $0x4000  }
0x5f: {  	[sflag:s12] =	ssyncset.done $0x0  }
0x60: {  	s21 =	simm.s32 @!p0 $0x3;
	[sflag:s12] =	ssyncadd.s32 $0xFFFFC000  }
0x61: {  	_ =	swait.ge @!p0 [sflag:s21], $0x400  }
0x62: {  	[sflag:s21] =	ssyncset.done @!p0 $0x0  }
0x63: {  	[sflag:s21] =	ssyncadd.s32 @!p0 $0xFFFFFC00;
	s21 =	simm.s32 @!p0 $0x4  }
0x64: {  	_ =	swait.ge @!p0 [sflag:s21], $0x400  }
0x65: {  	[sflag:s21] =	ssyncset.done @!p0 $0x0  }
0x66: {  	s23 =	simm.s32 @!p0 $0x1000;
	[sflag:s21] =	ssyncadd.s32 @!p0 $0xFFFFFC00;
	s21 =	simm.s32 @!p0 $0x80  }
0x67: {  	[tilespmem:s23], [sflag:$0x1] =	stream.indirect.gather @!p0 [hbm4b:s4+s21], $0x80, s20, s21, $0xb8;
	[tilespmem:$0x1CC00] =	vst v63  }
0x68: {  	_ =	swait.ge [sflag:s18], $0x4000  }
0x69: {  	[sflag:s18] =	ssyncset.done $0x0  }
0x6a: {  	s31 =	sor.u32 $0x800, s30;
	[sflag:s18] =	ssyncadd.s32 $0xFFFFC000  }
0x6b: {  	[spmem:s2] =	stream.indirect.scatter.add.f32 [tilespmem:s16], [sflag:$0x5], $0x80, s31, s14, $0xb8;
	[tilespmem:$0x1CC00] =	vst v63  }
0x6c: {  	s22 =	simm.s32 $0x1;
	_ =	swait.ge [sflag:s12], $0x4000  }
0x6d: {  	s20 =	simm.s32 $0x80;
	s21 =	simm.s32 $0x0;
	[sflag:s12] =	ssyncset.done $0x0  }
.LBB2_2:
0x6e: {  	s24 =	rddreg [dreg:$0x4];
	s25 =	smov.u32 s20  }
0x6f: {  	s26 =	rddreg [dreg:$0x5];
	s21 =	sadd.s32 $0x400, s21;
	s22 =	sadd.s32 $0x1, s22  }
0x70: {  	[sflag:s12] =	ssyncadd.s32 $0xFFFFC000;
	s23 =	sand.u32 $0x1, s22;
	p0 =	seq.s32 s25, $0x480  }
0x71: {  	s23 =	sshll.u32 @!p0 s23, $0xA;
	s24 =	sadd.s32 @!p0 s25, s24;
	s28 =	simm.s32 @!p0 $0x0  }
0x72: {  	[tilespmem:s23], [sflag:$0x3] =	stream.linear.gather @!p0 [hbm4b:s24+s28], $0x400, $0x38;
	[tilespmem:$0x1CC00] =	vst v63  }
0x73: {  	s25 =	sadd.s32 @!p0 s25, s26;
	s29 =	sor.u32 @!p0 $0x800, s23;
	s24 =	sand.u32 $0x400, s21  }
0x74: {  	[tilespmem:s29], [sflag:$0x4] =	stream.linear.gather @!p0 [hbm4b:s25+s28], $0x400, $0x38;
	[tilespmem:$0x1CC00] =	vst v63  }
0x75: {  	s28 =	sor.u32 $0x80, s24  }
0x76: {  	[tilespmem:s16], [sflag:$0x2] =	stream.indirect.gather [hbm4b:s4+s14], $0x80, s28, s14, $0xb8;
	[tilespmem:$0x1CC00] =	vst v63  }
0x77: {  	_ =	swait.ge [sflag:s17], $0x4000  }
0x78: {  	[sflag:s17] =	ssyncset.done $0x0  }
0x79: {  	s29 =	sor.u32 $0x800, s24;
	[sflag:s17] =	ssyncadd.s32 $0xFFFFC000  }
0x7a: {  	[spmem:s2] =	stream.indirect.scatter.add.f32 [tilespmem:s15], [sflag:$0x5], $0x80, s29, s14, $0xb8;
	[tilespmem:$0x1CC00] =	vst v63  }
0x7b: {  	_ =	swait.ge [sflag:s12], $0x4000  }
0x7c: {  	[sflag:s12] =	ssyncset.done $0x0  }
0x7d: {  	s30 =	sor.u32 $0x100, s24;
	[sflag:s12] =	ssyncadd.s32 $0xFFFFC000  }
0x7e: {  	[tilespmem:s15], [sflag:$0x1] =	stream.indirect.gather [hbm4b:s4+s14], $0x80, s30, s14, $0xb8;
	[tilespmem:$0x1CC00] =	vst v63  }
0x7f: {  	_ =	swait.ge [sflag:s18], $0x4000  }
0x80: {  	[sflag:s18] =	ssyncset.done $0x0  }
0x81: {  	s31 =	sor.u32 $0x880, s24;
	[sflag:s18] =	ssyncadd.s32 $0xFFFFC000  }
0x82: {  	[spmem:s2] =	stream.indirect.scatter.add.f32 [tilespmem:s16], [sflag:$0x5], $0x80, s31, s14, $0xb8;
	[tilespmem:$0x1CC00] =	vst v63  }
0x83: {  	_ =	swait.ge [sflag:s12], $0x4000  }
0x84: {  	[sflag:s12] =	ssyncset.done $0x0  }
0x85: {  	s26 =	sor.u32 $0x180, s24;
	[sflag:s12] =	ssyncadd.s32 $0xFFFFC000  }
0x86: {  	[tilespmem:s16], [sflag:$0x2] =	stream.indirect.gather [hbm4b:s4+s14], $0x80, s26, s14, $0xb8;
	[tilespmem:$0x1CC00] =	vst v63  }
0x87: {  	_ =	swait.ge [sflag:s17], $0x4000  }
0x88: {  	[sflag:s17] =	ssyncset.done $0x0  }
0x89: {  	s28 =	sor.u32 $0x900, s24;
	[sflag:s17] =	ssyncadd.s32 $0xFFFFC000  }
0x8a: {  	[spmem:s2] =	stream.indirect.scatter.add.f32 [tilespmem:s15], [sflag:$0x5], $0x80, s28, s14, $0xb8;
	[tilespmem:$0x1CC00] =	vst v63  }
0x8b: {  	_ =	swait.ge [sflag:s12], $0x4000  }
0x8c: {  	[sflag:s12] =	ssyncset.done $0x0  }
0x8d: {  	s29 =	sor.u32 $0x200, s24;
	[sflag:s12] =	ssyncadd.s32 $0xFFFFC000  }
0x8e: {  	[tilespmem:s15], [sflag:$0x1] =	stream.indirect.gather [hbm4b:s4+s14], $0x80, s29, s14, $0xb8;
	[tilespmem:$0x1CC00] =	vst v63  }
0x8f: {  	_ =	swait.ge [sflag:s18], $0x4000  }
0x90: {  	[sflag:s18] =	ssyncset.done $0x0  }
0x91: {  	s30 =	sor.u32 $0x980, s24;
	[sflag:s18] =	ssyncadd.s32 $0xFFFFC000  }
0x92: {  	[spmem:s2] =	stream.indirect.scatter.add.f32 [tilespmem:s16], [sflag:$0x5], $0x80, s30, s14, $0xb8;
	[tilespmem:$0x1CC00] =	vst v63  }
0x93: {  	_ =	swait.ge [sflag:s12], $0x4000  }
0x94: {  	[sflag:s12] =	ssyncset.done $0x0  }
0x95: {  	s31 =	sor.u32 $0x280, s24;
	[sflag:s12] =	ssyncadd.s32 $0xFFFFC000  }
0x96: {  	[tilespmem:s16], [sflag:$0x2] =	stream.indirect.gather [hbm4b:s4+s14], $0x80, s31, s14, $0xb8;
	[tilespmem:$0x1CC00] =	vst v63  }
0x97: {  	_ =	swait.ge [sflag:s17], $0x4000  }
0x98: {  	[sflag:s17] =	ssyncset.done $0x0  }
0x99: {  	s26 =	sor.u32 $0xA00, s24;
	[sflag:s17] =	ssyncadd.s32 $0xFFFFC000  }
0x9a: {  	[spmem:s2] =	stream.indirect.scatter.add.f32 [tilespmem:s15], [sflag:$0x5], $0x80, s26, s14, $0xb8;
	[tilespmem:$0x1CC00] =	vst v63  }
0x9b: {  	_ =	swait.ge [sflag:s12], $0x4000  }
0x9c: {  	[sflag:s12] =	ssyncset.done $0x0  }
0x9d: {  	s28 =	sor.u32 $0x300, s24;
	[sflag:s12] =	ssyncadd.s32 $0xFFFFC000  }
0x9e: {  	[tilespmem:s15], [sflag:$0x1] =	stream.indirect.gather [hbm4b:s4+s14], $0x80, s28, s14, $0xb8;
	[tilespmem:$0x1CC00] =	vst v63  }
0x9f: {  	_ =	swait.ge [sflag:s18], $0x4000  }
0xa0: {  	[sflag:s18] =	ssyncset.done $0x0  }
0xa1: {  	s29 =	sor.u32 $0xA80, s24;
	[sflag:s18] =	ssyncadd.s32 $0xFFFFC000  }
0xa2: {  	[spmem:s2] =	stream.indirect.scatter.add.f32 [tilespmem:s16], [sflag:$0x5], $0x80, s29, s14, $0xb8;
	[tilespmem:$0x1CC00] =	vst v63  }
0xa3: {  	_ =	swait.ge [sflag:s12], $0x4000  }
0xa4: {  	[sflag:s12] =	ssyncset.done $0x0  }
0xa5: {  	s30 =	sor.u32 $0x380, s24;
	[sflag:s12] =	ssyncadd.s32 $0xFFFFC000  }
0xa6: {  	[tilespmem:s16], [sflag:$0x2] =	stream.indirect.gather [hbm4b:s4+s14], $0x80, s30, s14, $0xb8;
	[tilespmem:$0x1CC00] =	vst v63  }
0xa7: {  	_ =	swait.ge [sflag:s17], $0x4000  }
0xa8: {  	[sflag:s17] =	ssyncset.done $0x0  }
0xa9: {  	s24 =	sor.u32 $0xB00, s24;
	[sflag:s17] =	ssyncadd.s32 $0xFFFFC000  }
0xaa: {  	[spmem:s2] =	stream.indirect.scatter.add.f32 [tilespmem:s15], [sflag:$0x5], $0x80, s24, s14, $0xb8;
	[tilespmem:$0x1CC00] =	vst v63  }
0xab: {  	_ =	swait.ge [sflag:s12], $0x4000  }
0xac: {  	[sflag:s12] =	ssyncset.done $0x0  }
0xad: {  	s24 =	simm.s32 @!p0 $0x3;
	[sflag:s12] =	ssyncadd.s32 $0xFFFFC000  }
0xae: {  	_ =	swait.ge @!p0 [sflag:s24], $0x400  }
0xaf: {  	[sflag:s24] =	ssyncset.done @!p0 $0x0  }
0xb0: {  	[sflag:s24] =	ssyncadd.s32 @!p0 $0xFFFFFC00;
	s24 =	simm.s32 @!p0 $0x4  }
0xb1: {  	_ =	swait.ge @!p0 [sflag:s24], $0x400  }
0xb2: {  	s20 =	sadd.s32 $0x80, s20;
	[sflag:s24] =	ssyncset.done @!p0 $0x0  }
0xb3: {  	s26 =	simm.s32 @!p0 $0x1000;
	[sflag:s24] =	ssyncadd.s32 @!p0 $0xFFFFFC00;
	s24 =	simm.s32 @!p0 $0x80  }
0xb4: {  	[tilespmem:s26], [sflag:$0x1] =	stream.indirect.gather @!p0 [hbm4b:s4+s24], $0x80, s23, s24, $0xb8;
	[tilespmem:$0x1CC00] =	vst v63  }
0xb5: {  	p1 =	sne.s32 s20, $0x500;
	_ =	swait.ge [sflag:s18], $0x4000  }
.Ltmp0:
0xb6: {  	[sflag:s18] =	ssyncset.done $0x0;
	(pc) =	sbr.rel @p1 .LBB2_2-.Ltmp0, $4  }
0xb7: {  	s31 =	sor.u32 $0x800, s30;
	[sflag:s18] =	ssyncadd.s32 $0xFFFFC000  }
0xb8: {  	[spmem:s2] =	stream.indirect.scatter.add.f32 [tilespmem:s16], [sflag:$0x5], $0x80, s31, s14, $0xb8;
	[tilespmem:$0x1CC00] =	vst v63  }
0xb9: {  	_ =	swait.ge [sflag:s12], $0x4000  }
0xba: {  	[sflag:s12] =	ssyncset.done $0x0  }
0xbb: {  	s19 =	sadd.s32 $0x1, s19  }
0xbc: {  	[sflag:s12] =	ssyncadd.s32 $0xFFFFC000;
	p0 =	sne.s32 s19, s10  }
.Ltmp1:
0xbd: {  	[bflag:$0x0] =	sbarrier.arrive $0xFFFF;
	(pc) =	sbr.rel @p0 .LBB2_1-.Ltmp1, $4  }
0xbe: {  	[hbm:s9], [sflag:s6] =	dma.local [spmem:s11], $0x2780  }
0xbf: {  	_ =	swait.ge [sflag:s12], $0x2780  }
0xc0: {  	[sflag:s12] =	ssyncset.done $0x0  }
0xc1: {  	[sflag:s12] =	ssyncadd.s32 $0xFFFFD880  }
0xc2: {  	_ =	sfence.sel $0x180000  }
0xc3: {  	[bflag:$0x0] =	sbarrier.arrive $0xFFFF  }
0xc4: {  	p0 =	sne.s32 s1, $0x0;
	_ =	strace $0x9000004A  }
0xc5: {  	s0 =	sadd.s32 @!p0 $0x100000, s0;
	[bflag:$0x2] =	sbarrier.arrive $0xFFFF  }
0xc6: {  	[sflag:s0] =	ssyncadd.tile.s32 @!p0 $0x1;
	_ =	shalt  }
.Lfunc_end2:
_tile_overlayer_lowered:
.L_overlay_start_2:
0xc7: {  	(tag) =	ssettag $0x2  }
0xc8: {  	s0 =	rddreg [dreg:$0x0];
	s2 =	stileid.u32  }
0xc9: {  	s1 =	rddreg [dreg:$0x1];
	p0 =	sne.s32 s2, $0x0  }
0xca: {  	s3 =	rddreg [dreg:$0x2];
	[bflag:$0x3] =	sbarrier.arrive $0xFFFF;
	s2 =	simm.s32 @!p0 $0x1C05  }
0xcb: {  	[timem:s3], [sflag:s2] =	dma.local @!p0 [hbm:s0], s1  }
0xcc: {  	s0 =	simm.s32 @!p0 $0x5  }
0xcd: {  	_ =	swait.ge @!p0 [sflag:s0], s1  }
0xce: {  	s1 =	ssub.s32 @!p0 $0x0, s1;
	[sflag:s0] =	ssyncset.done @!p0 $0x0  }
0xcf: {  	[sflag:s0] =	ssyncadd.s32 @!p0 s1  }
0xd0: {  	[bflag:$0x3] =	sbarrier.arrive $0xFFFF  }
0xd1: {  	_ =	shalt  }

// kernel: kernel.16.cloned.1.call-start
scs
__scs_entry_jumppad:
0x0: {  	(pc) =	sbr.rel $0x88, $3  }
0x1: {  	(tag) =	ssettag $0x0;
	lr =	simm.s32 $0x1  }
0x2: {  	[smem:$0x3F99] =	sst lr;
	_ =	strace $0xD0000000  }
0x3: {  	_ = 	snop  }
0x4: {  	_ = 	snop  }
0x5: {  	_ = 	snop  }
0x6: {  	_ = 	snop  }
0x7: {  	_ = 	snop  }
__scs_overlays_trampoline_lowered:
0x8: {  	[smem:$0x3FA8] =	sst s0  }
0x9: {  	[smem:$0x3FA9] =	sst s1  }
0xa: {  	[smem:$0x3FAA] =	sst s2  }
0xb: {  	[smem:$0x3FAB] =	sst s3  }
0xc: {  	[smem:$0x3FAC] =	sst s4  }
0xd: {  	[smem:$0x3FAD] =	sst s5  }
0xe: {  	[smem:$0x3FAE] =	sst s6  }
0xf: {  	[smem:$0x3FAF] =	sst s7  }
0x10: {  	[smem:$0x3FB0] =	sst s8  }
0x11: {  	[smem:$0x3FB1] =	sst s9;
	s0 =	simm.s32 @!p0 $0x0  }
0x12: {  	s1 =	sld [smem:$0x3F97];
	s0 =	simm.s32 @p0 $0x1  }
0x13: {  	[smem:$0x3FB2] =	sst s0;
	s0 =	simm.s32 @!p1 $0x0  }
0x14: {  	s2 =	sld [smem:$0x3F96];
	s0 =	simm.s32 @p1 $0x1  }
0x15: {  	[smem:$0x3FB3] =	sst s0;
	s0 =	simm.s32 @!p2 $0x0  }
0x16: {  	s3 =	sld [smem:$0x3FDB];
	s0 =	simm.s32 @p2 $0x1  }
0x17: {  	s4 =	simm.s32 $0x1BF5;
	[smem:$0x3FB5] =	sst s0  }
0x18: {  	s0 =	sld [smem:$0x3F98];
	_ =	swait.ge [sflag:s4], $0x0  }
0x19: {  	s7 =	sld [smem:$0x3F99]  }
0x1a: {  	s8 =	sadd.s32 $0xFFFFE003, lr  }
0x1b: {  	s9 =	sadd.s32 $0xFFFFFEF7, lr;
	s5 =	simm.s32 $0xFFFFFFFF;
	p2 =	slt.u32 s8, $0xFFFFF086  }
0x1c: {  	p1 =	slt.u32 s9, $0xF7A;
	s5 =	simm.s32 @!p2 $0x0  }
0x1d: {  	s5 =	simm.s32 @p1 $0x1;
	p0 =	seq.s32 s7, s2  }
0x1e: {  	s7 =	smul.u32 @!p0 $0xF7A, s2;
	p2 =	seq.s32 @!p0 s5, $0x0  }
0x1f: {  	s9 =	smul.u32 $0xF7A, s1;
	s8 =	simm.s32 @!p0 $0x1BF5;
	p2 =	por !p2, p0  }
0x20: {  	[sflag:s8] =	ssyncset.s32 @!p0 $0xFFFFF086;
	s6 =	sadd.s32 @!p0 s3, s7;
	s7 =	simm.s32 @!p0 $0x108  }
0x21: {  	s3 =	sadd.s32 s3, s9;
	s6 =	sadd.s32 @!p0 $0x88, s6;
	s7 =	simm.s32 @p2 $0x1082  }
0x22: {  	[simem:s7], [sflag:s8] =	dma.local @!p0 [hbm:s6], $0xF7A  }
0x23: {  	s9 =	sor.u32 $0xD0000000, s2;
	s6 =	simm.s32 $0x108;
	_ =	swait.ge @!p0 [sflag:s8], $0x0  }
0x24: {  	s3 =	sadd.s32 $0x88, s3;
	s6 =	simm.s32 @!p1 $0x1082;
	[sflag:s4] =	ssyncset.s32 $0xFFFFF086  }
0x25: {  	[simem:s6], [sflag:s4] =	dma.local [hbm:s3], $0xF7A  }
0x26: {  	[smem:$0x3F99] =	sst s1;
	(tag) =	ssettag s2;
	_ =	strace s9  }
0x27: {  	s1 =	sld [smem:$0x3FA9]  }
0x28: {  	s2 =	sld [smem:$0x3FAA]  }
0x29: {  	s4 =	sld [smem:$0x3FAC]  }
0x2a: {  	p0 =	seq.s32 s5, $0x0;
	s5 =	sld [smem:$0x3FAD]  }
0x2b: {  	s6 =	sld [smem:$0x3FAE]  }
0x2c: {  	s7 =	sld [smem:$0x3FAF]  }
0x2d: {  	s3 =	simm.s32 $0x108;
	s8 =	sld [smem:$0x3FB0]  }
0x2e: {  	s3 =	simm.s32 @!p0 $0x1082;
	s9 =	sld [smem:$0x3FB1]  }
0x2f: {  	lr =	sadd.s32 s0, s3;
	s0 =	sld [smem:$0x3FA8]  }
0x30: {  	s3 =	sld [smem:$0x3FAB]  }
0x31: {  	[smem:$0x3FB4] =	sst s10  }
0x32: {  	s10 =	sld [smem:$0x3FB2];
	_ =	sdelay $0x3  }
0x33: {  	p0 =	seq.s32 s10, $0x1;
	s10 =	sld [smem:$0x3FB4];
	_ =	sdelay $0x3  }
0x34: {  	[smem:$0x3FB4] =	sst s10  }
0x35: {  	s10 =	sld [smem:$0x3FB3];
	_ =	sdelay $0x3  }
0x36: {  	p1 =	seq.s32 s10, $0x1;
	s10 =	sld [smem:$0x3FB4];
	_ =	sdelay $0x3  }
0x37: {  	[smem:$0x3FB4] =	sst s10  }
0x38: {  	s10 =	sld [smem:$0x3FB5]  }
0x39: {  	_ = 	snop;
	(pc) =	sbr.ind lr, $3  }
0x3a: {  	_ = 	snop  }
0x3b: {  	_ = 	snop  }
0x3c: {  	p2 =	seq.s32 s10, $0x1;
	s10 =	sld [smem:$0x3FB4]  }
0x3d: {  	_ =	shalt  }
0x3e: {  	_ =	shalt  }
0x3f: {  	_ =	shalt  }
0x40: {  	_ =	shalt  }
0x41: {  	_ =	shalt  }
0x42: {  	_ =	shalt  }
0x43: {  	_ =	shalt  }
0x44: {  	_ =	shalt  }
0x45: {  	_ =	shalt  }
0x46: {  	_ =	shalt  }
0x47: {  	_ =	shalt  }
0x48: {  	_ =	shalt  }
0x49: {  	_ =	shalt  }
0x4a: {  	_ =	shalt  }
0x4b: {  	_ =	shalt  }
0x4c: {  	_ =	shalt  }
0x4d: {  	_ =	shalt  }
0x4e: {  	_ =	shalt  }
0x4f: {  	_ =	shalt  }
0x50: {  	_ =	shalt  }
0x51: {  	_ =	shalt  }
0x52: {  	_ =	shalt  }
0x53: {  	_ =	shalt  }
0x54: {  	_ =	shalt  }
0x55: {  	_ =	shalt  }
0x56: {  	_ =	shalt  }
0x57: {  	_ =	shalt  }
0x58: {  	_ =	shalt  }
0x59: {  	_ =	shalt  }
0x5a: {  	_ =	shalt  }
0x5b: {  	_ =	shalt  }
0x5c: {  	_ =	shalt  }
0x5d: {  	_ =	shalt  }
0x5e: {  	_ =	shalt  }
0x5f: {  	_ =	shalt  }
0x60: {  	_ =	shalt  }
0x61: {  	_ =	shalt  }
0x62: {  	_ =	shalt  }
0x63: {  	_ =	shalt  }
0x64: {  	_ =	shalt  }
0x65: {  	_ =	shalt  }
0x66: {  	_ =	shalt  }
0x67: {  	_ =	shalt  }
0x68: {  	_ =	shalt  }
0x69: {  	_ =	shalt  }
0x6a: {  	_ =	shalt  }
0x6b: {  	_ =	shalt  }
0x6c: {  	_ =	shalt  }
0x6d: {  	_ =	shalt  }
0x6e: {  	_ =	shalt  }
0x6f: {  	_ =	shalt  }
0x70: {  	_ =	shalt  }
0x71: {  	_ =	shalt  }
0x72: {  	_ =	shalt  }
0x73: {  	_ =	shalt  }
0x74: {  	_ =	shalt  }
0x75: {  	_ =	shalt  }
0x76: {  	_ =	shalt  }
0x77: {  	_ =	shalt  }
0x78: {  	_ =	shalt  }
0x79: {  	_ =	shalt  }
0x7a: {  	_ =	shalt  }
0x7b: {  	_ =	shalt  }
0x7c: {  	_ =	shalt  }
0x7d: {  	_ =	shalt  }
0x7e: {  	_ =	shalt  }
0x7f: {  	_ =	shalt  }
0x80: {  	_ =	shalt  }
0x81: {  	_ =	shalt  }
0x82: {  	_ =	shalt  }
0x83: {  	_ =	shalt  }
0x84: {  	_ =	shalt  }
0x85: {  	_ =	shalt  }
0x86: {  	_ =	shalt  }
0x87: {  	_ =	shalt  }
.Lfunc_end0:
.L_simem_size_0:
called_computation.2_lowered:
.L_overlay_start_0:
0x88: {  	s2 =	sld [smem:$0x3FD9]  }
0x89: {  	s3 =	sld [smem:$0x3FFE];
	_ =	sdelay $0x1  }
0x8a: {  	s1 =	srdreg.scid  }
0x8b: {  	s0 =	sand.u32 $0x1, s1  }
0x8c: {  	s17 =	sshll.u32 s0, $0xA;
	s2 =	sadd.s32 s3, s2  }
0x8d: {  	s2 =	sadd.s32 s2, s17  }
0x8e: {  	[smem:$0x3FC0] =	sst s2  }
0x8f: {  	_ = 	snop  }
0x90: {  	s2 =	sld [smem:$0x3FD0];
	(tm) =	ssettm $0x1  }
0x91: {  	s18 =	sld [smem:$0x3FFB];
	_ =	sdelay $0x3  }
0x92: {  	_ =	strace s18  }
0x93: {  	s3 =	sld [smem:$0x3FFC];
	_ =	sdelay $0x3  }
0x94: {  	_ =	strace s3  }
0x95: {  	s3 =	sld [smem:$0x3FFD];
	_ =	sdelay $0x3  }
0x96: {  	_ =	strace s3  }
0x97: {  	_ =	strace $0x8FFFFFFF  }
0x98: {  	s19 =	sld [smem:$0x3FDB];
	_ =	sdelay $0x1  }
0x99: {  	s4 =	simm.s32 $_scs_section_size  }
0x9a: {  	s5 =	simm.s32 $_size__tile_overlayer_lowered;
	s6 =	simm.s32 $_tile_overlayer_lowered  }
0x9b: {  	s22 =	simm.s32 $0x1BFF;
	s21 =	sshll.u32 s6, $0x1;
	s3 =	sadd.s32 s4, s19  }
0x9c: {  	s7 =	simm.s32 $0x0;
	s20 =	sshll.u32 s5, $0x1;
	s5 =	sadd.s32 s21, s3  }
0x9d: {  	[timem:s7], [sflag:s22] =	dma.local [hbm:s5], s20  }
0x9e: {  	_ =	swait.ge [sflag:s22], s20  }
0x9f: {  	s4 =	ssub.s32 $0x0, s20;
	[sflag:s22] =	ssyncset.done $0x0  }
0xa0: {  	[sflag:s22] =	ssyncadd.s32 s4;
	_ =	sdelay $0x1  }
0xa1: {  	s23 =	simm.s32 $0x1B8B  }
0xa2: {  	_ =	swait.ge [sflag:s23], $0x1  }
0xa3: {  	[sflag:s23] =	ssyncset.done $0x0  }
0xa4: {  	s25 =	simm.s32 $0x1B8E;
	s24 =	sld [smem:$0x3FFE];
	[sflag:s23] =	ssyncadd.s32 $0xFFFFFFFF  }
0xa5: {  	s26 =	simm.s32 $execute0_lowered;
	[smem:$0x3FD2] =	sst s25  }
0xa6: {  	s5 =	sshll.u32 s26, $0x1;
	_ =	strace $0x8000004C;
	[dreg:$0x1] =	wrdreg $0xFFFFFFFF  }
0xa7: {  	s28 =	simm.s32 $_size_execute0_lowered;
	s3 =	sadd.s32 s3, s5;
	[dreg:$0x0] =	wrdreg $0x0  }
0xa8: {  	s5 =	sshll.u32 s28, $0x1;
	[dreg:$0x2] =	wrdreg s3  }
0xa9: {  	[dreg:$0x3] =	wrdreg s5  }
0xaa: {  	[dreg:$0x4] =	wrdreg $0xC0  }
0xab: {  	_ =	task [dreg:s7], $0x5FFFF  }
0xac: {  	[dreg:$0x1] =	wrdreg $0xFFFFFFFF  }
0xad: {  	[dreg:$0x0] =	wrdreg $0x60  }
0xae: {  	[dreg:$0x2] =	wrdreg s24  }
0xaf: {  	[dreg:$0x3] =	wrdreg s2  }
0xb0: {  	[dreg:$0x4] =	wrdreg $0x90000  }
0xb1: {  	[dreg:$0x5] =	wrdreg $0x9  }
0xb2: {  	_ =	task.clear_ibuf [dreg:s7], $0x6FFFF;
	_ =	strace $0x9000004C  }
0xb3: {  	s29 =	simm.s32 $0x9;
	_ =	strace $0x8000004E  }
0xb4: {  	_ =	swait.ge [sflag:s29], $0x1  }
0xb5: {  	[sflag:s29] =	ssyncadd.s32 $0xFFFFFFFF  }
0xb6: {  	_ =	strace $0x9000004E  }
0xb7: {  	_ =	sfence  }
0xb8: {  	s30 =	sld [smem:$0x0];
	_ =	sdelay $0x2  }
0xb9: {  	s31 =	sshll.u32 s1, $0xD;
	s1 =	sshrl.u32 s1, $0x2  }
0xba: {  	s3 =	sand.u32 $0x4000, s31;
	s1 =	sadd.s32 s1, s30  }
0xbb: {  	s0 =	sor.u32 s3, s0;
	s1 =	sshll.u32 s1, $0x11  }
0xbc: {  	s0 =	sor.u32 s1, s0  }
0xbd: {  	s0 =	sadd.s32 $0x8F2B, s0  }
0xbe: {  	[sflag:s0] =	ssyncadd.remote.s32 $0x1  }
0xbf: {  	_ =	sfence.sel $0xFFFF  }
0xc0: {  	[dreg:$0x0] =	wrdreg $0xFFFFFFFF;
	(pc) =	sbr.abs _section_cstart, $3  }
0xc1: {  	[dreg:$0x1] =	wrdreg $0xFFFFFFFF  }
0xc2: {  	_ =	task.clear_ibuf [dreg:s7], $0x2FFFF;
	_ =	strace $0x9FFFFFFF  }
0xc3: {  	(tm) =	ssettm $0x7FFFFFFF  }
tec
execute0_lowered:
.L_overlay_start_1:
0x0: {  	(tag) =	ssettag $0x1  }
0x1: {  	s6 =	rddreg [dreg:$0x0]  }
0x2: {  	s13 =	rddreg [dreg:$0x1]  }
0x3: {  	s2 =	rddreg [dreg:$0x2];
	s3 =	simm.s32 $0x0;
	s0 =	stileid.u32  }
0x4: {  	s5 =	srdreg.scid;
	s18 =	simm.s32 $0x80;
	s19 =	simm.s32 $0x1000  }
0x5: {  	s20 =	simm.s32 $0x5000;
	s21 =	simm.s32 $0x1;
	s22 =	simm.s32 $0x2  }
0x6: {  	s23 =	simm.s32 $0x0;
	[smem:$0x7FF] =	sst s3;
	s7 =	smul.u32 $0x13C00, s0  }
0x7: {  	s4 =	sadd.s32 $0x36400, s6;
	s8 =	sand.u32 $0x1, s5;
	s24 =	smul.u32 $0x4F000, s0  }
0x8: {  	s5 =	sadd.s32 $0x5DC00, s6;
	s14 =	sadd.s32 $0x4400, s6;
	s28 =	smul.u32 $0x2800, s0  }
0x9: {  	s29 =	sshll.u32 s0, $0x6;
	_ =	strace $0x8000004D;
	s10 =	smul.u32 $0x13C000, s8  }
0xa: {  	s11 =	sshll.u32 s8, $0x4;
	s12 =	ssub.s32 $0x2, s8;
	s8 =	smul.u32 $0x28000, s8  }
0xb: {  	s9 =	sshrl.u32 s7, $0x3;
	s11 =	sor.u32 s0, s11;
	s25 =	sshrl.u32 s12, $0x1  }
0xc: {  	s26 =	sshrl.u32 s24, $0x2;
	s9 =	sadd.s32 s9, s6;
	s7 =	sadd.s32 s7, s10  }
0xd: {  	s11 =	smul.u32 $0x2800, s11;
	s12 =	ssub.s32 s12, s25;
	s10 =	sadd.s32 s28, s8  }
0xe: {  	s16 =	sadd.s32 s26, s2;
	s7 =	sshrl.u32 s7, $0x3;
	s17 =	sor.u32 $0x400, s10  }
0xf: {  	s12 =	smax.u32 s12, $0x1;
	s15 =	sadd.s32 s7, s6;
	s6 =	sadd.s32 $0xEC00, s9  }
0x10: {  	s7 =	sor.u32 $0x1C05, s29;
	s30 =	sshrl.u32 s11, $0x3;
	s31 =	sshrl.u32 s17, $0x3  }
0x11: {  	s17 =	simm.s32 $0x800;
	s8 =	sadd.s32 s14, s30;
	s9 =	sadd.s32 s13, s30  }
0x12: {  	s10 =	sadd.s32 $0x85400, s15;
	s11 =	sadd.s32 $0xD4400, s15;
	s13 =	sadd.s32 s31, s13  }
0x13: {  	s14 =	sadd.s32 s31, s14;
	s15 =	sshrl.u32 s16, $0x3;
	s16 =	simm.s32 $0x5  }
.LBB2_1:
0x14: {  	[spmem:s15], [sflag:s7] =	dma.local [hbm:s6], $0x2780  }
0x15: {  	_ =	swait.ge [sflag:s16], $0x2780  }
0x16: {  	[sflag:s16] =	ssyncset.done $0x0  }
0x17: {  	[sflag:s16] =	ssyncadd.s32 $0xFFFFD880  }
0x18: {  	[tilespmem:s3], [sflag:$0x5] =	stream.linear.gather [hbm4b:s8+s3], $0x400, $0x38;
	[tilespmem:$0x1CC00] =	vst v63  }
0x19: {  	_ =	swait.ge [sflag:s16], $0x400  }
0x1a: {  	[sflag:s16] =	ssyncset.done $0x0  }
0x1b: {  	[sflag:s16] =	ssyncadd.s32 $0xFFFFFC00  }
0x1c: {  	[tilespmem:s17], [sflag:$0x5] =	stream.linear.gather [hbm4b:s9+s3], $0x400, $0x38;
	[tilespmem:$0x1CC00] =	vst v63  }
0x1d: {  	_ =	swait.ge [sflag:s16], $0x400  }
0x1e: {  	[sflag:s16] =	ssyncset.done $0x0  }
0x1f: {  	[sflag:s16] =	ssyncadd.s32 $0xFFFFFC00  }
0x20: {  	s24 =	sand.u32 $0x1, s21;
	p0 =	por $0x0, $0x0;
	[bflag:$0x0] =	sbarrier.arrive $0xFFFF  }
0x21: {  	[tilespmem:s19], [sflag:$0x1] =	stream.indirect.gather [hbm4b:s4+s18], $0x80, s3, s18, $0xb8;
	[tilespmem:$0x1CC00] =	vst v63  }
0x22: {  	s24 =	sshll.u32 @!p0 s24, $0xA;
	s25 =	sadd.s32 @!p0 $0x0, s14;
	s26 =	simm.s32 @!p0 $0x0  }
0x23: {  	[tilespmem:s24], [sflag:$0x3] =	stream.linear.gather @!p0 [hbm4b:s25+s26], $0x400, $0x38;
	[tilespmem:$0x1CC00] =	vst v63  }
0x24: {  	s29 =	sadd.s32 @!p0 $0x0, s13;
	s28 =	sor.u32 @!p0 $0x800, s24;
	s25 =	sand.u32 $0x400, s3  }
0x25: {  	[tilespmem:s28], [sflag:$0x4] =	stream.linear.gather @!p0 [hbm4b:s29+s26], $0x400, $0x38;
	[tilespmem:$0x1CC00] =	vst v63  }
0x26: {  	s30 =	sor.u32 $0x80, s25  }
0x27: {  	[tilespmem:s20], [sflag:$0x2] =	stream.indirect.gather [hbm4b:s4+s18], $0x80, s30, s18, $0xb8;
	[tilespmem:$0x1CC00] =	vst v63  }
0x28: {  	_ =	swait.ge [sflag:s21], $0x4000  }
0x29: {  	[sflag:s21] =	ssyncset.done $0x0  }
0x2a: {  	s31 =	sor.u32 $0x800, s25;
	[sflag:s21] =	ssyncadd.s32 $0xFFFFC000  }
0x2b: {  	[spmem:s2] =	stream.indirect.scatter.add.f32 [tilespmem:s19], [sflag:$0x5], $0x80, s31, s18, $0xb8;
	[tilespmem:$0x1CC00] =	vst v63  }
0x2c: {  	_ =	swait.ge [sflag:s16], $0x4000  }
0x2d: {  	[sflag:s16] =	ssyncset.done $0x0  }
0x2e: {  	s0 =	sor.u32 $0x100, s25;
	[sflag:s16] =	ssyncadd.s32 $0xFFFFC000  }
0x2f: {  	[tilespmem:s19], [sflag:$0x1] =	stream.indirect.gather [hbm4b:s4+s18], $0x80, s0, s18, $0xb8;
	[tilespmem:$0x1CC00] =	vst v63  }
0x30: {  	_ =	swait.ge [sflag:s22], $0x4000  }
0x31: {  	[sflag:s22] =	ssyncset.done $0x0  }
0x32: {  	s1 =	sor.u32 $0x880, s25;
	[sflag:s22] =	ssyncadd.s32 $0xFFFFC000  }
0x33: {  	[spmem:s2] =	stream.indirect.scatter.add.f32 [tilespmem:s20], [sflag:$0x5], $0x80, s1, s18, $0xb8;
	[tilespmem:$0x1CC00] =	vst v63  }
0x34: {  	_ =	swait.ge [sflag:s16], $0x4000  }
0x35: {  	[sflag:s16] =	ssyncset.done $0x0  }
0x36: {  	s30 =	sor.u32 $0x180, s25;
	[sflag:s16] =	ssyncadd.s32 $0xFFFFC000  }
0x37: {  	[tilespmem:s20], [sflag:$0x2] =	stream.indirect.gather [hbm4b:s4+s18], $0x80, s30, s18, $0xb8;
	[tilespmem:$0x1CC00] =	vst v63  }
0x38: {  	_ =	swait.ge [sflag:s21], $0x4000  }
0x39: {  	[sflag:s21] =	ssyncset.done $0x0  }
0x3a: {  	s31 =	sor.u32 $0x900, s25;
	[sflag:s21] =	ssyncadd.s32 $0xFFFFC000  }
0x3b: {  	[spmem:s2] =	stream.indirect.scatter.add.f32 [tilespmem:s19], [sflag:$0x5], $0x80, s31, s18, $0xb8;
	[tilespmem:$0x1CC00] =	vst v63  }
0x3c: {  	_ =	swait.ge [sflag:s16], $0x4000  }
0x3d: {  	[sflag:s16] =	ssyncset.done $0x0  }
0x3e: {  	s0 =	sor.u32 $0x200, s25;
	[sflag:s16] =	ssyncadd.s32 $0xFFFFC000  }
0x3f: {  	[tilespmem:s19], [sflag:$0x1] =	stream.indirect.gather [hbm4b:s4+s18], $0x80, s0, s18, $0xb8;
	[tilespmem:$0x1CC00] =	vst v63  }
0x40: {  	_ =	swait.ge [sflag:s22], $0x4000  }
0x41: {  	[sflag:s22] =	ssyncset.done $0x0  }
0x42: {  	s1 =	sor.u32 $0x980, s25;
	[sflag:s22] =	ssyncadd.s32 $0xFFFFC000  }
0x43: {  	[spmem:s2] =	stream.indirect.scatter.add.f32 [tilespmem:s20], [sflag:$0x5], $0x80, s1, s18, $0xb8;
	[tilespmem:$0x1CC00] =	vst v63  }
0x44: {  	_ =	swait.ge [sflag:s16], $0x4000  }
0x45: {  	[sflag:s16] =	ssyncset.done $0x0  }
0x46: {  	s30 =	sor.u32 $0x280, s25;
	[sflag:s16] =	ssyncadd.s32 $0xFFFFC000  }
0x47: {  	[tilespmem:s20], [sflag:$0x2] =	stream.indirect.gather [hbm4b:s4+s18], $0x80, s30, s18, $0xb8;
	[tilespmem:$0x1CC00] =	vst v63  }
0x48: {  	_ =	swait.ge [sflag:s21], $0x4000  }
0x49: {  	[sflag:s21] =	ssyncset.done $0x0  }
0x4a: {  	s31 =	sor.u32 $0xA00, s25;
	[sflag:s21] =	ssyncadd.s32 $0xFFFFC000  }
0x4b: {  	[spmem:s2] =	stream.indirect.scatter.add.f32 [tilespmem:s19], [sflag:$0x5], $0x80, s31, s18, $0xb8;
	[tilespmem:$0x1CC00] =	vst v63  }
0x4c: {  	_ =	swait.ge [sflag:s16], $0x4000  }
0x4d: {  	[sflag:s16] =	ssyncset.done $0x0  }
0x4e: {  	s0 =	sor.u32 $0x300, s25;
	[sflag:s16] =	ssyncadd.s32 $0xFFFFC000  }
0x4f: {  	[tilespmem:s19], [sflag:$0x1] =	stream.indirect.gather [hbm4b:s4+s18], $0x80, s0, s18, $0xb8;
	[tilespmem:$0x1CC00] =	vst v63  }
0x50: {  	_ =	swait.ge [sflag:s22], $0x4000  }
0x51: {  	[sflag:s22] =	ssyncset.done $0x0  }
0x52: {  	s1 =	sor.u32 $0xA80, s25;
	[sflag:s22] =	ssyncadd.s32 $0xFFFFC000  }
0x53: {  	[spmem:s2] =	stream.indirect.scatter.add.f32 [tilespmem:s20], [sflag:$0x5], $0x80, s1, s18, $0xb8;
	[tilespmem:$0x1CC00] =	vst v63  }
0x54: {  	_ =	swait.ge [sflag:s16], $0x4000  }
0x55: {  	[sflag:s16] =	ssyncset.done $0x0  }
0x56: {  	s30 =	sor.u32 $0x380, s25;
	[sflag:s16] =	ssyncadd.s32 $0xFFFFC000  }
0x57: {  	[tilespmem:s20], [sflag:$0x2] =	stream.indirect.gather [hbm4b:s4+s18], $0x80, s30, s18, $0xb8;
	[tilespmem:$0x1CC00] =	vst v63  }
0x58: {  	_ =	swait.ge [sflag:s21], $0x4000  }
0x59: {  	[sflag:s21] =	ssyncset.done $0x0  }
0x5a: {  	s25 =	sor.u32 $0xB00, s25;
	[sflag:s21] =	ssyncadd.s32 $0xFFFFC000  }
0x5b: {  	[spmem:s2] =	stream.indirect.scatter.add.f32 [tilespmem:s19], [sflag:$0x5], $0x80, s25, s18, $0xb8;
	[tilespmem:$0x1CC00] =	vst v63  }
0x5c: {  	_ =	swait.ge [sflag:s16], $0x4000  }
0x5d: {  	[sflag:s16] =	ssyncset.done $0x0  }
0x5e: {  	s25 =	simm.s32 @!p0 $0x3;
	[sflag:s16] =	ssyncadd.s32 $0xFFFFC000  }
0x5f: {  	_ =	swait.ge @!p0 [sflag:s25], $0x400  }
0x60: {  	[sflag:s25] =	ssyncset.done @!p0 $0x0  }
0x61: {  	s28 =	simm.s32 @!p0 $0x4;
	[sflag:s25] =	ssyncadd.s32 @!p0 $0xFFFFFC00  }
0x62: {  	_ =	swait.ge @!p0 [sflag:s28], $0x400  }
0x63: {  	[sflag:s28] =	ssyncset.done @!p0 $0x0  }
0x64: {  	s29 =	simm.s32 @!p0 $0x1000;
	s25 =	simm.s32 @!p0 $0x80;
	[sflag:s28] =	ssyncadd.s32 @!p0 $0xFFFFFC00  }
0x65: {  	[tilespmem:s29], [sflag:$0x1] =	stream.indirect.gather @!p0 [hbm4b:s4+s25], $0x80, s24, s25, $0xb8;
	[tilespmem:$0x1CC00] =	vst v63  }
0x66: {  	s26 =	simm.s32 $0x100;
	_ =	swait.ge [sflag:s22], $0x4000  }
0x67: {  	s31 =	sor.u32 $0x800, s30;
	s28 =	simm.s32 $0x2;
	[sflag:s22] =	ssyncset.done $0x0  }
0x68: {  	s25 =	simm.s32 $0x80;
	s24 =	simm.s32 $0x400;
	[sflag:s22] =	ssyncadd.s32 $0xFFFFC000  }
0x69: {  	[spmem:s2] =	stream.indirect.scatter.add.f32 [tilespmem:s20], [sflag:$0x5], $0x80, s31, s18, $0xb8;
	[tilespmem:$0x1CC00] =	vst v63  }
0x6a: {  	s29 =	sand.u32 $0x1, s28;
	p0 =	por $0x0, $0x0;
	_ =	swait.ge [sflag:s16], $0x4000  }
.LBB2_2:
0x6b: {  	s29 =	sshll.u32 @!p0 s29, $0xA  }
0x6c: {  	s30 =	sadd.s32 @!p0 s25, s14;
	[sflag:s16] =	ssyncset.done $0x0;
	s31 =	smov.u32 s26  }
0x6d: {  	s0 =	simm.s32 @!p0 $0x0;
	s1 =	sor.u32 @!p0 $0x800, s29;
	[sflag:s16] =	ssyncadd.s32 $0xFFFFC000  }
0x6e: {  	[tilespmem:s29], [sflag:$0x3] =	stream.linear.gather @!p0 [hbm4b:s30+s0], $0x400, $0x38;
	[tilespmem:$0x1CC00] =	vst v63  }
0x6f: {  	s26 =	sadd.s32 $0x80, s26;
	s25 =	sadd.s32 @!p0 s25, s13;
	s30 =	sand.u32 $0x400, s24  }
0x70: {  	[tilespmem:s1], [sflag:$0x4] =	stream.linear.gather @!p0 [hbm4b:s25+s0], $0x400, $0x38;
	[tilespmem:$0x1CC00] =	vst v63  }
0x71: {  	p1 =	sne.s32 s26, $0x500;
	s0 =	sor.u32 $0x80, s30;
	s25 =	smov.u32 s31  }
0x72: {  	[tilespmem:s20], [sflag:$0x2] =	stream.indirect.gather [hbm4b:s4+s18], $0x80, s0, s18, $0xb8;
	[tilespmem:$0x1CC00] =	vst v63  }
0x73: {  	_ =	swait.ge [sflag:s21], $0x4000  }
0x74: {  	s0 =	sor.u32 $0x800, s30;
	[sflag:s21] =	ssyncset.done $0x0  }
0x75: {  	[sflag:s21] =	ssyncadd.s32 $0xFFFFC000  }
0x76: {  	[spmem:s2] =	stream.indirect.scatter.add.f32 [tilespmem:s19], [sflag:$0x5], $0x80, s0, s18, $0xb8;
	[tilespmem:$0x1CC00] =	vst v63  }
0x77: {  	_ =	swait.ge [sflag:s16], $0x4000  }
0x78: {  	s0 =	sor.u32 $0x100, s30;
	[sflag:s16] =	ssyncset.done $0x0  }
0x79: {  	[sflag:s16] =	ssyncadd.s32 $0xFFFFC000  }
0x7a: {  	[tilespmem:s19], [sflag:$0x1] =	stream.indirect.gather [hbm4b:s4+s18], $0x80, s0, s18, $0xb8;
	[tilespmem:$0x1CC00] =	vst v63  }
0x7b: {  	_ =	swait.ge [sflag:s22], $0x4000  }
0x7c: {  	s0 =	sor.u32 $0x880, s30;
	[sflag:s22] =	ssyncset.done $0x0  }
0x7d: {  	[sflag:s22] =	ssyncadd.s32 $0xFFFFC000  }
0x7e: {  	[spmem:s2] =	stream.indirect.scatter.add.f32 [tilespmem:s20], [sflag:$0x5], $0x80, s0, s18, $0xb8;
	[tilespmem:$0x1CC00] =	vst v63  }
0x7f: {  	_ =	swait.ge [sflag:s16], $0x4000  }
0x80: {  	s0 =	sor.u32 $0x180, s30;
	[sflag:s16] =	ssyncset.done $0x0  }
0x81: {  	[sflag:s16] =	ssyncadd.s32 $0xFFFFC000  }
0x82: {  	[tilespmem:s20], [sflag:$0x2] =	stream.indirect.gather [hbm4b:s4+s18], $0x80, s0, s18, $0xb8;
	[tilespmem:$0x1CC00] =	vst v63  }
0x83: {  	_ =	swait.ge [sflag:s21], $0x4000  }
0x84: {  	s0 =	sor.u32 $0x900, s30;
	[sflag:s21] =	ssyncset.done $0x0  }
0x85: {  	[sflag:s21] =	ssyncadd.s32 $0xFFFFC000  }
0x86: {  	[spmem:s2] =	stream.indirect.scatter.add.f32 [tilespmem:s19], [sflag:$0x5], $0x80, s0, s18, $0xb8;
	[tilespmem:$0x1CC00] =	vst v63  }
0x87: {  	_ =	swait.ge [sflag:s16], $0x4000  }
0x88: {  	s0 =	sor.u32 $0x200, s30;
	[sflag:s16] =	ssyncset.done $0x0  }
0x89: {  	[sflag:s16] =	ssyncadd.s32 $0xFFFFC000  }
0x8a: {  	[tilespmem:s19], [sflag:$0x1] =	stream.indirect.gather [hbm4b:s4+s18], $0x80, s0, s18, $0xb8;
	[tilespmem:$0x1CC00] =	vst v63  }
0x8b: {  	_ =	swait.ge [sflag:s22], $0x4000  }
0x8c: {  	s0 =	sor.u32 $0x980, s30;
	[sflag:s22] =	ssyncset.done $0x0  }
0x8d: {  	[sflag:s22] =	ssyncadd.s32 $0xFFFFC000  }
0x8e: {  	[spmem:s2] =	stream.indirect.scatter.add.f32 [tilespmem:s20], [sflag:$0x5], $0x80, s0, s18, $0xb8;
	[tilespmem:$0x1CC00] =	vst v63  }
0x8f: {  	_ =	swait.ge [sflag:s16], $0x4000  }
0x90: {  	s0 =	sor.u32 $0x280, s30;
	[sflag:s16] =	ssyncset.done $0x0  }
0x91: {  	[sflag:s16] =	ssyncadd.s32 $0xFFFFC000  }
0x92: {  	[tilespmem:s20], [sflag:$0x2] =	stream.indirect.gather [hbm4b:s4+s18], $0x80, s0, s18, $0xb8;
	[tilespmem:$0x1CC00] =	vst v63  }
0x93: {  	_ =	swait.ge [sflag:s21], $0x4000  }
0x94: {  	s0 =	sor.u32 $0xA00, s30;
	[sflag:s21] =	ssyncset.done $0x0  }
0x95: {  	[sflag:s21] =	ssyncadd.s32 $0xFFFFC000  }
0x96: {  	[spmem:s2] =	stream.indirect.scatter.add.f32 [tilespmem:s19], [sflag:$0x5], $0x80, s0, s18, $0xb8;
	[tilespmem:$0x1CC00] =	vst v63  }
0x97: {  	_ =	swait.ge [sflag:s16], $0x4000  }
0x98: {  	s0 =	sor.u32 $0x300, s30;
	[sflag:s16] =	ssyncset.done $0x0  }
0x99: {  	[sflag:s16] =	ssyncadd.s32 $0xFFFFC000  }
0x9a: {  	[tilespmem:s19], [sflag:$0x1] =	stream.indirect.gather [hbm4b:s4+s18], $0x80, s0, s18, $0xb8;
	[tilespmem:$0x1CC00] =	vst v63  }
0x9b: {  	_ =	swait.ge [sflag:s22], $0x4000  }
0x9c: {  	s0 =	sor.u32 $0xA80, s30;
	[sflag:s22] =	ssyncset.done $0x0  }
0x9d: {  	[sflag:s22] =	ssyncadd.s32 $0xFFFFC000  }
0x9e: {  	[spmem:s2] =	stream.indirect.scatter.add.f32 [tilespmem:s20], [sflag:$0x5], $0x80, s0, s18, $0xb8;
	[tilespmem:$0x1CC00] =	vst v63  }
0x9f: {  	_ =	swait.ge [sflag:s16], $0x4000  }
0xa0: {  	s0 =	sor.u32 $0x380, s30;
	[sflag:s16] =	ssyncset.done $0x0  }
0xa1: {  	[sflag:s16] =	ssyncadd.s32 $0xFFFFC000  }
0xa2: {  	[tilespmem:s20], [sflag:$0x2] =	stream.indirect.gather [hbm4b:s4+s18], $0x80, s0, s18, $0xb8;
	[tilespmem:$0x1CC00] =	vst v63  }
0xa3: {  	_ =	swait.ge [sflag:s21], $0x4000  }
0xa4: {  	s1 =	sor.u32 $0xB00, s30;
	[sflag:s21] =	ssyncset.done $0x0  }
0xa5: {  	[sflag:s21] =	ssyncadd.s32 $0xFFFFC000  }
0xa6: {  	[spmem:s2] =	stream.indirect.scatter.add.f32 [tilespmem:s19], [sflag:$0x5], $0x80, s1, s18, $0xb8;
	[tilespmem:$0x1CC00] =	vst v63  }
0xa7: {  	_ =	swait.ge [sflag:s16], $0x4000  }
0xa8: {  	s1 =	simm.s32 @!p0 $0x3;
	[sflag:s16] =	ssyncset.done $0x0  }
0xa9: {  	[sflag:s16] =	ssyncadd.s32 $0xFFFFC000  }
0xaa: {  	_ =	swait.ge @!p0 [sflag:s1], $0x400  }
0xab: {  	s30 =	simm.s32 @!p0 $0x4;
	[sflag:s1] =	ssyncset.done @!p0 $0x0  }
0xac: {  	[sflag:s1] =	ssyncadd.s32 @!p0 $0xFFFFFC00  }
0xad: {  	_ =	swait.ge @!p0 [sflag:s30], $0x400  }
0xae: {  	s31 =	simm.s32 @!p0 $0x1000;
	s1 =	simm.s32 @!p0 $0x80;
	[sflag:s30] =	ssyncset.done @!p0 $0x0  }
0xaf: {  	[sflag:s30] =	ssyncadd.s32 @!p0 $0xFFFFFC00  }
0xb0: {  	[tilespmem:s31], [sflag:$0x1] =	stream.indirect.gather @!p0 [hbm4b:s4+s1], $0x80, s29, s1, $0xb8;
	[tilespmem:$0x1CC00] =	vst v63  }
.Ltmp0:
0xb1: {  	_ =	swait.ge [sflag:s22], $0x4000;
	(pc) =	sbr.rel @p1 .LBB2_2-.Ltmp0, $4  }
0xb2: {  	s0 =	sor.u32 $0x800, s0;
	[sflag:s22] =	ssyncset.done $0x0  }
0xb3: {  	s28 =	sadd.s32 $0x1, s28;
	s24 =	sadd.s32 $0x400, s24;
	[sflag:s22] =	ssyncadd.s32 $0xFFFFC000  }
0xb4: {  	[spmem:s2] =	stream.indirect.scatter.add.f32 [tilespmem:s20], [sflag:$0x5], $0x80, s0, s18, $0xb8;
	[tilespmem:$0x1CC00] =	vst v63  }
0xb5: {  	s29 =	sand.u32 $0x1, s28;
	p0 =	seq.s32 s25, $0x480;
	_ =	swait.ge [sflag:s16], $0x4000  }
0xb6: {  	s26 =	sshll.u32 @!p0 s29, $0xA;
	[sflag:s16] =	ssyncset.done $0x0  }
0xb7: {  	s0 =	sadd.s32 @!p0 s25, s14;
	s1 =	simm.s32 @!p0 $0x0;
	[sflag:s16] =	ssyncadd.s32 $0xFFFFC000  }
0xb8: {  	[tilespmem:s26], [sflag:$0x3] =	stream.linear.gather @!p0 [hbm4b:s0+s1], $0x400, $0x38;
	[tilespmem:$0x1CC00] =	vst v63  }
0xb9: {  	s25 =	sadd.s32 @!p0 s25, s13;
	s24 =	sand.u32 $0x400, s24;
	s0 =	sor.u32 @!p0 $0x800, s26  }
0xba: {  	[tilespmem:s0], [sflag:$0x4] =	stream.linear.gather @!p0 [hbm4b:s25+s1], $0x400, $0x38;
	[tilespmem:$0x1CC00] =	vst v63  }
0xbb: {  	s31 =	sor.u32 $0x80, s24  }
0xbc: {  	[tilespmem:s20], [sflag:$0x2] =	stream.indirect.gather [hbm4b:s4+s18], $0x80, s31, s18, $0xb8;
	[tilespmem:$0x1CC00] =	vst v63  }
0xbd: {  	_ =	swait.ge [sflag:s21], $0x4000  }
0xbe: {  	[sflag:s21] =	ssyncset.done $0x0  }
0xbf: {  	s1 =	sor.u32 $0x800, s24;
	[sflag:s21] =	ssyncadd.s32 $0xFFFFC000  }
0xc0: {  	[spmem:s2] =	stream.indirect.scatter.add.f32 [tilespmem:s19], [sflag:$0x5], $0x80, s1, s18, $0xb8;
	[tilespmem:$0x1CC00] =	vst v63  }
0xc1: {  	_ =	swait.ge [sflag:s16], $0x4000  }
0xc2: {  	[sflag:s16] =	ssyncset.done $0x0  }
0xc3: {  	s25 =	sor.u32 $0x100, s24;
	[sflag:s16] =	ssyncadd.s32 $0xFFFFC000  }
0xc4: {  	[tilespmem:s19], [sflag:$0x1] =	stream.indirect.gather [hbm4b:s4+s18], $0x80, s25, s18, $0xb8;
	[tilespmem:$0x1CC00] =	vst v63  }
0xc5: {  	_ =	swait.ge [sflag:s22], $0x4000  }
0xc6: {  	[sflag:s22] =	ssyncset.done $0x0  }
0xc7: {  	s30 =	sor.u32 $0x880, s24;
	[sflag:s22] =	ssyncadd.s32 $0xFFFFC000  }
0xc8: {  	[spmem:s2] =	stream.indirect.scatter.add.f32 [tilespmem:s20], [sflag:$0x5], $0x80, s30, s18, $0xb8;
	[tilespmem:$0x1CC00] =	vst v63  }
0xc9: {  	_ =	swait.ge [sflag:s16], $0x4000  }
0xca: {  	[sflag:s16] =	ssyncset.done $0x0  }
0xcb: {  	s31 =	sor.u32 $0x180, s24;
	[sflag:s16] =	ssyncadd.s32 $0xFFFFC000  }
0xcc: {  	[tilespmem:s20], [sflag:$0x2] =	stream.indirect.gather [hbm4b:s4+s18], $0x80, s31, s18, $0xb8;
	[tilespmem:$0x1CC00] =	vst v63  }
0xcd: {  	_ =	swait.ge [sflag:s21], $0x4000  }
0xce: {  	[sflag:s21] =	ssyncset.done $0x0  }
0xcf: {  	s1 =	sor.u32 $0x900, s24;
	[sflag:s21] =	ssyncadd.s32 $0xFFFFC000  }
0xd0: {  	[spmem:s2] =	stream.indirect.scatter.add.f32 [tilespmem:s19], [sflag:$0x5], $0x80, s1, s18, $0xb8;
	[tilespmem:$0x1CC00] =	vst v63  }
0xd1: {  	_ =	swait.ge [sflag:s16], $0x4000  }
0xd2: {  	[sflag:s16] =	ssyncset.done $0x0  }
0xd3: {  	s25 =	sor.u32 $0x200, s24;
	[sflag:s16] =	ssyncadd.s32 $0xFFFFC000  }
0xd4: {  	[tilespmem:s19], [sflag:$0x1] =	stream.indirect.gather [hbm4b:s4+s18], $0x80, s25, s18, $0xb8;
	[tilespmem:$0x1CC00] =	vst v63  }
0xd5: {  	_ =	swait.ge [sflag:s22], $0x4000  }
0xd6: {  	[sflag:s22] =	ssyncset.done $0x0  }
0xd7: {  	s30 =	sor.u32 $0x980, s24;
	[sflag:s22] =	ssyncadd.s32 $0xFFFFC000  }
0xd8: {  	[spmem:s2] =	stream.indirect.scatter.add.f32 [tilespmem:s20], [sflag:$0x5], $0x80, s30, s18, $0xb8;
	[tilespmem:$0x1CC00] =	vst v63  }
0xd9: {  	_ =	swait.ge [sflag:s16], $0x4000  }
0xda: {  	[sflag:s16] =	ssyncset.done $0x0  }
0xdb: {  	s31 =	sor.u32 $0x280, s24;
	[sflag:s16] =	ssyncadd.s32 $0xFFFFC000  }
0xdc: {  	[tilespmem:s20], [sflag:$0x2] =	stream.indirect.gather [hbm4b:s4+s18], $0x80, s31, s18, $0xb8;
	[tilespmem:$0x1CC00] =	vst v63  }
0xdd: {  	_ =	swait.ge [sflag:s21], $0x4000  }
0xde: {  	[sflag:s21] =	ssyncset.done $0x0  }
0xdf: {  	s1 =	sor.u32 $0xA00, s24;
	[sflag:s21] =	ssyncadd.s32 $0xFFFFC000  }
0xe0: {  	[spmem:s2] =	stream.indirect.scatter.add.f32 [tilespmem:s19], [sflag:$0x5], $0x80, s1, s18, $0xb8;
	[tilespmem:$0x1CC00] =	vst v63  }
0xe1: {  	_ =	swait.ge [sflag:s16], $0x4000  }
0xe2: {  	[sflag:s16] =	ssyncset.done $0x0  }
0xe3: {  	s25 =	sor.u32 $0x300, s24;
	[sflag:s16] =	ssyncadd.s32 $0xFFFFC000  }
0xe4: {  	[tilespmem:s19], [sflag:$0x1] =	stream.indirect.gather [hbm4b:s4+s18], $0x80, s25, s18, $0xb8;
	[tilespmem:$0x1CC00] =	vst v63  }
0xe5: {  	_ =	swait.ge [sflag:s22], $0x4000  }
0xe6: {  	[sflag:s22] =	ssyncset.done $0x0  }
0xe7: {  	s30 =	sor.u32 $0xA80, s24;
	[sflag:s22] =	ssyncadd.s32 $0xFFFFC000  }
0xe8: {  	[spmem:s2] =	stream.indirect.scatter.add.f32 [tilespmem:s20], [sflag:$0x5], $0x80, s30, s18, $0xb8;
	[tilespmem:$0x1CC00] =	vst v63  }
0xe9: {  	_ =	swait.ge [sflag:s16], $0x4000  }
0xea: {  	[sflag:s16] =	ssyncset.done $0x0  }
0xeb: {  	s31 =	sor.u32 $0x380, s24;
	[sflag:s16] =	ssyncadd.s32 $0xFFFFC000  }
0xec: {  	[tilespmem:s20], [sflag:$0x2] =	stream.indirect.gather [hbm4b:s4+s18], $0x80, s31, s18, $0xb8;
	[tilespmem:$0x1CC00] =	vst v63  }
0xed: {  	_ =	swait.ge [sflag:s21], $0x4000  }
0xee: {  	[sflag:s21] =	ssyncset.done $0x0  }
0xef: {  	s30 =	sor.u32 $0xB00, s24;
	[sflag:s21] =	ssyncadd.s32 $0xFFFFC000  }
0xf0: {  	[spmem:s2] =	stream.indirect.scatter.add.f32 [tilespmem:s19], [sflag:$0x5], $0x80, s30, s18, $0xb8;
	[tilespmem:$0x1CC00] =	vst v63  }
0xf1: {  	_ =	swait.ge [sflag:s16], $0x4000  }
0xf2: {  	[sflag:s16] =	ssyncset.done $0x0  }
0xf3: {  	s1 =	simm.s32 @!p0 $0x3;
	[sflag:s16] =	ssyncadd.s32 $0xFFFFC000  }
0xf4: {  	_ =	swait.ge @!p0 [sflag:s1], $0x400  }
0xf5: {  	[sflag:s1] =	ssyncset.done @!p0 $0x0  }
0xf6: {  	s24 =	simm.s32 @!p0 $0x4;
	[sflag:s1] =	ssyncadd.s32 @!p0 $0xFFFFFC00  }
0xf7: {  	_ =	swait.ge @!p0 [sflag:s24], $0x400  }
0xf8: {  	[sflag:s24] =	ssyncset.done @!p0 $0x0  }
0xf9: {  	s25 =	simm.s32 @!p0 $0x1000;
	s1 =	simm.s32 @!p0 $0x80;
	[sflag:s24] =	ssyncadd.s32 @!p0 $0xFFFFFC00  }
0xfa: {  	[tilespmem:s25], [sflag:$0x1] =	stream.indirect.gather @!p0 [hbm4b:s4+s1], $0x80, s26, s1, $0xb8;
	[tilespmem:$0x1CC00] =	vst v63  }
0xfb: {  	_ =	swait.ge [sflag:s22], $0x4000  }
0xfc: {  	[sflag:s22] =	ssyncset.done $0x0  }
0xfd: {  	s0 =	sor.u32 $0x800, s31;
	[sflag:s22] =	ssyncadd.s32 $0xFFFFC000  }
0xfe: {  	[spmem:s2] =	stream.indirect.scatter.add.f32 [tilespmem:s20], [sflag:$0x5], $0x80, s0, s18, $0xb8;
	[tilespmem:$0x1CC00] =	vst v63  }
0xff: {  	_ =	swait.ge [sflag:s16], $0x4000  }
0x100: {  	[sflag:s16] =	ssyncset.done $0x0  }
0x101: {  	[sflag:s16] =	ssyncadd.s32 $0xFFFFC000  }
0x102: {  	[bflag:$0x0] =	sbarrier.arrive $0xFFFF  }
0x103: {  	[hbm:s10], [sflag:s7] =	dma.local [spmem:s15], $0x2780  }
0x104: {  	_ =	swait.ge [sflag:s16], $0x2780  }
0x105: {  	[sflag:s16] =	ssyncset.done $0x0  }
0x106: {  	[sflag:s16] =	ssyncadd.s32 $0xFFFFD880  }
0x107: {  	[spmem:s15], [sflag:s7] =	dma.local [hbm:s6], $0x2780  }
0x108: {  	_ =	swait.ge [sflag:s16], $0x2780  }
0x109: {  	[sflag:s16] =	ssyncset.done $0x0  }
0x10a: {  	s31 =	simm.s32 $0x0;
	[sflag:s16] =	ssyncadd.s32 $0xFFFFD880  }
0x10b: {  	[tilespmem:s31], [sflag:$0x5] =	stream.linear.gather [hbm4b:s8+s31], $0x400, $0x38;
	[tilespmem:$0x1CC00] =	vst v63  }
0x10c: {  	_ =	swait.ge [sflag:s16], $0x400  }
0x10d: {  	[sflag:s16] =	ssyncset.done $0x0  }
0x10e: {  	[sflag:s16] =	ssyncadd.s32 $0xFFFFFC00  }
0x10f: {  	[tilespmem:s17], [sflag:$0x5] =	stream.linear.gather [hbm4b:s9+s31], $0x400, $0x38;
	[tilespmem:$0x1CC00] =	vst v63  }
0x110: {  	_ =	swait.ge [sflag:s16], $0x400  }
0x111: {  	[sflag:s16] =	ssyncset.done $0x0  }
0x112: {  	s25 =	simm.s32 $0x1;
	[sflag:s16] =	ssyncadd.s32 $0xFFFFFC00  }
0x113: {  	p0 =	por $0x0, $0x0;
	s1 =	sand.u32 $0x1, s25;
	[bflag:$0x0] =	sbarrier.arrive $0xFFFF  }
0x114: {  	[tilespmem:s19], [sflag:$0x1] =	stream.indirect.gather [hbm4b:s5+s18], $0x80, s31, s18, $0xb8;
	[tilespmem:$0x1CC00] =	vst v63  }
0x115: {  	s26 =	simm.s32 @!p0 $0x0;
	s24 =	sshll.u32 @!p0 s1, $0xA;
	s1 =	sadd.s32 @!p0 $0x0, s14  }
0x116: {  	[tilespmem:s24], [sflag:$0x3] =	stream.linear.gather @!p0 [hbm4b:s1+s26], $0x400, $0x38;
	[tilespmem:$0x1CC00] =	vst v63  }
0x117: {  	s28 =	sadd.s32 @!p0 $0x0, s13;
	s25 =	sand.u32 $0x400, s31;
	s1 =	sor.u32 @!p0 $0x800, s24  }
0x118: {  	[tilespmem:s1], [sflag:$0x4] =	stream.linear.gather @!p0 [hbm4b:s28+s26], $0x400, $0x38;
	[tilespmem:$0x1CC00] =	vst v63  }
0x119: {  	s0 =	sor.u32 $0x80, s25  }
0x11a: {  	[tilespmem:s20], [sflag:$0x2] =	stream.indirect.gather [hbm4b:s5+s18], $0x80, s0, s18, $0xb8;
	[tilespmem:$0x1CC00] =	vst v63  }
0x11b: {  	_ =	swait.ge [sflag:s21], $0x4000  }
0x11c: {  	[sflag:s21] =	ssyncset.done $0x0  }
0x11d: {  	s26 =	sor.u32 $0x800, s25;
	[sflag:s21] =	ssyncadd.s32 $0xFFFFC000  }
0x11e: {  	[spmem:s2] =	stream.indirect.scatter.add.f32 [tilespmem:s19], [sflag:$0x5], $0x80, s26, s18, $0xb8;
	[tilespmem:$0x1CC00] =	vst v63  }
0x11f: {  	_ =	swait.ge [sflag:s16], $0x4000  }
0x120: {  	[sflag:s16] =	ssyncset.done $0x0  }
0x121: {  	s30 =	sor.u32 $0x100, s25;
	[sflag:s16] =	ssyncadd.s32 $0xFFFFC000  }
0x122: {  	[tilespmem:s19], [sflag:$0x1] =	stream.indirect.gather [hbm4b:s5+s18], $0x80, s30, s18, $0xb8;
	[tilespmem:$0x1CC00] =	vst v63  }
0x123: {  	_ =	swait.ge [sflag:s22], $0x4000  }
0x124: {  	[sflag:s22] =	ssyncset.done $0x0  }
0x125: {  	s31 =	sor.u32 $0x880, s25;
	[sflag:s22] =	ssyncadd.s32 $0xFFFFC000  }
0x126: {  	[spmem:s2] =	stream.indirect.scatter.add.f32 [tilespmem:s20], [sflag:$0x5], $0x80, s31, s18, $0xb8;
	[tilespmem:$0x1CC00] =	vst v63  }
0x127: {  	_ =	swait.ge [sflag:s16], $0x4000  }
0x128: {  	[sflag:s16] =	ssyncset.done $0x0  }
0x129: {  	s1 =	sor.u32 $0x180, s25;
	[sflag:s16] =	ssyncadd.s32 $0xFFFFC000  }
0x12a: {  	[tilespmem:s20], [sflag:$0x2] =	stream.indirect.gather [hbm4b:s5+s18], $0x80, s1, s18, $0xb8;
	[tilespmem:$0x1CC00] =	vst v63  }
0x12b: {  	_ =	swait.ge [sflag:s21], $0x4000  }
0x12c: {  	[sflag:s21] =	ssyncset.done $0x0  }
0x12d: {  	s17 =	sor.u32 $0x900, s25;
	[sflag:s21] =	ssyncadd.s32 $0xFFFFC000  }
0x12e: {  	[spmem:s2] =	stream.indirect.scatter.add.f32 [tilespmem:s19], [sflag:$0x5], $0x80, s17, s18, $0xb8;
	[tilespmem:$0x1CC00] =	vst v63  }
0x12f: {  	_ =	swait.ge [sflag:s16], $0x4000  }
0x130: {  	[sflag:s16] =	ssyncset.done $0x0  }
0x131: {  	s26 =	sor.u32 $0x200, s25;
	[sflag:s16] =	ssyncadd.s32 $0xFFFFC000  }
0x132: {  	[tilespmem:s19], [sflag:$0x1] =	stream.indirect.gather [hbm4b:s5+s18], $0x80, s26, s18, $0xb8;
	[tilespmem:$0x1CC00] =	vst v63  }
0x133: {  	_ =	swait.ge [sflag:s22], $0x4000  }
0x134: {  	[sflag:s22] =	ssyncset.done $0x0  }
0x135: {  	s30 =	sor.u32 $0x980, s25;
	[sflag:s22] =	ssyncadd.s32 $0xFFFFC000  }
0x136: {  	[spmem:s2] =	stream.indirect.scatter.add.f32 [tilespmem:s20], [sflag:$0x5], $0x80, s30, s18, $0xb8;
	[tilespmem:$0x1CC00] =	vst v63  }
0x137: {  	_ =	swait.ge [sflag:s16], $0x4000  }
0x138: {  	[sflag:s16] =	ssyncset.done $0x0  }
0x139: {  	s31 =	sor.u32 $0x280, s25;
	[sflag:s16] =	ssyncadd.s32 $0xFFFFC000  }
0x13a: {  	[tilespmem:s20], [sflag:$0x2] =	stream.indirect.gather [hbm4b:s5+s18], $0x80, s31, s18, $0xb8;
	[tilespmem:$0x1CC00] =	vst v63  }
0x13b: {  	_ =	swait.ge [sflag:s21], $0x4000  }
0x13c: {  	[sflag:s21] =	ssyncset.done $0x0  }
0x13d: {  	s1 =	sor.u32 $0xA00, s25;
	[sflag:s21] =	ssyncadd.s32 $0xFFFFC000  }
0x13e: {  	[spmem:s2] =	stream.indirect.scatter.add.f32 [tilespmem:s19], [sflag:$0x5], $0x80, s1, s18, $0xb8;
	[tilespmem:$0x1CC00] =	vst v63  }
0x13f: {  	_ =	swait.ge [sflag:s16], $0x4000  }
0x140: {  	[sflag:s16] =	ssyncset.done $0x0  }
0x141: {  	s17 =	sor.u32 $0x300, s25;
	[sflag:s16] =	ssyncadd.s32 $0xFFFFC000  }
0x142: {  	[tilespmem:s19], [sflag:$0x1] =	stream.indirect.gather [hbm4b:s5+s18], $0x80, s17, s18, $0xb8;
	[tilespmem:$0x1CC00] =	vst v63  }
0x143: {  	_ =	swait.ge [sflag:s22], $0x4000  }
0x144: {  	[sflag:s22] =	ssyncset.done $0x0  }
0x145: {  	s26 =	sor.u32 $0xA80, s25;
	[sflag:s22] =	ssyncadd.s32 $0xFFFFC000  }
0x146: {  	[spmem:s2] =	stream.indirect.scatter.add.f32 [tilespmem:s20], [sflag:$0x5], $0x80, s26, s18, $0xb8;
	[tilespmem:$0x1CC00] =	vst v63  }
0x147: {  	_ =	swait.ge [sflag:s16], $0x4000  }
0x148: {  	[sflag:s16] =	ssyncset.done $0x0  }
0x149: {  	s30 =	sor.u32 $0x380, s25;
	[sflag:s16] =	ssyncadd.s32 $0xFFFFC000  }
0x14a: {  	[tilespmem:s20], [sflag:$0x2] =	stream.indirect.gather [hbm4b:s5+s18], $0x80, s30, s18, $0xb8;
	[tilespmem:$0x1CC00] =	vst v63  }
0x14b: {  	_ =	swait.ge [sflag:s21], $0x4000  }
0x14c: {  	[sflag:s21] =	ssyncset.done $0x0  }
0x14d: {  	s31 =	sor.u32 $0xB00, s25;
	[sflag:s21] =	ssyncadd.s32 $0xFFFFC000  }
0x14e: {  	[spmem:s2] =	stream.indirect.scatter.add.f32 [tilespmem:s19], [sflag:$0x5], $0x80, s31, s18, $0xb8;
	[tilespmem:$0x1CC00] =	vst v63  }
0x14f: {  	_ =	swait.ge [sflag:s16], $0x4000  }
0x150: {  	[sflag:s16] =	ssyncset.done $0x0  }
0x151: {  	s1 =	simm.s32 @!p0 $0x3;
	[sflag:s16] =	ssyncadd.s32 $0xFFFFC000  }
0x152: {  	_ =	swait.ge @!p0 [sflag:s1], $0x400  }
0x153: {  	[sflag:s1] =	ssyncset.done @!p0 $0x0  }
0x154: {  	s25 =	simm.s32 @!p0 $0x4;
	[sflag:s1] =	ssyncadd.s32 @!p0 $0xFFFFFC00  }
0x155: {  	_ =	swait.ge @!p0 [sflag:s25], $0x400  }
0x156: {  	[sflag:s25] =	ssyncset.done @!p0 $0x0  }
0x157: {  	s26 =	simm.s32 @!p0 $0x1000;
	s1 =	simm.s32 @!p0 $0x80;
	[sflag:s25] =	ssyncadd.s32 @!p0 $0xFFFFFC00  }
0x158: {  	[tilespmem:s26], [sflag:$0x1] =	stream.indirect.gather @!p0 [hbm4b:s5+s1], $0x80, s24, s1, $0xb8;
	[tilespmem:$0x1CC00] =	vst v63  }
0x159: {  	s28 =	simm.s32 $0x2;
	_ =	swait.ge [sflag:s22], $0x4000  }
0x15a: {  	s29 =	sand.u32 $0x1, s28;
	s0 =	sor.u32 $0x800, s30;
	[sflag:s22] =	ssyncset.done $0x0  }
0x15b: {  	s25 =	simm.s32 $0x80;
	s26 =	simm.s32 $0x100;
	[sflag:s22] =	ssyncadd.s32 $0xFFFFC000  }
0x15c: {  	[spmem:s2] =	stream.indirect.scatter.add.f32 [tilespmem:s20], [sflag:$0x5], $0x80, s0, s18, $0xb8;
	[tilespmem:$0x1CC00] =	vst v63  }
0x15d: {  	s24 =	simm.s32 $0x400;
	p0 =	por $0x0, $0x0;
	_ =	swait.ge [sflag:s16], $0x4000  }
.LBB2_4:
0x15e: {  	s29 =	sshll.u32 @!p0 s29, $0xA  }
0x15f: {  	s0 =	sadd.s32 @!p0 s25, s14;
	[sflag:s16] =	ssyncset.done $0x0;
	s1 =	smov.u32 s26  }
0x160: {  	s31 =	simm.s32 @!p0 $0x0;
	s17 =	sor.u32 @!p0 $0x800, s29;
	[sflag:s16] =	ssyncadd.s32 $0xFFFFC000  }
0x161: {  	[tilespmem:s29], [sflag:$0x3] =	stream.linear.gather @!p0 [hbm4b:s0+s31], $0x400, $0x38;
	[tilespmem:$0x1CC00] =	vst v63  }
0x162: {  	s26 =	sadd.s32 $0x80, s26;
	s30 =	sand.u32 $0x400, s24;
	s0 =	sadd.s32 @!p0 s25, s13  }
0x163: {  	[tilespmem:s17], [sflag:$0x4] =	stream.linear.gather @!p0 [hbm4b:s0+s31], $0x400, $0x38;
	[tilespmem:$0x1CC00] =	vst v63  }
0x164: {  	p1 =	sne.s32 s26, $0x500;
	s25 =	smov.u32 s1;
	s0 =	sor.u32 $0x80, s30  }
0x165: {  	[tilespmem:s20], [sflag:$0x2] =	stream.indirect.gather [hbm4b:s5+s18], $0x80, s0, s18, $0xb8;
	[tilespmem:$0x1CC00] =	vst v63  }
0x166: {  	_ =	swait.ge [sflag:s21], $0x4000  }
0x167: {  	s0 =	sor.u32 $0x800, s30;
	[sflag:s21] =	ssyncset.done $0x0  }
0x168: {  	[sflag:s21] =	ssyncadd.s32 $0xFFFFC000  }
0x169: {  	[spmem:s2] =	stream.indirect.scatter.add.f32 [tilespmem:s19], [sflag:$0x5], $0x80, s0, s18, $0xb8;
	[tilespmem:$0x1CC00] =	vst v63  }
0x16a: {  	_ =	swait.ge [sflag:s16], $0x4000  }
0x16b: {  	s0 =	sor.u32 $0x100, s30;
	[sflag:s16] =	ssyncset.done $0x0  }
0x16c: {  	[sflag:s16] =	ssyncadd.s32 $0xFFFFC000  }
0x16d: {  	[tilespmem:s19], [sflag:$0x1] =	stream.indirect.gather [hbm4b:s5+s18], $0x80, s0, s18, $0xb8;
	[tilespmem:$0x1CC00] =	vst v63  }
0x16e: {  	_ =	swait.ge [sflag:s22], $0x4000  }
0x16f: {  	s0 =	sor.u32 $0x880, s30;
	[sflag:s22] =	ssyncset.done $0x0  }
0x170: {  	[sflag:s22] =	ssyncadd.s32 $0xFFFFC000  }
0x171: {  	[spmem:s2] =	stream.indirect.scatter.add.f32 [tilespmem:s20], [sflag:$0x5], $0x80, s0, s18, $0xb8;
	[tilespmem:$0x1CC00] =	vst v63  }
0x172: {  	_ =	swait.ge [sflag:s16], $0x4000  }
0x173: {  	s0 =	sor.u32 $0x180, s30;
	[sflag:s16] =	ssyncset.done $0x0  }
0x174: {  	[sflag:s16] =	ssyncadd.s32 $0xFFFFC000  }
0x175: {  	[tilespmem:s20], [sflag:$0x2] =	stream.indirect.gather [hbm4b:s5+s18], $0x80, s0, s18, $0xb8;
	[tilespmem:$0x1CC00] =	vst v63  }
0x176: {  	_ =	swait.ge [sflag:s21], $0x4000  }
0x177: {  	s0 =	sor.u32 $0x900, s30;
	[sflag:s21] =	ssyncset.done $0x0  }
0x178: {  	[sflag:s21] =	ssyncadd.s32 $0xFFFFC000  }
0x179: {  	[spmem:s2] =	stream.indirect.scatter.add.f32 [tilespmem:s19], [sflag:$0x5], $0x80, s0, s18, $0xb8;
	[tilespmem:$0x1CC00] =	vst v63  }
0x17a: {  	_ =	swait.ge [sflag:s16], $0x4000  }
0x17b: {  	s0 =	sor.u32 $0x200, s30;
	[sflag:s16] =	ssyncset.done $0x0  }
0x17c: {  	[sflag:s16] =	ssyncadd.s32 $0xFFFFC000  }
0x17d: {  	[tilespmem:s19], [sflag:$0x1] =	stream.indirect.gather [hbm4b:s5+s18], $0x80, s0, s18, $0xb8;
	[tilespmem:$0x1CC00] =	vst v63  }
0x17e: {  	_ =	swait.ge [sflag:s22], $0x4000  }
0x17f: {  	s0 =	sor.u32 $0x980, s30;
	[sflag:s22] =	ssyncset.done $0x0  }
0x180: {  	[sflag:s22] =	ssyncadd.s32 $0xFFFFC000  }
0x181: {  	[spmem:s2] =	stream.indirect.scatter.add.f32 [tilespmem:s20], [sflag:$0x5], $0x80, s0, s18, $0xb8;
	[tilespmem:$0x1CC00] =	vst v63  }
0x182: {  	_ =	swait.ge [sflag:s16], $0x4000  }
0x183: {  	s0 =	sor.u32 $0x280, s30;
	[sflag:s16] =	ssyncset.done $0x0  }
0x184: {  	[sflag:s16] =	ssyncadd.s32 $0xFFFFC000  }
0x185: {  	[tilespmem:s20], [sflag:$0x2] =	stream.indirect.gather [hbm4b:s5+s18], $0x80, s0, s18, $0xb8;
	[tilespmem:$0x1CC00] =	vst v63  }
0x186: {  	_ =	swait.ge [sflag:s21], $0x4000  }
0x187: {  	s0 =	sor.u32 $0xA00, s30;
	[sflag:s21] =	ssyncset.done $0x0  }
0x188: {  	[sflag:s21] =	ssyncadd.s32 $0xFFFFC000  }
0x189: {  	[spmem:s2] =	stream.indirect.scatter.add.f32 [tilespmem:s19], [sflag:$0x5], $0x80, s0, s18, $0xb8;
	[tilespmem:$0x1CC00] =	vst v63  }
0x18a: {  	_ =	swait.ge [sflag:s16], $0x4000  }
0x18b: {  	s0 =	sor.u32 $0x300, s30;
	[sflag:s16] =	ssyncset.done $0x0  }
0x18c: {  	[sflag:s16] =	ssyncadd.s32 $0xFFFFC000  }
0x18d: {  	[tilespmem:s19], [sflag:$0x1] =	stream.indirect.gather [hbm4b:s5+s18], $0x80, s0, s18, $0xb8;
	[tilespmem:$0x1CC00] =	vst v63  }
0x18e: {  	_ =	swait.ge [sflag:s22], $0x4000  }
0x18f: {  	s0 =	sor.u32 $0xA80, s30;
	[sflag:s22] =	ssyncset.done $0x0  }
0x190: {  	[sflag:s22] =	ssyncadd.s32 $0xFFFFC000  }
0x191: {  	[spmem:s2] =	stream.indirect.scatter.add.f32 [tilespmem:s20], [sflag:$0x5], $0x80, s0, s18, $0xb8;
	[tilespmem:$0x1CC00] =	vst v63  }
0x192: {  	_ =	swait.ge [sflag:s16], $0x4000  }
0x193: {  	s0 =	sor.u32 $0x380, s30;
	[sflag:s16] =	ssyncset.done $0x0  }
0x194: {  	[sflag:s16] =	ssyncadd.s32 $0xFFFFC000  }
0x195: {  	[tilespmem:s20], [sflag:$0x2] =	stream.indirect.gather [hbm4b:s5+s18], $0x80, s0, s18, $0xb8;
	[tilespmem:$0x1CC00] =	vst v63  }
0x196: {  	_ =	swait.ge [sflag:s21], $0x4000  }
0x197: {  	s1 =	sor.u32 $0xB00, s30;
	[sflag:s21] =	ssyncset.done $0x0  }
0x198: {  	[sflag:s21] =	ssyncadd.s32 $0xFFFFC000  }
0x199: {  	[spmem:s2] =	stream.indirect.scatter.add.f32 [tilespmem:s19], [sflag:$0x5], $0x80, s1, s18, $0xb8;
	[tilespmem:$0x1CC00] =	vst v63  }
0x19a: {  	_ =	swait.ge [sflag:s16], $0x4000  }
0x19b: {  	s1 =	simm.s32 @!p0 $0x3;
	[sflag:s16] =	ssyncset.done $0x0  }
0x19c: {  	[sflag:s16] =	ssyncadd.s32 $0xFFFFC000  }
0x19d: {  	_ =	swait.ge @!p0 [sflag:s1], $0x400  }
0x19e: {  	s17 =	simm.s32 @!p0 $0x4;
	[sflag:s1] =	ssyncset.done @!p0 $0x0  }
0x19f: {  	[sflag:s1] =	ssyncadd.s32 @!p0 $0xFFFFFC00  }
0x1a0: {  	_ =	swait.ge @!p0 [sflag:s17], $0x400  }
0x1a1: {  	s30 =	simm.s32 @!p0 $0x1000;
	s1 =	simm.s32 @!p0 $0x80;
	[sflag:s17] =	ssyncset.done @!p0 $0x0  }
0x1a2: {  	[sflag:s17] =	ssyncadd.s32 @!p0 $0xFFFFFC00  }
0x1a3: {  	[tilespmem:s30], [sflag:$0x1] =	stream.indirect.gather @!p0 [hbm4b:s5+s1], $0x80, s29, s1, $0xb8;
	[tilespmem:$0x1CC00] =	vst v63  }
.Ltmp1:
0x1a4: {  	_ =	swait.ge [sflag:s22], $0x4000;
	(pc) =	sbr.rel @p1 .LBB2_4-.Ltmp1, $4  }
0x1a5: {  	s0 =	sor.u32 $0x800, s0;
	[sflag:s22] =	ssyncset.done $0x0  }
0x1a6: {  	s24 =	sadd.s32 $0x400, s24;
	s28 =	sadd.s32 $0x1, s28;
	[sflag:s22] =	ssyncadd.s32 $0xFFFFC000  }
0x1a7: {  	[spmem:s2] =	stream.indirect.scatter.add.f32 [tilespmem:s20], [sflag:$0x5], $0x80, s0, s18, $0xb8;
	[tilespmem:$0x1CC00] =	vst v63  }
0x1a8: {  	s29 =	sand.u32 $0x1, s28;
	p0 =	seq.s32 s25, $0x480;
	_ =	swait.ge [sflag:s16], $0x4000  }
0x1a9: {  	s26 =	sshll.u32 @!p0 s29, $0xA;
	[sflag:s16] =	ssyncset.done $0x0  }
0x1aa: {  	s0 =	sadd.s32 @!p0 s25, s14;
	s1 =	simm.s32 @!p0 $0x0;
	[sflag:s16] =	ssyncadd.s32 $0xFFFFC000  }
0x1ab: {  	[tilespmem:s26], [sflag:$0x3] =	stream.linear.gather @!p0 [hbm4b:s0+s1], $0x400, $0x38;
	[tilespmem:$0x1CC00] =	vst v63  }
0x1ac: {  	s17 =	sadd.s32 @!p0 s25, s13;
	s24 =	sand.u32 $0x400, s24;
	s0 =	sor.u32 @!p0 $0x800, s26  }
0x1ad: {  	[tilespmem:s0], [sflag:$0x4] =	stream.linear.gather @!p0 [hbm4b:s17+s1], $0x400, $0x38;
	[tilespmem:$0x1CC00] =	vst v63  }
0x1ae: {  	s1 =	sor.u32 $0x80, s24  }
0x1af: {  	[tilespmem:s20], [sflag:$0x2] =	stream.indirect.gather [hbm4b:s5+s18], $0x80, s1, s18, $0xb8;
	[tilespmem:$0x1CC00] =	vst v63  }
0x1b0: {  	_ =	swait.ge [sflag:s21], $0x4000  }
0x1b1: {  	[sflag:s21] =	ssyncset.done $0x0  }
0x1b2: {  	s17 =	sor.u32 $0x800, s24;
	[sflag:s21] =	ssyncadd.s32 $0xFFFFC000  }
0x1b3: {  	[spmem:s2] =	stream.indirect.scatter.add.f32 [tilespmem:s19], [sflag:$0x5], $0x80, s17, s18, $0xb8;
	[tilespmem:$0x1CC00] =	vst v63  }
0x1b4: {  	_ =	swait.ge [sflag:s16], $0x4000  }
0x1b5: {  	[sflag:s16] =	ssyncset.done $0x0  }
0x1b6: {  	s25 =	sor.u32 $0x100, s24;
	[sflag:s16] =	ssyncadd.s32 $0xFFFFC000  }
0x1b7: {  	[tilespmem:s19], [sflag:$0x1] =	stream.indirect.gather [hbm4b:s5+s18], $0x80, s25, s18, $0xb8;
	[tilespmem:$0x1CC00] =	vst v63  }
0x1b8: {  	_ =	swait.ge [sflag:s22], $0x4000  }
0x1b9: {  	[sflag:s22] =	ssyncset.done $0x0  }
0x1ba: {  	s28 =	sor.u32 $0x880, s24;
	[sflag:s22] =	ssyncadd.s32 $0xFFFFC000  }
0x1bb: {  	[spmem:s2] =	stream.indirect.scatter.add.f32 [tilespmem:s20], [sflag:$0x5], $0x80, s28, s18, $0xb8;
	[tilespmem:$0x1CC00] =	vst v63  }
0x1bc: {  	_ =	swait.ge [sflag:s16], $0x4000  }
0x1bd: {  	[sflag:s16] =	ssyncset.done $0x0  }
0x1be: {  	s29 =	sor.u32 $0x180, s24;
	[sflag:s16] =	ssyncadd.s32 $0xFFFFC000  }
0x1bf: {  	[tilespmem:s20], [sflag:$0x2] =	stream.indirect.gather [hbm4b:s5+s18], $0x80, s29, s18, $0xb8;
	[tilespmem:$0x1CC00] =	vst v63  }
0x1c0: {  	_ =	swait.ge [sflag:s21], $0x4000  }
0x1c1: {  	[sflag:s21] =	ssyncset.done $0x0  }
0x1c2: {  	s30 =	sor.u32 $0x900, s24;
	[sflag:s21] =	ssyncadd.s32 $0xFFFFC000  }
0x1c3: {  	[spmem:s2] =	stream.indirect.scatter.add.f32 [tilespmem:s19], [sflag:$0x5], $0x80, s30, s18, $0xb8;
	[tilespmem:$0x1CC00] =	vst v63  }
0x1c4: {  	_ =	swait.ge [sflag:s16], $0x4000  }
0x1c5: {  	[sflag:s16] =	ssyncset.done $0x0  }
0x1c6: {  	s31 =	sor.u32 $0x200, s24;
	[sflag:s16] =	ssyncadd.s32 $0xFFFFC000  }
0x1c7: {  	[tilespmem:s19], [sflag:$0x1] =	stream.indirect.gather [hbm4b:s5+s18], $0x80, s31, s18, $0xb8;
	[tilespmem:$0x1CC00] =	vst v63  }
0x1c8: {  	_ =	swait.ge [sflag:s22], $0x4000  }
0x1c9: {  	[sflag:s22] =	ssyncset.done $0x0  }
0x1ca: {  	s1 =	sor.u32 $0x980, s24;
	[sflag:s22] =	ssyncadd.s32 $0xFFFFC000  }
0x1cb: {  	[spmem:s2] =	stream.indirect.scatter.add.f32 [tilespmem:s20], [sflag:$0x5], $0x80, s1, s18, $0xb8;
	[tilespmem:$0x1CC00] =	vst v63  }
0x1cc: {  	_ =	swait.ge [sflag:s16], $0x4000  }
0x1cd: {  	[sflag:s16] =	ssyncset.done $0x0  }
0x1ce: {  	s17 =	sor.u32 $0x280, s24;
	[sflag:s16] =	ssyncadd.s32 $0xFFFFC000  }
0x1cf: {  	[tilespmem:s20], [sflag:$0x2] =	stream.indirect.gather [hbm4b:s5+s18], $0x80, s17, s18, $0xb8;
	[tilespmem:$0x1CC00] =	vst v63  }
0x1d0: {  	_ =	swait.ge [sflag:s21], $0x4000  }
0x1d1: {  	[sflag:s21] =	ssyncset.done $0x0  }
0x1d2: {  	s25 =	sor.u32 $0xA00, s24;
	[sflag:s21] =	ssyncadd.s32 $0xFFFFC000  }
0x1d3: {  	[spmem:s2] =	stream.indirect.scatter.add.f32 [tilespmem:s19], [sflag:$0x5], $0x80, s25, s18, $0xb8;
	[tilespmem:$0x1CC00] =	vst v63  }
0x1d4: {  	_ =	swait.ge [sflag:s16], $0x4000  }
0x1d5: {  	[sflag:s16] =	ssyncset.done $0x0  }
0x1d6: {  	s28 =	sor.u32 $0x300, s24;
	[sflag:s16] =	ssyncadd.s32 $0xFFFFC000  }
0x1d7: {  	[tilespmem:s19], [sflag:$0x1] =	stream.indirect.gather [hbm4b:s5+s18], $0x80, s28, s18, $0xb8;
	[tilespmem:$0x1CC00] =	vst v63  }
0x1d8: {  	_ =	swait.ge [sflag:s22], $0x4000  }
0x1d9: {  	[sflag:s22] =	ssyncset.done $0x0  }
0x1da: {  	s29 =	sor.u32 $0xA80, s24;
	[sflag:s22] =	ssyncadd.s32 $0xFFFFC000  }
0x1db: {  	[spmem:s2] =	stream.indirect.scatter.add.f32 [tilespmem:s20], [sflag:$0x5], $0x80, s29, s18, $0xb8;
	[tilespmem:$0x1CC00] =	vst v63  }
0x1dc: {  	_ =	swait.ge [sflag:s16], $0x4000  }
0x1dd: {  	[sflag:s16] =	ssyncset.done $0x0  }
0x1de: {  	s30 =	sor.u32 $0x380, s24;
	[sflag:s16] =	ssyncadd.s32 $0xFFFFC000  }
0x1df: {  	[tilespmem:s20], [sflag:$0x2] =	stream.indirect.gather [hbm4b:s5+s18], $0x80, s30, s18, $0xb8;
	[tilespmem:$0x1CC00] =	vst v63  }
0x1e0: {  	_ =	swait.ge [sflag:s21], $0x4000  }
0x1e1: {  	[sflag:s21] =	ssyncset.done $0x0  }
0x1e2: {  	s31 =	sor.u32 $0xB00, s24;
	[sflag:s21] =	ssyncadd.s32 $0xFFFFC000  }
0x1e3: {  	[spmem:s2] =	stream.indirect.scatter.add.f32 [tilespmem:s19], [sflag:$0x5], $0x80, s31, s18, $0xb8;
	[tilespmem:$0x1CC00] =	vst v63  }
0x1e4: {  	_ =	swait.ge [sflag:s16], $0x4000  }
0x1e5: {  	[sflag:s16] =	ssyncset.done $0x0  }
0x1e6: {  	s1 =	simm.s32 @!p0 $0x3;
	[sflag:s16] =	ssyncadd.s32 $0xFFFFC000  }
0x1e7: {  	_ =	swait.ge @!p0 [sflag:s1], $0x400  }
0x1e8: {  	[sflag:s1] =	ssyncset.done @!p0 $0x0  }
0x1e9: {  	s17 =	simm.s32 @!p0 $0x4;
	[sflag:s1] =	ssyncadd.s32 @!p0 $0xFFFFFC00  }
0x1ea: {  	_ =	swait.ge @!p0 [sflag:s17], $0x400  }
0x1eb: {  	[sflag:s17] =	ssyncset.done @!p0 $0x0  }
0x1ec: {  	s24 =	simm.s32 @!p0 $0x1000;
	s1 =	simm.s32 @!p0 $0x80;
	[sflag:s17] =	ssyncadd.s32 @!p0 $0xFFFFFC00  }
0x1ed: {  	[tilespmem:s24], [sflag:$0x1] =	stream.indirect.gather @!p0 [hbm4b:s5+s1], $0x80, s26, s1, $0xb8;
	[tilespmem:$0x1CC00] =	vst v63  }
0x1ee: {  	_ =	swait.ge [sflag:s22], $0x4000  }
0x1ef: {  	[sflag:s22] =	ssyncset.done $0x0  }
0x1f0: {  	s0 =	sor.u32 $0x800, s30;
	[sflag:s22] =	ssyncadd.s32 $0xFFFFC000  }
0x1f1: {  	[spmem:s2] =	stream.indirect.scatter.add.f32 [tilespmem:s20], [sflag:$0x5], $0x80, s0, s18, $0xb8;
	[tilespmem:$0x1CC00] =	vst v63  }
0x1f2: {  	_ =	swait.ge [sflag:s16], $0x4000  }
0x1f3: {  	s23 =	sadd.s32 $0x1, s23;
	[sflag:s16] =	ssyncset.done $0x0  }
0x1f4: {  	p0 =	sne.s32 s23, s12;
	[sflag:s16] =	ssyncadd.s32 $0xFFFFC000  }
.Ltmp2:
0x1f5: {  	[bflag:$0x0] =	sbarrier.arrive $0xFFFF;
	(pc) =	sbr.rel @p0 .LBB2_1-.Ltmp2, $4  }
0x1f6: {  	[hbm:s11], [sflag:s7] =	dma.local [spmem:s15], $0x2780  }
0x1f7: {  	_ =	swait.ge [sflag:s16], $0x2780  }
0x1f8: {  	[sflag:s16] =	ssyncset.done $0x0  }
0x1f9: {  	s17 =	simm.s32 $0x800;
	[sflag:s16] =	ssyncadd.s32 $0xFFFFD880  }
0x1fa: {  	_ =	sfence.sel $0x180000  }
0x1fb: {  	[bflag:$0x0] =	sbarrier.arrive $0xFFFF  }
0x1fc: {  	_ =	strace $0x9000004D  }
0x1fd: {  	s0 =	stileid.u32;
	[bflag:$0x2] =	sbarrier.arrive $0xFFFF  }
0x1fe: {  	p0 =	sne.s32 s0, $0x0;
	s0 =	rddreg [dreg:$0x3]  }
0x1ff: {  	s0 =	sadd.s32 @!p0 $0x100000, s0  }
0x200: {  	[sflag:s0] =	ssyncadd.tile.s32 @!p0 $0x1;
	_ =	shalt  }
.Lfunc_end2:
_tile_overlayer_lowered:
.L_overlay_start_2:
0x201: {  	(tag) =	ssettag $0x2  }
0x202: {  	s0 =	rddreg [dreg:$0x0];
	s2 =	stileid.u32  }
0x203: {  	s1 =	rddreg [dreg:$0x1];
	p0 =	sne.s32 s2, $0x0  }
0x204: {  	s3 =	rddreg [dreg:$0x2];
	[bflag:$0x3] =	sbarrier.arrive $0xFFFF;
	s2 =	simm.s32 @!p0 $0x1C05  }
0x205: {  	[timem:s3], [sflag:s2] =	dma.local @!p0 [hbm:s0], s1  }
0x206: {  	s0 =	simm.s32 @!p0 $0x5  }
0x207: {  	_ =	swait.ge @!p0 [sflag:s0], s1  }
0x208: {  	s1 =	ssub.s32 @!p0 $0x0, s1;
	[sflag:s0] =	ssyncset.done @!p0 $0x0  }
0x209: {  	[sflag:s0] =	ssyncadd.s32 @!p0 s1  }
0x20a: {  	[bflag:$0x3] =	sbarrier.arrive $0xFFFF  }
0x20b: {  	_ =	shalt  }

// kernel: kernel.19.cloned.1.call-start
scs
__scs_entry_jumppad:
0x0: {  	(pc) =	sbr.rel $0x88, $3  }
0x1: {  	(tag) =	ssettag $0x0;
	lr =	simm.s32 $0x1  }
0x2: {  	[smem:$0x3F99] =	sst lr;
	_ =	strace $0xD0000000  }
0x3: {  	_ = 	snop  }
0x4: {  	_ = 	snop  }
0x5: {  	_ = 	snop  }
0x6: {  	_ = 	snop  }
0x7: {  	_ = 	snop  }
__scs_overlays_trampoline_lowered:
0x8: {  	[smem:$0x3FA8] =	sst s0  }
0x9: {  	[smem:$0x3FA9] =	sst s1  }
0xa: {  	[smem:$0x3FAA] =	sst s2  }
0xb: {  	[smem:$0x3FAB] =	sst s3  }
0xc: {  	[smem:$0x3FAC] =	sst s4  }
0xd: {  	[smem:$0x3FAD] =	sst s5  }
0xe: {  	[smem:$0x3FAE] =	sst s6  }
0xf: {  	[smem:$0x3FAF] =	sst s7  }
0x10: {  	[smem:$0x3FB0] =	sst s8  }
0x11: {  	[smem:$0x3FB1] =	sst s9;
	s0 =	simm.s32 @!p0 $0x0  }
0x12: {  	s1 =	sld [smem:$0x3F97];
	s0 =	simm.s32 @p0 $0x1  }
0x13: {  	[smem:$0x3FB2] =	sst s0;
	s0 =	simm.s32 @!p1 $0x0  }
0x14: {  	s2 =	sld [smem:$0x3F96];
	s0 =	simm.s32 @p1 $0x1  }
0x15: {  	[smem:$0x3FB3] =	sst s0;
	s0 =	simm.s32 @!p2 $0x0  }
0x16: {  	s3 =	sld [smem:$0x3FDB];
	s0 =	simm.s32 @p2 $0x1  }
0x17: {  	s4 =	simm.s32 $0x1BF5;
	[smem:$0x3FB5] =	sst s0  }
0x18: {  	s0 =	sld [smem:$0x3F98];
	_ =	swait.ge [sflag:s4], $0x0  }
0x19: {  	s7 =	sld [smem:$0x3F99]  }
0x1a: {  	s8 =	sadd.s32 $0xFFFFE003, lr  }
0x1b: {  	s9 =	sadd.s32 $0xFFFFFEF7, lr;
	s5 =	simm.s32 $0xFFFFFFFF;
	p2 =	slt.u32 s8, $0xFFFFF086  }
0x1c: {  	p1 =	slt.u32 s9, $0xF7A;
	s5 =	simm.s32 @!p2 $0x0  }
0x1d: {  	s5 =	simm.s32 @p1 $0x1;
	p0 =	seq.s32 s7, s2  }
0x1e: {  	s7 =	smul.u32 @!p0 $0xF7A, s2;
	p2 =	seq.s32 @!p0 s5, $0x0  }
0x1f: {  	s9 =	smul.u32 $0xF7A, s1;
	s8 =	simm.s32 @!p0 $0x1BF5;
	p2 =	por !p2, p0  }
0x20: {  	[sflag:s8] =	ssyncset.s32 @!p0 $0xFFFFF086;
	s6 =	sadd.s32 @!p0 s3, s7;
	s7 =	simm.s32 @!p0 $0x108  }
0x21: {  	s3 =	sadd.s32 s3, s9;
	s6 =	sadd.s32 @!p0 $0x88, s6;
	s7 =	simm.s32 @p2 $0x1082  }
0x22: {  	[simem:s7], [sflag:s8] =	dma.local @!p0 [hbm:s6], $0xF7A  }
0x23: {  	s9 =	sor.u32 $0xD0000000, s2;
	s6 =	simm.s32 $0x108;
	_ =	swait.ge @!p0 [sflag:s8], $0x0  }
0x24: {  	s3 =	sadd.s32 $0x88, s3;
	s6 =	simm.s32 @!p1 $0x1082;
	[sflag:s4] =	ssyncset.s32 $0xFFFFF086  }
0x25: {  	[simem:s6], [sflag:s4] =	dma.local [hbm:s3], $0xF7A  }
0x26: {  	[smem:$0x3F99] =	sst s1;
	(tag) =	ssettag s2;
	_ =	strace s9  }
0x27: {  	s1 =	sld [smem:$0x3FA9]  }
0x28: {  	s2 =	sld [smem:$0x3FAA]  }
0x29: {  	s4 =	sld [smem:$0x3FAC]  }
0x2a: {  	p0 =	seq.s32 s5, $0x0;
	s5 =	sld [smem:$0x3FAD]  }
0x2b: {  	s6 =	sld [smem:$0x3FAE]  }
0x2c: {  	s7 =	sld [smem:$0x3FAF]  }
0x2d: {  	s3 =	simm.s32 $0x108;
	s8 =	sld [smem:$0x3FB0]  }
0x2e: {  	s3 =	simm.s32 @!p0 $0x1082;
	s9 =	sld [smem:$0x3FB1]  }
0x2f: {  	lr =	sadd.s32 s0, s3;
	s0 =	sld [smem:$0x3FA8]  }
0x30: {  	s3 =	sld [smem:$0x3FAB]  }
0x31: {  	[smem:$0x3FB4] =	sst s10  }
0x32: {  	s10 =	sld [smem:$0x3FB2];
	_ =	sdelay $0x3  }
0x33: {  	p0 =	seq.s32 s10, $0x1;
	s10 =	sld [smem:$0x3FB4];
	_ =	sdelay $0x3  }
0x34: {  	[smem:$0x3FB4] =	sst s10  }
0x35: {  	s10 =	sld [smem:$0x3FB3];
	_ =	sdelay $0x3  }
0x36: {  	p1 =	seq.s32 s10, $0x1;
	s10 =	sld [smem:$0x3FB4];
	_ =	sdelay $0x3  }
0x37: {  	[smem:$0x3FB4] =	sst s10  }
0x38: {  	s10 =	sld [smem:$0x3FB5]  }
0x39: {  	_ = 	snop;
	(pc) =	sbr.ind lr, $3  }
0x3a: {  	_ = 	snop  }
0x3b: {  	_ = 	snop  }
0x3c: {  	p2 =	seq.s32 s10, $0x1;
	s10 =	sld [smem:$0x3FB4]  }
0x3d: {  	_ =	shalt  }
0x3e: {  	_ =	shalt  }
0x3f: {  	_ =	shalt  }
0x40: {  	_ =	shalt  }
0x41: {  	_ =	shalt  }
0x42: {  	_ =	shalt  }
0x43: {  	_ =	shalt  }
0x44: {  	_ =	shalt  }
0x45: {  	_ =	shalt  }
0x46: {  	_ =	shalt  }
0x47: {  	_ =	shalt  }
0x48: {  	_ =	shalt  }
0x49: {  	_ =	shalt  }
0x4a: {  	_ =	shalt  }
0x4b: {  	_ =	shalt  }
0x4c: {  	_ =	shalt  }
0x4d: {  	_ =	shalt  }
0x4e: {  	_ =	shalt  }
0x4f: {  	_ =	shalt  }
0x50: {  	_ =	shalt  }
0x51: {  	_ =	shalt  }
0x52: {  	_ =	shalt  }
0x53: {  	_ =	shalt  }
0x54: {  	_ =	shalt  }
0x55: {  	_ =	shalt  }
0x56: {  	_ =	shalt  }
0x57: {  	_ =	shalt  }
0x58: {  	_ =	shalt  }
0x59: {  	_ =	shalt  }
0x5a: {  	_ =	shalt  }
0x5b: {  	_ =	shalt  }
0x5c: {  	_ =	shalt  }
0x5d: {  	_ =	shalt  }
0x5e: {  	_ =	shalt  }
0x5f: {  	_ =	shalt  }
0x60: {  	_ =	shalt  }
0x61: {  	_ =	shalt  }
0x62: {  	_ =	shalt  }
0x63: {  	_ =	shalt  }
0x64: {  	_ =	shalt  }
0x65: {  	_ =	shalt  }
0x66: {  	_ =	shalt  }
0x67: {  	_ =	shalt  }
0x68: {  	_ =	shalt  }
0x69: {  	_ =	shalt  }
0x6a: {  	_ =	shalt  }
0x6b: {  	_ =	shalt  }
0x6c: {  	_ =	shalt  }
0x6d: {  	_ =	shalt  }
0x6e: {  	_ =	shalt  }
0x6f: {  	_ =	shalt  }
0x70: {  	_ =	shalt  }
0x71: {  	_ =	shalt  }
0x72: {  	_ =	shalt  }
0x73: {  	_ =	shalt  }
0x74: {  	_ =	shalt  }
0x75: {  	_ =	shalt  }
0x76: {  	_ =	shalt  }
0x77: {  	_ =	shalt  }
0x78: {  	_ =	shalt  }
0x79: {  	_ =	shalt  }
0x7a: {  	_ =	shalt  }
0x7b: {  	_ =	shalt  }
0x7c: {  	_ =	shalt  }
0x7d: {  	_ =	shalt  }
0x7e: {  	_ =	shalt  }
0x7f: {  	_ =	shalt  }
0x80: {  	_ =	shalt  }
0x81: {  	_ =	shalt  }
0x82: {  	_ =	shalt  }
0x83: {  	_ =	shalt  }
0x84: {  	_ =	shalt  }
0x85: {  	_ =	shalt  }
0x86: {  	_ =	shalt  }
0x87: {  	_ =	shalt  }
.Lfunc_end0:
.L_simem_size_0:
called_computation.3_lowered:
.L_overlay_start_0:
0x88: {  	s2 =	sld [smem:$0x3FD9]  }
0x89: {  	s3 =	sld [smem:$0x3FFE];
	_ =	sdelay $0x1  }
0x8a: {  	s1 =	srdreg.scid  }
0x8b: {  	s0 =	sand.u32 $0x1, s1  }
0x8c: {  	s17 =	sshll.u32 s0, $0xA;
	s2 =	sadd.s32 s3, s2  }
0x8d: {  	s2 =	sadd.s32 s2, s17  }
0x8e: {  	[smem:$0x3FC0] =	sst s2  }
0x8f: {  	_ = 	snop  }
0x90: {  	s2 =	sld [smem:$0x3FD0];
	(tm) =	ssettm $0x1  }
0x91: {  	s18 =	sld [smem:$0x3FFB];
	_ =	sdelay $0x3  }
0x92: {  	_ =	strace s18  }
0x93: {  	s3 =	sld [smem:$0x3FFC];
	_ =	sdelay $0x3  }
0x94: {  	_ =	strace s3  }
0x95: {  	s3 =	sld [smem:$0x3FFD];
	_ =	sdelay $0x3  }
0x96: {  	_ =	strace s3  }
0x97: {  	_ =	strace $0x8FFFFFFF  }
0x98: {  	s19 =	sld [smem:$0x3FDB];
	_ =	sdelay $0x1  }
0x99: {  	s4 =	simm.s32 $_scs_section_size  }
0x9a: {  	s5 =	simm.s32 $_size__tile_overlayer_lowered;
	s6 =	simm.s32 $_tile_overlayer_lowered  }
0x9b: {  	s22 =	simm.s32 $0x1BFF;
	s21 =	sshll.u32 s6, $0x1;
	s3 =	sadd.s32 s4, s19  }
0x9c: {  	s7 =	simm.s32 $0x0;
	s20 =	sshll.u32 s5, $0x1;
	s5 =	sadd.s32 s21, s3  }
0x9d: {  	[timem:s7], [sflag:s22] =	dma.local [hbm:s5], s20  }
0x9e: {  	_ =	swait.ge [sflag:s22], s20  }
0x9f: {  	s4 =	ssub.s32 $0x0, s20;
	[sflag:s22] =	ssyncset.done $0x0  }
0xa0: {  	[sflag:s22] =	ssyncadd.s32 s4;
	_ =	sdelay $0x1  }
0xa1: {  	s23 =	simm.s32 $0x1B8B  }
0xa2: {  	_ =	swait.ge [sflag:s23], $0x1  }
0xa3: {  	[sflag:s23] =	ssyncset.done $0x0  }
0xa4: {  	s25 =	simm.s32 $0x1B8E;
	s24 =	sld [smem:$0x3FFE];
	[sflag:s23] =	ssyncadd.s32 $0xFFFFFFFF  }
0xa5: {  	s26 =	simm.s32 $execute0_lowered;
	[smem:$0x3FD2] =	sst s25  }
0xa6: {  	s5 =	sshll.u32 s26, $0x1;
	_ =	strace $0x8000004F;
	[dreg:$0x1] =	wrdreg $0xFFFFFFFF  }
0xa7: {  	s28 =	simm.s32 $_size_execute0_lowered;
	s3 =	sadd.s32 s3, s5;
	[dreg:$0x0] =	wrdreg $0x0  }
0xa8: {  	s5 =	sshll.u32 s28, $0x1;
	[dreg:$0x2] =	wrdreg s3  }
0xa9: {  	[dreg:$0x3] =	wrdreg s5  }
0xaa: {  	[dreg:$0x4] =	wrdreg $0xC0  }
0xab: {  	_ =	task [dreg:s7], $0x5FFFF  }
0xac: {  	[dreg:$0x1] =	wrdreg $0xFFFFFFFF  }
0xad: {  	[dreg:$0x0] =	wrdreg $0x60  }
0xae: {  	[dreg:$0x2] =	wrdreg s24  }
0xaf: {  	[dreg:$0x3] =	wrdreg s2  }
0xb0: {  	[dreg:$0x4] =	wrdreg $0x90000  }
0xb1: {  	[dreg:$0x5] =	wrdreg $0x9  }
0xb2: {  	_ =	task.clear_ibuf [dreg:s7], $0x6FFFF;
	_ =	strace $0x9000004F  }
0xb3: {  	s29 =	simm.s32 $0x9;
	_ =	strace $0x80000051  }
0xb4: {  	_ =	swait.ge [sflag:s29], $0x1  }
0xb5: {  	[sflag:s29] =	ssyncadd.s32 $0xFFFFFFFF  }
0xb6: {  	_ =	strace $0x90000051  }
0xb7: {  	_ =	sfence  }
0xb8: {  	s30 =	sld [smem:$0x0];
	_ =	sdelay $0x2  }
0xb9: {  	s31 =	sshll.u32 s1, $0xD;
	s1 =	sshrl.u32 s1, $0x2  }
0xba: {  	s3 =	sand.u32 $0x4000, s31;
	s1 =	sadd.s32 s1, s30  }
0xbb: {  	s0 =	sor.u32 s3, s0;
	s1 =	sshll.u32 s1, $0x11  }
0xbc: {  	s0 =	sor.u32 s1, s0  }
0xbd: {  	s0 =	sadd.s32 $0x8F2B, s0  }
0xbe: {  	[sflag:s0] =	ssyncadd.remote.s32 $0x1  }
0xbf: {  	_ =	sfence.sel $0xFFFF  }
0xc0: {  	[dreg:$0x0] =	wrdreg $0xFFFFFFFF;
	(pc) =	sbr.abs _section_cstart, $3  }
0xc1: {  	[dreg:$0x1] =	wrdreg $0xFFFFFFFF  }
0xc2: {  	_ =	task.clear_ibuf [dreg:s7], $0x2FFFF;
	_ =	strace $0x9FFFFFFF  }
0xc3: {  	(tm) =	ssettm $0x7FFFFFFF  }
tec
execute0_lowered:
.L_overlay_start_1:
0x0: {  	(tag) =	ssettag $0x1  }
0x1: {  	s5 =	rddreg [dreg:$0x0]  }
0x2: {  	s8 =	rddreg [dreg:$0x1]  }
0x3: {  	s2 =	rddreg [dreg:$0x2]  }
0x4: {  	s0 =	rddreg [dreg:$0x3];
	s3 =	simm.s32 $0x0;
	s1 =	stileid.u32  }
0x5: {  	s4 =	srdreg.scid;
	s17 =	simm.s32 $0x1;
	s18 =	simm.s32 $0x2  }
0x6: {  	s19 =	simm.s32 $0x0;
	[smem:$0x7FF] =	sst s3;
	s6 =	smul.u32 $0x13C00, s1  }
0x7: {  	s7 =	sand.u32 $0x1, s4;
	s4 =	sadd.s32 $0x36400, s5;
	s20 =	smul.u32 $0x4F000, s1  }
0x8: {  	s10 =	sadd.s32 $0x4400, s5;
	s15 =	smul.u32 $0x2800, s1;
	s26 =	sshll.u32 s1, $0x6  }
0x9: {  	_ =	strace $0x80000050;
	s9 =	smul.u32 $0x13C000, s7;
	s12 =	ssub.s32 $0x2, s7  }
0xa: {  	s13 =	smul.u32 $0x28000, s7;
	s7 =	sshll.u32 s7, $0x4;
	s11 =	sshrl.u32 s6, $0x3  }
0xb: {  	s14 =	sshrl.u32 s12, $0x1;
	s21 =	sor.u32 s1, s7;
	s22 =	sshrl.u32 s20, $0x2  }
0xc: {  	s11 =	sadd.s32 s11, s5;
	s6 =	sadd.s32 s6, s9;
	s12 =	ssub.s32 s12, s14  }
0xd: {  	s7 =	smul.u32 $0x2800, s21;
	s23 =	sadd.s32 s15, s13;
	s24 =	sadd.s32 s22, s2  }
0xe: {  	s13 =	simm.s32 $0x800;
	s14 =	simm.s32 $0x80;
	s6 =	sshrl.u32 s6, $0x3  }
0xf: {  	s15 =	simm.s32 $0x1000;
	s25 =	sor.u32 $0x400, s23;
	s16 =	sadd.s32 s6, s5  }
0x10: {  	s5 =	sadd.s32 $0xEC00, s11;
	s28 =	sshrl.u32 s7, $0x3;
	s29 =	sshrl.u32 s25, $0x3  }
0x11: {  	s6 =	sor.u32 $0x1C05, s26;
	s11 =	sshrl.u32 s24, $0x3;
	s7 =	sadd.s32 s10, s28  }
0x12: {  	s30 =	sadd.s32 s29, s8;
	s8 =	sadd.s32 s8, s28;
	s31 =	sadd.s32 s29, s10  }
0x13: {  	s9 =	sadd.s32 $0x5DC00, s16;
	s10 =	smax.u32 s12, $0x1;
	[dreg:$0x5] =	wrdreg s30  }
0x14: {  	s12 =	simm.s32 $0x5;
	s16 =	simm.s32 $0x5000;
	[dreg:$0x4] =	wrdreg s31  }
.LBB2_1:
0x15: {  	[spmem:s11], [sflag:s6] =	dma.local [hbm:s5], $0x2780  }
0x16: {  	_ =	swait.ge [sflag:s12], $0x2780  }
0x17: {  	[sflag:s12] =	ssyncset.done $0x0  }
0x18: {  	[sflag:s12] =	ssyncadd.s32 $0xFFFFD880  }
0x19: {  	[tilespmem:s3], [sflag:$0x5] =	stream.linear.gather [hbm4b:s7+s3], $0x400, $0x38;
	[tilespmem:$0x1CC00] =	vst v63  }
0x1a: {  	_ =	swait.ge [sflag:s12], $0x400  }
0x1b: {  	[sflag:s12] =	ssyncset.done $0x0  }
0x1c: {  	[sflag:s12] =	ssyncadd.s32 $0xFFFFFC00  }
0x1d: {  	[tilespmem:s13], [sflag:$0x5] =	stream.linear.gather [hbm4b:s8+s3], $0x400, $0x38;
	[tilespmem:$0x1CC00] =	vst v63  }
0x1e: {  	_ =	swait.ge [sflag:s12], $0x400  }
0x1f: {  	[sflag:s12] =	ssyncset.done $0x0  }
0x20: {  	[sflag:s12] =	ssyncadd.s32 $0xFFFFFC00  }
0x21: {  	s20 =	sand.u32 $0x1, s17;
	p0 =	por $0x0, $0x0;
	[bflag:$0x0] =	sbarrier.arrive $0xFFFF  }
0x22: {  	s20 =	sshll.u32 @!p0 s20, $0xA;
	s21 =	rddreg [dreg:$0x4]  }
0x23: {  	[tilespmem:s15], [sflag:$0x1] =	stream.indirect.gather [hbm4b:s4+s14], $0x80, s3, s14, $0xb8;
	[tilespmem:$0x1CC00] =	vst v63  }
0x24: {  	s23 =	simm.s32 @!p0 $0x0;
	s22 =	rddreg [dreg:$0x5];
	s21 =	sadd.s32 @!p0 $0x0, s21  }
0x25: {  	[tilespmem:s20], [sflag:$0x3] =	stream.linear.gather @!p0 [hbm4b:s21+s23], $0x400, $0x38;
	[tilespmem:$0x1CC00] =	vst v63  }
0x26: {  	s24 =	sor.u32 @!p0 $0x800, s20;
	s22 =	sadd.s32 @!p0 $0x0, s22;
	s21 =	sand.u32 $0x400, s3  }
0x27: {  	[tilespmem:s24], [sflag:$0x4] =	stream.linear.gather @!p0 [hbm4b:s22+s23], $0x400, $0x38;
	[tilespmem:$0x1CC00] =	vst v63  }
0x28: {  	s25 =	sor.u32 $0x80, s21  }
0x29: {  	[tilespmem:s16], [sflag:$0x2] =	stream.indirect.gather [hbm4b:s4+s14], $0x80, s25, s14, $0xb8;
	[tilespmem:$0x1CC00] =	vst v63  }
0x2a: {  	_ =	swait.ge [sflag:s17], $0x4000  }
0x2b: {  	[sflag:s17] =	ssyncset.done $0x0  }
0x2c: {  	s26 =	sor.u32 $0x800, s21;
	[sflag:s17] =	ssyncadd.s32 $0xFFFFC000  }
0x2d: {  	[spmem:s2] =	stream.indirect.scatter.add.f32 [tilespmem:s15], [sflag:$0x5], $0x80, s26, s14, $0xb8;
	[tilespmem:$0x1CC00] =	vst v63  }
0x2e: {  	_ =	swait.ge [sflag:s12], $0x4000  }
0x2f: {  	[sflag:s12] =	ssyncset.done $0x0  }
0x30: {  	s28 =	sor.u32 $0x100, s21;
	[sflag:s12] =	ssyncadd.s32 $0xFFFFC000  }
0x31: {  	[tilespmem:s15], [sflag:$0x1] =	stream.indirect.gather [hbm4b:s4+s14], $0x80, s28, s14, $0xb8;
	[tilespmem:$0x1CC00] =	vst v63  }
0x32: {  	_ =	swait.ge [sflag:s18], $0x4000  }
0x33: {  	[sflag:s18] =	ssyncset.done $0x0  }
0x34: {  	s29 =	sor.u32 $0x880, s21;
	[sflag:s18] =	ssyncadd.s32 $0xFFFFC000  }
0x35: {  	[spmem:s2] =	stream.indirect.scatter.add.f32 [tilespmem:s16], [sflag:$0x5], $0x80, s29, s14, $0xb8;
	[tilespmem:$0x1CC00] =	vst v63  }
0x36: {  	_ =	swait.ge [sflag:s12], $0x4000  }
0x37: {  	[sflag:s12] =	ssyncset.done $0x0  }
0x38: {  	s30 =	sor.u32 $0x180, s21;
	[sflag:s12] =	ssyncadd.s32 $0xFFFFC000  }
0x39: {  	[tilespmem:s16], [sflag:$0x2] =	stream.indirect.gather [hbm4b:s4+s14], $0x80, s30, s14, $0xb8;
	[tilespmem:$0x1CC00] =	vst v63  }
0x3a: {  	_ =	swait.ge [sflag:s17], $0x4000  }
0x3b: {  	[sflag:s17] =	ssyncset.done $0x0  }
0x3c: {  	s31 =	sor.u32 $0x900, s21;
	[sflag:s17] =	ssyncadd.s32 $0xFFFFC000  }
0x3d: {  	[spmem:s2] =	stream.indirect.scatter.add.f32 [tilespmem:s15], [sflag:$0x5], $0x80, s31, s14, $0xb8;
	[tilespmem:$0x1CC00] =	vst v63  }
0x3e: {  	_ =	swait.ge [sflag:s12], $0x4000  }
0x3f: {  	[sflag:s12] =	ssyncset.done $0x0  }
0x40: {  	s23 =	sor.u32 $0x200, s21;
	[sflag:s12] =	ssyncadd.s32 $0xFFFFC000  }
0x41: {  	[tilespmem:s15], [sflag:$0x1] =	stream.indirect.gather [hbm4b:s4+s14], $0x80, s23, s14, $0xb8;
	[tilespmem:$0x1CC00] =	vst v63  }
0x42: {  	_ =	swait.ge [sflag:s18], $0x4000  }
0x43: {  	[sflag:s18] =	ssyncset.done $0x0  }
0x44: {  	s24 =	sor.u32 $0x980, s21;
	[sflag:s18] =	ssyncadd.s32 $0xFFFFC000  }
0x45: {  	[spmem:s2] =	stream.indirect.scatter.add.f32 [tilespmem:s16], [sflag:$0x5], $0x80, s24, s14, $0xb8;
	[tilespmem:$0x1CC00] =	vst v63  }
0x46: {  	_ =	swait.ge [sflag:s12], $0x4000  }
0x47: {  	[sflag:s12] =	ssyncset.done $0x0  }
0x48: {  	s25 =	sor.u32 $0x280, s21;
	[sflag:s12] =	ssyncadd.s32 $0xFFFFC000  }
0x49: {  	[tilespmem:s16], [sflag:$0x2] =	stream.indirect.gather [hbm4b:s4+s14], $0x80, s25, s14, $0xb8;
	[tilespmem:$0x1CC00] =	vst v63  }
0x4a: {  	_ =	swait.ge [sflag:s17], $0x4000  }
0x4b: {  	[sflag:s17] =	ssyncset.done $0x0  }
0x4c: {  	s26 =	sor.u32 $0xA00, s21;
	[sflag:s17] =	ssyncadd.s32 $0xFFFFC000  }
0x4d: {  	[spmem:s2] =	stream.indirect.scatter.add.f32 [tilespmem:s15], [sflag:$0x5], $0x80, s26, s14, $0xb8;
	[tilespmem:$0x1CC00] =	vst v63  }
0x4e: {  	_ =	swait.ge [sflag:s12], $0x4000  }
0x4f: {  	[sflag:s12] =	ssyncset.done $0x0  }
0x50: {  	s28 =	sor.u32 $0x300, s21;
	[sflag:s12] =	ssyncadd.s32 $0xFFFFC000  }
0x51: {  	[tilespmem:s15], [sflag:$0x1] =	stream.indirect.gather [hbm4b:s4+s14], $0x80, s28, s14, $0xb8;
	[tilespmem:$0x1CC00] =	vst v63  }
0x52: {  	_ =	swait.ge [sflag:s18], $0x4000  }
0x53: {  	[sflag:s18] =	ssyncset.done $0x0  }
0x54: {  	s29 =	sor.u32 $0xA80, s21;
	[sflag:s18] =	ssyncadd.s32 $0xFFFFC000  }
0x55: {  	[spmem:s2] =	stream.indirect.scatter.add.f32 [tilespmem:s16], [sflag:$0x5], $0x80, s29, s14, $0xb8;
	[tilespmem:$0x1CC00] =	vst v63  }
0x56: {  	_ =	swait.ge [sflag:s12], $0x4000  }
0x57: {  	[sflag:s12] =	ssyncset.done $0x0  }
0x58: {  	s30 =	sor.u32 $0x380, s21;
	[sflag:s12] =	ssyncadd.s32 $0xFFFFC000  }
0x59: {  	[tilespmem:s16], [sflag:$0x2] =	stream.indirect.gather [hbm4b:s4+s14], $0x80, s30, s14, $0xb8;
	[tilespmem:$0x1CC00] =	vst v63  }
0x5a: {  	_ =	swait.ge [sflag:s17], $0x4000  }
0x5b: {  	[sflag:s17] =	ssyncset.done $0x0  }
0x5c: {  	s21 =	sor.u32 $0xB00, s21;
	[sflag:s17] =	ssyncadd.s32 $0xFFFFC000  }
0x5d: {  	[spmem:s2] =	stream.indirect.scatter.add.f32 [tilespmem:s15], [sflag:$0x5], $0x80, s21, s14, $0xb8;
	[tilespmem:$0x1CC00] =	vst v63  }
0x5e: {  	_ =	swait.ge [sflag:s12], $0x4000  }
0x5f: {  	[sflag:s12] =	ssyncset.done $0x0  }
0x60: {  	s21 =	simm.s32 @!p0 $0x3;
	[sflag:s12] =	ssyncadd.s32 $0xFFFFC000  }
0x61: {  	_ =	swait.ge @!p0 [sflag:s21], $0x400  }
0x62: {  	[sflag:s21] =	ssyncset.done @!p0 $0x0  }
0x63: {  	[sflag:s21] =	ssyncadd.s32 @!p0 $0xFFFFFC00;
	s21 =	simm.s32 @!p0 $0x4  }
0x64: {  	_ =	swait.ge @!p0 [sflag:s21], $0x400  }
0x65: {  	[sflag:s21] =	ssyncset.done @!p0 $0x0  }
0x66: {  	s23 =	simm.s32 @!p0 $0x1000;
	[sflag:s21] =	ssyncadd.s32 @!p0 $0xFFFFFC00;
	s21 =	simm.s32 @!p0 $0x80  }
0x67: {  	[tilespmem:s23], [sflag:$0x1] =	stream.indirect.gather @!p0 [hbm4b:s4+s21], $0x80, s20, s21, $0xb8;
	[tilespmem:$0x1CC00] =	vst v63  }
0x68: {  	_ =	swait.ge [sflag:s18], $0x4000  }
0x69: {  	[sflag:s18] =	ssyncset.done $0x0  }
0x6a: {  	s31 =	sor.u32 $0x800, s30;
	[sflag:s18] =	ssyncadd.s32 $0xFFFFC000  }
0x6b: {  	[spmem:s2] =	stream.indirect.scatter.add.f32 [tilespmem:s16], [sflag:$0x5], $0x80, s31, s14, $0xb8;
	[tilespmem:$0x1CC00] =	vst v63  }
0x6c: {  	s22 =	simm.s32 $0x1;
	_ =	swait.ge [sflag:s12], $0x4000  }
0x6d: {  	s20 =	simm.s32 $0x80;
	s21 =	simm.s32 $0x0;
	[sflag:s12] =	ssyncset.done $0x0  }
.LBB2_2:
0x6e: {  	s24 =	rddreg [dreg:$0x4];
	s25 =	smov.u32 s20  }
0x6f: {  	s26 =	rddreg [dreg:$0x5];
	s21 =	sadd.s32 $0x400, s21;
	s22 =	sadd.s32 $0x1, s22  }
0x70: {  	[sflag:s12] =	ssyncadd.s32 $0xFFFFC000;
	s23 =	sand.u32 $0x1, s22;
	p0 =	seq.s32 s25, $0x480  }
0x71: {  	s23 =	sshll.u32 @!p0 s23, $0xA;
	s24 =	sadd.s32 @!p0 s25, s24;
	s28 =	simm.s32 @!p0 $0x0  }
0x72: {  	[tilespmem:s23], [sflag:$0x3] =	stream.linear.gather @!p0 [hbm4b:s24+s28], $0x400, $0x38;
	[tilespmem:$0x1CC00] =	vst v63  }
0x73: {  	s25 =	sadd.s32 @!p0 s25, s26;
	s29 =	sor.u32 @!p0 $0x800, s23;
	s24 =	sand.u32 $0x400, s21  }
0x74: {  	[tilespmem:s29], [sflag:$0x4] =	stream.linear.gather @!p0 [hbm4b:s25+s28], $0x400, $0x38;
	[tilespmem:$0x1CC00] =	vst v63  }
0x75: {  	s28 =	sor.u32 $0x80, s24  }
0x76: {  	[tilespmem:s16], [sflag:$0x2] =	stream.indirect.gather [hbm4b:s4+s14], $0x80, s28, s14, $0xb8;
	[tilespmem:$0x1CC00] =	vst v63  }
0x77: {  	_ =	swait.ge [sflag:s17], $0x4000  }
0x78: {  	[sflag:s17] =	ssyncset.done $0x0  }
0x79: {  	s29 =	sor.u32 $0x800, s24;
	[sflag:s17] =	ssyncadd.s32 $0xFFFFC000  }
0x7a: {  	[spmem:s2] =	stream.indirect.scatter.add.f32 [tilespmem:s15], [sflag:$0x5], $0x80, s29, s14, $0xb8;
	[tilespmem:$0x1CC00] =	vst v63  }
0x7b: {  	_ =	swait.ge [sflag:s12], $0x4000  }
0x7c: {  	[sflag:s12] =	ssyncset.done $0x0  }
0x7d: {  	s30 =	sor.u32 $0x100, s24;
	[sflag:s12] =	ssyncadd.s32 $0xFFFFC000  }
0x7e: {  	[tilespmem:s15], [sflag:$0x1] =	stream.indirect.gather [hbm4b:s4+s14], $0x80, s30, s14, $0xb8;
	[tilespmem:$0x1CC00] =	vst v63  }
0x7f: {  	_ =	swait.ge [sflag:s18], $0x4000  }
0x80: {  	[sflag:s18] =	ssyncset.done $0x0  }
0x81: {  	s31 =	sor.u32 $0x880, s24;
	[sflag:s18] =	ssyncadd.s32 $0xFFFFC000  }
0x82: {  	[spmem:s2] =	stream.indirect.scatter.add.f32 [tilespmem:s16], [sflag:$0x5], $0x80, s31, s14, $0xb8;
	[tilespmem:$0x1CC00] =	vst v63  }
0x83: {  	_ =	swait.ge [sflag:s12], $0x4000  }
0x84: {  	[sflag:s12] =	ssyncset.done $0x0  }
0x85: {  	s26 =	sor.u32 $0x180, s24;
	[sflag:s12] =	ssyncadd.s32 $0xFFFFC000  }
0x86: {  	[tilespmem:s16], [sflag:$0x2] =	stream.indirect.gather [hbm4b:s4+s14], $0x80, s26, s14, $0xb8;
	[tilespmem:$0x1CC00] =	vst v63  }
0x87: {  	_ =	swait.ge [sflag:s17], $0x4000  }
0x88: {  	[sflag:s17] =	ssyncset.done $0x0  }
0x89: {  	s28 =	sor.u32 $0x900, s24;
	[sflag:s17] =	ssyncadd.s32 $0xFFFFC000  }
0x8a: {  	[spmem:s2] =	stream.indirect.scatter.add.f32 [tilespmem:s15], [sflag:$0x5], $0x80, s28, s14, $0xb8;
	[tilespmem:$0x1CC00] =	vst v63  }
0x8b: {  	_ =	swait.ge [sflag:s12], $0x4000  }
0x8c: {  	[sflag:s12] =	ssyncset.done $0x0  }
0x8d: {  	s29 =	sor.u32 $0x200, s24;
	[sflag:s12] =	ssyncadd.s32 $0xFFFFC000  }
0x8e: {  	[tilespmem:s15], [sflag:$0x1] =	stream.indirect.gather [hbm4b:s4+s14], $0x80, s29, s14, $0xb8;
	[tilespmem:$0x1CC00] =	vst v63  }
0x8f: {  	_ =	swait.ge [sflag:s18], $0x4000  }
0x90: {  	[sflag:s18] =	ssyncset.done $0x0  }
0x91: {  	s30 =	sor.u32 $0x980, s24;
	[sflag:s18] =	ssyncadd.s32 $0xFFFFC000  }
0x92: {  	[spmem:s2] =	stream.indirect.scatter.add.f32 [tilespmem:s16], [sflag:$0x5], $0x80, s30, s14, $0xb8;
	[tilespmem:$0x1CC00] =	vst v63  }
0x93: {  	_ =	swait.ge [sflag:s12], $0x4000  }
0x94: {  	[sflag:s12] =	ssyncset.done $0x0  }
0x95: {  	s31 =	sor.u32 $0x280, s24;
	[sflag:s12] =	ssyncadd.s32 $0xFFFFC000  }
0x96: {  	[tilespmem:s16], [sflag:$0x2] =	stream.indirect.gather [hbm4b:s4+s14], $0x80, s31, s14, $0xb8;
	[tilespmem:$0x1CC00] =	vst v63  }
0x97: {  	_ =	swait.ge [sflag:s17], $0x4000  }
0x98: {  	[sflag:s17] =	ssyncset.done $0x0  }
0x99: {  	s26 =	sor.u32 $0xA00, s24;
	[sflag:s17] =	ssyncadd.s32 $0xFFFFC000  }
0x9a: {  	[spmem:s2] =	stream.indirect.scatter.add.f32 [tilespmem:s15], [sflag:$0x5], $0x80, s26, s14, $0xb8;
	[tilespmem:$0x1CC00] =	vst v63  }
0x9b: {  	_ =	swait.ge [sflag:s12], $0x4000  }
0x9c: {  	[sflag:s12] =	ssyncset.done $0x0  }
0x9d: {  	s28 =	sor.u32 $0x300, s24;
	[sflag:s12] =	ssyncadd.s32 $0xFFFFC000  }
0x9e: {  	[tilespmem:s15], [sflag:$0x1] =	stream.indirect.gather [hbm4b:s4+s14], $0x80, s28, s14, $0xb8;
	[tilespmem:$0x1CC00] =	vst v63  }
0x9f: {  	_ =	swait.ge [sflag:s18], $0x4000  }
0xa0: {  	[sflag:s18] =	ssyncset.done $0x0  }
0xa1: {  	s29 =	sor.u32 $0xA80, s24;
	[sflag:s18] =	ssyncadd.s32 $0xFFFFC000  }
0xa2: {  	[spmem:s2] =	stream.indirect.scatter.add.f32 [tilespmem:s16], [sflag:$0x5], $0x80, s29, s14, $0xb8;
	[tilespmem:$0x1CC00] =	vst v63  }
0xa3: {  	_ =	swait.ge [sflag:s12], $0x4000  }
0xa4: {  	[sflag:s12] =	ssyncset.done $0x0  }
0xa5: {  	s30 =	sor.u32 $0x380, s24;
	[sflag:s12] =	ssyncadd.s32 $0xFFFFC000  }
0xa6: {  	[tilespmem:s16], [sflag:$0x2] =	stream.indirect.gather [hbm4b:s4+s14], $0x80, s30, s14, $0xb8;
	[tilespmem:$0x1CC00] =	vst v63  }
0xa7: {  	_ =	swait.ge [sflag:s17], $0x4000  }
0xa8: {  	[sflag:s17] =	ssyncset.done $0x0  }
0xa9: {  	s24 =	sor.u32 $0xB00, s24;
	[sflag:s17] =	ssyncadd.s32 $0xFFFFC000  }
0xaa: {  	[spmem:s2] =	stream.indirect.scatter.add.f32 [tilespmem:s15], [sflag:$0x5], $0x80, s24, s14, $0xb8;
	[tilespmem:$0x1CC00] =	vst v63  }
0xab: {  	_ =	swait.ge [sflag:s12], $0x4000  }
0xac: {  	[sflag:s12] =	ssyncset.done $0x0  }
0xad: {  	s24 =	simm.s32 @!p0 $0x3;
	[sflag:s12] =	ssyncadd.s32 $0xFFFFC000  }
0xae: {  	_ =	swait.ge @!p0 [sflag:s24], $0x400  }
0xaf: {  	[sflag:s24] =	ssyncset.done @!p0 $0x0  }
0xb0: {  	[sflag:s24] =	ssyncadd.s32 @!p0 $0xFFFFFC00;
	s24 =	simm.s32 @!p0 $0x4  }
0xb1: {  	_ =	swait.ge @!p0 [sflag:s24], $0x400  }
0xb2: {  	s20 =	sadd.s32 $0x80, s20;
	[sflag:s24] =	ssyncset.done @!p0 $0x0  }
0xb3: {  	s26 =	simm.s32 @!p0 $0x1000;
	[sflag:s24] =	ssyncadd.s32 @!p0 $0xFFFFFC00;
	s24 =	simm.s32 @!p0 $0x80  }
0xb4: {  	[tilespmem:s26], [sflag:$0x1] =	stream.indirect.gather @!p0 [hbm4b:s4+s24], $0x80, s23, s24, $0xb8;
	[tilespmem:$0x1CC00] =	vst v63  }
0xb5: {  	p1 =	sne.s32 s20, $0x500;
	_ =	swait.ge [sflag:s18], $0x4000  }
.Ltmp0:
0xb6: {  	[sflag:s18] =	ssyncset.done $0x0;
	(pc) =	sbr.rel @p1 .LBB2_2-.Ltmp0, $4  }
0xb7: {  	s31 =	sor.u32 $0x800, s30;
	[sflag:s18] =	ssyncadd.s32 $0xFFFFC000  }
0xb8: {  	[spmem:s2] =	stream.indirect.scatter.add.f32 [tilespmem:s16], [sflag:$0x5], $0x80, s31, s14, $0xb8;
	[tilespmem:$0x1CC00] =	vst v63  }
0xb9: {  	_ =	swait.ge [sflag:s12], $0x4000  }
0xba: {  	[sflag:s12] =	ssyncset.done $0x0  }
0xbb: {  	s19 =	sadd.s32 $0x1, s19  }
0xbc: {  	[sflag:s12] =	ssyncadd.s32 $0xFFFFC000;
	p0 =	sne.s32 s19, s10  }
.Ltmp1:
0xbd: {  	[bflag:$0x0] =	sbarrier.arrive $0xFFFF;
	(pc) =	sbr.rel @p0 .LBB2_1-.Ltmp1, $4  }
0xbe: {  	[hbm:s9], [sflag:s6] =	dma.local [spmem:s11], $0x2780  }
0xbf: {  	_ =	swait.ge [sflag:s12], $0x2780  }
0xc0: {  	[sflag:s12] =	ssyncset.done $0x0  }
0xc1: {  	[sflag:s12] =	ssyncadd.s32 $0xFFFFD880  }
0xc2: {  	_ =	sfence.sel $0x180000  }
0xc3: {  	[bflag:$0x0] =	sbarrier.arrive $0xFFFF  }
0xc4: {  	p0 =	sne.s32 s1, $0x0;
	_ =	strace $0x90000050  }
0xc5: {  	s0 =	sadd.s32 @!p0 $0x100000, s0;
	[bflag:$0x2] =	sbarrier.arrive $0xFFFF  }
0xc6: {  	[sflag:s0] =	ssyncadd.tile.s32 @!p0 $0x1;
	_ =	shalt  }
.Lfunc_end2:
_tile_overlayer_lowered:
.L_overlay_start_2:
0xc7: {  	(tag) =	ssettag $0x2  }
0xc8: {  	s0 =	rddreg [dreg:$0x0];
	s2 =	stileid.u32  }
0xc9: {  	s1 =	rddreg [dreg:$0x1];
	p0 =	sne.s32 s2, $0x0  }
0xca: {  	s3 =	rddreg [dreg:$0x2];
	[bflag:$0x3] =	sbarrier.arrive $0xFFFF;
	s2 =	simm.s32 @!p0 $0x1C05  }
0xcb: {  	[timem:s3], [sflag:s2] =	dma.local @!p0 [hbm:s0], s1  }
0xcc: {  	s0 =	simm.s32 @!p0 $0x5  }
0xcd: {  	_ =	swait.ge @!p0 [sflag:s0], s1  }
0xce: {  	s1 =	ssub.s32 @!p0 $0x0, s1;
	[sflag:s0] =	ssyncset.done @!p0 $0x0  }
0xcf: {  	[sflag:s0] =	ssyncadd.s32 @!p0 s1  }
0xd0: {  	[bflag:$0x3] =	sbarrier.arrive $0xFFFF  }
0xd1: {  	_ =	shalt  }

</sc_bundles>
